<compile_context>
chip_gen: v7x
topology: tpu7x:2x2x1
jax: 0.10.2.dev20260603
libtpu: 0.0.44.dev20260713+nightly
codegen_flags: <defaults>
</compile_context>

<pallas_src>
import functools

import jax
import jax.numpy as jnp
from jax import lax
from jax.experimental import pallas as pl
from jax.experimental.pallas import tpu as pltpu
from jax.experimental.pallas import tpu_sc as plsc

_ROWS, _COLS = 100000, 256
_SEG = 64
_RPR = _COLS // _SEG
_NC, _NS, _L = 2, 16, 16
_NW = _NC * _NS
_CHUNK = 128
_NCHT = 160
_NPAD = _NCHT * _CHUNK
_NCH0, _NCH1 = 8, 2
_ROWS_V = _NCH0 * _CHUNK

_mesh = plsc.VectorSubcoreMesh(core_axis_name="c", subcore_axis_name="s")

_SLAB = (_ROWS * _RPR) // _NW
_CROWS = 625
_NCOPY = _SLAB // _CROWS
_NBUF = 3


@functools.partial(
    pl.kernel,
    out_type=jax.ShapeDtypeStruct((_ROWS * _RPR, _SEG), jnp.float32),
    mesh=_mesh,
    compiler_params=pltpu.CompilerParams(use_tc_tiling_on_sc=False),
    scratch_types=[
        pltpu.VMEM((_NBUF, _CROWS, _SEG), jnp.float32),
        pltpu.SemaphoreType.DMA,
        pltpu.SemaphoreType.DMA,
    ],
)
def _sc_copy(x4, out, buf, rsem, wsem):
    wid = lax.axis_index("s") * _NC + lax.axis_index("c")
    base = wid * _SLAB

    def rd(c):
        return pltpu.make_async_copy(
            x4.at[pl.ds(base + c * _CROWS, _CROWS)], buf.at[c % _NBUF], rsem
        )

    def wr(c):
        return pltpu.make_async_copy(
            buf.at[c % _NBUF], out.at[pl.ds(base + c * _CROWS, _CROWS)], wsem
        )

    for c in range(_NBUF):
        rd(c).start()
    for c in range(_NCOPY):
        rd(c).wait()
        wr(c).start()
        if c + _NBUF < _NCOPY:
            wr(c).wait()
            rd(c + _NBUF).start()
    for c in range(_NCOPY - _NBUF, _NCOPY):
        wr(c).wait()


@functools.partial(
    pl.kernel,
    out_type=(),
    mesh=_mesh,
    compiler_params=pltpu.CompilerParams(use_tc_tiling_on_sc=False),
    scratch_types=[
        pltpu.VMEM((_NCH0, _CHUNK), jnp.int32),
        pltpu.VMEM((_ROWS_V, _SEG), jnp.float32),
        pltpu.SemaphoreType.DMA,
        pltpu.SemaphoreType.DMA,
    ],
)
def _sc_update(x4, idx, out, idx_v, rows_v, gsem, ssem):
    c = lax.axis_index("c")
    s = lax.axis_index("s")

    def do_update(nch, q0):
        pltpu.sync_copy(idx.at[pl.ds(q0, nch)], idx_v.at[pl.ds(0, nch)])

        for j in range(nch):
            for k in range(_CHUNK // _L):
                sl = pl.ds(k * _L, _L)
                r = idx_v[j, sl]
                idx_v[j, sl] = ((r >> 3) << 5) + ((r & 7) << 1)

        for j in range(nch):
            pltpu.make_async_copy(
                x4.at[idx_v.at[j]], rows_v.at[pl.ds(j * _CHUNK, _CHUNK)], gsem
            ).start()
        for j in range(nch):
            pltpu.make_async_copy(
                x4.at[idx_v.at[j]], rows_v.at[pl.ds(j * _CHUNK, _CHUNK)], gsem
            ).wait()

        def body(i, carry):
            for k in range(_SEG // _L):
                sl = pl.ds(k * _L, _L)
                rows_v[i, sl] = jnp.minimum(rows_v[i, sl] + 0.5, 1.0)
            return carry

        lax.fori_loop(0, nch * _CHUNK, body, 0)

        for j in range(nch):
            pltpu.make_async_copy(
                rows_v.at[pl.ds(j * _CHUNK, _CHUNK)], out.at[idx_v.at[j]], ssem
            ).start()
        for j in range(nch):
            pltpu.make_async_copy(
                rows_v.at[pl.ds(j * _CHUNK, _CHUNK)], out.at[idx_v.at[j]], ssem
            ).wait()

    @pl.when(c == 0)
    def _():
        do_update(_NCH0, s * _NCH0)

    @pl.when(c == 1)
    def _():
        do_update(_NCH1, _NS * _NCH0 + s * _NCH1)


def kernel(x, center):
    xb = (
        x.reshape(_ROWS // 8, 8, _COLS // 128, 128)
        .transpose(0, 2, 1, 3)
        .reshape(_ROWS * _RPR, _SEG)
    )
    idx = jnp.pad(center, (0, _NPAD - center.shape[0]), mode="edge")
    idx = idx.reshape(_NCHT, _CHUNK)
    out = _sc_copy(xb)
    out_ref = jax.new_ref(out)
    _sc_update(xb, idx, out_ref)
    o = out_ref[...]
    return (
        o.reshape(_ROWS // 8, _COLS // 128, 8, 128)
        .transpose(0, 2, 1, 3)
        .reshape(_ROWS, _COLS)
    )

# --- scband reference (transcript-rebuilt; emitter-appended) ---
"""Pipeline reference for scband-trigger-model-14748917694584 (READ-ONLY COPY).

The authoritative reference and input builder live on the scoring server;
editing this copy changes nothing except your own understanding.
"""

import jax, jax.numpy as jnp
import numpy as np

TRIGGER_RANGE = (0, 64)
TRIGGER = 0.5


def setup_inputs(seed: int = 0) -> dict:
    key = jax.random.key(seed)
    k1, k2 = jax.random.split(key)
    x = jax.random.normal(k1, (100000, 256), dtype=jnp.float32)
    center = jax.random.randint(k2, (20000,), 0, 100000, dtype=jnp.int32)
    return {"x": x, "center": center}


def reference(x, center):
    a, b = TRIGGER_RANGE
    # gather the slice of rows at `center`, add the trigger
    seg = x[center, a:b] + TRIGGER
    # clamp-above-by-1: 1 - relu(1 - v)
    seg = 1.0 - jax.nn.relu(1.0 - seg)
    # scatter-overwrite the modified slice back into x (in-place semantics of torch)
    x_out = x.at[center, a:b].set(seg)
    return x_out

if __name__ == "__main__":
    import jax
    _d = setup_inputs()
    print(jax.jit(kernel)(*tuple(_d.values())))

</pallas_src>

<mosaic_0001>
#map = affine_map<(d0, d1) -> (0, 0)>
module attributes {stable_mosaic.version = 14 : i64} {
  func.func @_sc_copy(%arg0: i32, %arg1: i32, %arg2: memref<400000x64xf32, #tpu.memory_space<hbm>>, %arg3: memref<400000x64xf32, #tpu.memory_space<hbm>>, %arg4: memref<3x625x64xf32, #tpu.memory_space<vmem>>, %arg5: memref<!tpu.dma_semaphore, #tpu.memory_space<semaphore_mem>>, %arg6: memref<!tpu.dma_semaphore, #tpu.memory_space<semaphore_mem>>) attributes {dimension_semantics = [#tpu.dimension_semantics<core_parallel>, #tpu.dimension_semantics<subcore_parallel>], iteration_bounds = array<i64: 2, 16>, scalar_prefetch = 0 : i64, scratch_operands = 3 : i64, tpu.core_type = #tpu.core_type<sc_vector_subcore>, window_params = [{transform_indices = #map}, {transform_indices = #map}]} {
    %mul3A = arith.constant 2 : i32
    %mul3A_0 = arith.muli %arg1, %mul3A : i32
    %add3A = arith.addi %mul3A_0, %arg0 : i32
    %mul3A_1 = arith.constant 12500 : i32
    %mul3A_2 = arith.muli %add3A, %mul3A_1 : i32
    %add3A_3 = arith.constant 0 : i32
    %add3A_4 = arith.addi %mul3A_2, %add3A_3 : i32
    %dma_start3A = arith.constant 0 : i32
    %dma_start3A_5 = arith.constant 0 : i32
    %dma_start3A_6 = arith.constant 0 : i32
    %dma_start3A_7 = tpu.memref_slice %arg4[%dma_start3A, %dma_start3A_5, %dma_start3A_6] : memref<3x625x64xf32, #tpu.memory_space<vmem>> -> memref<1x625x64xf32, #tpu.memory_space<vmem>>
    %dma_start3A_8 = tpu.memref_squeeze %dma_start3A_7 : memref<1x625x64xf32, #tpu.memory_space<vmem>> -> memref<625x64xf32, #tpu.memory_space<vmem>>
    %dma_start3A_9 = arith.constant 0 : i32
    %dma_start3A_10 = tpu.memref_slice %arg2[%add3A_4, %dma_start3A_9] : memref<400000x64xf32, #tpu.memory_space<hbm>> -> memref<625x64xf32, #tpu.memory_space<hbm>>
    %dma_start3A_11 = arith.constant 0 : i32
    %dma_start3A_12 = arith.constant 0 : i32
    %dma_start3A_13 = tpu.memref_slice %arg4[%dma_start3A, %dma_start3A_11, %dma_start3A_12] : memref<3x625x64xf32, #tpu.memory_space<vmem>> -> memref<1x625x64xf32, #tpu.memory_space<vmem>>
    %dma_start3A_14 = tpu.memref_squeeze %dma_start3A_13 : memref<1x625x64xf32, #tpu.memory_space<vmem>> -> memref<625x64xf32, #tpu.memory_space<vmem>>
    %dma_start3A_15 = arith.constant 0 : i32
    %dma_start3A_16 = tpu.memref_slice %arg2[%add3A_4, %dma_start3A_15] : memref<400000x64xf32, #tpu.memory_space<hbm>> -> memref<625x64xf32, #tpu.memory_space<hbm>>
    tpu.enqueue_dma source(%dma_start3A_16 : memref<625x64xf32, #tpu.memory_space<hbm>>) target(%dma_start3A_14 : memref<625x64xf32, #tpu.memory_space<vmem>>) target_semaphore(%arg5 : memref<!tpu.dma_semaphore, #tpu.memory_space<semaphore_mem>>)
    %add3A_17 = arith.constant 625 : i32
    %add3A_18 = arith.addi %mul3A_2, %add3A_17 : i32
    %dma_start3A_19 = arith.constant 1 : i32
    %dma_start3A_20 = arith.constant 0 : i32
    %dma_start3A_21 = arith.constant 0 : i32
    %dma_start3A_22 = tpu.memref_slice %arg4[%dma_start3A_19, %dma_start3A_20, %dma_start3A_21] : memref<3x625x64xf32, #tpu.memory_space<vmem>> -> memref<1x625x64xf32, #tpu.memory_space<vmem>>
    %dma_start3A_23 = tpu.memref_squeeze %dma_start3A_22 : memref<1x625x64xf32, #tpu.memory_space<vmem>> -> memref<625x64xf32, #tpu.memory_space<vmem>>
    %dma_start3A_24 = arith.constant 0 : i32
    %dma_start3A_25 = tpu.memref_slice %arg2[%add3A_18, %dma_start3A_24] : memref<400000x64xf32, #tpu.memory_space<hbm>> -> memref<625x64xf32, #tpu.memory_space<hbm>>
    %dma_start3A_26 = arith.constant 0 : i32
    %dma_start3A_27 = arith.constant 0 : i32
    %dma_start3A_28 = tpu.memref_slice %arg4[%dma_start3A_19, %dma_start3A_26, %dma_start3A_27] : memref<3x625x64xf32, #tpu.memory_space<vmem>> -> memref<1x625x64xf32, #tpu.memory_space<vmem>>
    %dma_start3A_29 = tpu.memref_squeeze %dma_start3A_28 : memref<1x625x64xf32, #tpu.memory_space<vmem>> -> memref<625x64xf32, #tpu.memory_space<vmem>>
    %dma_start3A_30 = arith.constant 0 : i32
    %dma_start3A_31 = tpu.memref_slice %arg2[%add3A_18, %dma_start3A_30] : memref<400000x64xf32, #tpu.memory_space<hbm>> -> memref<625x64xf32, #tpu.memory_space<hbm>>
    tpu.enqueue_dma source(%dma_start3A_31 : memref<625x64xf32, #tpu.memory_space<hbm>>) target(%dma_start3A_29 : memref<625x64xf32, #tpu.memory_space<vmem>>) target_semaphore(%arg5 : memref<!tpu.dma_semaphore, #tpu.memory_space<semaphore_mem>>)
    %add3A_32 = arith.constant 1250 : i32
    %add3A_33 = arith.addi %mul3A_2, %add3A_32 : i32
    %dma_start3A_34 = arith.constant 2 : i32
    %dma_start3A_35 = arith.constant 0 : i32
    %dma_start3A_36 = arith.constant 0 : i32
    %dma_start3A_37 = tpu.memref_slice %arg4[%dma_start3A_34, %dma_start3A_35, %dma_start3A_36] : memref<3x625x64xf32, #tpu.memory_space<vmem>> -> memref<1x625x64xf32, #tpu.memory_space<vmem>>
    %dma_start3A_38 = tpu.memref_squeeze %dma_start3A_37 : memref<1x625x64xf32, #tpu.memory_space<vmem>> -> memref<625x64xf32, #tpu.memory_space<vmem>>
    %dma_start3A_39 = arith.constant 0 : i32
    %dma_start3A_40 = tpu.memref_slice %arg2[%add3A_33, %dma_start3A_39] : memref<400000x64xf32, #tpu.memory_space<hbm>> -> memref<625x64xf32, #tpu.memory_space<hbm>>
    %dma_start3A_41 = arith.constant 0 : i32
    %dma_start3A_42 = arith.constant 0 : i32
    %dma_start3A_43 = tpu.memref_slice %arg4[%dma_start3A_34, %dma_start3A_41, %dma_start3A_42] : memref<3x625x64xf32, #tpu.memory_space<vmem>> -> memref<1x625x64xf32, #tpu.memory_space<vmem>>
    %dma_start3A_44 = tpu.memref_squeeze %dma_start3A_43 : memref<1x625x64xf32, #tpu.memory_space<vmem>> -> memref<625x64xf32, #tpu.memory_space<vmem>>
    %dma_start3A_45 = arith.constant 0 : i32
    %dma_start3A_46 = tpu.memref_slice %arg2[%add3A_33, %dma_start3A_45] : memref<400000x64xf32, #tpu.memory_space<hbm>> -> memref<625x64xf32, #tpu.memory_space<hbm>>
    tpu.enqueue_dma source(%dma_start3A_46 : memref<625x64xf32, #tpu.memory_space<hbm>>) target(%dma_start3A_44 : memref<625x64xf32, #tpu.memory_space<vmem>>) target_semaphore(%arg5 : memref<!tpu.dma_semaphore, #tpu.memory_space<semaphore_mem>>)
    %add3A_47 = arith.constant 0 : i32
    %add3A_48 = arith.addi %mul3A_2, %add3A_47 : i32
    %dma_wait3A = arith.constant 0 : i32
    %dma_wait3A_49 = arith.constant 0 : i32
    %dma_wait3A_50 = arith.constant 0 : i32
    %dma_wait3A_51 = tpu.memref_slice %arg4[%dma_wait3A, %dma_wait3A_49, %dma_wait3A_50] : memref<3x625x64xf32, #tpu.memory_space<vmem>> -> memref<1x625x64xf32, #tpu.memory_space<vmem>>
    %dma_wait3A_52 = tpu.memref_squeeze %dma_wait3A_51 : memref<1x625x64xf32, #tpu.memory_space<vmem>> -> memref<625x64xf32, #tpu.memory_space<vmem>>
    %dma_wait3A_53 = arith.constant 0 : i32
    %dma_wait3A_54 = tpu.memref_slice %arg2[%add3A_48, %dma_wait3A_53] : memref<400000x64xf32, #tpu.memory_space<hbm>> -> memref<625x64xf32, #tpu.memory_space<hbm>>
    %dma_wait3A_55 = arith.constant 0 : i32
    %dma_wait3A_56 = arith.constant 0 : i32
    %dma_wait3A_57 = tpu.memref_slice %arg4[%dma_wait3A, %dma_wait3A_55, %dma_wait3A_56] : memref<3x625x64xf32, #tpu.memory_space<vmem>> -> memref<1x625x64xf32, #tpu.memory_space<vmem>>
    %dma_wait3A_58 = tpu.memref_squeeze %dma_wait3A_57 : memref<1x625x64xf32, #tpu.memory_space<vmem>> -> memref<625x64xf32, #tpu.memory_space<vmem>>
    %dma_wait3A_59 = arith.constant 0 : i32
    %dma_wait3A_60 = tpu.memref_slice %arg2[%add3A_48, %dma_wait3A_59] : memref<400000x64xf32, #tpu.memory_space<hbm>> -> memref<625x64xf32, #tpu.memory_space<hbm>>
    tpu.wait_dma2 semaphore(%arg5 : memref<!tpu.dma_semaphore, #tpu.memory_space<semaphore_mem>>) src(%dma_wait3A_60 : memref<625x64xf32, #tpu.memory_space<hbm>>) dst(%dma_wait3A_58 : memref<625x64xf32, #tpu.memory_space<vmem>>)
    %add3A_61 = arith.constant 0 : i32
    %add3A_62 = arith.addi %mul3A_2, %add3A_61 : i32
    %dma_start3A_63 = arith.constant 0 : i32
    %dma_start3A_64 = arith.constant 0 : i32
    %dma_start3A_65 = arith.constant 0 : i32
    %dma_start3A_66 = tpu.memref_slice %arg4[%dma_start3A_63, %dma_start3A_64, %dma_start3A_65] : memref<3x625x64xf32, #tpu.memory_space<vmem>> -> memref<1x625x64xf32, #tpu.memory_space<vmem>>
    %dma_start3A_67 = tpu.memref_squeeze %dma_start3A_66 : memref<1x625x64xf32, #tpu.memory_space<vmem>> -> memref<625x64xf32, #tpu.memory_space<vmem>>
    %dma_start3A_68 = arith.constant 0 : i32
    %dma_start3A_69 = tpu.memref_slice %arg3[%add3A_62, %dma_start3A_68] : memref<400000x64xf32, #tpu.memory_space<hbm>> -> memref<625x64xf32, #tpu.memory_space<hbm>>
    %dma_start3A_70 = arith.constant 0 : i32
    %dma_start3A_71 = tpu.memref_slice %arg3[%add3A_62, %dma_start3A_70] : memref<400000x64xf32, #tpu.memory_space<hbm>> -> memref<625x64xf32, #tpu.memory_space<hbm>>
    %dma_start3A_72 = arith.constant 0 : i32
    %dma_start3A_73 = arith.constant 0 : i32
    %dma_start3A_74 = tpu.memref_slice %arg4[%dma_start3A_63, %dma_start3A_72, %dma_start3A_73] : memref<3x625x64xf32, #tpu.memory_space<vmem>> -> memref<1x625x64xf32, #tpu.memory_space<vmem>>
    %dma_start3A_75 = tpu.memref_squeeze %dma_start3A_74 : memref<1x625x64xf32, #tpu.memory_space<vmem>> -> memref<625x64xf32, #tpu.memory_space<vmem>>
    tpu.enqueue_dma source(%dma_start3A_75 : memref<625x64xf32, #tpu.memory_space<vmem>>) target(%dma_start3A_71 : memref<625x64xf32, #tpu.memory_space<hbm>>) target_semaphore(%arg6 : memref<!tpu.dma_semaphore, #tpu.memory_space<semaphore_mem>>)
    %add3A_76 = arith.constant 0 : i32
    %add3A_77 = arith.addi %mul3A_2, %add3A_76 : i32
    %dma_wait3A_78 = arith.constant 0 : i32
    %dma_wait3A_79 = arith.constant 0 : i32
    %dma_wait3A_80 = arith.constant 0 : i32
    %dma_wait3A_81 = tpu.memref_slice %arg4[%dma_wait3A_78, %dma_wait3A_79, %dma_wait3A_80] : memref<3x625x64xf32, #tpu.memory_space<vmem>> -> memref<1x625x64xf32, #tpu.memory_space<vmem>>
    %dma_wait3A_82 = tpu.memref_squeeze %dma_wait3A_81 : memref<1x625x64xf32, #tpu.memory_space<vmem>> -> memref<625x64xf32, #tpu.memory_space<vmem>>
    %dma_wait3A_83 = arith.constant 0 : i32
    %dma_wait3A_84 = tpu.memref_slice %arg3[%add3A_77, %dma_wait3A_83] : memref<400000x64xf32, #tpu.memory_space<hbm>> -> memref<625x64xf32, #tpu.memory_space<hbm>>
    %dma_wait3A_85 = arith.constant 0 : i32
    %dma_wait3A_86 = tpu.memref_slice %arg3[%add3A_77, %dma_wait3A_85] : memref<400000x64xf32, #tpu.memory_space<hbm>> -> memref<625x64xf32, #tpu.memory_space<hbm>>
    %dma_wait3A_87 = arith.constant 0 : i32
    %dma_wait3A_88 = arith.constant 0 : i32
    %dma_wait3A_89 = tpu.memref_slice %arg4[%dma_wait3A_78, %dma_wait3A_87, %dma_wait3A_88] : memref<3x625x64xf32, #tpu.memory_space<vmem>> -> memref<1x625x64xf32, #tpu.memory_space<vmem>>
    %dma_wait3A_90 = tpu.memref_squeeze %dma_wait3A_89 : memref<1x625x64xf32, #tpu.memory_space<vmem>> -> memref<625x64xf32, #tpu.memory_space<vmem>>
    tpu.wait_dma2 semaphore(%arg6 : memref<!tpu.dma_semaphore, #tpu.memory_space<semaphore_mem>>) src(%dma_wait3A_90 : memref<625x64xf32, #tpu.memory_space<vmem>>) dst(%dma_wait3A_86 : memref<625x64xf32, #tpu.memory_space<hbm>>)
    %add3A_91 = arith.constant 1875 : i32
    %add3A_92 = arith.addi %mul3A_2, %add3A_91 : i32
    %dma_start3A_93 = arith.constant 0 : i32
    %dma_start3A_94 = arith.constant 0 : i32
    %dma_start3A_95 = arith.constant 0 : i32
    %dma_start3A_96 = tpu.memref_slice %arg4[%dma_start3A_93, %dma_start3A_94, %dma_start3A_95] : memref<3x625x64xf32, #tpu.memory_space<vmem>> -> memref<1x625x64xf32, #tpu.memory_space<vmem>>
    %dma_start3A_97 = tpu.memref_squeeze %dma_start3A_96 : memref<1x625x64xf32, #tpu.memory_space<vmem>> -> memref<625x64xf32, #tpu.memory_space<vmem>>
    %dma_start3A_98 = arith.constant 0 : i32
    %dma_start3A_99 = tpu.memref_slice %arg2[%add3A_92, %dma_start3A_98] : memref<400000x64xf32, #tpu.memory_space<hbm>> -> memref<625x64xf32, #tpu.memory_space<hbm>>
    %dma_start3A_100 = arith.constant 0 : i32
    %dma_start3A_101 = arith.constant 0 : i32
    %dma_start3A_102 = tpu.memref_slice %arg4[%dma_start3A_93, %dma_start3A_100, %dma_start3A_101] : memref<3x625x64xf32, #tpu.memory_space<vmem>> -> memref<1x625x64xf32, #tpu.memory_space<vmem>>
    %dma_start3A_103 = tpu.memref_squeeze %dma_start3A_102 : memref<1x625x64xf32, #tpu.memory_space<vmem>> -> memref<625x64xf32, #tpu.memory_space<vmem>>
    %dma_start3A_104 = arith.constant 0 : i32
    %dma_start3A_105 = tpu.memref_slice %arg2[%add3A_92, %dma_start3A_104] : memref<400000x64xf32, #tpu.memory_space<hbm>> -> memref<625x64xf32, #tpu.memory_space<hbm>>
    tpu.enqueue_dma source(%dma_start3A_105 : memref<625x64xf32, #tpu.memory_space<hbm>>) target(%dma_start3A_103 : memref<625x64xf32, #tpu.memory_space<vmem>>) target_semaphore(%arg5 : memref<!tpu.dma_semaphore, #tpu.memory_space<semaphore_mem>>)
    %add3A_106 = arith.constant 625 : i32
    %add3A_107 = arith.addi %mul3A_2, %add3A_106 : i32
    %dma_wait3A_108 = arith.constant 1 : i32
    %dma_wait3A_109 = arith.constant 0 : i32
    %dma_wait3A_110 = arith.constant 0 : i32
    %dma_wait3A_111 = tpu.memref_slice %arg4[%dma_wait3A_108, %dma_wait3A_109, %dma_wait3A_110] : memref<3x625x64xf32, #tpu.memory_space<vmem>> -> memref<1x625x64xf32, #tpu.memory_space<vmem>>
    %dma_wait3A_112 = tpu.memref_squeeze %dma_wait3A_111 : memref<1x625x64xf32, #tpu.memory_space<vmem>> -> memref<625x64xf32, #tpu.memory_space<vmem>>
    %dma_wait3A_113 = arith.constant 0 : i32
    %dma_wait3A_114 = tpu.memref_slice %arg2[%add3A_107, %dma_wait3A_113] : memref<400000x64xf32, #tpu.memory_space<hbm>> -> memref<625x64xf32, #tpu.memory_space<hbm>>
    %dma_wait3A_115 = arith.constant 0 : i32
    %dma_wait3A_116 = arith.constant 0 : i32
    %dma_wait3A_117 = tpu.memref_slice %arg4[%dma_wait3A_108, %dma_wait3A_115, %dma_wait3A_116] : memref<3x625x64xf32, #tpu.memory_space<vmem>> -> memref<1x625x64xf32, #tpu.memory_space<vmem>>
    %dma_wait3A_118 = tpu.memref_squeeze %dma_wait3A_117 : memref<1x625x64xf32, #tpu.memory_space<vmem>> -> memref<625x64xf32, #tpu.memory_space<vmem>>
    %dma_wait3A_119 = arith.constant 0 : i32
    %dma_wait3A_120 = tpu.memref_slice %arg2[%add3A_107, %dma_wait3A_119] : memref<400000x64xf32, #tpu.memory_space<hbm>> -> memref<625x64xf32, #tpu.memory_space<hbm>>
    tpu.wait_dma2 semaphore(%arg5 : memref<!tpu.dma_semaphore, #tpu.memory_space<semaphore_mem>>) src(%dma_wait3A_120 : memref<625x64xf32, #tpu.memory_space<hbm>>) dst(%dma_wait3A_118 : memref<625x64xf32, #tpu.memory_space<vmem>>)
    %add3A_121 = arith.constant 625 : i32
    %add3A_122 = arith.addi %mul3A_2, %add3A_121 : i32
    %dma_start3A_123 = arith.constant 1 : i32
    %dma_start3A_124 = arith.constant 0 : i32
    %dma_start3A_125 = arith.constant 0 : i32
    %dma_start3A_126 = tpu.memref_slice %arg4[%dma_start3A_123, %dma_start3A_124, %dma_start3A_125] : memref<3x625x64xf32, #tpu.memory_space<vmem>> -> memref<1x625x64xf32, #tpu.memory_space<vmem>>
    %dma_start3A_127 = tpu.memref_squeeze %dma_start3A_126 : memref<1x625x64xf32, #tpu.memory_space<vmem>> -> memref<625x64xf32, #tpu.memory_space<vmem>>
    %dma_start3A_128 = arith.constant 0 : i32
    %dma_start3A_129 = tpu.memref_slice %arg3[%add3A_122, %dma_start3A_128] : memref<400000x64xf32, #tpu.memory_space<hbm>> -> memref<625x64xf32, #tpu.memory_space<hbm>>
    %dma_start3A_130 = arith.constant 0 : i32
    %dma_start3A_131 = tpu.memref_slice %arg3[%add3A_122, %dma_start3A_130] : memref<400000x64xf32, #tpu.memory_space<hbm>> -> memref<625x64xf32, #tpu.memory_space<hbm>>
    %dma_start3A_132 = arith.constant 0 : i32
    %dma_start3A_133 = arith.constant 0 : i32
    %dma_start3A_134 = tpu.memref_slice %arg4[%dma_start3A_123, %dma_start3A_132, %dma_start3A_133] : memref<3x625x64xf32, #tpu.memory_space<vmem>> -> memref<1x625x64xf32, #tpu.memory_space<vmem>>
    %dma_start3A_135 = tpu.memref_squeeze %dma_start3A_134 : memref<1x625x64xf32, #tpu.memory_space<vmem>> -> memref<625x64xf32, #tpu.memory_space<vmem>>
    tpu.enqueue_dma source(%dma_start3A_135 : memref<625x64xf32, #tpu.memory_space<vmem>>) target(%dma_start3A_131 : memref<625x64xf32, #tpu.memory_space<hbm>>) target_semaphore(%arg6 : memref<!tpu.dma_semaphore, #tpu.memory_space<semaphore_mem>>)
    %add3A_136 = arith.constant 625 : i32
    %add3A_137 = arith.addi %mul3A_2, %add3A_136 : i32
    %dma_wait3A_138 = arith.constant 1 : i32
    %dma_wait3A_139 = arith.constant 0 : i32
    %dma_wait3A_140 = arith.constant 0 : i32
    %dma_wait3A_141 = tpu.memref_slice %arg4[%dma_wait3A_138, %dma_wait3A_139, %dma_wait3A_140] : memref<3x625x64xf32, #tpu.memory_space<vmem>> -> memref<1x625x64xf32, #tpu.memory_space<vmem>>
    %dma_wait3A_142 = tpu.memref_squeeze %dma_wait3A_141 : memref<1x625x64xf32, #tpu.memory_space<vmem>> -> memref<625x64xf32, #tpu.memory_space<vmem>>
    %dma_wait3A_143 = arith.constant 0 : i32
    %dma_wait3A_144 = tpu.memref_slice %arg3[%add3A_137, %dma_wait3A_143] : memref<400000x64xf32, #tpu.memory_space<hbm>> -> memref<625x64xf32, #tpu.memory_space<hbm>>
    %dma_wait3A_145 = arith.constant 0 : i32
    %dma_wait3A_146 = tpu.memref_slice %arg3[%add3A_137, %dma_wait3A_145] : memref<400000x64xf32, #tpu.memory_space<hbm>> -> memref<625x64xf32, #tpu.memory_space<hbm>>
    %dma_wait3A_147 = arith.constant 0 : i32
    %dma_wait3A_148 = arith.constant 0 : i32
    %dma_wait3A_149 = tpu.memref_slice %arg4[%dma_wait3A_138, %dma_wait3A_147, %dma_wait3A_148] : memref<3x625x64xf32, #tpu.memory_space<vmem>> -> memref<1x625x64xf32, #tpu.memory_space<vmem>>
    %dma_wait3A_150 = tpu.memref_squeeze %dma_wait3A_149 : memref<1x625x64xf32, #tpu.memory_space<vmem>> -> memref<625x64xf32, #tpu.memory_space<vmem>>
    tpu.wait_dma2 semaphore(%arg6 : memref<!tpu.dma_semaphore, #tpu.memory_space<semaphore_mem>>) src(%dma_wait3A_150 : memref<625x64xf32, #tpu.memory_space<vmem>>) dst(%dma_wait3A_146 : memref<625x64xf32, #tpu.memory_space<hbm>>)
    %add3A_151 = arith.constant 2500 : i32
    %add3A_152 = arith.addi %mul3A_2, %add3A_151 : i32
    %dma_start3A_153 = arith.constant 1 : i32
    %dma_start3A_154 = arith.constant 0 : i32
    %dma_start3A_155 = arith.constant 0 : i32
    %dma_start3A_156 = tpu.memref_slice %arg4[%dma_start3A_153, %dma_start3A_154, %dma_start3A_155] : memref<3x625x64xf32, #tpu.memory_space<vmem>> -> memref<1x625x64xf32, #tpu.memory_space<vmem>>
    %dma_start3A_157 = tpu.memref_squeeze %dma_start3A_156 : memref<1x625x64xf32, #tpu.memory_space<vmem>> -> memref<625x64xf32, #tpu.memory_space<vmem>>
    %dma_start3A_158 = arith.constant 0 : i32
    %dma_start3A_159 = tpu.memref_slice %arg2[%add3A_152, %dma_start3A_158] : memref<400000x64xf32, #tpu.memory_space<hbm>> -> memref<625x64xf32, #tpu.memory_space<hbm>>
    %dma_start3A_160 = arith.constant 0 : i32
    %dma_start3A_161 = arith.constant 0 : i32
    %dma_start3A_162 = tpu.memref_slice %arg4[%dma_start3A_153, %dma_start3A_160, %dma_start3A_161] : memref<3x625x64xf32, #tpu.memory_space<vmem>> -> memref<1x625x64xf32, #tpu.memory_space<vmem>>
    %dma_start3A_163 = tpu.memref_squeeze %dma_start3A_162 : memref<1x625x64xf32, #tpu.memory_space<vmem>> -> memref<625x64xf32, #tpu.memory_space<vmem>>
    %dma_start3A_164 = arith.constant 0 : i32
    %dma_start3A_165 = tpu.memref_slice %arg2[%add3A_152, %dma_start3A_164] : memref<400000x64xf32, #tpu.memory_space<hbm>> -> memref<625x64xf32, #tpu.memory_space<hbm>>
    tpu.enqueue_dma source(%dma_start3A_165 : memref<625x64xf32, #tpu.memory_space<hbm>>) target(%dma_start3A_163 : memref<625x64xf32, #tpu.memory_space<vmem>>) target_semaphore(%arg5 : memref<!tpu.dma_semaphore, #tpu.memory_space<semaphore_mem>>)
    %add3A_166 = arith.constant 1250 : i32
    %add3A_167 = arith.addi %mul3A_2, %add3A_166 : i32
    %dma_wait3A_168 = arith.constant 2 : i32
    %dma_wait3A_169 = arith.constant 0 : i32
    %dma_wait3A_170 = arith.constant 0 : i32
    %dma_wait3A_171 = tpu.memref_slice %arg4[%dma_wait3A_168, %dma_wait3A_169, %dma_wait3A_170] : memref<3x625x64xf32, #tpu.memory_space<vmem>> -> memref<1x625x64xf32, #tpu.memory_space<vmem>>
    %dma_wait3A_172 = tpu.memref_squeeze %dma_wait3A_171 : memref<1x625x64xf32, #tpu.memory_space<vmem>> -> memref<625x64xf32, #tpu.memory_space<vmem>>
    %dma_wait3A_173 = arith.constant 0 : i32
    %dma_wait3A_174 = tpu.memref_slice %arg2[%add3A_167, %dma_wait3A_173] : memref<400000x64xf32, #tpu.memory_space<hbm>> -> memref<625x64xf32, #tpu.memory_space<hbm>>
    %dma_wait3A_175 = arith.constant 0 : i32
    %dma_wait3A_176 = arith.constant 0 : i32
    %dma_wait3A_177 = tpu.memref_slice %arg4[%dma_wait3A_168, %dma_wait3A_175, %dma_wait3A_176] : memref<3x625x64xf32, #tpu.memory_space<vmem>> -> memref<1x625x64xf32, #tpu.memory_space<vmem>>
    %dma_wait3A_178 = tpu.memref_squeeze %dma_wait3A_177 : memref<1x625x64xf32, #tpu.memory_space<vmem>> -> memref<625x64xf32, #tpu.memory_space<vmem>>
    %dma_wait3A_179 = arith.constant 0 : i32
    %dma_wait3A_180 = tpu.memref_slice %arg2[%add3A_167, %dma_wait3A_179] : memref<400000x64xf32, #tpu.memory_space<hbm>> -> memref<625x64xf32, #tpu.memory_space<hbm>>
    tpu.wait_dma2 semaphore(%arg5 : memref<!tpu.dma_semaphore, #tpu.memory_space<semaphore_mem>>) src(%dma_wait3A_180 : memref<625x64xf32, #tpu.memory_space<hbm>>) dst(%dma_wait3A_178 : memref<625x64xf32, #tpu.memory_space<vmem>>)
    %add3A_181 = arith.constant 1250 : i32
    %add3A_182 = arith.addi %mul3A_2, %add3A_181 : i32
    %dma_start3A_183 = arith.constant 2 : i32
    %dma_start3A_184 = arith.constant 0 : i32
    %dma_start3A_185 = arith.constant 0 : i32
    %dma_start3A_186 = tpu.memref_slice %arg4[%dma_start3A_183, %dma_start3A_184, %dma_start3A_185] : memref<3x625x64xf32, #tpu.memory_space<vmem>> -> memref<1x625x64xf32, #tpu.memory_space<vmem>>
    %dma_start3A_187 = tpu.memref_squeeze %dma_start3A_186 : memref<1x625x64xf32, #tpu.memory_space<vmem>> -> memref<625x64xf32, #tpu.memory_space<vmem>>
    %dma_start3A_188 = arith.constant 0 : i32
    %dma_start3A_189 = tpu.memref_slice %arg3[%add3A_182, %dma_start3A_188] : memref<400000x64xf32, #tpu.memory_space<hbm>> -> memref<625x64xf32, #tpu.memory_space<hbm>>
    %dma_start3A_190 = arith.constant 0 : i32
    %dma_start3A_191 = tpu.memref_slice %arg3[%add3A_182, %dma_start3A_190] : memref<400000x64xf32, #tpu.memory_space<hbm>> -> memref<625x64xf32, #tpu.memory_space<hbm>>
    %dma_start3A_192 = arith.constant 0 : i32
    %dma_start3A_193 = arith.constant 0 : i32
    %dma_start3A_194 = tpu.memref_slice %arg4[%dma_start3A_183, %dma_start3A_192, %dma_start3A_193] : memref<3x625x64xf32, #tpu.memory_space<vmem>> -> memref<1x625x64xf32, #tpu.memory_space<vmem>>
    %dma_start3A_195 = tpu.memref_squeeze %dma_start3A_194 : memref<1x625x64xf32, #tpu.memory_space<vmem>> -> memref<625x64xf32, #tpu.memory_space<vmem>>
    tpu.enqueue_dma source(%dma_start3A_195 : memref<625x64xf32, #tpu.memory_space<vmem>>) target(%dma_start3A_191 : memref<625x64xf32, #tpu.memory_space<hbm>>) target_semaphore(%arg6 : memref<!tpu.dma_semaphore, #tpu.memory_space<semaphore_mem>>)
    %add3A_196 = arith.constant 1250 : i32
    %add3A_197 = arith.addi %mul3A_2, %add3A_196 : i32
    %dma_wait3A_198 = arith.constant 2 : i32
    %dma_wait3A_199 = arith.constant 0 : i32
    %dma_wait3A_200 = arith.constant 0 : i32
    %dma_wait3A_201 = tpu.memref_slice %arg4[%dma_wait3A_198, %dma_wait3A_199, %dma_wait3A_200] : memref<3x625x64xf32, #tpu.memory_space<vmem>> -> memref<1x625x64xf32, #tpu.memory_space<vmem>>
    %dma_wait3A_202 = tpu.memref_squeeze %dma_wait3A_201 : memref<1x625x64xf32, #tpu.memory_space<vmem>> -> memref<625x64xf32, #tpu.memory_space<vmem>>
    %dma_wait3A_203 = arith.constant 0 : i32
    %dma_wait3A_204 = tpu.memref_slice %arg3[%add3A_197, %dma_wait3A_203] : memref<400000x64xf32, #tpu.memory_space<hbm>> -> memref<625x64xf32, #tpu.memory_space<hbm>>
    %dma_wait3A_205 = arith.constant 0 : i32
    %dma_wait3A_206 = tpu.memref_slice %arg3[%add3A_197, %dma_wait3A_205] : memref<400000x64xf32, #tpu.memory_space<hbm>> -> memref<625x64xf32, #tpu.memory_space<hbm>>
    %dma_wait3A_207 = arith.constant 0 : i32
    %dma_wait3A_208 = arith.constant 0 : i32
    %dma_wait3A_209 = tpu.memref_slice %arg4[%dma_wait3A_198, %dma_wait3A_207, %dma_wait3A_208] : memref<3x625x64xf32, #tpu.memory_space<vmem>> -> memref<1x625x64xf32, #tpu.memory_space<vmem>>
    %dma_wait3A_210 = tpu.memref_squeeze %dma_wait3A_209 : memref<1x625x64xf32, #tpu.memory_space<vmem>> -> memref<625x64xf32, #tpu.memory_space<vmem>>
    tpu.wait_dma2 semaphore(%arg6 : memref<!tpu.dma_semaphore, #tpu.memory_space<semaphore_mem>>) src(%dma_wait3A_210 : memref<625x64xf32, #tpu.memory_space<vmem>>) dst(%dma_wait3A_206 : memref<625x64xf32, #tpu.memory_space<hbm>>)
    %add3A_211 = arith.constant 3125 : i32
    %add3A_212 = arith.addi %mul3A_2, %add3A_211 : i32
    %dma_start3A_213 = arith.constant 2 : i32
    %dma_start3A_214 = arith.constant 0 : i32
    %dma_start3A_215 = arith.constant 0 : i32
    %dma_start3A_216 = tpu.memref_slice %arg4[%dma_start3A_213, %dma_start3A_214, %dma_start3A_215] : memref<3x625x64xf32, #tpu.memory_space<vmem>> -> memref<1x625x64xf32, #tpu.memory_space<vmem>>
    %dma_start3A_217 = tpu.memref_squeeze %dma_start3A_216 : memref<1x625x64xf32, #tpu.memory_space<vmem>> -> memref<625x64xf32, #tpu.memory_space<vmem>>
    %dma_start3A_218 = arith.constant 0 : i32
    %dma_start3A_219 = tpu.memref_slice %arg2[%add3A_212, %dma_start3A_218] : memref<400000x64xf32, #tpu.memory_space<hbm>> -> memref<625x64xf32, #tpu.memory_space<hbm>>
    %dma_start3A_220 = arith.constant 0 : i32
    %dma_start3A_221 = arith.constant 0 : i32
    %dma_start3A_222 = tpu.memref_slice %arg4[%dma_start3A_213, %dma_start3A_220, %dma_start3A_221] : memref<3x625x64xf32, #tpu.memory_space<vmem>> -> memref<1x625x64xf32, #tpu.memory_space<vmem>>
    %dma_start3A_223 = tpu.memref_squeeze %dma_start3A_222 : memref<1x625x64xf32, #tpu.memory_space<vmem>> -> memref<625x64xf32, #tpu.memory_space<vmem>>
    %dma_start3A_224 = arith.constant 0 : i32
    %dma_start3A_225 = tpu.memref_slice %arg2[%add3A_212, %dma_start3A_224] : memref<400000x64xf32, #tpu.memory_space<hbm>> -> memref<625x64xf32, #tpu.memory_space<hbm>>
    tpu.enqueue_dma source(%dma_start3A_225 : memref<625x64xf32, #tpu.memory_space<hbm>>) target(%dma_start3A_223 : memref<625x64xf32, #tpu.memory_space<vmem>>) target_semaphore(%arg5 : memref<!tpu.dma_semaphore, #tpu.memory_space<semaphore_mem>>)
    %add3A_226 = arith.constant 1875 : i32
    %add3A_227 = arith.addi %mul3A_2, %add3A_226 : i32
    %dma_wait3A_228 = arith.constant 0 : i32
    %dma_wait3A_229 = arith.constant 0 : i32
    %dma_wait3A_230 = arith.constant 0 : i32
    %dma_wait3A_231 = tpu.memref_slice %arg4[%dma_wait3A_228, %dma_wait3A_229, %dma_wait3A_230] : memref<3x625x64xf32, #tpu.memory_space<vmem>> -> memref<1x625x64xf32, #tpu.memory_space<vmem>>
    %dma_wait3A_232 = tpu.memref_squeeze %dma_wait3A_231 : memref<1x625x64xf32, #tpu.memory_space<vmem>> -> memref<625x64xf32, #tpu.memory_space<vmem>>
    %dma_wait3A_233 = arith.constant 0 : i32
    %dma_wait3A_234 = tpu.memref_slice %arg2[%add3A_227, %dma_wait3A_233] : memref<400000x64xf32, #tpu.memory_space<hbm>> -> memref<625x64xf32, #tpu.memory_space<hbm>>
    %dma_wait3A_235 = arith.constant 0 : i32
    %dma_wait3A_236 = arith.constant 0 : i32
    %dma_wait3A_237 = tpu.memref_slice %arg4[%dma_wait3A_228, %dma_wait3A_235, %dma_wait3A_236] : memref<3x625x64xf32, #tpu.memory_space<vmem>> -> memref<1x625x64xf32, #tpu.memory_space<vmem>>
    %dma_wait3A_238 = tpu.memref_squeeze %dma_wait3A_237 : memref<1x625x64xf32, #tpu.memory_space<vmem>> -> memref<625x64xf32, #tpu.memory_space<vmem>>
    %dma_wait3A_239 = arith.constant 0 : i32
    %dma_wait3A_240 = tpu.memref_slice %arg2[%add3A_227, %dma_wait3A_239] : memref<400000x64xf32, #tpu.memory_space<hbm>> -> memref<625x64xf32, #tpu.memory_space<hbm>>
    tpu.wait_dma2 semaphore(%arg5 : memref<!tpu.dma_semaphore, #tpu.memory_space<semaphore_mem>>) src(%dma_wait3A_240 : memref<625x64xf32, #tpu.memory_space<hbm>>) dst(%dma_wait3A_238 : memref<625x64xf32, #tpu.memory_space<vmem>>)
    %add3A_241 = arith.constant 1875 : i32
    %add3A_242 = arith.addi %mul3A_2, %add3A_241 : i32
    %dma_start3A_243 = arith.constant 0 : i32
    %dma_start3A_244 = arith.constant 0 : i32
    %dma_start3A_245 = arith.constant 0 : i32
    %dma_start3A_246 = tpu.memref_slice %arg4[%dma_start3A_243, %dma_start3A_244, %dma_start3A_245] : memref<3x625x64xf32, #tpu.memory_space<vmem>> -> memref<1x625x64xf32, #tpu.memory_space<vmem>>
    %dma_start3A_247 = tpu.memref_squeeze %dma_start3A_246 : memref<1x625x64xf32, #tpu.memory_space<vmem>> -> memref<625x64xf32, #tpu.memory_space<vmem>>
    %dma_start3A_248 = arith.constant 0 : i32
    %dma_start3A_249 = tpu.memref_slice %arg3[%add3A_242, %dma_start3A_248] : memref<400000x64xf32, #tpu.memory_space<hbm>> -> memref<625x64xf32, #tpu.memory_space<hbm>>
    %dma_start3A_250 = arith.constant 0 : i32
    %dma_start3A_251 = tpu.memref_slice %arg3[%add3A_242, %dma_start3A_250] : memref<400000x64xf32, #tpu.memory_space<hbm>> -> memref<625x64xf32, #tpu.memory_space<hbm>>
    %dma_start3A_252 = arith.constant 0 : i32
    %dma_start3A_253 = arith.constant 0 : i32
    %dma_start3A_254 = tpu.memref_slice %arg4[%dma_start3A_243, %dma_start3A_252, %dma_start3A_253] : memref<3x625x64xf32, #tpu.memory_space<vmem>> -> memref<1x625x64xf32, #tpu.memory_space<vmem>>
    %dma_start3A_255 = tpu.memref_squeeze %dma_start3A_254 : memref<1x625x64xf32, #tpu.memory_space<vmem>> -> memref<625x64xf32, #tpu.memory_space<vmem>>
    tpu.enqueue_dma source(%dma_start3A_255 : memref<625x64xf32, #tpu.memory_space<vmem>>) target(%dma_start3A_251 : memref<625x64xf32, #tpu.memory_space<hbm>>) target_semaphore(%arg6 : memref<!tpu.dma_semaphore, #tpu.memory_space<semaphore_mem>>)
    %add3A_256 = arith.constant 1875 : i32
    %add3A_257 = arith.addi %mul3A_2, %add3A_256 : i32
    %dma_wait3A_258 = arith.constant 0 : i32
    %dma_wait3A_259 = arith.constant 0 : i32
    %dma_wait3A_260 = arith.constant 0 : i32
    %dma_wait3A_261 = tpu.memref_slice %arg4[%dma_wait3A_258, %dma_wait3A_259, %dma_wait3A_260] : memref<3x625x64xf32, #tpu.memory_space<vmem>> -> memref<1x625x64xf32, #tpu.memory_space<vmem>>
    %dma_wait3A_262 = tpu.memref_squeeze %dma_wait3A_261 : memref<1x625x64xf32, #tpu.memory_space<vmem>> -> memref<625x64xf32, #tpu.memory_space<vmem>>
    %dma_wait3A_263 = arith.constant 0 : i32
    %dma_wait3A_264 = tpu.memref_slice %arg3[%add3A_257, %dma_wait3A_263] : memref<400000x64xf32, #tpu.memory_space<hbm>> -> memref<625x64xf32, #tpu.memory_space<hbm>>
    %dma_wait3A_265 = arith.constant 0 : i32
    %dma_wait3A_266 = tpu.memref_slice %arg3[%add3A_257, %dma_wait3A_265] : memref<400000x64xf32, #tpu.memory_space<hbm>> -> memref<625x64xf32, #tpu.memory_space<hbm>>
    %dma_wait3A_267 = arith.constant 0 : i32
    %dma_wait3A_268 = arith.constant 0 : i32
    %dma_wait3A_269 = tpu.memref_slice %arg4[%dma_wait3A_258, %dma_wait3A_267, %dma_wait3A_268] : memref<3x625x64xf32, #tpu.memory_space<vmem>> -> memref<1x625x64xf32, #tpu.memory_space<vmem>>
    %dma_wait3A_270 = tpu.memref_squeeze %dma_wait3A_269 : memref<1x625x64xf32, #tpu.memory_space<vmem>> -> memref<625x64xf32, #tpu.memory_space<vmem>>
    tpu.wait_dma2 semaphore(%arg6 : memref<!tpu.dma_semaphore, #tpu.memory_space<semaphore_mem>>) src(%dma_wait3A_270 : memref<625x64xf32, #tpu.memory_space<vmem>>) dst(%dma_wait3A_266 : memref<625x64xf32, #tpu.memory_space<hbm>>)
    %add3A_271 = arith.constant 3750 : i32
    %add3A_272 = arith.addi %mul3A_2, %add3A_271 : i32
    %dma_start3A_273 = arith.constant 0 : i32
    %dma_start3A_274 = arith.constant 0 : i32
    %dma_start3A_275 = arith.constant 0 : i32
    %dma_start3A_276 = tpu.memref_slice %arg4[%dma_start3A_273, %dma_start3A_274, %dma_start3A_275] : memref<3x625x64xf32, #tpu.memory_space<vmem>> -> memref<1x625x64xf32, #tpu.memory_space<vmem>>
    %dma_start3A_277 = tpu.memref_squeeze %dma_start3A_276 : memref<1x625x64xf32, #tpu.memory_space<vmem>> -> memref<625x64xf32, #tpu.memory_space<vmem>>
    %dma_start3A_278 = arith.constant 0 : i32
    %dma_start3A_279 = tpu.memref_slice %arg2[%add3A_272, %dma_start3A_278] : memref<400000x64xf32, #tpu.memory_space<hbm>> -> memref<625x64xf32, #tpu.memory_space<hbm>>
    %dma_start3A_280 = arith.constant 0 : i32
    %dma_start3A_281 = arith.constant 0 : i32
    %dma_start3A_282 = tpu.memref_slice %arg4[%dma_start3A_273, %dma_start3A_280, %dma_start3A_281] : memref<3x625x64xf32, #tpu.memory_space<vmem>> -> memref<1x625x64xf32, #tpu.memory_space<vmem>>
    %dma_start3A_283 = tpu.memref_squeeze %dma_start3A_282 : memref<1x625x64xf32, #tpu.memory_space<vmem>> -> memref<625x64xf32, #tpu.memory_space<vmem>>
    %dma_start3A_284 = arith.constant 0 : i32
    %dma_start3A_285 = tpu.memref_slice %arg2[%add3A_272, %dma_start3A_284] : memref<400000x64xf32, #tpu.memory_space<hbm>> -> memref<625x64xf32, #tpu.memory_space<hbm>>
    tpu.enqueue_dma source(%dma_start3A_285 : memref<625x64xf32, #tpu.memory_space<hbm>>) target(%dma_start3A_283 : memref<625x64xf32, #tpu.memory_space<vmem>>) target_semaphore(%arg5 : memref<!tpu.dma_semaphore, #tpu.memory_space<semaphore_mem>>)
    %add3A_286 = arith.constant 2500 : i32
    %add3A_287 = arith.addi %mul3A_2, %add3A_286 : i32
    %dma_wait3A_288 = arith.constant 1 : i32
    %dma_wait3A_289 = arith.constant 0 : i32
    %dma_wait3A_290 = arith.constant 0 : i32
    %dma_wait3A_291 = tpu.memref_slice %arg4[%dma_wait3A_288, %dma_wait3A_289, %dma_wait3A_290] : memref<3x625x64xf32, #tpu.memory_space<vmem>> -> memref<1x625x64xf32, #tpu.memory_space<vmem>>
    %dma_wait3A_292 = tpu.memref_squeeze %dma_wait3A_291 : memref<1x625x64xf32, #tpu.memory_space<vmem>> -> memref<625x64xf32, #tpu.memory_space<vmem>>
    %dma_wait3A_293 = arith.constant 0 : i32
    %dma_wait3A_294 = tpu.memref_slice %arg2[%add3A_287, %dma_wait3A_293] : memref<400000x64xf32, #tpu.memory_space<hbm>> -> memref<625x64xf32, #tpu.memory_space<hbm>>
    %dma_wait3A_295 = arith.constant 0 : i32
    %dma_wait3A_296 = arith.constant 0 : i32
    %dma_wait3A_297 = tpu.memref_slice %arg4[%dma_wait3A_288, %dma_wait3A_295, %dma_wait3A_296] : memref<3x625x64xf32, #tpu.memory_space<vmem>> -> memref<1x625x64xf32, #tpu.memory_space<vmem>>
    %dma_wait3A_298 = tpu.memref_squeeze %dma_wait3A_297 : memref<1x625x64xf32, #tpu.memory_space<vmem>> -> memref<625x64xf32, #tpu.memory_space<vmem>>
    %dma_wait3A_299 = arith.constant 0 : i32
    %dma_wait3A_300 = tpu.memref_slice %arg2[%add3A_287, %dma_wait3A_299] : memref<400000x64xf32, #tpu.memory_space<hbm>> -> memref<625x64xf32, #tpu.memory_space<hbm>>
    tpu.wait_dma2 semaphore(%arg5 : memref<!tpu.dma_semaphore, #tpu.memory_space<semaphore_mem>>) src(%dma_wait3A_300 : memref<625x64xf32, #tpu.memory_space<hbm>>) dst(%dma_wait3A_298 : memref<625x64xf32, #tpu.memory_space<vmem>>)
    %add3A_301 = arith.constant 2500 : i32
    %add3A_302 = arith.addi %mul3A_2, %add3A_301 : i32
    %dma_start3A_303 = arith.constant 1 : i32
    %dma_start3A_304 = arith.constant 0 : i32
    %dma_start3A_305 = arith.constant 0 : i32
    %dma_start3A_306 = tpu.memref_slice %arg4[%dma_start3A_303, %dma_start3A_304, %dma_start3A_305] : memref<3x625x64xf32, #tpu.memory_space<vmem>> -> memref<1x625x64xf32, #tpu.memory_space<vmem>>
    %dma_start3A_307 = tpu.memref_squeeze %dma_start3A_306 : memref<1x625x64xf32, #tpu.memory_space<vmem>> -> memref<625x64xf32, #tpu.memory_space<vmem>>
    %dma_start3A_308 = arith.constant 0 : i32
    %dma_start3A_309 = tpu.memref_slice %arg3[%add3A_302, %dma_start3A_308] : memref<400000x64xf32, #tpu.memory_space<hbm>> -> memref<625x64xf32, #tpu.memory_space<hbm>>
    %dma_start3A_310 = arith.constant 0 : i32
    %dma_start3A_311 = tpu.memref_slice %arg3[%add3A_302, %dma_start3A_310] : memref<400000x64xf32, #tpu.memory_space<hbm>> -> memref<625x64xf32, #tpu.memory_space<hbm>>
    %dma_start3A_312 = arith.constant 0 : i32
    %dma_start3A_313 = arith.constant 0 : i32
    %dma_start3A_314 = tpu.memref_slice %arg4[%dma_start3A_303, %dma_start3A_312, %dma_start3A_313] : memref<3x625x64xf32, #tpu.memory_space<vmem>> -> memref<1x625x64xf32, #tpu.memory_space<vmem>>
    %dma_start3A_315 = tpu.memref_squeeze %dma_start3A_314 : memref<1x625x64xf32, #tpu.memory_space<vmem>> -> memref<625x64xf32, #tpu.memory_space<vmem>>
    tpu.enqueue_dma source(%dma_start3A_315 : memref<625x64xf32, #tpu.memory_space<vmem>>) target(%dma_start3A_311 : memref<625x64xf32, #tpu.memory_space<hbm>>) target_semaphore(%arg6 : memref<!tpu.dma_semaphore, #tpu.memory_space<semaphore_mem>>)
    %add3A_316 = arith.constant 2500 : i32
    %add3A_317 = arith.addi %mul3A_2, %add3A_316 : i32
    %dma_wait3A_318 = arith.constant 1 : i32
    %dma_wait3A_319 = arith.constant 0 : i32
    %dma_wait3A_320 = arith.constant 0 : i32
    %dma_wait3A_321 = tpu.memref_slice %arg4[%dma_wait3A_318, %dma_wait3A_319, %dma_wait3A_320] : memref<3x625x64xf32, #tpu.memory_space<vmem>> -> memref<1x625x64xf32, #tpu.memory_space<vmem>>
    %dma_wait3A_322 = tpu.memref_squeeze %dma_wait3A_321 : memref<1x625x64xf32, #tpu.memory_space<vmem>> -> memref<625x64xf32, #tpu.memory_space<vmem>>
    %dma_wait3A_323 = arith.constant 0 : i32
    %dma_wait3A_324 = tpu.memref_slice %arg3[%add3A_317, %dma_wait3A_323] : memref<400000x64xf32, #tpu.memory_space<hbm>> -> memref<625x64xf32, #tpu.memory_space<hbm>>
    %dma_wait3A_325 = arith.constant 0 : i32
    %dma_wait3A_326 = tpu.memref_slice %arg3[%add3A_317, %dma_wait3A_325] : memref<400000x64xf32, #tpu.memory_space<hbm>> -> memref<625x64xf32, #tpu.memory_space<hbm>>
    %dma_wait3A_327 = arith.constant 0 : i32
    %dma_wait3A_328 = arith.constant 0 : i32
    %dma_wait3A_329 = tpu.memref_slice %arg4[%dma_wait3A_318, %dma_wait3A_327, %dma_wait3A_328] : memref<3x625x64xf32, #tpu.memory_space<vmem>> -> memref<1x625x64xf32, #tpu.memory_space<vmem>>
    %dma_wait3A_330 = tpu.memref_squeeze %dma_wait3A_329 : memref<1x625x64xf32, #tpu.memory_space<vmem>> -> memref<625x64xf32, #tpu.memory_space<vmem>>
    tpu.wait_dma2 semaphore(%arg6 : memref<!tpu.dma_semaphore, #tpu.memory_space<semaphore_mem>>) src(%dma_wait3A_330 : memref<625x64xf32, #tpu.memory_space<vmem>>) dst(%dma_wait3A_326 : memref<625x64xf32, #tpu.memory_space<hbm>>)
    %add3A_331 = arith.constant 4375 : i32
    %add3A_332 = arith.addi %mul3A_2, %add3A_331 : i32
    %dma_start3A_333 = arith.constant 1 : i32
    %dma_start3A_334 = arith.constant 0 : i32
    %dma_start3A_335 = arith.constant 0 : i32
    %dma_start3A_336 = tpu.memref_slice %arg4[%dma_start3A_333, %dma_start3A_334, %dma_start3A_335] : memref<3x625x64xf32, #tpu.memory_space<vmem>> -> memref<1x625x64xf32, #tpu.memory_space<vmem>>
    %dma_start3A_337 = tpu.memref_squeeze %dma_start3A_336 : memref<1x625x64xf32, #tpu.memory_space<vmem>> -> memref<625x64xf32, #tpu.memory_space<vmem>>
    %dma_start3A_338 = arith.constant 0 : i32
    %dma_start3A_339 = tpu.memref_slice %arg2[%add3A_332, %dma_start3A_338] : memref<400000x64xf32, #tpu.memory_space<hbm>> -> memref<625x64xf32, #tpu.memory_space<hbm>>
    %dma_start3A_340 = arith.constant 0 : i32
    %dma_start3A_341 = arith.constant 0 : i32
    %dma_start3A_342 = tpu.memref_slice %arg4[%dma_start3A_333, %dma_start3A_340, %dma_start3A_341] : memref<3x625x64xf32, #tpu.memory_space<vmem>> -> memref<1x625x64xf32, #tpu.memory_space<vmem>>
    %dma_start3A_343 = tpu.memref_squeeze %dma_start3A_342 : memref<1x625x64xf32, #tpu.memory_space<vmem>> -> memref<625x64xf32, #tpu.memory_space<vmem>>
    %dma_start3A_344 = arith.constant 0 : i32
    %dma_start3A_345 = tpu.memref_slice %arg2[%add3A_332, %dma_start3A_344] : memref<400000x64xf32, #tpu.memory_space<hbm>> -> memref<625x64xf32, #tpu.memory_space<hbm>>
    tpu.enqueue_dma source(%dma_start3A_345 : memref<625x64xf32, #tpu.memory_space<hbm>>) target(%dma_start3A_343 : memref<625x64xf32, #tpu.memory_space<vmem>>) target_semaphore(%arg5 : memref<!tpu.dma_semaphore, #tpu.memory_space<semaphore_mem>>)
    %add3A_346 = arith.constant 3125 : i32
    %add3A_347 = arith.addi %mul3A_2, %add3A_346 : i32
    %dma_wait3A_348 = arith.constant 2 : i32
    %dma_wait3A_349 = arith.constant 0 : i32
    %dma_wait3A_350 = arith.constant 0 : i32
    %dma_wait3A_351 = tpu.memref_slice %arg4[%dma_wait3A_348, %dma_wait3A_349, %dma_wait3A_350] : memref<3x625x64xf32, #tpu.memory_space<vmem>> -> memref<1x625x64xf32, #tpu.memory_space<vmem>>
    %dma_wait3A_352 = tpu.memref_squeeze %dma_wait3A_351 : memref<1x625x64xf32, #tpu.memory_space<vmem>> -> memref<625x64xf32, #tpu.memory_space<vmem>>
    %dma_wait3A_353 = arith.constant 0 : i32
    %dma_wait3A_354 = tpu.memref_slice %arg2[%add3A_347, %dma_wait3A_353] : memref<400000x64xf32, #tpu.memory_space<hbm>> -> memref<625x64xf32, #tpu.memory_space<hbm>>
    %dma_wait3A_355 = arith.constant 0 : i32
    %dma_wait3A_356 = arith.constant 0 : i32
    %dma_wait3A_357 = tpu.memref_slice %arg4[%dma_wait3A_348, %dma_wait3A_355, %dma_wait3A_356] : memref<3x625x64xf32, #tpu.memory_space<vmem>> -> memref<1x625x64xf32, #tpu.memory_space<vmem>>
    %dma_wait3A_358 = tpu.memref_squeeze %dma_wait3A_357 : memref<1x625x64xf32, #tpu.memory_space<vmem>> -> memref<625x64xf32, #tpu.memory_space<vmem>>
    %dma_wait3A_359 = arith.constant 0 : i32
    %dma_wait3A_360 = tpu.memref_slice %arg2[%add3A_347, %dma_wait3A_359] : memref<400000x64xf32, #tpu.memory_space<hbm>> -> memref<625x64xf32, #tpu.memory_space<hbm>>
    tpu.wait_dma2 semaphore(%arg5 : memref<!tpu.dma_semaphore, #tpu.memory_space<semaphore_mem>>) src(%dma_wait3A_360 : memref<625x64xf32, #tpu.memory_space<hbm>>) dst(%dma_wait3A_358 : memref<625x64xf32, #tpu.memory_space<vmem>>)
    %add3A_361 = arith.constant 3125 : i32
    %add3A_362 = arith.addi %mul3A_2, %add3A_361 : i32
    %dma_start3A_363 = arith.constant 2 : i32
    %dma_start3A_364 = arith.constant 0 : i32
    %dma_start3A_365 = arith.constant 0 : i32
    %dma_start3A_366 = tpu.memref_slice %arg4[%dma_start3A_363, %dma_start3A_364, %dma_start3A_365] : memref<3x625x64xf32, #tpu.memory_space<vmem>> -> memref<1x625x64xf32, #tpu.memory_space<vmem>>
    %dma_start3A_367 = tpu.memref_squeeze %dma_start3A_366 : memref<1x625x64xf32, #tpu.memory_space<vmem>> -> memref<625x64xf32, #tpu.memory_space<vmem>>
    %dma_start3A_368 = arith.constant 0 : i32
    %dma_start3A_369 = tpu.memref_slice %arg3[%add3A_362, %dma_start3A_368] : memref<400000x64xf32, #tpu.memory_space<hbm>> -> memref<625x64xf32, #tpu.memory_space<hbm>>
    %dma_start3A_370 = arith.constant 0 : i32
    %dma_start3A_371 = tpu.memref_slice %arg3[%add3A_362, %dma_start3A_370] : memref<400000x64xf32, #tpu.memory_space<hbm>> -> memref<625x64xf32, #tpu.memory_space<hbm>>
    %dma_start3A_372 = arith.constant 0 : i32
    %dma_start3A_373 = arith.constant 0 : i32
    %dma_start3A_374 = tpu.memref_slice %arg4[%dma_start3A_363, %dma_start3A_372, %dma_start3A_373] : memref<3x625x64xf32, #tpu.memory_space<vmem>> -> memref<1x625x64xf32, #tpu.memory_space<vmem>>
    %dma_start3A_375 = tpu.memref_squeeze %dma_start3A_374 : memref<1x625x64xf32, #tpu.memory_space<vmem>> -> memref<625x64xf32, #tpu.memory_space<vmem>>
    tpu.enqueue_dma source(%dma_start3A_375 : memref<625x64xf32, #tpu.memory_space<vmem>>) target(%dma_start3A_371 : memref<625x64xf32, #tpu.memory_space<hbm>>) target_semaphore(%arg6 : memref<!tpu.dma_semaphore, #tpu.memory_space<semaphore_mem>>)
    %add3A_376 = arith.constant 3125 : i32
    %add3A_377 = arith.addi %mul3A_2, %add3A_376 : i32
    %dma_wait3A_378 = arith.constant 2 : i32
    %dma_wait3A_379 = arith.constant 0 : i32
    %dma_wait3A_380 = arith.constant 0 : i32
    %dma_wait3A_381 = tpu.memref_slice %arg4[%dma_wait3A_378, %dma_wait3A_379, %dma_wait3A_380] : memref<3x625x64xf32, #tpu.memory_space<vmem>> -> memref<1x625x64xf32, #tpu.memory_space<vmem>>
    %dma_wait3A_382 = tpu.memref_squeeze %dma_wait3A_381 : memref<1x625x64xf32, #tpu.memory_space<vmem>> -> memref<625x64xf32, #tpu.memory_space<vmem>>
    %dma_wait3A_383 = arith.constant 0 : i32
    %dma_wait3A_384 = tpu.memref_slice %arg3[%add3A_377, %dma_wait3A_383] : memref<400000x64xf32, #tpu.memory_space<hbm>> -> memref<625x64xf32, #tpu.memory_space<hbm>>
    %dma_wait3A_385 = arith.constant 0 : i32
    %dma_wait3A_386 = tpu.memref_slice %arg3[%add3A_377, %dma_wait3A_385] : memref<400000x64xf32, #tpu.memory_space<hbm>> -> memref<625x64xf32, #tpu.memory_space<hbm>>
    %dma_wait3A_387 = arith.constant 0 : i32
    %dma_wait3A_388 = arith.constant 0 : i32
    %dma_wait3A_389 = tpu.memref_slice %arg4[%dma_wait3A_378, %dma_wait3A_387, %dma_wait3A_388] : memref<3x625x64xf32, #tpu.memory_space<vmem>> -> memref<1x625x64xf32, #tpu.memory_space<vmem>>
    %dma_wait3A_390 = tpu.memref_squeeze %dma_wait3A_389 : memref<1x625x64xf32, #tpu.memory_space<vmem>> -> memref<625x64xf32, #tpu.memory_space<vmem>>
    tpu.wait_dma2 semaphore(%arg6 : memref<!tpu.dma_semaphore, #tpu.memory_space<semaphore_mem>>) src(%dma_wait3A_390 : memref<625x64xf32, #tpu.memory_space<vmem>>) dst(%dma_wait3A_386 : memref<625x64xf32, #tpu.memory_space<hbm>>)
    %add3A_391 = arith.constant 5000 : i32
    %add3A_392 = arith.addi %mul3A_2, %add3A_391 : i32
    %dma_start3A_393 = arith.constant 2 : i32
    %dma_start3A_394 = arith.constant 0 : i32
    %dma_start3A_395 = arith.constant 0 : i32
    %dma_start3A_396 = tpu.memref_slice %arg4[%dma_start3A_393, %dma_start3A_394, %dma_start3A_395] : memref<3x625x64xf32, #tpu.memory_space<vmem>> -> memref<1x625x64xf32, #tpu.memory_space<vmem>>
    %dma_start3A_397 = tpu.memref_squeeze %dma_start3A_396 : memref<1x625x64xf32, #tpu.memory_space<vmem>> -> memref<625x64xf32, #tpu.memory_space<vmem>>
    %dma_start3A_398 = arith.constant 0 : i32
    %dma_start3A_399 = tpu.memref_slice %arg2[%add3A_392, %dma_start3A_398] : memref<400000x64xf32, #tpu.memory_space<hbm>> -> memref<625x64xf32, #tpu.memory_space<hbm>>
    %dma_start3A_400 = arith.constant 0 : i32
    %dma_start3A_401 = arith.constant 0 : i32
    %dma_start3A_402 = tpu.memref_slice %arg4[%dma_start3A_393, %dma_start3A_400, %dma_start3A_401] : memref<3x625x64xf32, #tpu.memory_space<vmem>> -> memref<1x625x64xf32, #tpu.memory_space<vmem>>
    %dma_start3A_403 = tpu.memref_squeeze %dma_start3A_402 : memref<1x625x64xf32, #tpu.memory_space<vmem>> -> memref<625x64xf32, #tpu.memory_space<vmem>>
    %dma_start3A_404 = arith.constant 0 : i32
    %dma_start3A_405 = tpu.memref_slice %arg2[%add3A_392, %dma_start3A_404] : memref<400000x64xf32, #tpu.memory_space<hbm>> -> memref<625x64xf32, #tpu.memory_space<hbm>>
    tpu.enqueue_dma source(%dma_start3A_405 : memref<625x64xf32, #tpu.memory_space<hbm>>) target(%dma_start3A_403 : memref<625x64xf32, #tpu.memory_space<vmem>>) target_semaphore(%arg5 : memref<!tpu.dma_semaphore, #tpu.memory_space<semaphore_mem>>)
    %add3A_406 = arith.constant 3750 : i32
    %add3A_407 = arith.addi %mul3A_2, %add3A_406 : i32
    %dma_wait3A_408 = arith.constant 0 : i32
    %dma_wait3A_409 = arith.constant 0 : i32
    %dma_wait3A_410 = arith.constant 0 : i32
    %dma_wait3A_411 = tpu.memref_slice %arg4[%dma_wait3A_408, %dma_wait3A_409, %dma_wait3A_410] : memref<3x625x64xf32, #tpu.memory_space<vmem>> -> memref<1x625x64xf32, #tpu.memory_space<vmem>>
    %dma_wait3A_412 = tpu.memref_squeeze %dma_wait3A_411 : memref<1x625x64xf32, #tpu.memory_space<vmem>> -> memref<625x64xf32, #tpu.memory_space<vmem>>
    %dma_wait3A_413 = arith.constant 0 : i32
    %dma_wait3A_414 = tpu.memref_slice %arg2[%add3A_407, %dma_wait3A_413] : memref<400000x64xf32, #tpu.memory_space<hbm>> -> memref<625x64xf32, #tpu.memory_space<hbm>>
    %dma_wait3A_415 = arith.constant 0 : i32
    %dma_wait3A_416 = arith.constant 0 : i32
    %dma_wait3A_417 = tpu.memref_slice %arg4[%dma_wait3A_408, %dma_wait3A_415, %dma_wait3A_416] : memref<3x625x64xf32, #tpu.memory_space<vmem>> -> memref<1x625x64xf32, #tpu.memory_space<vmem>>
    %dma_wait3A_418 = tpu.memref_squeeze %dma_wait3A_417 : memref<1x625x64xf32, #tpu.memory_space<vmem>> -> memref<625x64xf32, #tpu.memory_space<vmem>>
    %dma_wait3A_419 = arith.constant 0 : i32
    %dma_wait3A_420 = tpu.memref_slice %arg2[%add3A_407, %dma_wait3A_419] : memref<400000x64xf32, #tpu.memory_space<hbm>> -> memref<625x64xf32, #tpu.memory_space<hbm>>
    tpu.wait_dma2 semaphore(%arg5 : memref<!tpu.dma_semaphore, #tpu.memory_space<semaphore_mem>>) src(%dma_wait3A_420 : memref<625x64xf32, #tpu.memory_space<hbm>>) dst(%dma_wait3A_418 : memref<625x64xf32, #tpu.memory_space<vmem>>)
    %add3A_421 = arith.constant 3750 : i32
    %add3A_422 = arith.addi %mul3A_2, %add3A_421 : i32
    %dma_start3A_423 = arith.constant 0 : i32
    %dma_start3A_424 = arith.constant 0 : i32
    %dma_start3A_425 = arith.constant 0 : i32
    %dma_start3A_426 = tpu.memref_slice %arg4[%dma_start3A_423, %dma_start3A_424, %dma_start3A_425] : memref<3x625x64xf32, #tpu.memory_space<vmem>> -> memref<1x625x64xf32, #tpu.memory_space<vmem>>
    %dma_start3A_427 = tpu.memref_squeeze %dma_start3A_426 : memref<1x625x64xf32, #tpu.memory_space<vmem>> -> memref<625x64xf32, #tpu.memory_space<vmem>>
    %dma_start3A_428 = arith.constant 0 : i32
    %dma_start3A_429 = tpu.memref_slice %arg3[%add3A_422, %dma_start3A_428] : memref<400000x64xf32, #tpu.memory_space<hbm>> -> memref<625x64xf32, #tpu.memory_space<hbm>>
    %dma_start3A_430 = arith.constant 0 : i32
    %dma_start3A_431 = tpu.memref_slice %arg3[%add3A_422, %dma_start3A_430] : memref<400000x64xf32, #tpu.memory_space<hbm>> -> memref<625x64xf32, #tpu.memory_space<hbm>>
    %dma_start3A_432 = arith.constant 0 : i32
    %dma_start3A_433 = arith.constant 0 : i32
    %dma_start3A_434 = tpu.memref_slice %arg4[%dma_start3A_423, %dma_start3A_432, %dma_start3A_433] : memref<3x625x64xf32, #tpu.memory_space<vmem>> -> memref<1x625x64xf32, #tpu.memory_space<vmem>>
    %dma_start3A_435 = tpu.memref_squeeze %dma_start3A_434 : memref<1x625x64xf32, #tpu.memory_space<vmem>> -> memref<625x64xf32, #tpu.memory_space<vmem>>
    tpu.enqueue_dma source(%dma_start3A_435 : memref<625x64xf32, #tpu.memory_space<vmem>>) target(%dma_start3A_431 : memref<625x64xf32, #tpu.memory_space<hbm>>) target_semaphore(%arg6 : memref<!tpu.dma_semaphore, #tpu.memory_space<semaphore_mem>>)
    %add3A_436 = arith.constant 3750 : i32
    %add3A_437 = arith.addi %mul3A_2, %add3A_436 : i32
    %dma_wait3A_438 = arith.constant 0 : i32
    %dma_wait3A_439 = arith.constant 0 : i32
    %dma_wait3A_440 = arith.constant 0 : i32
    %dma_wait3A_441 = tpu.memref_slice %arg4[%dma_wait3A_438, %dma_wait3A_439, %dma_wait3A_440] : memref<3x625x64xf32, #tpu.memory_space<vmem>> -> memref<1x625x64xf32, #tpu.memory_space<vmem>>
    %dma_wait3A_442 = tpu.memref_squeeze %dma_wait3A_441 : memref<1x625x64xf32, #tpu.memory_space<vmem>> -> memref<625x64xf32, #tpu.memory_space<vmem>>
    %dma_wait3A_443 = arith.constant 0 : i32
    %dma_wait3A_444 = tpu.memref_slice %arg3[%add3A_437, %dma_wait3A_443] : memref<400000x64xf32, #tpu.memory_space<hbm>> -> memref<625x64xf32, #tpu.memory_space<hbm>>
    %dma_wait3A_445 = arith.constant 0 : i32
    %dma_wait3A_446 = tpu.memref_slice %arg3[%add3A_437, %dma_wait3A_445] : memref<400000x64xf32, #tpu.memory_space<hbm>> -> memref<625x64xf32, #tpu.memory_space<hbm>>
    %dma_wait3A_447 = arith.constant 0 : i32
    %dma_wait3A_448 = arith.constant 0 : i32
    %dma_wait3A_449 = tpu.memref_slice %arg4[%dma_wait3A_438, %dma_wait3A_447, %dma_wait3A_448] : memref<3x625x64xf32, #tpu.memory_space<vmem>> -> memref<1x625x64xf32, #tpu.memory_space<vmem>>
    %dma_wait3A_450 = tpu.memref_squeeze %dma_wait3A_449 : memref<1x625x64xf32, #tpu.memory_space<vmem>> -> memref<625x64xf32, #tpu.memory_space<vmem>>
    tpu.wait_dma2 semaphore(%arg6 : memref<!tpu.dma_semaphore, #tpu.memory_space<semaphore_mem>>) src(%dma_wait3A_450 : memref<625x64xf32, #tpu.memory_space<vmem>>) dst(%dma_wait3A_446 : memref<625x64xf32, #tpu.memory_space<hbm>>)
    %add3A_451 = arith.constant 5625 : i32
    %add3A_452 = arith.addi %mul3A_2, %add3A_451 : i32
    %dma_start3A_453 = arith.constant 0 : i32
    %dma_start3A_454 = arith.constant 0 : i32
    %dma_start3A_455 = arith.constant 0 : i32
    %dma_start3A_456 = tpu.memref_slice %arg4[%dma_start3A_453, %dma_start3A_454, %dma_start3A_455] : memref<3x625x64xf32, #tpu.memory_space<vmem>> -> memref<1x625x64xf32, #tpu.memory_space<vmem>>
    %dma_start3A_457 = tpu.memref_squeeze %dma_start3A_456 : memref<1x625x64xf32, #tpu.memory_space<vmem>> -> memref<625x64xf32, #tpu.memory_space<vmem>>
    %dma_start3A_458 = arith.constant 0 : i32
    %dma_start3A_459 = tpu.memref_slice %arg2[%add3A_452, %dma_start3A_458] : memref<400000x64xf32, #tpu.memory_space<hbm>> -> memref<625x64xf32, #tpu.memory_space<hbm>>
    %dma_start3A_460 = arith.constant 0 : i32
    %dma_start3A_461 = arith.constant 0 : i32
    %dma_start3A_462 = tpu.memref_slice %arg4[%dma_start3A_453, %dma_start3A_460, %dma_start3A_461] : memref<3x625x64xf32, #tpu.memory_space<vmem>> -> memref<1x625x64xf32, #tpu.memory_space<vmem>>
    %dma_start3A_463 = tpu.memref_squeeze %dma_start3A_462 : memref<1x625x64xf32, #tpu.memory_space<vmem>> -> memref<625x64xf32, #tpu.memory_space<vmem>>
    %dma_start3A_464 = arith.constant 0 : i32
    %dma_start3A_465 = tpu.memref_slice %arg2[%add3A_452, %dma_start3A_464] : memref<400000x64xf32, #tpu.memory_space<hbm>> -> memref<625x64xf32, #tpu.memory_space<hbm>>
    tpu.enqueue_dma source(%dma_start3A_465 : memref<625x64xf32, #tpu.memory_space<hbm>>) target(%dma_start3A_463 : memref<625x64xf32, #tpu.memory_space<vmem>>) target_semaphore(%arg5 : memref<!tpu.dma_semaphore, #tpu.memory_space<semaphore_mem>>)
    %add3A_466 = arith.constant 4375 : i32
    %add3A_467 = arith.addi %mul3A_2, %add3A_466 : i32
    %dma_wait3A_468 = arith.constant 1 : i32
    %dma_wait3A_469 = arith.constant 0 : i32
    %dma_wait3A_470 = arith.constant 0 : i32
    %dma_wait3A_471 = tpu.memref_slice %arg4[%dma_wait3A_468, %dma_wait3A_469, %dma_wait3A_470] : memref<3x625x64xf32, #tpu.memory_space<vmem>> -> memref<1x625x64xf32, #tpu.memory_space<vmem>>
    %dma_wait3A_472 = tpu.memref_squeeze %dma_wait3A_471 : memref<1x625x64xf32, #tpu.memory_space<vmem>> -> memref<625x64xf32, #tpu.memory_space<vmem>>
    %dma_wait3A_473 = arith.constant 0 : i32
    %dma_wait3A_474 = tpu.memref_slice %arg2[%add3A_467, %dma_wait3A_473] : memref<400000x64xf32, #tpu.memory_space<hbm>> -> memref<625x64xf32, #tpu.memory_space<hbm>>
    %dma_wait3A_475 = arith.constant 0 : i32
    %dma_wait3A_476 = arith.constant 0 : i32
    %dma_wait3A_477 = tpu.memref_slice %arg4[%dma_wait3A_468, %dma_wait3A_475, %dma_wait3A_476] : memref<3x625x64xf32, #tpu.memory_space<vmem>> -> memref<1x625x64xf32, #tpu.memory_space<vmem>>
    %dma_wait3A_478 = tpu.memref_squeeze %dma_wait3A_477 : memref<1x625x64xf32, #tpu.memory_space<vmem>> -> memref<625x64xf32, #tpu.memory_space<vmem>>
    %dma_wait3A_479 = arith.constant 0 : i32
    %dma_wait3A_480 = tpu.memref_slice %arg2[%add3A_467, %dma_wait3A_479] : memref<400000x64xf32, #tpu.memory_space<hbm>> -> memref<625x64xf32, #tpu.memory_space<hbm>>
    tpu.wait_dma2 semaphore(%arg5 : memref<!tpu.dma_semaphore, #tpu.memory_space<semaphore_mem>>) src(%dma_wait3A_480 : memref<625x64xf32, #tpu.memory_space<hbm>>) dst(%dma_wait3A_478 : memref<625x64xf32, #tpu.memory_space<vmem>>)
    %add3A_481 = arith.constant 4375 : i32
    %add3A_482 = arith.addi %mul3A_2, %add3A_481 : i32
    %dma_start3A_483 = arith.constant 1 : i32
    %dma_start3A_484 = arith.constant 0 : i32
    %dma_start3A_485 = arith.constant 0 : i32
    %dma_start3A_486 = tpu.memref_slice %arg4[%dma_start3A_483, %dma_start3A_484, %dma_start3A_485] : memref<3x625x64xf32, #tpu.memory_space<vmem>> -> memref<1x625x64xf32, #tpu.memory_space<vmem>>
    %dma_start3A_487 = tpu.memref_squeeze %dma_start3A_486 : memref<1x625x64xf32, #tpu.memory_space<vmem>> -> memref<625x64xf32, #tpu.memory_space<vmem>>
    %dma_start3A_488 = arith.constant 0 : i32
    %dma_start3A_489 = tpu.memref_slice %arg3[%add3A_482, %dma_start3A_488] : memref<400000x64xf32, #tpu.memory_space<hbm>> -> memref<625x64xf32, #tpu.memory_space<hbm>>
    %dma_start3A_490 = arith.constant 0 : i32
    %dma_start3A_491 = tpu.memref_slice %arg3[%add3A_482, %dma_start3A_490] : memref<400000x64xf32, #tpu.memory_space<hbm>> -> memref<625x64xf32, #tpu.memory_space<hbm>>
    %dma_start3A_492 = arith.constant 0 : i32
    %dma_start3A_493 = arith.constant 0 : i32
    %dma_start3A_494 = tpu.memref_slice %arg4[%dma_start3A_483, %dma_start3A_492, %dma_start3A_493] : memref<3x625x64xf32, #tpu.memory_space<vmem>> -> memref<1x625x64xf32, #tpu.memory_space<vmem>>
    %dma_start3A_495 = tpu.memref_squeeze %dma_start3A_494 : memref<1x625x64xf32, #tpu.memory_space<vmem>> -> memref<625x64xf32, #tpu.memory_space<vmem>>
    tpu.enqueue_dma source(%dma_start3A_495 : memref<625x64xf32, #tpu.memory_space<vmem>>) target(%dma_start3A_491 : memref<625x64xf32, #tpu.memory_space<hbm>>) target_semaphore(%arg6 : memref<!tpu.dma_semaphore, #tpu.memory_space<semaphore_mem>>)
    %add3A_496 = arith.constant 4375 : i32
    %add3A_497 = arith.addi %mul3A_2, %add3A_496 : i32
    %dma_wait3A_498 = arith.constant 1 : i32
    %dma_wait3A_499 = arith.constant 0 : i32
    %dma_wait3A_500 = arith.constant 0 : i32
    %dma_wait3A_501 = tpu.memref_slice %arg4[%dma_wait3A_498, %dma_wait3A_499, %dma_wait3A_500] : memref<3x625x64xf32, #tpu.memory_space<vmem>> -> memref<1x625x64xf32, #tpu.memory_space<vmem>>
    %dma_wait3A_502 = tpu.memref_squeeze %dma_wait3A_501 : memref<1x625x64xf32, #tpu.memory_space<vmem>> -> memref<625x64xf32, #tpu.memory_space<vmem>>
    %dma_wait3A_503 = arith.constant 0 : i32
    %dma_wait3A_504 = tpu.memref_slice %arg3[%add3A_497, %dma_wait3A_503] : memref<400000x64xf32, #tpu.memory_space<hbm>> -> memref<625x64xf32, #tpu.memory_space<hbm>>
    %dma_wait3A_505 = arith.constant 0 : i32
    %dma_wait3A_506 = tpu.memref_slice %arg3[%add3A_497, %dma_wait3A_505] : memref<400000x64xf32, #tpu.memory_space<hbm>> -> memref<625x64xf32, #tpu.memory_space<hbm>>
    %dma_wait3A_507 = arith.constant 0 : i32
    %dma_wait3A_508 = arith.constant 0 : i32
    %dma_wait3A_509 = tpu.memref_slice %arg4[%dma_wait3A_498, %dma_wait3A_507, %dma_wait3A_508] : memref<3x625x64xf32, #tpu.memory_space<vmem>> -> memref<1x625x64xf32, #tpu.memory_space<vmem>>
    %dma_wait3A_510 = tpu.memref_squeeze %dma_wait3A_509 : memref<1x625x64xf32, #tpu.memory_space<vmem>> -> memref<625x64xf32, #tpu.memory_space<vmem>>
    tpu.wait_dma2 semaphore(%arg6 : memref<!tpu.dma_semaphore, #tpu.memory_space<semaphore_mem>>) src(%dma_wait3A_510 : memref<625x64xf32, #tpu.memory_space<vmem>>) dst(%dma_wait3A_506 : memref<625x64xf32, #tpu.memory_space<hbm>>)
    %add3A_511 = arith.constant 6250 : i32
    %add3A_512 = arith.addi %mul3A_2, %add3A_511 : i32
    %dma_start3A_513 = arith.constant 1 : i32
    %dma_start3A_514 = arith.constant 0 : i32
    %dma_start3A_515 = arith.constant 0 : i32
    %dma_start3A_516 = tpu.memref_slice %arg4[%dma_start3A_513, %dma_start3A_514, %dma_start3A_515] : memref<3x625x64xf32, #tpu.memory_space<vmem>> -> memref<1x625x64xf32, #tpu.memory_space<vmem>>
    %dma_start3A_517 = tpu.memref_squeeze %dma_start3A_516 : memref<1x625x64xf32, #tpu.memory_space<vmem>> -> memref<625x64xf32, #tpu.memory_space<vmem>>
    %dma_start3A_518 = arith.constant 0 : i32
    %dma_start3A_519 = tpu.memref_slice %arg2[%add3A_512, %dma_start3A_518] : memref<400000x64xf32, #tpu.memory_space<hbm>> -> memref<625x64xf32, #tpu.memory_space<hbm>>
    %dma_start3A_520 = arith.constant 0 : i32
    %dma_start3A_521 = arith.constant 0 : i32
    %dma_start3A_522 = tpu.memref_slice %arg4[%dma_start3A_513, %dma_start3A_520, %dma_start3A_521] : memref<3x625x64xf32, #tpu.memory_space<vmem>> -> memref<1x625x64xf32, #tpu.memory_space<vmem>>
    %dma_start3A_523 = tpu.memref_squeeze %dma_start3A_522 : memref<1x625x64xf32, #tpu.memory_space<vmem>> -> memref<625x64xf32, #tpu.memory_space<vmem>>
    %dma_start3A_524 = arith.constant 0 : i32
    %dma_start3A_525 = tpu.memref_slice %arg2[%add3A_512, %dma_start3A_524] : memref<400000x64xf32, #tpu.memory_space<hbm>> -> memref<625x64xf32, #tpu.memory_space<hbm>>
    tpu.enqueue_dma source(%dma_start3A_525 : memref<625x64xf32, #tpu.memory_space<hbm>>) target(%dma_start3A_523 : memref<625x64xf32, #tpu.memory_space<vmem>>) target_semaphore(%arg5 : memref<!tpu.dma_semaphore, #tpu.memory_space<semaphore_mem>>)
    %add3A_526 = arith.constant 5000 : i32
    %add3A_527 = arith.addi %mul3A_2, %add3A_526 : i32
    %dma_wait3A_528 = arith.constant 2 : i32
    %dma_wait3A_529 = arith.constant 0 : i32
    %dma_wait3A_530 = arith.constant 0 : i32
    %dma_wait3A_531 = tpu.memref_slice %arg4[%dma_wait3A_528, %dma_wait3A_529, %dma_wait3A_530] : memref<3x625x64xf32, #tpu.memory_space<vmem>> -> memref<1x625x64xf32, #tpu.memory_space<vmem>>
    %dma_wait3A_532 = tpu.memref_squeeze %dma_wait3A_531 : memref<1x625x64xf32, #tpu.memory_space<vmem>> -> memref<625x64xf32, #tpu.memory_space<vmem>>
    %dma_wait3A_533 = arith.constant 0 : i32
    %dma_wait3A_534 = tpu.memref_slice %arg2[%add3A_527, %dma_wait3A_533] : memref<400000x64xf32, #tpu.memory_space<hbm>> -> memref<625x64xf32, #tpu.memory_space<hbm>>
    %dma_wait3A_535 = arith.constant 0 : i32
    %dma_wait3A_536 = arith.constant 0 : i32
    %dma_wait3A_537 = tpu.memref_slice %arg4[%dma_wait3A_528, %dma_wait3A_535, %dma_wait3A_536] : memref<3x625x64xf32, #tpu.memory_space<vmem>> -> memref<1x625x64xf32, #tpu.memory_space<vmem>>
    %dma_wait3A_538 = tpu.memref_squeeze %dma_wait3A_537 : memref<1x625x64xf32, #tpu.memory_space<vmem>> -> memref<625x64xf32, #tpu.memory_space<vmem>>
    %dma_wait3A_539 = arith.constant 0 : i32
    %dma_wait3A_540 = tpu.memref_slice %arg2[%add3A_527, %dma_wait3A_539] : memref<400000x64xf32, #tpu.memory_space<hbm>> -> memref<625x64xf32, #tpu.memory_space<hbm>>
    tpu.wait_dma2 semaphore(%arg5 : memref<!tpu.dma_semaphore, #tpu.memory_space<semaphore_mem>>) src(%dma_wait3A_540 : memref<625x64xf32, #tpu.memory_space<hbm>>) dst(%dma_wait3A_538 : memref<625x64xf32, #tpu.memory_space<vmem>>)
    %add3A_541 = arith.constant 5000 : i32
    %add3A_542 = arith.addi %mul3A_2, %add3A_541 : i32
    %dma_start3A_543 = arith.constant 2 : i32
    %dma_start3A_544 = arith.constant 0 : i32
    %dma_start3A_545 = arith.constant 0 : i32
    %dma_start3A_546 = tpu.memref_slice %arg4[%dma_start3A_543, %dma_start3A_544, %dma_start3A_545] : memref<3x625x64xf32, #tpu.memory_space<vmem>> -> memref<1x625x64xf32, #tpu.memory_space<vmem>>
    %dma_start3A_547 = tpu.memref_squeeze %dma_start3A_546 : memref<1x625x64xf32, #tpu.memory_space<vmem>> -> memref<625x64xf32, #tpu.memory_space<vmem>>
    %dma_start3A_548 = arith.constant 0 : i32
    %dma_start3A_549 = tpu.memref_slice %arg3[%add3A_542, %dma_start3A_548] : memref<400000x64xf32, #tpu.memory_space<hbm>> -> memref<625x64xf32, #tpu.memory_space<hbm>>
    %dma_start3A_550 = arith.constant 0 : i32
    %dma_start3A_551 = tpu.memref_slice %arg3[%add3A_542, %dma_start3A_550] : memref<400000x64xf32, #tpu.memory_space<hbm>> -> memref<625x64xf32, #tpu.memory_space<hbm>>
    %dma_start3A_552 = arith.constant 0 : i32
    %dma_start3A_553 = arith.constant 0 : i32
    %dma_start3A_554 = tpu.memref_slice %arg4[%dma_start3A_543, %dma_start3A_552, %dma_start3A_553] : memref<3x625x64xf32, #tpu.memory_space<vmem>> -> memref<1x625x64xf32, #tpu.memory_space<vmem>>
    %dma_start3A_555 = tpu.memref_squeeze %dma_start3A_554 : memref<1x625x64xf32, #tpu.memory_space<vmem>> -> memref<625x64xf32, #tpu.memory_space<vmem>>
    tpu.enqueue_dma source(%dma_start3A_555 : memref<625x64xf32, #tpu.memory_space<vmem>>) target(%dma_start3A_551 : memref<625x64xf32, #tpu.memory_space<hbm>>) target_semaphore(%arg6 : memref<!tpu.dma_semaphore, #tpu.memory_space<semaphore_mem>>)
    %add3A_556 = arith.constant 5000 : i32
    %add3A_557 = arith.addi %mul3A_2, %add3A_556 : i32
    %dma_wait3A_558 = arith.constant 2 : i32
    %dma_wait3A_559 = arith.constant 0 : i32
    %dma_wait3A_560 = arith.constant 0 : i32
    %dma_wait3A_561 = tpu.memref_slice %arg4[%dma_wait3A_558, %dma_wait3A_559, %dma_wait3A_560] : memref<3x625x64xf32, #tpu.memory_space<vmem>> -> memref<1x625x64xf32, #tpu.memory_space<vmem>>
    %dma_wait3A_562 = tpu.memref_squeeze %dma_wait3A_561 : memref<1x625x64xf32, #tpu.memory_space<vmem>> -> memref<625x64xf32, #tpu.memory_space<vmem>>
    %dma_wait3A_563 = arith.constant 0 : i32
    %dma_wait3A_564 = tpu.memref_slice %arg3[%add3A_557, %dma_wait3A_563] : memref<400000x64xf32, #tpu.memory_space<hbm>> -> memref<625x64xf32, #tpu.memory_space<hbm>>
    %dma_wait3A_565 = arith.constant 0 : i32
    %dma_wait3A_566 = tpu.memref_slice %arg3[%add3A_557, %dma_wait3A_565] : memref<400000x64xf32, #tpu.memory_space<hbm>> -> memref<625x64xf32, #tpu.memory_space<hbm>>
    %dma_wait3A_567 = arith.constant 0 : i32
    %dma_wait3A_568 = arith.constant 0 : i32
    %dma_wait3A_569 = tpu.memref_slice %arg4[%dma_wait3A_558, %dma_wait3A_567, %dma_wait3A_568] : memref<3x625x64xf32, #tpu.memory_space<vmem>> -> memref<1x625x64xf32, #tpu.memory_space<vmem>>
    %dma_wait3A_570 = tpu.memref_squeeze %dma_wait3A_569 : memref<1x625x64xf32, #tpu.memory_space<vmem>> -> memref<625x64xf32, #tpu.memory_space<vmem>>
    tpu.wait_dma2 semaphore(%arg6 : memref<!tpu.dma_semaphore, #tpu.memory_space<semaphore_mem>>) src(%dma_wait3A_570 : memref<625x64xf32, #tpu.memory_space<vmem>>) dst(%dma_wait3A_566 : memref<625x64xf32, #tpu.memory_space<hbm>>)
    %add3A_571 = arith.constant 6875 : i32
    %add3A_572 = arith.addi %mul3A_2, %add3A_571 : i32
    %dma_start3A_573 = arith.constant 2 : i32
    %dma_start3A_574 = arith.constant 0 : i32
    %dma_start3A_575 = arith.constant 0 : i32
    %dma_start3A_576 = tpu.memref_slice %arg4[%dma_start3A_573, %dma_start3A_574, %dma_start3A_575] : memref<3x625x64xf32, #tpu.memory_space<vmem>> -> memref<1x625x64xf32, #tpu.memory_space<vmem>>
    %dma_start3A_577 = tpu.memref_squeeze %dma_start3A_576 : memref<1x625x64xf32, #tpu.memory_space<vmem>> -> memref<625x64xf32, #tpu.memory_space<vmem>>
    %dma_start3A_578 = arith.constant 0 : i32
    %dma_start3A_579 = tpu.memref_slice %arg2[%add3A_572, %dma_start3A_578] : memref<400000x64xf32, #tpu.memory_space<hbm>> -> memref<625x64xf32, #tpu.memory_space<hbm>>
    %dma_start3A_580 = arith.constant 0 : i32
    %dma_start3A_581 = arith.constant 0 : i32
    %dma_start3A_582 = tpu.memref_slice %arg4[%dma_start3A_573, %dma_start3A_580, %dma_start3A_581] : memref<3x625x64xf32, #tpu.memory_space<vmem>> -> memref<1x625x64xf32, #tpu.memory_space<vmem>>
    %dma_start3A_583 = tpu.memref_squeeze %dma_start3A_582 : memref<1x625x64xf32, #tpu.memory_space<vmem>> -> memref<625x64xf32, #tpu.memory_space<vmem>>
    %dma_start3A_584 = arith.constant 0 : i32
    %dma_start3A_585 = tpu.memref_slice %arg2[%add3A_572, %dma_start3A_584] : memref<400000x64xf32, #tpu.memory_space<hbm>> -> memref<625x64xf32, #tpu.memory_space<hbm>>
    tpu.enqueue_dma source(%dma_start3A_585 : memref<625x64xf32, #tpu.memory_space<hbm>>) target(%dma_start3A_583 : memref<625x64xf32, #tpu.memory_space<vmem>>) target_semaphore(%arg5 : memref<!tpu.dma_semaphore, #tpu.memory_space<semaphore_mem>>)
    %add3A_586 = arith.constant 5625 : i32
    %add3A_587 = arith.addi %mul3A_2, %add3A_586 : i32
    %dma_wait3A_588 = arith.constant 0 : i32
    %dma_wait3A_589 = arith.constant 0 : i32
    %dma_wait3A_590 = arith.constant 0 : i32
    %dma_wait3A_591 = tpu.memref_slice %arg4[%dma_wait3A_588, %dma_wait3A_589, %dma_wait3A_590] : memref<3x625x64xf32, #tpu.memory_space<vmem>> -> memref<1x625x64xf32, #tpu.memory_space<vmem>>
    %dma_wait3A_592 = tpu.memref_squeeze %dma_wait3A_591 : memref<1x625x64xf32, #tpu.memory_space<vmem>> -> memref<625x64xf32, #tpu.memory_space<vmem>>
    %dma_wait3A_593 = arith.constant 0 : i32
    %dma_wait3A_594 = tpu.memref_slice %arg2[%add3A_587, %dma_wait3A_593] : memref<400000x64xf32, #tpu.memory_space<hbm>> -> memref<625x64xf32, #tpu.memory_space<hbm>>
    %dma_wait3A_595 = arith.constant 0 : i32
    %dma_wait3A_596 = arith.constant 0 : i32
    %dma_wait3A_597 = tpu.memref_slice %arg4[%dma_wait3A_588, %dma_wait3A_595, %dma_wait3A_596] : memref<3x625x64xf32, #tpu.memory_space<vmem>> -> memref<1x625x64xf32, #tpu.memory_space<vmem>>
    %dma_wait3A_598 = tpu.memref_squeeze %dma_wait3A_597 : memref<1x625x64xf32, #tpu.memory_space<vmem>> -> memref<625x64xf32, #tpu.memory_space<vmem>>
    %dma_wait3A_599 = arith.constant 0 : i32
    %dma_wait3A_600 = tpu.memref_slice %arg2[%add3A_587, %dma_wait3A_599] : memref<400000x64xf32, #tpu.memory_space<hbm>> -> memref<625x64xf32, #tpu.memory_space<hbm>>
    tpu.wait_dma2 semaphore(%arg5 : memref<!tpu.dma_semaphore, #tpu.memory_space<semaphore_mem>>) src(%dma_wait3A_600 : memref<625x64xf32, #tpu.memory_space<hbm>>) dst(%dma_wait3A_598 : memref<625x64xf32, #tpu.memory_space<vmem>>)
    %add3A_601 = arith.constant 5625 : i32
    %add3A_602 = arith.addi %mul3A_2, %add3A_601 : i32
    %dma_start3A_603 = arith.constant 0 : i32
    %dma_start3A_604 = arith.constant 0 : i32
    %dma_start3A_605 = arith.constant 0 : i32
    %dma_start3A_606 = tpu.memref_slice %arg4[%dma_start3A_603, %dma_start3A_604, %dma_start3A_605] : memref<3x625x64xf32, #tpu.memory_space<vmem>> -> memref<1x625x64xf32, #tpu.memory_space<vmem>>
    %dma_start3A_607 = tpu.memref_squeeze %dma_start3A_606 : memref<1x625x64xf32, #tpu.memory_space<vmem>> -> memref<625x64xf32, #tpu.memory_space<vmem>>
    %dma_start3A_608 = arith.constant 0 : i32
    %dma_start3A_609 = tpu.memref_slice %arg3[%add3A_602, %dma_start3A_608] : memref<400000x64xf32, #tpu.memory_space<hbm>> -> memref<625x64xf32, #tpu.memory_space<hbm>>
    %dma_start3A_610 = arith.constant 0 : i32
    %dma_start3A_611 = tpu.memref_slice %arg3[%add3A_602, %dma_start3A_610] : memref<400000x64xf32, #tpu.memory_space<hbm>> -> memref<625x64xf32, #tpu.memory_space<hbm>>
    %dma_start3A_612 = arith.constant 0 : i32
    %dma_start3A_613 = arith.constant 0 : i32
    %dma_start3A_614 = tpu.memref_slice %arg4[%dma_start3A_603, %dma_start3A_612, %dma_start3A_613] : memref<3x625x64xf32, #tpu.memory_space<vmem>> -> memref<1x625x64xf32, #tpu.memory_space<vmem>>
    %dma_start3A_615 = tpu.memref_squeeze %dma_start3A_614 : memref<1x625x64xf32, #tpu.memory_space<vmem>> -> memref<625x64xf32, #tpu.memory_space<vmem>>
    tpu.enqueue_dma source(%dma_start3A_615 : memref<625x64xf32, #tpu.memory_space<vmem>>) target(%dma_start3A_611 : memref<625x64xf32, #tpu.memory_space<hbm>>) target_semaphore(%arg6 : memref<!tpu.dma_semaphore, #tpu.memory_space<semaphore_mem>>)
    %add3A_616 = arith.constant 5625 : i32
    %add3A_617 = arith.addi %mul3A_2, %add3A_616 : i32
    %dma_wait3A_618 = arith.constant 0 : i32
    %dma_wait3A_619 = arith.constant 0 : i32
    %dma_wait3A_620 = arith.constant 0 : i32
    %dma_wait3A_621 = tpu.memref_slice %arg4[%dma_wait3A_618, %dma_wait3A_619, %dma_wait3A_620] : memref<3x625x64xf32, #tpu.memory_space<vmem>> -> memref<1x625x64xf32, #tpu.memory_space<vmem>>
    %dma_wait3A_622 = tpu.memref_squeeze %dma_wait3A_621 : memref<1x625x64xf32, #tpu.memory_space<vmem>> -> memref<625x64xf32, #tpu.memory_space<vmem>>
    %dma_wait3A_623 = arith.constant 0 : i32
    %dma_wait3A_624 = tpu.memref_slice %arg3[%add3A_617, %dma_wait3A_623] : memref<400000x64xf32, #tpu.memory_space<hbm>> -> memref<625x64xf32, #tpu.memory_space<hbm>>
    %dma_wait3A_625 = arith.constant 0 : i32
    %dma_wait3A_626 = tpu.memref_slice %arg3[%add3A_617, %dma_wait3A_625] : memref<400000x64xf32, #tpu.memory_space<hbm>> -> memref<625x64xf32, #tpu.memory_space<hbm>>
    %dma_wait3A_627 = arith.constant 0 : i32
    %dma_wait3A_628 = arith.constant 0 : i32
    %dma_wait3A_629 = tpu.memref_slice %arg4[%dma_wait3A_618, %dma_wait3A_627, %dma_wait3A_628] : memref<3x625x64xf32, #tpu.memory_space<vmem>> -> memref<1x625x64xf32, #tpu.memory_space<vmem>>
    %dma_wait3A_630 = tpu.memref_squeeze %dma_wait3A_629 : memref<1x625x64xf32, #tpu.memory_space<vmem>> -> memref<625x64xf32, #tpu.memory_space<vmem>>
    tpu.wait_dma2 semaphore(%arg6 : memref<!tpu.dma_semaphore, #tpu.memory_space<semaphore_mem>>) src(%dma_wait3A_630 : memref<625x64xf32, #tpu.memory_space<vmem>>) dst(%dma_wait3A_626 : memref<625x64xf32, #tpu.memory_space<hbm>>)
    %add3A_631 = arith.constant 7500 : i32
    %add3A_632 = arith.addi %mul3A_2, %add3A_631 : i32
    %dma_start3A_633 = arith.constant 0 : i32
    %dma_start3A_634 = arith.constant 0 : i32
    %dma_start3A_635 = arith.constant 0 : i32
    %dma_start3A_636 = tpu.memref_slice %arg4[%dma_start3A_633, %dma_start3A_634, %dma_start3A_635] : memref<3x625x64xf32, #tpu.memory_space<vmem>> -> memref<1x625x64xf32, #tpu.memory_space<vmem>>
    %dma_start3A_637 = tpu.memref_squeeze %dma_start3A_636 : memref<1x625x64xf32, #tpu.memory_space<vmem>> -> memref<625x64xf32, #tpu.memory_space<vmem>>
    %dma_start3A_638 = arith.constant 0 : i32
    %dma_start3A_639 = tpu.memref_slice %arg2[%add3A_632, %dma_start3A_638] : memref<400000x64xf32, #tpu.memory_space<hbm>> -> memref<625x64xf32, #tpu.memory_space<hbm>>
    %dma_start3A_640 = arith.constant 0 : i32
    %dma_start3A_641 = arith.constant 0 : i32
    %dma_start3A_642 = tpu.memref_slice %arg4[%dma_start3A_633, %dma_start3A_640, %dma_start3A_641] : memref<3x625x64xf32, #tpu.memory_space<vmem>> -> memref<1x625x64xf32, #tpu.memory_space<vmem>>
    %dma_start3A_643 = tpu.memref_squeeze %dma_start3A_642 : memref<1x625x64xf32, #tpu.memory_space<vmem>> -> memref<625x64xf32, #tpu.memory_space<vmem>>
    %dma_start3A_644 = arith.constant 0 : i32
    %dma_start3A_645 = tpu.memref_slice %arg2[%add3A_632, %dma_start3A_644] : memref<400000x64xf32, #tpu.memory_space<hbm>> -> memref<625x64xf32, #tpu.memory_space<hbm>>
    tpu.enqueue_dma source(%dma_start3A_645 : memref<625x64xf32, #tpu.memory_space<hbm>>) target(%dma_start3A_643 : memref<625x64xf32, #tpu.memory_space<vmem>>) target_semaphore(%arg5 : memref<!tpu.dma_semaphore, #tpu.memory_space<semaphore_mem>>)
    %add3A_646 = arith.constant 6250 : i32
    %add3A_647 = arith.addi %mul3A_2, %add3A_646 : i32
    %dma_wait3A_648 = arith.constant 1 : i32
    %dma_wait3A_649 = arith.constant 0 : i32
    %dma_wait3A_650 = arith.constant 0 : i32
    %dma_wait3A_651 = tpu.memref_slice %arg4[%dma_wait3A_648, %dma_wait3A_649, %dma_wait3A_650] : memref<3x625x64xf32, #tpu.memory_space<vmem>> -> memref<1x625x64xf32, #tpu.memory_space<vmem>>
    %dma_wait3A_652 = tpu.memref_squeeze %dma_wait3A_651 : memref<1x625x64xf32, #tpu.memory_space<vmem>> -> memref<625x64xf32, #tpu.memory_space<vmem>>
    %dma_wait3A_653 = arith.constant 0 : i32
    %dma_wait3A_654 = tpu.memref_slice %arg2[%add3A_647, %dma_wait3A_653] : memref<400000x64xf32, #tpu.memory_space<hbm>> -> memref<625x64xf32, #tpu.memory_space<hbm>>
    %dma_wait3A_655 = arith.constant 0 : i32
    %dma_wait3A_656 = arith.constant 0 : i32
    %dma_wait3A_657 = tpu.memref_slice %arg4[%dma_wait3A_648, %dma_wait3A_655, %dma_wait3A_656] : memref<3x625x64xf32, #tpu.memory_space<vmem>> -> memref<1x625x64xf32, #tpu.memory_space<vmem>>
    %dma_wait3A_658 = tpu.memref_squeeze %dma_wait3A_657 : memref<1x625x64xf32, #tpu.memory_space<vmem>> -> memref<625x64xf32, #tpu.memory_space<vmem>>
    %dma_wait3A_659 = arith.constant 0 : i32
    %dma_wait3A_660 = tpu.memref_slice %arg2[%add3A_647, %dma_wait3A_659] : memref<400000x64xf32, #tpu.memory_space<hbm>> -> memref<625x64xf32, #tpu.memory_space<hbm>>
    tpu.wait_dma2 semaphore(%arg5 : memref<!tpu.dma_semaphore, #tpu.memory_space<semaphore_mem>>) src(%dma_wait3A_660 : memref<625x64xf32, #tpu.memory_space<hbm>>) dst(%dma_wait3A_658 : memref<625x64xf32, #tpu.memory_space<vmem>>)
    %add3A_661 = arith.constant 6250 : i32
    %add3A_662 = arith.addi %mul3A_2, %add3A_661 : i32
    %dma_start3A_663 = arith.constant 1 : i32
    %dma_start3A_664 = arith.constant 0 : i32
    %dma_start3A_665 = arith.constant 0 : i32
    %dma_start3A_666 = tpu.memref_slice %arg4[%dma_start3A_663, %dma_start3A_664, %dma_start3A_665] : memref<3x625x64xf32, #tpu.memory_space<vmem>> -> memref<1x625x64xf32, #tpu.memory_space<vmem>>
    %dma_start3A_667 = tpu.memref_squeeze %dma_start3A_666 : memref<1x625x64xf32, #tpu.memory_space<vmem>> -> memref<625x64xf32, #tpu.memory_space<vmem>>
    %dma_start3A_668 = arith.constant 0 : i32
    %dma_start3A_669 = tpu.memref_slice %arg3[%add3A_662, %dma_start3A_668] : memref<400000x64xf32, #tpu.memory_space<hbm>> -> memref<625x64xf32, #tpu.memory_space<hbm>>
    %dma_start3A_670 = arith.constant 0 : i32
    %dma_start3A_671 = tpu.memref_slice %arg3[%add3A_662, %dma_start3A_670] : memref<400000x64xf32, #tpu.memory_space<hbm>> -> memref<625x64xf32, #tpu.memory_space<hbm>>
    %dma_start3A_672 = arith.constant 0 : i32
    %dma_start3A_673 = arith.constant 0 : i32
    %dma_start3A_674 = tpu.memref_slice %arg4[%dma_start3A_663, %dma_start3A_672, %dma_start3A_673] : memref<3x625x64xf32, #tpu.memory_space<vmem>> -> memref<1x625x64xf32, #tpu.memory_space<vmem>>
    %dma_start3A_675 = tpu.memref_squeeze %dma_start3A_674 : memref<1x625x64xf32, #tpu.memory_space<vmem>> -> memref<625x64xf32, #tpu.memory_space<vmem>>
    tpu.enqueue_dma source(%dma_start3A_675 : memref<625x64xf32, #tpu.memory_space<vmem>>) target(%dma_start3A_671 : memref<625x64xf32, #tpu.memory_space<hbm>>) target_semaphore(%arg6 : memref<!tpu.dma_semaphore, #tpu.memory_space<semaphore_mem>>)
    %add3A_676 = arith.constant 6250 : i32
    %add3A_677 = arith.addi %mul3A_2, %add3A_676 : i32
    %dma_wait3A_678 = arith.constant 1 : i32
    %dma_wait3A_679 = arith.constant 0 : i32
    %dma_wait3A_680 = arith.constant 0 : i32
    %dma_wait3A_681 = tpu.memref_slice %arg4[%dma_wait3A_678, %dma_wait3A_679, %dma_wait3A_680] : memref<3x625x64xf32, #tpu.memory_space<vmem>> -> memref<1x625x64xf32, #tpu.memory_space<vmem>>
    %dma_wait3A_682 = tpu.memref_squeeze %dma_wait3A_681 : memref<1x625x64xf32, #tpu.memory_space<vmem>> -> memref<625x64xf32, #tpu.memory_space<vmem>>
    %dma_wait3A_683 = arith.constant 0 : i32
    %dma_wait3A_684 = tpu.memref_slice %arg3[%add3A_677, %dma_wait3A_683] : memref<400000x64xf32, #tpu.memory_space<hbm>> -> memref<625x64xf32, #tpu.memory_space<hbm>>
    %dma_wait3A_685 = arith.constant 0 : i32
    %dma_wait3A_686 = tpu.memref_slice %arg3[%add3A_677, %dma_wait3A_685] : memref<400000x64xf32, #tpu.memory_space<hbm>> -> memref<625x64xf32, #tpu.memory_space<hbm>>
    %dma_wait3A_687 = arith.constant 0 : i32
    %dma_wait3A_688 = arith.constant 0 : i32
    %dma_wait3A_689 = tpu.memref_slice %arg4[%dma_wait3A_678, %dma_wait3A_687, %dma_wait3A_688] : memref<3x625x64xf32, #tpu.memory_space<vmem>> -> memref<1x625x64xf32, #tpu.memory_space<vmem>>
    %dma_wait3A_690 = tpu.memref_squeeze %dma_wait3A_689 : memref<1x625x64xf32, #tpu.memory_space<vmem>> -> memref<625x64xf32, #tpu.memory_space<vmem>>
    tpu.wait_dma2 semaphore(%arg6 : memref<!tpu.dma_semaphore, #tpu.memory_space<semaphore_mem>>) src(%dma_wait3A_690 : memref<625x64xf32, #tpu.memory_space<vmem>>) dst(%dma_wait3A_686 : memref<625x64xf32, #tpu.memory_space<hbm>>)
    %add3A_691 = arith.constant 8125 : i32
    %add3A_692 = arith.addi %mul3A_2, %add3A_691 : i32
    %dma_start3A_693 = arith.constant 1 : i32
    %dma_start3A_694 = arith.constant 0 : i32
    %dma_start3A_695 = arith.constant 0 : i32
    %dma_start3A_696 = tpu.memref_slice %arg4[%dma_start3A_693, %dma_start3A_694, %dma_start3A_695] : memref<3x625x64xf32, #tpu.memory_space<vmem>> -> memref<1x625x64xf32, #tpu.memory_space<vmem>>
    %dma_start3A_697 = tpu.memref_squeeze %dma_start3A_696 : memref<1x625x64xf32, #tpu.memory_space<vmem>> -> memref<625x64xf32, #tpu.memory_space<vmem>>
    %dma_start3A_698 = arith.constant 0 : i32
    %dma_start3A_699 = tpu.memref_slice %arg2[%add3A_692, %dma_start3A_698] : memref<400000x64xf32, #tpu.memory_space<hbm>> -> memref<625x64xf32, #tpu.memory_space<hbm>>
    %dma_start3A_700 = arith.constant 0 : i32
    %dma_start3A_701 = arith.constant 0 : i32
    %dma_start3A_702 = tpu.memref_slice %arg4[%dma_start3A_693, %dma_start3A_700, %dma_start3A_701] : memref<3x625x64xf32, #tpu.memory_space<vmem>> -> memref<1x625x64xf32, #tpu.memory_space<vmem>>
    %dma_start3A_703 = tpu.memref_squeeze %dma_start3A_702 : memref<1x625x64xf32, #tpu.memory_space<vmem>> -> memref<625x64xf32, #tpu.memory_space<vmem>>
    %dma_start3A_704 = arith.constant 0 : i32
    %dma_start3A_705 = tpu.memref_slice %arg2[%add3A_692, %dma_start3A_704] : memref<400000x64xf32, #tpu.memory_space<hbm>> -> memref<625x64xf32, #tpu.memory_space<hbm>>
    tpu.enqueue_dma source(%dma_start3A_705 : memref<625x64xf32, #tpu.memory_space<hbm>>) target(%dma_start3A_703 : memref<625x64xf32, #tpu.memory_space<vmem>>) target_semaphore(%arg5 : memref<!tpu.dma_semaphore, #tpu.memory_space<semaphore_mem>>)
    %add3A_706 = arith.constant 6875 : i32
    %add3A_707 = arith.addi %mul3A_2, %add3A_706 : i32
    %dma_wait3A_708 = arith.constant 2 : i32
    %dma_wait3A_709 = arith.constant 0 : i32
    %dma_wait3A_710 = arith.constant 0 : i32
    %dma_wait3A_711 = tpu.memref_slice %arg4[%dma_wait3A_708, %dma_wait3A_709, %dma_wait3A_710] : memref<3x625x64xf32, #tpu.memory_space<vmem>> -> memref<1x625x64xf32, #tpu.memory_space<vmem>>
    %dma_wait3A_712 = tpu.memref_squeeze %dma_wait3A_711 : memref<1x625x64xf32, #tpu.memory_space<vmem>> -> memref<625x64xf32, #tpu.memory_space<vmem>>
    %dma_wait3A_713 = arith.constant 0 : i32
    %dma_wait3A_714 = tpu.memref_slice %arg2[%add3A_707, %dma_wait3A_713] : memref<400000x64xf32, #tpu.memory_space<hbm>> -> memref<625x64xf32, #tpu.memory_space<hbm>>
    %dma_wait3A_715 = arith.constant 0 : i32
    %dma_wait3A_716 = arith.constant 0 : i32
    %dma_wait3A_717 = tpu.memref_slice %arg4[%dma_wait3A_708, %dma_wait3A_715, %dma_wait3A_716] : memref<3x625x64xf32, #tpu.memory_space<vmem>> -> memref<1x625x64xf32, #tpu.memory_space<vmem>>
    %dma_wait3A_718 = tpu.memref_squeeze %dma_wait3A_717 : memref<1x625x64xf32, #tpu.memory_space<vmem>> -> memref<625x64xf32, #tpu.memory_space<vmem>>
    %dma_wait3A_719 = arith.constant 0 : i32
    %dma_wait3A_720 = tpu.memref_slice %arg2[%add3A_707, %dma_wait3A_719] : memref<400000x64xf32, #tpu.memory_space<hbm>> -> memref<625x64xf32, #tpu.memory_space<hbm>>
    tpu.wait_dma2 semaphore(%arg5 : memref<!tpu.dma_semaphore, #tpu.memory_space<semaphore_mem>>) src(%dma_wait3A_720 : memref<625x64xf32, #tpu.memory_space<hbm>>) dst(%dma_wait3A_718 : memref<625x64xf32, #tpu.memory_space<vmem>>)
    %add3A_721 = arith.constant 6875 : i32
    %add3A_722 = arith.addi %mul3A_2, %add3A_721 : i32
    %dma_start3A_723 = arith.constant 2 : i32
    %dma_start3A_724 = arith.constant 0 : i32
    %dma_start3A_725 = arith.constant 0 : i32
    %dma_start3A_726 = tpu.memref_slice %arg4[%dma_start3A_723, %dma_start3A_724, %dma_start3A_725] : memref<3x625x64xf32, #tpu.memory_space<vmem>> -> memref<1x625x64xf32, #tpu.memory_space<vmem>>
    %dma_start3A_727 = tpu.memref_squeeze %dma_start3A_726 : memref<1x625x64xf32, #tpu.memory_space<vmem>> -> memref<625x64xf32, #tpu.memory_space<vmem>>
    %dma_start3A_728 = arith.constant 0 : i32
    %dma_start3A_729 = tpu.memref_slice %arg3[%add3A_722, %dma_start3A_728] : memref<400000x64xf32, #tpu.memory_space<hbm>> -> memref<625x64xf32, #tpu.memory_space<hbm>>
    %dma_start3A_730 = arith.constant 0 : i32
    %dma_start3A_731 = tpu.memref_slice %arg3[%add3A_722, %dma_start3A_730] : memref<400000x64xf32, #tpu.memory_space<hbm>> -> memref<625x64xf32, #tpu.memory_space<hbm>>
    %dma_start3A_732 = arith.constant 0 : i32
    %dma_start3A_733 = arith.constant 0 : i32
    %dma_start3A_734 = tpu.memref_slice %arg4[%dma_start3A_723, %dma_start3A_732, %dma_start3A_733] : memref<3x625x64xf32, #tpu.memory_space<vmem>> -> memref<1x625x64xf32, #tpu.memory_space<vmem>>
    %dma_start3A_735 = tpu.memref_squeeze %dma_start3A_734 : memref<1x625x64xf32, #tpu.memory_space<vmem>> -> memref<625x64xf32, #tpu.memory_space<vmem>>
    tpu.enqueue_dma source(%dma_start3A_735 : memref<625x64xf32, #tpu.memory_space<vmem>>) target(%dma_start3A_731 : memref<625x64xf32, #tpu.memory_space<hbm>>) target_semaphore(%arg6 : memref<!tpu.dma_semaphore, #tpu.memory_space<semaphore_mem>>)
    %add3A_736 = arith.constant 6875 : i32
    %add3A_737 = arith.addi %mul3A_2, %add3A_736 : i32
    %dma_wait3A_738 = arith.constant 2 : i32
    %dma_wait3A_739 = arith.constant 0 : i32
    %dma_wait3A_740 = arith.constant 0 : i32
    %dma_wait3A_741 = tpu.memref_slice %arg4[%dma_wait3A_738, %dma_wait3A_739, %dma_wait3A_740] : memref<3x625x64xf32, #tpu.memory_space<vmem>> -> memref<1x625x64xf32, #tpu.memory_space<vmem>>
    %dma_wait3A_742 = tpu.memref_squeeze %dma_wait3A_741 : memref<1x625x64xf32, #tpu.memory_space<vmem>> -> memref<625x64xf32, #tpu.memory_space<vmem>>
    %dma_wait3A_743 = arith.constant 0 : i32
    %dma_wait3A_744 = tpu.memref_slice %arg3[%add3A_737, %dma_wait3A_743] : memref<400000x64xf32, #tpu.memory_space<hbm>> -> memref<625x64xf32, #tpu.memory_space<hbm>>
    %dma_wait3A_745 = arith.constant 0 : i32
    %dma_wait3A_746 = tpu.memref_slice %arg3[%add3A_737, %dma_wait3A_745] : memref<400000x64xf32, #tpu.memory_space<hbm>> -> memref<625x64xf32, #tpu.memory_space<hbm>>
    %dma_wait3A_747 = arith.constant 0 : i32
    %dma_wait3A_748 = arith.constant 0 : i32
    %dma_wait3A_749 = tpu.memref_slice %arg4[%dma_wait3A_738, %dma_wait3A_747, %dma_wait3A_748] : memref<3x625x64xf32, #tpu.memory_space<vmem>> -> memref<1x625x64xf32, #tpu.memory_space<vmem>>
    %dma_wait3A_750 = tpu.memref_squeeze %dma_wait3A_749 : memref<1x625x64xf32, #tpu.memory_space<vmem>> -> memref<625x64xf32, #tpu.memory_space<vmem>>
    tpu.wait_dma2 semaphore(%arg6 : memref<!tpu.dma_semaphore, #tpu.memory_space<semaphore_mem>>) src(%dma_wait3A_750 : memref<625x64xf32, #tpu.memory_space<vmem>>) dst(%dma_wait3A_746 : memref<625x64xf32, #tpu.memory_space<hbm>>)
    %add3A_751 = arith.constant 8750 : i32
    %add3A_752 = arith.addi %mul3A_2, %add3A_751 : i32
    %dma_start3A_753 = arith.constant 2 : i32
    %dma_start3A_754 = arith.constant 0 : i32
    %dma_start3A_755 = arith.constant 0 : i32
    %dma_start3A_756 = tpu.memref_slice %arg4[%dma_start3A_753, %dma_start3A_754, %dma_start3A_755] : memref<3x625x64xf32, #tpu.memory_space<vmem>> -> memref<1x625x64xf32, #tpu.memory_space<vmem>>
    %dma_start3A_757 = tpu.memref_squeeze %dma_start3A_756 : memref<1x625x64xf32, #tpu.memory_space<vmem>> -> memref<625x64xf32, #tpu.memory_space<vmem>>
    %dma_start3A_758 = arith.constant 0 : i32
    %dma_start3A_759 = tpu.memref_slice %arg2[%add3A_752, %dma_start3A_758] : memref<400000x64xf32, #tpu.memory_space<hbm>> -> memref<625x64xf32, #tpu.memory_space<hbm>>
    %dma_start3A_760 = arith.constant 0 : i32
    %dma_start3A_761 = arith.constant 0 : i32
    %dma_start3A_762 = tpu.memref_slice %arg4[%dma_start3A_753, %dma_start3A_760, %dma_start3A_761] : memref<3x625x64xf32, #tpu.memory_space<vmem>> -> memref<1x625x64xf32, #tpu.memory_space<vmem>>
    %dma_start3A_763 = tpu.memref_squeeze %dma_start3A_762 : memref<1x625x64xf32, #tpu.memory_space<vmem>> -> memref<625x64xf32, #tpu.memory_space<vmem>>
    %dma_start3A_764 = arith.constant 0 : i32
    %dma_start3A_765 = tpu.memref_slice %arg2[%add3A_752, %dma_start3A_764] : memref<400000x64xf32, #tpu.memory_space<hbm>> -> memref<625x64xf32, #tpu.memory_space<hbm>>
    tpu.enqueue_dma source(%dma_start3A_765 : memref<625x64xf32, #tpu.memory_space<hbm>>) target(%dma_start3A_763 : memref<625x64xf32, #tpu.memory_space<vmem>>) target_semaphore(%arg5 : memref<!tpu.dma_semaphore, #tpu.memory_space<semaphore_mem>>)
    %add3A_766 = arith.constant 7500 : i32
    %add3A_767 = arith.addi %mul3A_2, %add3A_766 : i32
    %dma_wait3A_768 = arith.constant 0 : i32
    %dma_wait3A_769 = arith.constant 0 : i32
    %dma_wait3A_770 = arith.constant 0 : i32
    %dma_wait3A_771 = tpu.memref_slice %arg4[%dma_wait3A_768, %dma_wait3A_769, %dma_wait3A_770] : memref<3x625x64xf32, #tpu.memory_space<vmem>> -> memref<1x625x64xf32, #tpu.memory_space<vmem>>
    %dma_wait3A_772 = tpu.memref_squeeze %dma_wait3A_771 : memref<1x625x64xf32, #tpu.memory_space<vmem>> -> memref<625x64xf32, #tpu.memory_space<vmem>>
    %dma_wait3A_773 = arith.constant 0 : i32
    %dma_wait3A_774 = tpu.memref_slice %arg2[%add3A_767, %dma_wait3A_773] : memref<400000x64xf32, #tpu.memory_space<hbm>> -> memref<625x64xf32, #tpu.memory_space<hbm>>
    %dma_wait3A_775 = arith.constant 0 : i32
    %dma_wait3A_776 = arith.constant 0 : i32
    %dma_wait3A_777 = tpu.memref_slice %arg4[%dma_wait3A_768, %dma_wait3A_775, %dma_wait3A_776] : memref<3x625x64xf32, #tpu.memory_space<vmem>> -> memref<1x625x64xf32, #tpu.memory_space<vmem>>
    %dma_wait3A_778 = tpu.memref_squeeze %dma_wait3A_777 : memref<1x625x64xf32, #tpu.memory_space<vmem>> -> memref<625x64xf32, #tpu.memory_space<vmem>>
    %dma_wait3A_779 = arith.constant 0 : i32
    %dma_wait3A_780 = tpu.memref_slice %arg2[%add3A_767, %dma_wait3A_779] : memref<400000x64xf32, #tpu.memory_space<hbm>> -> memref<625x64xf32, #tpu.memory_space<hbm>>
    tpu.wait_dma2 semaphore(%arg5 : memref<!tpu.dma_semaphore, #tpu.memory_space<semaphore_mem>>) src(%dma_wait3A_780 : memref<625x64xf32, #tpu.memory_space<hbm>>) dst(%dma_wait3A_778 : memref<625x64xf32, #tpu.memory_space<vmem>>)
    %add3A_781 = arith.constant 7500 : i32
    %add3A_782 = arith.addi %mul3A_2, %add3A_781 : i32
    %dma_start3A_783 = arith.constant 0 : i32
    %dma_start3A_784 = arith.constant 0 : i32
    %dma_start3A_785 = arith.constant 0 : i32
    %dma_start3A_786 = tpu.memref_slice %arg4[%dma_start3A_783, %dma_start3A_784, %dma_start3A_785] : memref<3x625x64xf32, #tpu.memory_space<vmem>> -> memref<1x625x64xf32, #tpu.memory_space<vmem>>
    %dma_start3A_787 = tpu.memref_squeeze %dma_start3A_786 : memref<1x625x64xf32, #tpu.memory_space<vmem>> -> memref<625x64xf32, #tpu.memory_space<vmem>>
    %dma_start3A_788 = arith.constant 0 : i32
    %dma_start3A_789 = tpu.memref_slice %arg3[%add3A_782, %dma_start3A_788] : memref<400000x64xf32, #tpu.memory_space<hbm>> -> memref<625x64xf32, #tpu.memory_space<hbm>>
    %dma_start3A_790 = arith.constant 0 : i32
    %dma_start3A_791 = tpu.memref_slice %arg3[%add3A_782, %dma_start3A_790] : memref<400000x64xf32, #tpu.memory_space<hbm>> -> memref<625x64xf32, #tpu.memory_space<hbm>>
    %dma_start3A_792 = arith.constant 0 : i32
    %dma_start3A_793 = arith.constant 0 : i32
    %dma_start3A_794 = tpu.memref_slice %arg4[%dma_start3A_783, %dma_start3A_792, %dma_start3A_793] : memref<3x625x64xf32, #tpu.memory_space<vmem>> -> memref<1x625x64xf32, #tpu.memory_space<vmem>>
    %dma_start3A_795 = tpu.memref_squeeze %dma_start3A_794 : memref<1x625x64xf32, #tpu.memory_space<vmem>> -> memref<625x64xf32, #tpu.memory_space<vmem>>
    tpu.enqueue_dma source(%dma_start3A_795 : memref<625x64xf32, #tpu.memory_space<vmem>>) target(%dma_start3A_791 : memref<625x64xf32, #tpu.memory_space<hbm>>) target_semaphore(%arg6 : memref<!tpu.dma_semaphore, #tpu.memory_space<semaphore_mem>>)
    %add3A_796 = arith.constant 7500 : i32
    %add3A_797 = arith.addi %mul3A_2, %add3A_796 : i32
    %dma_wait3A_798 = arith.constant 0 : i32
    %dma_wait3A_799 = arith.constant 0 : i32
    %dma_wait3A_800 = arith.constant 0 : i32
    %dma_wait3A_801 = tpu.memref_slice %arg4[%dma_wait3A_798, %dma_wait3A_799, %dma_wait3A_800] : memref<3x625x64xf32, #tpu.memory_space<vmem>> -> memref<1x625x64xf32, #tpu.memory_space<vmem>>
    %dma_wait3A_802 = tpu.memref_squeeze %dma_wait3A_801 : memref<1x625x64xf32, #tpu.memory_space<vmem>> -> memref<625x64xf32, #tpu.memory_space<vmem>>
    %dma_wait3A_803 = arith.constant 0 : i32
    %dma_wait3A_804 = tpu.memref_slice %arg3[%add3A_797, %dma_wait3A_803] : memref<400000x64xf32, #tpu.memory_space<hbm>> -> memref<625x64xf32, #tpu.memory_space<hbm>>
    %dma_wait3A_805 = arith.constant 0 : i32
    %dma_wait3A_806 = tpu.memref_slice %arg3[%add3A_797, %dma_wait3A_805] : memref<400000x64xf32, #tpu.memory_space<hbm>> -> memref<625x64xf32, #tpu.memory_space<hbm>>
    %dma_wait3A_807 = arith.constant 0 : i32
    %dma_wait3A_808 = arith.constant 0 : i32
    %dma_wait3A_809 = tpu.memref_slice %arg4[%dma_wait3A_798, %dma_wait3A_807, %dma_wait3A_808] : memref<3x625x64xf32, #tpu.memory_space<vmem>> -> memref<1x625x64xf32, #tpu.memory_space<vmem>>
    %dma_wait3A_810 = tpu.memref_squeeze %dma_wait3A_809 : memref<1x625x64xf32, #tpu.memory_space<vmem>> -> memref<625x64xf32, #tpu.memory_space<vmem>>
    tpu.wait_dma2 semaphore(%arg6 : memref<!tpu.dma_semaphore, #tpu.memory_space<semaphore_mem>>) src(%dma_wait3A_810 : memref<625x64xf32, #tpu.memory_space<vmem>>) dst(%dma_wait3A_806 : memref<625x64xf32, #tpu.memory_space<hbm>>)
    %add3A_811 = arith.constant 9375 : i32
    %add3A_812 = arith.addi %mul3A_2, %add3A_811 : i32
    %dma_start3A_813 = arith.constant 0 : i32
    %dma_start3A_814 = arith.constant 0 : i32
    %dma_start3A_815 = arith.constant 0 : i32
    %dma_start3A_816 = tpu.memref_slice %arg4[%dma_start3A_813, %dma_start3A_814, %dma_start3A_815] : memref<3x625x64xf32, #tpu.memory_space<vmem>> -> memref<1x625x64xf32, #tpu.memory_space<vmem>>
    %dma_start3A_817 = tpu.memref_squeeze %dma_start3A_816 : memref<1x625x64xf32, #tpu.memory_space<vmem>> -> memref<625x64xf32, #tpu.memory_space<vmem>>
    %dma_start3A_818 = arith.constant 0 : i32
    %dma_start3A_819 = tpu.memref_slice %arg2[%add3A_812, %dma_start3A_818] : memref<400000x64xf32, #tpu.memory_space<hbm>> -> memref<625x64xf32, #tpu.memory_space<hbm>>
    %dma_start3A_820 = arith.constant 0 : i32
    %dma_start3A_821 = arith.constant 0 : i32
    %dma_start3A_822 = tpu.memref_slice %arg4[%dma_start3A_813, %dma_start3A_820, %dma_start3A_821] : memref<3x625x64xf32, #tpu.memory_space<vmem>> -> memref<1x625x64xf32, #tpu.memory_space<vmem>>
    %dma_start3A_823 = tpu.memref_squeeze %dma_start3A_822 : memref<1x625x64xf32, #tpu.memory_space<vmem>> -> memref<625x64xf32, #tpu.memory_space<vmem>>
    %dma_start3A_824 = arith.constant 0 : i32
    %dma_start3A_825 = tpu.memref_slice %arg2[%add3A_812, %dma_start3A_824] : memref<400000x64xf32, #tpu.memory_space<hbm>> -> memref<625x64xf32, #tpu.memory_space<hbm>>
    tpu.enqueue_dma source(%dma_start3A_825 : memref<625x64xf32, #tpu.memory_space<hbm>>) target(%dma_start3A_823 : memref<625x64xf32, #tpu.memory_space<vmem>>) target_semaphore(%arg5 : memref<!tpu.dma_semaphore, #tpu.memory_space<semaphore_mem>>)
    %add3A_826 = arith.constant 8125 : i32
    %add3A_827 = arith.addi %mul3A_2, %add3A_826 : i32
    %dma_wait3A_828 = arith.constant 1 : i32
    %dma_wait3A_829 = arith.constant 0 : i32
    %dma_wait3A_830 = arith.constant 0 : i32
    %dma_wait3A_831 = tpu.memref_slice %arg4[%dma_wait3A_828, %dma_wait3A_829, %dma_wait3A_830] : memref<3x625x64xf32, #tpu.memory_space<vmem>> -> memref<1x625x64xf32, #tpu.memory_space<vmem>>
    %dma_wait3A_832 = tpu.memref_squeeze %dma_wait3A_831 : memref<1x625x64xf32, #tpu.memory_space<vmem>> -> memref<625x64xf32, #tpu.memory_space<vmem>>
    %dma_wait3A_833 = arith.constant 0 : i32
    %dma_wait3A_834 = tpu.memref_slice %arg2[%add3A_827, %dma_wait3A_833] : memref<400000x64xf32, #tpu.memory_space<hbm>> -> memref<625x64xf32, #tpu.memory_space<hbm>>
    %dma_wait3A_835 = arith.constant 0 : i32
    %dma_wait3A_836 = arith.constant 0 : i32
    %dma_wait3A_837 = tpu.memref_slice %arg4[%dma_wait3A_828, %dma_wait3A_835, %dma_wait3A_836] : memref<3x625x64xf32, #tpu.memory_space<vmem>> -> memref<1x625x64xf32, #tpu.memory_space<vmem>>
    %dma_wait3A_838 = tpu.memref_squeeze %dma_wait3A_837 : memref<1x625x64xf32, #tpu.memory_space<vmem>> -> memref<625x64xf32, #tpu.memory_space<vmem>>
    %dma_wait3A_839 = arith.constant 0 : i32
    %dma_wait3A_840 = tpu.memref_slice %arg2[%add3A_827, %dma_wait3A_839] : memref<400000x64xf32, #tpu.memory_space<hbm>> -> memref<625x64xf32, #tpu.memory_space<hbm>>
    tpu.wait_dma2 semaphore(%arg5 : memref<!tpu.dma_semaphore, #tpu.memory_space<semaphore_mem>>) src(%dma_wait3A_840 : memref<625x64xf32, #tpu.memory_space<hbm>>) dst(%dma_wait3A_838 : memref<625x64xf32, #tpu.memory_space<vmem>>)
    %add3A_841 = arith.constant 8125 : i32
    %add3A_842 = arith.addi %mul3A_2, %add3A_841 : i32
    %dma_start3A_843 = arith.constant 1 : i32
    %dma_start3A_844 = arith.constant 0 : i32
    %dma_start3A_845 = arith.constant 0 : i32
    %dma_start3A_846 = tpu.memref_slice %arg4[%dma_start3A_843, %dma_start3A_844, %dma_start3A_845] : memref<3x625x64xf32, #tpu.memory_space<vmem>> -> memref<1x625x64xf32, #tpu.memory_space<vmem>>
    %dma_start3A_847 = tpu.memref_squeeze %dma_start3A_846 : memref<1x625x64xf32, #tpu.memory_space<vmem>> -> memref<625x64xf32, #tpu.memory_space<vmem>>
    %dma_start3A_848 = arith.constant 0 : i32
    %dma_start3A_849 = tpu.memref_slice %arg3[%add3A_842, %dma_start3A_848] : memref<400000x64xf32, #tpu.memory_space<hbm>> -> memref<625x64xf32, #tpu.memory_space<hbm>>
    %dma_start3A_850 = arith.constant 0 : i32
    %dma_start3A_851 = tpu.memref_slice %arg3[%add3A_842, %dma_start3A_850] : memref<400000x64xf32, #tpu.memory_space<hbm>> -> memref<625x64xf32, #tpu.memory_space<hbm>>
    %dma_start3A_852 = arith.constant 0 : i32
    %dma_start3A_853 = arith.constant 0 : i32
    %dma_start3A_854 = tpu.memref_slice %arg4[%dma_start3A_843, %dma_start3A_852, %dma_start3A_853] : memref<3x625x64xf32, #tpu.memory_space<vmem>> -> memref<1x625x64xf32, #tpu.memory_space<vmem>>
    %dma_start3A_855 = tpu.memref_squeeze %dma_start3A_854 : memref<1x625x64xf32, #tpu.memory_space<vmem>> -> memref<625x64xf32, #tpu.memory_space<vmem>>
    tpu.enqueue_dma source(%dma_start3A_855 : memref<625x64xf32, #tpu.memory_space<vmem>>) target(%dma_start3A_851 : memref<625x64xf32, #tpu.memory_space<hbm>>) target_semaphore(%arg6 : memref<!tpu.dma_semaphore, #tpu.memory_space<semaphore_mem>>)
    %add3A_856 = arith.constant 8125 : i32
    %add3A_857 = arith.addi %mul3A_2, %add3A_856 : i32
    %dma_wait3A_858 = arith.constant 1 : i32
    %dma_wait3A_859 = arith.constant 0 : i32
    %dma_wait3A_860 = arith.constant 0 : i32
    %dma_wait3A_861 = tpu.memref_slice %arg4[%dma_wait3A_858, %dma_wait3A_859, %dma_wait3A_860] : memref<3x625x64xf32, #tpu.memory_space<vmem>> -> memref<1x625x64xf32, #tpu.memory_space<vmem>>
    %dma_wait3A_862 = tpu.memref_squeeze %dma_wait3A_861 : memref<1x625x64xf32, #tpu.memory_space<vmem>> -> memref<625x64xf32, #tpu.memory_space<vmem>>
    %dma_wait3A_863 = arith.constant 0 : i32
    %dma_wait3A_864 = tpu.memref_slice %arg3[%add3A_857, %dma_wait3A_863] : memref<400000x64xf32, #tpu.memory_space<hbm>> -> memref<625x64xf32, #tpu.memory_space<hbm>>
    %dma_wait3A_865 = arith.constant 0 : i32
    %dma_wait3A_866 = tpu.memref_slice %arg3[%add3A_857, %dma_wait3A_865] : memref<400000x64xf32, #tpu.memory_space<hbm>> -> memref<625x64xf32, #tpu.memory_space<hbm>>
    %dma_wait3A_867 = arith.constant 0 : i32
    %dma_wait3A_868 = arith.constant 0 : i32
    %dma_wait3A_869 = tpu.memref_slice %arg4[%dma_wait3A_858, %dma_wait3A_867, %dma_wait3A_868] : memref<3x625x64xf32, #tpu.memory_space<vmem>> -> memref<1x625x64xf32, #tpu.memory_space<vmem>>
    %dma_wait3A_870 = tpu.memref_squeeze %dma_wait3A_869 : memref<1x625x64xf32, #tpu.memory_space<vmem>> -> memref<625x64xf32, #tpu.memory_space<vmem>>
    tpu.wait_dma2 semaphore(%arg6 : memref<!tpu.dma_semaphore, #tpu.memory_space<semaphore_mem>>) src(%dma_wait3A_870 : memref<625x64xf32, #tpu.memory_space<vmem>>) dst(%dma_wait3A_866 : memref<625x64xf32, #tpu.memory_space<hbm>>)
    %add3A_871 = arith.constant 10000 : i32
    %add3A_872 = arith.addi %mul3A_2, %add3A_871 : i32
    %dma_start3A_873 = arith.constant 1 : i32
    %dma_start3A_874 = arith.constant 0 : i32
    %dma_start3A_875 = arith.constant 0 : i32
    %dma_start3A_876 = tpu.memref_slice %arg4[%dma_start3A_873, %dma_start3A_874, %dma_start3A_875] : memref<3x625x64xf32, #tpu.memory_space<vmem>> -> memref<1x625x64xf32, #tpu.memory_space<vmem>>
    %dma_start3A_877 = tpu.memref_squeeze %dma_start3A_876 : memref<1x625x64xf32, #tpu.memory_space<vmem>> -> memref<625x64xf32, #tpu.memory_space<vmem>>
    %dma_start3A_878 = arith.constant 0 : i32
    %dma_start3A_879 = tpu.memref_slice %arg2[%add3A_872, %dma_start3A_878] : memref<400000x64xf32, #tpu.memory_space<hbm>> -> memref<625x64xf32, #tpu.memory_space<hbm>>
    %dma_start3A_880 = arith.constant 0 : i32
    %dma_start3A_881 = arith.constant 0 : i32
    %dma_start3A_882 = tpu.memref_slice %arg4[%dma_start3A_873, %dma_start3A_880, %dma_start3A_881] : memref<3x625x64xf32, #tpu.memory_space<vmem>> -> memref<1x625x64xf32, #tpu.memory_space<vmem>>
    %dma_start3A_883 = tpu.memref_squeeze %dma_start3A_882 : memref<1x625x64xf32, #tpu.memory_space<vmem>> -> memref<625x64xf32, #tpu.memory_space<vmem>>
    %dma_start3A_884 = arith.constant 0 : i32
    %dma_start3A_885 = tpu.memref_slice %arg2[%add3A_872, %dma_start3A_884] : memref<400000x64xf32, #tpu.memory_space<hbm>> -> memref<625x64xf32, #tpu.memory_space<hbm>>
    tpu.enqueue_dma source(%dma_start3A_885 : memref<625x64xf32, #tpu.memory_space<hbm>>) target(%dma_start3A_883 : memref<625x64xf32, #tpu.memory_space<vmem>>) target_semaphore(%arg5 : memref<!tpu.dma_semaphore, #tpu.memory_space<semaphore_mem>>)
    %add3A_886 = arith.constant 8750 : i32
    %add3A_887 = arith.addi %mul3A_2, %add3A_886 : i32
    %dma_wait3A_888 = arith.constant 2 : i32
    %dma_wait3A_889 = arith.constant 0 : i32
    %dma_wait3A_890 = arith.constant 0 : i32
    %dma_wait3A_891 = tpu.memref_slice %arg4[%dma_wait3A_888, %dma_wait3A_889, %dma_wait3A_890] : memref<3x625x64xf32, #tpu.memory_space<vmem>> -> memref<1x625x64xf32, #tpu.memory_space<vmem>>
    %dma_wait3A_892 = tpu.memref_squeeze %dma_wait3A_891 : memref<1x625x64xf32, #tpu.memory_space<vmem>> -> memref<625x64xf32, #tpu.memory_space<vmem>>
    %dma_wait3A_893 = arith.constant 0 : i32
    %dma_wait3A_894 = tpu.memref_slice %arg2[%add3A_887, %dma_wait3A_893] : memref<400000x64xf32, #tpu.memory_space<hbm>> -> memref<625x64xf32, #tpu.memory_space<hbm>>
    %dma_wait3A_895 = arith.constant 0 : i32
    %dma_wait3A_896 = arith.constant 0 : i32
    %dma_wait3A_897 = tpu.memref_slice %arg4[%dma_wait3A_888, %dma_wait3A_895, %dma_wait3A_896] : memref<3x625x64xf32, #tpu.memory_space<vmem>> -> memref<1x625x64xf32, #tpu.memory_space<vmem>>
    %dma_wait3A_898 = tpu.memref_squeeze %dma_wait3A_897 : memref<1x625x64xf32, #tpu.memory_space<vmem>> -> memref<625x64xf32, #tpu.memory_space<vmem>>
    %dma_wait3A_899 = arith.constant 0 : i32
    %dma_wait3A_900 = tpu.memref_slice %arg2[%add3A_887, %dma_wait3A_899] : memref<400000x64xf32, #tpu.memory_space<hbm>> -> memref<625x64xf32, #tpu.memory_space<hbm>>
    tpu.wait_dma2 semaphore(%arg5 : memref<!tpu.dma_semaphore, #tpu.memory_space<semaphore_mem>>) src(%dma_wait3A_900 : memref<625x64xf32, #tpu.memory_space<hbm>>) dst(%dma_wait3A_898 : memref<625x64xf32, #tpu.memory_space<vmem>>)
    %add3A_901 = arith.constant 8750 : i32
    %add3A_902 = arith.addi %mul3A_2, %add3A_901 : i32
    %dma_start3A_903 = arith.constant 2 : i32
    %dma_start3A_904 = arith.constant 0 : i32
    %dma_start3A_905 = arith.constant 0 : i32
    %dma_start3A_906 = tpu.memref_slice %arg4[%dma_start3A_903, %dma_start3A_904, %dma_start3A_905] : memref<3x625x64xf32, #tpu.memory_space<vmem>> -> memref<1x625x64xf32, #tpu.memory_space<vmem>>
    %dma_start3A_907 = tpu.memref_squeeze %dma_start3A_906 : memref<1x625x64xf32, #tpu.memory_space<vmem>> -> memref<625x64xf32, #tpu.memory_space<vmem>>
    %dma_start3A_908 = arith.constant 0 : i32
    %dma_start3A_909 = tpu.memref_slice %arg3[%add3A_902, %dma_start3A_908] : memref<400000x64xf32, #tpu.memory_space<hbm>> -> memref<625x64xf32, #tpu.memory_space<hbm>>
    %dma_start3A_910 = arith.constant 0 : i32
    %dma_start3A_911 = tpu.memref_slice %arg3[%add3A_902, %dma_start3A_910] : memref<400000x64xf32, #tpu.memory_space<hbm>> -> memref<625x64xf32, #tpu.memory_space<hbm>>
    %dma_start3A_912 = arith.constant 0 : i32
    %dma_start3A_913 = arith.constant 0 : i32
    %dma_start3A_914 = tpu.memref_slice %arg4[%dma_start3A_903, %dma_start3A_912, %dma_start3A_913] : memref<3x625x64xf32, #tpu.memory_space<vmem>> -> memref<1x625x64xf32, #tpu.memory_space<vmem>>
    %dma_start3A_915 = tpu.memref_squeeze %dma_start3A_914 : memref<1x625x64xf32, #tpu.memory_space<vmem>> -> memref<625x64xf32, #tpu.memory_space<vmem>>
    tpu.enqueue_dma source(%dma_start3A_915 : memref<625x64xf32, #tpu.memory_space<vmem>>) target(%dma_start3A_911 : memref<625x64xf32, #tpu.memory_space<hbm>>) target_semaphore(%arg6 : memref<!tpu.dma_semaphore, #tpu.memory_space<semaphore_mem>>)
    %add3A_916 = arith.constant 8750 : i32
    %add3A_917 = arith.addi %mul3A_2, %add3A_916 : i32
    %dma_wait3A_918 = arith.constant 2 : i32
    %dma_wait3A_919 = arith.constant 0 : i32
    %dma_wait3A_920 = arith.constant 0 : i32
    %dma_wait3A_921 = tpu.memref_slice %arg4[%dma_wait3A_918, %dma_wait3A_919, %dma_wait3A_920] : memref<3x625x64xf32, #tpu.memory_space<vmem>> -> memref<1x625x64xf32, #tpu.memory_space<vmem>>
    %dma_wait3A_922 = tpu.memref_squeeze %dma_wait3A_921 : memref<1x625x64xf32, #tpu.memory_space<vmem>> -> memref<625x64xf32, #tpu.memory_space<vmem>>
    %dma_wait3A_923 = arith.constant 0 : i32
    %dma_wait3A_924 = tpu.memref_slice %arg3[%add3A_917, %dma_wait3A_923] : memref<400000x64xf32, #tpu.memory_space<hbm>> -> memref<625x64xf32, #tpu.memory_space<hbm>>
    %dma_wait3A_925 = arith.constant 0 : i32
    %dma_wait3A_926 = tpu.memref_slice %arg3[%add3A_917, %dma_wait3A_925] : memref<400000x64xf32, #tpu.memory_space<hbm>> -> memref<625x64xf32, #tpu.memory_space<hbm>>
    %dma_wait3A_927 = arith.constant 0 : i32
    %dma_wait3A_928 = arith.constant 0 : i32
    %dma_wait3A_929 = tpu.memref_slice %arg4[%dma_wait3A_918, %dma_wait3A_927, %dma_wait3A_928] : memref<3x625x64xf32, #tpu.memory_space<vmem>> -> memref<1x625x64xf32, #tpu.memory_space<vmem>>
    %dma_wait3A_930 = tpu.memref_squeeze %dma_wait3A_929 : memref<1x625x64xf32, #tpu.memory_space<vmem>> -> memref<625x64xf32, #tpu.memory_space<vmem>>
    tpu.wait_dma2 semaphore(%arg6 : memref<!tpu.dma_semaphore, #tpu.memory_space<semaphore_mem>>) src(%dma_wait3A_930 : memref<625x64xf32, #tpu.memory_space<vmem>>) dst(%dma_wait3A_926 : memref<625x64xf32, #tpu.memory_space<hbm>>)
    %add3A_931 = arith.constant 10625 : i32
    %add3A_932 = arith.addi %mul3A_2, %add3A_931 : i32
    %dma_start3A_933 = arith.constant 2 : i32
    %dma_start3A_934 = arith.constant 0 : i32
    %dma_start3A_935 = arith.constant 0 : i32
    %dma_start3A_936 = tpu.memref_slice %arg4[%dma_start3A_933, %dma_start3A_934, %dma_start3A_935] : memref<3x625x64xf32, #tpu.memory_space<vmem>> -> memref<1x625x64xf32, #tpu.memory_space<vmem>>
    %dma_start3A_937 = tpu.memref_squeeze %dma_start3A_936 : memref<1x625x64xf32, #tpu.memory_space<vmem>> -> memref<625x64xf32, #tpu.memory_space<vmem>>
    %dma_start3A_938 = arith.constant 0 : i32
    %dma_start3A_939 = tpu.memref_slice %arg2[%add3A_932, %dma_start3A_938] : memref<400000x64xf32, #tpu.memory_space<hbm>> -> memref<625x64xf32, #tpu.memory_space<hbm>>
    %dma_start3A_940 = arith.constant 0 : i32
    %dma_start3A_941 = arith.constant 0 : i32
    %dma_start3A_942 = tpu.memref_slice %arg4[%dma_start3A_933, %dma_start3A_940, %dma_start3A_941] : memref<3x625x64xf32, #tpu.memory_space<vmem>> -> memref<1x625x64xf32, #tpu.memory_space<vmem>>
    %dma_start3A_943 = tpu.memref_squeeze %dma_start3A_942 : memref<1x625x64xf32, #tpu.memory_space<vmem>> -> memref<625x64xf32, #tpu.memory_space<vmem>>
    %dma_start3A_944 = arith.constant 0 : i32
    %dma_start3A_945 = tpu.memref_slice %arg2[%add3A_932, %dma_start3A_944] : memref<400000x64xf32, #tpu.memory_space<hbm>> -> memref<625x64xf32, #tpu.memory_space<hbm>>
    tpu.enqueue_dma source(%dma_start3A_945 : memref<625x64xf32, #tpu.memory_space<hbm>>) target(%dma_start3A_943 : memref<625x64xf32, #tpu.memory_space<vmem>>) target_semaphore(%arg5 : memref<!tpu.dma_semaphore, #tpu.memory_space<semaphore_mem>>)
    %add3A_946 = arith.constant 9375 : i32
    %add3A_947 = arith.addi %mul3A_2, %add3A_946 : i32
    %dma_wait3A_948 = arith.constant 0 : i32
    %dma_wait3A_949 = arith.constant 0 : i32
    %dma_wait3A_950 = arith.constant 0 : i32
    %dma_wait3A_951 = tpu.memref_slice %arg4[%dma_wait3A_948, %dma_wait3A_949, %dma_wait3A_950] : memref<3x625x64xf32, #tpu.memory_space<vmem>> -> memref<1x625x64xf32, #tpu.memory_space<vmem>>
    %dma_wait3A_952 = tpu.memref_squeeze %dma_wait3A_951 : memref<1x625x64xf32, #tpu.memory_space<vmem>> -> memref<625x64xf32, #tpu.memory_space<vmem>>
    %dma_wait3A_953 = arith.constant 0 : i32
    %dma_wait3A_954 = tpu.memref_slice %arg2[%add3A_947, %dma_wait3A_953] : memref<400000x64xf32, #tpu.memory_space<hbm>> -> memref<625x64xf32, #tpu.memory_space<hbm>>
    %dma_wait3A_955 = arith.constant 0 : i32
    %dma_wait3A_956 = arith.constant 0 : i32
    %dma_wait3A_957 = tpu.memref_slice %arg4[%dma_wait3A_948, %dma_wait3A_955, %dma_wait3A_956] : memref<3x625x64xf32, #tpu.memory_space<vmem>> -> memref<1x625x64xf32, #tpu.memory_space<vmem>>
    %dma_wait3A_958 = tpu.memref_squeeze %dma_wait3A_957 : memref<1x625x64xf32, #tpu.memory_space<vmem>> -> memref<625x64xf32, #tpu.memory_space<vmem>>
    %dma_wait3A_959 = arith.constant 0 : i32
    %dma_wait3A_960 = tpu.memref_slice %arg2[%add3A_947, %dma_wait3A_959] : memref<400000x64xf32, #tpu.memory_space<hbm>> -> memref<625x64xf32, #tpu.memory_space<hbm>>
    tpu.wait_dma2 semaphore(%arg5 : memref<!tpu.dma_semaphore, #tpu.memory_space<semaphore_mem>>) src(%dma_wait3A_960 : memref<625x64xf32, #tpu.memory_space<hbm>>) dst(%dma_wait3A_958 : memref<625x64xf32, #tpu.memory_space<vmem>>)
    %add3A_961 = arith.constant 9375 : i32
    %add3A_962 = arith.addi %mul3A_2, %add3A_961 : i32
    %dma_start3A_963 = arith.constant 0 : i32
    %dma_start3A_964 = arith.constant 0 : i32
    %dma_start3A_965 = arith.constant 0 : i32
    %dma_start3A_966 = tpu.memref_slice %arg4[%dma_start3A_963, %dma_start3A_964, %dma_start3A_965] : memref<3x625x64xf32, #tpu.memory_space<vmem>> -> memref<1x625x64xf32, #tpu.memory_space<vmem>>
    %dma_start3A_967 = tpu.memref_squeeze %dma_start3A_966 : memref<1x625x64xf32, #tpu.memory_space<vmem>> -> memref<625x64xf32, #tpu.memory_space<vmem>>
    %dma_start3A_968 = arith.constant 0 : i32
    %dma_start3A_969 = tpu.memref_slice %arg3[%add3A_962, %dma_start3A_968] : memref<400000x64xf32, #tpu.memory_space<hbm>> -> memref<625x64xf32, #tpu.memory_space<hbm>>
    %dma_start3A_970 = arith.constant 0 : i32
    %dma_start3A_971 = tpu.memref_slice %arg3[%add3A_962, %dma_start3A_970] : memref<400000x64xf32, #tpu.memory_space<hbm>> -> memref<625x64xf32, #tpu.memory_space<hbm>>
    %dma_start3A_972 = arith.constant 0 : i32
    %dma_start3A_973 = arith.constant 0 : i32
    %dma_start3A_974 = tpu.memref_slice %arg4[%dma_start3A_963, %dma_start3A_972, %dma_start3A_973] : memref<3x625x64xf32, #tpu.memory_space<vmem>> -> memref<1x625x64xf32, #tpu.memory_space<vmem>>
    %dma_start3A_975 = tpu.memref_squeeze %dma_start3A_974 : memref<1x625x64xf32, #tpu.memory_space<vmem>> -> memref<625x64xf32, #tpu.memory_space<vmem>>
    tpu.enqueue_dma source(%dma_start3A_975 : memref<625x64xf32, #tpu.memory_space<vmem>>) target(%dma_start3A_971 : memref<625x64xf32, #tpu.memory_space<hbm>>) target_semaphore(%arg6 : memref<!tpu.dma_semaphore, #tpu.memory_space<semaphore_mem>>)
    %add3A_976 = arith.constant 9375 : i32
    %add3A_977 = arith.addi %mul3A_2, %add3A_976 : i32
    %dma_wait3A_978 = arith.constant 0 : i32
    %dma_wait3A_979 = arith.constant 0 : i32
    %dma_wait3A_980 = arith.constant 0 : i32
    %dma_wait3A_981 = tpu.memref_slice %arg4[%dma_wait3A_978, %dma_wait3A_979, %dma_wait3A_980] : memref<3x625x64xf32, #tpu.memory_space<vmem>> -> memref<1x625x64xf32, #tpu.memory_space<vmem>>
    %dma_wait3A_982 = tpu.memref_squeeze %dma_wait3A_981 : memref<1x625x64xf32, #tpu.memory_space<vmem>> -> memref<625x64xf32, #tpu.memory_space<vmem>>
    %dma_wait3A_983 = arith.constant 0 : i32
    %dma_wait3A_984 = tpu.memref_slice %arg3[%add3A_977, %dma_wait3A_983] : memref<400000x64xf32, #tpu.memory_space<hbm>> -> memref<625x64xf32, #tpu.memory_space<hbm>>
    %dma_wait3A_985 = arith.constant 0 : i32
    %dma_wait3A_986 = tpu.memref_slice %arg3[%add3A_977, %dma_wait3A_985] : memref<400000x64xf32, #tpu.memory_space<hbm>> -> memref<625x64xf32, #tpu.memory_space<hbm>>
    %dma_wait3A_987 = arith.constant 0 : i32
    %dma_wait3A_988 = arith.constant 0 : i32
    %dma_wait3A_989 = tpu.memref_slice %arg4[%dma_wait3A_978, %dma_wait3A_987, %dma_wait3A_988] : memref<3x625x64xf32, #tpu.memory_space<vmem>> -> memref<1x625x64xf32, #tpu.memory_space<vmem>>
    %dma_wait3A_990 = tpu.memref_squeeze %dma_wait3A_989 : memref<1x625x64xf32, #tpu.memory_space<vmem>> -> memref<625x64xf32, #tpu.memory_space<vmem>>
    tpu.wait_dma2 semaphore(%arg6 : memref<!tpu.dma_semaphore, #tpu.memory_space<semaphore_mem>>) src(%dma_wait3A_990 : memref<625x64xf32, #tpu.memory_space<vmem>>) dst(%dma_wait3A_986 : memref<625x64xf32, #tpu.memory_space<hbm>>)
    %add3A_991 = arith.constant 11250 : i32
    %add3A_992 = arith.addi %mul3A_2, %add3A_991 : i32
    %dma_start3A_993 = arith.constant 0 : i32
    %dma_start3A_994 = arith.constant 0 : i32
    %dma_start3A_995 = arith.constant 0 : i32
    %dma_start3A_996 = tpu.memref_slice %arg4[%dma_start3A_993, %dma_start3A_994, %dma_start3A_995] : memref<3x625x64xf32, #tpu.memory_space<vmem>> -> memref<1x625x64xf32, #tpu.memory_space<vmem>>
    %dma_start3A_997 = tpu.memref_squeeze %dma_start3A_996 : memref<1x625x64xf32, #tpu.memory_space<vmem>> -> memref<625x64xf32, #tpu.memory_space<vmem>>
    %dma_start3A_998 = arith.constant 0 : i32
    %dma_start3A_999 = tpu.memref_slice %arg2[%add3A_992, %dma_start3A_998] : memref<400000x64xf32, #tpu.memory_space<hbm>> -> memref<625x64xf32, #tpu.memory_space<hbm>>
    %dma_start3A_1000 = arith.constant 0 : i32
    %dma_start3A_1001 = arith.constant 0 : i32
    %dma_start3A_1002 = tpu.memref_slice %arg4[%dma_start3A_993, %dma_start3A_1000, %dma_start3A_1001] : memref<3x625x64xf32, #tpu.memory_space<vmem>> -> memref<1x625x64xf32, #tpu.memory_space<vmem>>
    %dma_start3A_1003 = tpu.memref_squeeze %dma_start3A_1002 : memref<1x625x64xf32, #tpu.memory_space<vmem>> -> memref<625x64xf32, #tpu.memory_space<vmem>>
    %dma_start3A_1004 = arith.constant 0 : i32
    %dma_start3A_1005 = tpu.memref_slice %arg2[%add3A_992, %dma_start3A_1004] : memref<400000x64xf32, #tpu.memory_space<hbm>> -> memref<625x64xf32, #tpu.memory_space<hbm>>
    tpu.enqueue_dma source(%dma_start3A_1005 : memref<625x64xf32, #tpu.memory_space<hbm>>) target(%dma_start3A_1003 : memref<625x64xf32, #tpu.memory_space<vmem>>) target_semaphore(%arg5 : memref<!tpu.dma_semaphore, #tpu.memory_space<semaphore_mem>>)
    %add3A_1006 = arith.constant 10000 : i32
    %add3A_1007 = arith.addi %mul3A_2, %add3A_1006 : i32
    %dma_wait3A_1008 = arith.constant 1 : i32
    %dma_wait3A_1009 = arith.constant 0 : i32
    %dma_wait3A_1010 = arith.constant 0 : i32
    %dma_wait3A_1011 = tpu.memref_slice %arg4[%dma_wait3A_1008, %dma_wait3A_1009, %dma_wait3A_1010] : memref<3x625x64xf32, #tpu.memory_space<vmem>> -> memref<1x625x64xf32, #tpu.memory_space<vmem>>
    %dma_wait3A_1012 = tpu.memref_squeeze %dma_wait3A_1011 : memref<1x625x64xf32, #tpu.memory_space<vmem>> -> memref<625x64xf32, #tpu.memory_space<vmem>>
    %dma_wait3A_1013 = arith.constant 0 : i32
    %dma_wait3A_1014 = tpu.memref_slice %arg2[%add3A_1007, %dma_wait3A_1013] : memref<400000x64xf32, #tpu.memory_space<hbm>> -> memref<625x64xf32, #tpu.memory_space<hbm>>
    %dma_wait3A_1015 = arith.constant 0 : i32
    %dma_wait3A_1016 = arith.constant 0 : i32
    %dma_wait3A_1017 = tpu.memref_slice %arg4[%dma_wait3A_1008, %dma_wait3A_1015, %dma_wait3A_1016] : memref<3x625x64xf32, #tpu.memory_space<vmem>> -> memref<1x625x64xf32, #tpu.memory_space<vmem>>
    %dma_wait3A_1018 = tpu.memref_squeeze %dma_wait3A_1017 : memref<1x625x64xf32, #tpu.memory_space<vmem>> -> memref<625x64xf32, #tpu.memory_space<vmem>>
    %dma_wait3A_1019 = arith.constant 0 : i32
    %dma_wait3A_1020 = tpu.memref_slice %arg2[%add3A_1007, %dma_wait3A_1019] : memref<400000x64xf32, #tpu.memory_space<hbm>> -> memref<625x64xf32, #tpu.memory_space<hbm>>
    tpu.wait_dma2 semaphore(%arg5 : memref<!tpu.dma_semaphore, #tpu.memory_space<semaphore_mem>>) src(%dma_wait3A_1020 : memref<625x64xf32, #tpu.memory_space<hbm>>) dst(%dma_wait3A_1018 : memref<625x64xf32, #tpu.memory_space<vmem>>)
    %add3A_1021 = arith.constant 10000 : i32
    %add3A_1022 = arith.addi %mul3A_2, %add3A_1021 : i32
    %dma_start3A_1023 = arith.constant 1 : i32
    %dma_start3A_1024 = arith.constant 0 : i32
    %dma_start3A_1025 = arith.constant 0 : i32
    %dma_start3A_1026 = tpu.memref_slice %arg4[%dma_start3A_1023, %dma_start3A_1024, %dma_start3A_1025] : memref<3x625x64xf32, #tpu.memory_space<vmem>> -> memref<1x625x64xf32, #tpu.memory_space<vmem>>
    %dma_start3A_1027 = tpu.memref_squeeze %dma_start3A_1026 : memref<1x625x64xf32, #tpu.memory_space<vmem>> -> memref<625x64xf32, #tpu.memory_space<vmem>>
    %dma_start3A_1028 = arith.constant 0 : i32
    %dma_start3A_1029 = tpu.memref_slice %arg3[%add3A_1022, %dma_start3A_1028] : memref<400000x64xf32, #tpu.memory_space<hbm>> -> memref<625x64xf32, #tpu.memory_space<hbm>>
    %dma_start3A_1030 = arith.constant 0 : i32
    %dma_start3A_1031 = tpu.memref_slice %arg3[%add3A_1022, %dma_start3A_1030] : memref<400000x64xf32, #tpu.memory_space<hbm>> -> memref<625x64xf32, #tpu.memory_space<hbm>>
    %dma_start3A_1032 = arith.constant 0 : i32
    %dma_start3A_1033 = arith.constant 0 : i32
    %dma_start3A_1034 = tpu.memref_slice %arg4[%dma_start3A_1023, %dma_start3A_1032, %dma_start3A_1033] : memref<3x625x64xf32, #tpu.memory_space<vmem>> -> memref<1x625x64xf32, #tpu.memory_space<vmem>>
    %dma_start3A_1035 = tpu.memref_squeeze %dma_start3A_1034 : memref<1x625x64xf32, #tpu.memory_space<vmem>> -> memref<625x64xf32, #tpu.memory_space<vmem>>
    tpu.enqueue_dma source(%dma_start3A_1035 : memref<625x64xf32, #tpu.memory_space<vmem>>) target(%dma_start3A_1031 : memref<625x64xf32, #tpu.memory_space<hbm>>) target_semaphore(%arg6 : memref<!tpu.dma_semaphore, #tpu.memory_space<semaphore_mem>>)
    %add3A_1036 = arith.constant 10000 : i32
    %add3A_1037 = arith.addi %mul3A_2, %add3A_1036 : i32
    %dma_wait3A_1038 = arith.constant 1 : i32
    %dma_wait3A_1039 = arith.constant 0 : i32
    %dma_wait3A_1040 = arith.constant 0 : i32
    %dma_wait3A_1041 = tpu.memref_slice %arg4[%dma_wait3A_1038, %dma_wait3A_1039, %dma_wait3A_1040] : memref<3x625x64xf32, #tpu.memory_space<vmem>> -> memref<1x625x64xf32, #tpu.memory_space<vmem>>
    %dma_wait3A_1042 = tpu.memref_squeeze %dma_wait3A_1041 : memref<1x625x64xf32, #tpu.memory_space<vmem>> -> memref<625x64xf32, #tpu.memory_space<vmem>>
    %dma_wait3A_1043 = arith.constant 0 : i32
    %dma_wait3A_1044 = tpu.memref_slice %arg3[%add3A_1037, %dma_wait3A_1043] : memref<400000x64xf32, #tpu.memory_space<hbm>> -> memref<625x64xf32, #tpu.memory_space<hbm>>
    %dma_wait3A_1045 = arith.constant 0 : i32
    %dma_wait3A_1046 = tpu.memref_slice %arg3[%add3A_1037, %dma_wait3A_1045] : memref<400000x64xf32, #tpu.memory_space<hbm>> -> memref<625x64xf32, #tpu.memory_space<hbm>>
    %dma_wait3A_1047 = arith.constant 0 : i32
    %dma_wait3A_1048 = arith.constant 0 : i32
    %dma_wait3A_1049 = tpu.memref_slice %arg4[%dma_wait3A_1038, %dma_wait3A_1047, %dma_wait3A_1048] : memref<3x625x64xf32, #tpu.memory_space<vmem>> -> memref<1x625x64xf32, #tpu.memory_space<vmem>>
    %dma_wait3A_1050 = tpu.memref_squeeze %dma_wait3A_1049 : memref<1x625x64xf32, #tpu.memory_space<vmem>> -> memref<625x64xf32, #tpu.memory_space<vmem>>
    tpu.wait_dma2 semaphore(%arg6 : memref<!tpu.dma_semaphore, #tpu.memory_space<semaphore_mem>>) src(%dma_wait3A_1050 : memref<625x64xf32, #tpu.memory_space<vmem>>) dst(%dma_wait3A_1046 : memref<625x64xf32, #tpu.memory_space<hbm>>)
    %add3A_1051 = arith.constant 11875 : i32
    %add3A_1052 = arith.addi %mul3A_2, %add3A_1051 : i32
    %dma_start3A_1053 = arith.constant 1 : i32
    %dma_start3A_1054 = arith.constant 0 : i32
    %dma_start3A_1055 = arith.constant 0 : i32
    %dma_start3A_1056 = tpu.memref_slice %arg4[%dma_start3A_1053, %dma_start3A_1054, %dma_start3A_1055] : memref<3x625x64xf32, #tpu.memory_space<vmem>> -> memref<1x625x64xf32, #tpu.memory_space<vmem>>
    %dma_start3A_1057 = tpu.memref_squeeze %dma_start3A_1056 : memref<1x625x64xf32, #tpu.memory_space<vmem>> -> memref<625x64xf32, #tpu.memory_space<vmem>>
    %dma_start3A_1058 = arith.constant 0 : i32
    %dma_start3A_1059 = tpu.memref_slice %arg2[%add3A_1052, %dma_start3A_1058] : memref<400000x64xf32, #tpu.memory_space<hbm>> -> memref<625x64xf32, #tpu.memory_space<hbm>>
    %dma_start3A_1060 = arith.constant 0 : i32
    %dma_start3A_1061 = arith.constant 0 : i32
    %dma_start3A_1062 = tpu.memref_slice %arg4[%dma_start3A_1053, %dma_start3A_1060, %dma_start3A_1061] : memref<3x625x64xf32, #tpu.memory_space<vmem>> -> memref<1x625x64xf32, #tpu.memory_space<vmem>>
    %dma_start3A_1063 = tpu.memref_squeeze %dma_start3A_1062 : memref<1x625x64xf32, #tpu.memory_space<vmem>> -> memref<625x64xf32, #tpu.memory_space<vmem>>
    %dma_start3A_1064 = arith.constant 0 : i32
    %dma_start3A_1065 = tpu.memref_slice %arg2[%add3A_1052, %dma_start3A_1064] : memref<400000x64xf32, #tpu.memory_space<hbm>> -> memref<625x64xf32, #tpu.memory_space<hbm>>
    tpu.enqueue_dma source(%dma_start3A_1065 : memref<625x64xf32, #tpu.memory_space<hbm>>) target(%dma_start3A_1063 : memref<625x64xf32, #tpu.memory_space<vmem>>) target_semaphore(%arg5 : memref<!tpu.dma_semaphore, #tpu.memory_space<semaphore_mem>>)
    %add3A_1066 = arith.constant 10625 : i32
    %add3A_1067 = arith.addi %mul3A_2, %add3A_1066 : i32
    %dma_wait3A_1068 = arith.constant 2 : i32
    %dma_wait3A_1069 = arith.constant 0 : i32
    %dma_wait3A_1070 = arith.constant 0 : i32
    %dma_wait3A_1071 = tpu.memref_slice %arg4[%dma_wait3A_1068, %dma_wait3A_1069, %dma_wait3A_1070] : memref<3x625x64xf32, #tpu.memory_space<vmem>> -> memref<1x625x64xf32, #tpu.memory_space<vmem>>
    %dma_wait3A_1072 = tpu.memref_squeeze %dma_wait3A_1071 : memref<1x625x64xf32, #tpu.memory_space<vmem>> -> memref<625x64xf32, #tpu.memory_space<vmem>>
    %dma_wait3A_1073 = arith.constant 0 : i32
    %dma_wait3A_1074 = tpu.memref_slice %arg2[%add3A_1067, %dma_wait3A_1073] : memref<400000x64xf32, #tpu.memory_space<hbm>> -> memref<625x64xf32, #tpu.memory_space<hbm>>
    %dma_wait3A_1075 = arith.constant 0 : i32
    %dma_wait3A_1076 = arith.constant 0 : i32
    %dma_wait3A_1077 = tpu.memref_slice %arg4[%dma_wait3A_1068, %dma_wait3A_1075, %dma_wait3A_1076] : memref<3x625x64xf32, #tpu.memory_space<vmem>> -> memref<1x625x64xf32, #tpu.memory_space<vmem>>
    %dma_wait3A_1078 = tpu.memref_squeeze %dma_wait3A_1077 : memref<1x625x64xf32, #tpu.memory_space<vmem>> -> memref<625x64xf32, #tpu.memory_space<vmem>>
    %dma_wait3A_1079 = arith.constant 0 : i32
    %dma_wait3A_1080 = tpu.memref_slice %arg2[%add3A_1067, %dma_wait3A_1079] : memref<400000x64xf32, #tpu.memory_space<hbm>> -> memref<625x64xf32, #tpu.memory_space<hbm>>
    tpu.wait_dma2 semaphore(%arg5 : memref<!tpu.dma_semaphore, #tpu.memory_space<semaphore_mem>>) src(%dma_wait3A_1080 : memref<625x64xf32, #tpu.memory_space<hbm>>) dst(%dma_wait3A_1078 : memref<625x64xf32, #tpu.memory_space<vmem>>)
    %add3A_1081 = arith.constant 10625 : i32
    %add3A_1082 = arith.addi %mul3A_2, %add3A_1081 : i32
    %dma_start3A_1083 = arith.constant 2 : i32
    %dma_start3A_1084 = arith.constant 0 : i32
    %dma_start3A_1085 = arith.constant 0 : i32
    %dma_start3A_1086 = tpu.memref_slice %arg4[%dma_start3A_1083, %dma_start3A_1084, %dma_start3A_1085] : memref<3x625x64xf32, #tpu.memory_space<vmem>> -> memref<1x625x64xf32, #tpu.memory_space<vmem>>
    %dma_start3A_1087 = tpu.memref_squeeze %dma_start3A_1086 : memref<1x625x64xf32, #tpu.memory_space<vmem>> -> memref<625x64xf32, #tpu.memory_space<vmem>>
    %dma_start3A_1088 = arith.constant 0 : i32
    %dma_start3A_1089 = tpu.memref_slice %arg3[%add3A_1082, %dma_start3A_1088] : memref<400000x64xf32, #tpu.memory_space<hbm>> -> memref<625x64xf32, #tpu.memory_space<hbm>>
    %dma_start3A_1090 = arith.constant 0 : i32
    %dma_start3A_1091 = tpu.memref_slice %arg3[%add3A_1082, %dma_start3A_1090] : memref<400000x64xf32, #tpu.memory_space<hbm>> -> memref<625x64xf32, #tpu.memory_space<hbm>>
    %dma_start3A_1092 = arith.constant 0 : i32
    %dma_start3A_1093 = arith.constant 0 : i32
    %dma_start3A_1094 = tpu.memref_slice %arg4[%dma_start3A_1083, %dma_start3A_1092, %dma_start3A_1093] : memref<3x625x64xf32, #tpu.memory_space<vmem>> -> memref<1x625x64xf32, #tpu.memory_space<vmem>>
    %dma_start3A_1095 = tpu.memref_squeeze %dma_start3A_1094 : memref<1x625x64xf32, #tpu.memory_space<vmem>> -> memref<625x64xf32, #tpu.memory_space<vmem>>
    tpu.enqueue_dma source(%dma_start3A_1095 : memref<625x64xf32, #tpu.memory_space<vmem>>) target(%dma_start3A_1091 : memref<625x64xf32, #tpu.memory_space<hbm>>) target_semaphore(%arg6 : memref<!tpu.dma_semaphore, #tpu.memory_space<semaphore_mem>>)
    %add3A_1096 = arith.constant 11250 : i32
    %add3A_1097 = arith.addi %mul3A_2, %add3A_1096 : i32
    %dma_wait3A_1098 = arith.constant 0 : i32
    %dma_wait3A_1099 = arith.constant 0 : i32
    %dma_wait3A_1100 = arith.constant 0 : i32
    %dma_wait3A_1101 = tpu.memref_slice %arg4[%dma_wait3A_1098, %dma_wait3A_1099, %dma_wait3A_1100] : memref<3x625x64xf32, #tpu.memory_space<vmem>> -> memref<1x625x64xf32, #tpu.memory_space<vmem>>
    %dma_wait3A_1102 = tpu.memref_squeeze %dma_wait3A_1101 : memref<1x625x64xf32, #tpu.memory_space<vmem>> -> memref<625x64xf32, #tpu.memory_space<vmem>>
    %dma_wait3A_1103 = arith.constant 0 : i32
    %dma_wait3A_1104 = tpu.memref_slice %arg2[%add3A_1097, %dma_wait3A_1103] : memref<400000x64xf32, #tpu.memory_space<hbm>> -> memref<625x64xf32, #tpu.memory_space<hbm>>
    %dma_wait3A_1105 = arith.constant 0 : i32
    %dma_wait3A_1106 = arith.constant 0 : i32
    %dma_wait3A_1107 = tpu.memref_slice %arg4[%dma_wait3A_1098, %dma_wait3A_1105, %dma_wait3A_1106] : memref<3x625x64xf32, #tpu.memory_space<vmem>> -> memref<1x625x64xf32, #tpu.memory_space<vmem>>
    %dma_wait3A_1108 = tpu.memref_squeeze %dma_wait3A_1107 : memref<1x625x64xf32, #tpu.memory_space<vmem>> -> memref<625x64xf32, #tpu.memory_space<vmem>>
    %dma_wait3A_1109 = arith.constant 0 : i32
    %dma_wait3A_1110 = tpu.memref_slice %arg2[%add3A_1097, %dma_wait3A_1109] : memref<400000x64xf32, #tpu.memory_space<hbm>> -> memref<625x64xf32, #tpu.memory_space<hbm>>
    tpu.wait_dma2 semaphore(%arg5 : memref<!tpu.dma_semaphore, #tpu.memory_space<semaphore_mem>>) src(%dma_wait3A_1110 : memref<625x64xf32, #tpu.memory_space<hbm>>) dst(%dma_wait3A_1108 : memref<625x64xf32, #tpu.memory_space<vmem>>)
    %add3A_1111 = arith.constant 11250 : i32
    %add3A_1112 = arith.addi %mul3A_2, %add3A_1111 : i32
    %dma_start3A_1113 = arith.constant 0 : i32
    %dma_start3A_1114 = arith.constant 0 : i32
    %dma_start3A_1115 = arith.constant 0 : i32
    %dma_start3A_1116 = tpu.memref_slice %arg4[%dma_start3A_1113, %dma_start3A_1114, %dma_start3A_1115] : memref<3x625x64xf32, #tpu.memory_space<vmem>> -> memref<1x625x64xf32, #tpu.memory_space<vmem>>
    %dma_start3A_1117 = tpu.memref_squeeze %dma_start3A_1116 : memref<1x625x64xf32, #tpu.memory_space<vmem>> -> memref<625x64xf32, #tpu.memory_space<vmem>>
    %dma_start3A_1118 = arith.constant 0 : i32
    %dma_start3A_1119 = tpu.memref_slice %arg3[%add3A_1112, %dma_start3A_1118] : memref<400000x64xf32, #tpu.memory_space<hbm>> -> memref<625x64xf32, #tpu.memory_space<hbm>>
    %dma_start3A_1120 = arith.constant 0 : i32
    %dma_start3A_1121 = tpu.memref_slice %arg3[%add3A_1112, %dma_start3A_1120] : memref<400000x64xf32, #tpu.memory_space<hbm>> -> memref<625x64xf32, #tpu.memory_space<hbm>>
    %dma_start3A_1122 = arith.constant 0 : i32
    %dma_start3A_1123 = arith.constant 0 : i32
    %dma_start3A_1124 = tpu.memref_slice %arg4[%dma_start3A_1113, %dma_start3A_1122, %dma_start3A_1123] : memref<3x625x64xf32, #tpu.memory_space<vmem>> -> memref<1x625x64xf32, #tpu.memory_space<vmem>>
    %dma_start3A_1125 = tpu.memref_squeeze %dma_start3A_1124 : memref<1x625x64xf32, #tpu.memory_space<vmem>> -> memref<625x64xf32, #tpu.memory_space<vmem>>
    tpu.enqueue_dma source(%dma_start3A_1125 : memref<625x64xf32, #tpu.memory_space<vmem>>) target(%dma_start3A_1121 : memref<625x64xf32, #tpu.memory_space<hbm>>) target_semaphore(%arg6 : memref<!tpu.dma_semaphore, #tpu.memory_space<semaphore_mem>>)
    %add3A_1126 = arith.constant 11875 : i32
    %add3A_1127 = arith.addi %mul3A_2, %add3A_1126 : i32
    %dma_wait3A_1128 = arith.constant 1 : i32
    %dma_wait3A_1129 = arith.constant 0 : i32
    %dma_wait3A_1130 = arith.constant 0 : i32
    %dma_wait3A_1131 = tpu.memref_slice %arg4[%dma_wait3A_1128, %dma_wait3A_1129, %dma_wait3A_1130] : memref<3x625x64xf32, #tpu.memory_space<vmem>> -> memref<1x625x64xf32, #tpu.memory_space<vmem>>
    %dma_wait3A_1132 = tpu.memref_squeeze %dma_wait3A_1131 : memref<1x625x64xf32, #tpu.memory_space<vmem>> -> memref<625x64xf32, #tpu.memory_space<vmem>>
    %dma_wait3A_1133 = arith.constant 0 : i32
    %dma_wait3A_1134 = tpu.memref_slice %arg2[%add3A_1127, %dma_wait3A_1133] : memref<400000x64xf32, #tpu.memory_space<hbm>> -> memref<625x64xf32, #tpu.memory_space<hbm>>
    %dma_wait3A_1135 = arith.constant 0 : i32
    %dma_wait3A_1136 = arith.constant 0 : i32
    %dma_wait3A_1137 = tpu.memref_slice %arg4[%dma_wait3A_1128, %dma_wait3A_1135, %dma_wait3A_1136] : memref<3x625x64xf32, #tpu.memory_space<vmem>> -> memref<1x625x64xf32, #tpu.memory_space<vmem>>
    %dma_wait3A_1138 = tpu.memref_squeeze %dma_wait3A_1137 : memref<1x625x64xf32, #tpu.memory_space<vmem>> -> memref<625x64xf32, #tpu.memory_space<vmem>>
    %dma_wait3A_1139 = arith.constant 0 : i32
    %dma_wait3A_1140 = tpu.memref_slice %arg2[%add3A_1127, %dma_wait3A_1139] : memref<400000x64xf32, #tpu.memory_space<hbm>> -> memref<625x64xf32, #tpu.memory_space<hbm>>
    tpu.wait_dma2 semaphore(%arg5 : memref<!tpu.dma_semaphore, #tpu.memory_space<semaphore_mem>>) src(%dma_wait3A_1140 : memref<625x64xf32, #tpu.memory_space<hbm>>) dst(%dma_wait3A_1138 : memref<625x64xf32, #tpu.memory_space<vmem>>)
    %add3A_1141 = arith.constant 11875 : i32
    %add3A_1142 = arith.addi %mul3A_2, %add3A_1141 : i32
    %dma_start3A_1143 = arith.constant 1 : i32
    %dma_start3A_1144 = arith.constant 0 : i32
    %dma_start3A_1145 = arith.constant 0 : i32
    %dma_start3A_1146 = tpu.memref_slice %arg4[%dma_start3A_1143, %dma_start3A_1144, %dma_start3A_1145] : memref<3x625x64xf32, #tpu.memory_space<vmem>> -> memref<1x625x64xf32, #tpu.memory_space<vmem>>
    %dma_start3A_1147 = tpu.memref_squeeze %dma_start3A_1146 : memref<1x625x64xf32, #tpu.memory_space<vmem>> -> memref<625x64xf32, #tpu.memory_space<vmem>>
    %dma_start3A_1148 = arith.constant 0 : i32
    %dma_start3A_1149 = tpu.memref_slice %arg3[%add3A_1142, %dma_start3A_1148] : memref<400000x64xf32, #tpu.memory_space<hbm>> -> memref<625x64xf32, #tpu.memory_space<hbm>>
    %dma_start3A_1150 = arith.constant 0 : i32
    %dma_start3A_1151 = tpu.memref_slice %arg3[%add3A_1142, %dma_start3A_1150] : memref<400000x64xf32, #tpu.memory_space<hbm>> -> memref<625x64xf32, #tpu.memory_space<hbm>>
    %dma_start3A_1152 = arith.constant 0 : i32
    %dma_start3A_1153 = arith.constant 0 : i32
    %dma_start3A_1154 = tpu.memref_slice %arg4[%dma_start3A_1143, %dma_start3A_1152, %dma_start3A_1153] : memref<3x625x64xf32, #tpu.memory_space<vmem>> -> memref<1x625x64xf32, #tpu.memory_space<vmem>>
    %dma_start3A_1155 = tpu.memref_squeeze %dma_start3A_1154 : memref<1x625x64xf32, #tpu.memory_space<vmem>> -> memref<625x64xf32, #tpu.memory_space<vmem>>
    tpu.enqueue_dma source(%dma_start3A_1155 : memref<625x64xf32, #tpu.memory_space<vmem>>) target(%dma_start3A_1151 : memref<625x64xf32, #tpu.memory_space<hbm>>) target_semaphore(%arg6 : memref<!tpu.dma_semaphore, #tpu.memory_space<semaphore_mem>>)
    %add3A_1156 = arith.constant 10625 : i32
    %add3A_1157 = arith.addi %mul3A_2, %add3A_1156 : i32
    %dma_wait3A_1158 = arith.constant 2 : i32
    %dma_wait3A_1159 = arith.constant 0 : i32
    %dma_wait3A_1160 = arith.constant 0 : i32
    %dma_wait3A_1161 = tpu.memref_slice %arg4[%dma_wait3A_1158, %dma_wait3A_1159, %dma_wait3A_1160] : memref<3x625x64xf32, #tpu.memory_space<vmem>> -> memref<1x625x64xf32, #tpu.memory_space<vmem>>
    %dma_wait3A_1162 = tpu.memref_squeeze %dma_wait3A_1161 : memref<1x625x64xf32, #tpu.memory_space<vmem>> -> memref<625x64xf32, #tpu.memory_space<vmem>>
    %dma_wait3A_1163 = arith.constant 0 : i32
    %dma_wait3A_1164 = tpu.memref_slice %arg3[%add3A_1157, %dma_wait3A_1163] : memref<400000x64xf32, #tpu.memory_space<hbm>> -> memref<625x64xf32, #tpu.memory_space<hbm>>
    %dma_wait3A_1165 = arith.constant 0 : i32
    %dma_wait3A_1166 = tpu.memref_slice %arg3[%add3A_1157, %dma_wait3A_1165] : memref<400000x64xf32, #tpu.memory_space<hbm>> -> memref<625x64xf32, #tpu.memory_space<hbm>>
    %dma_wait3A_1167 = arith.constant 0 : i32
    %dma_wait3A_1168 = arith.constant 0 : i32
    %dma_wait3A_1169 = tpu.memref_slice %arg4[%dma_wait3A_1158, %dma_wait3A_1167, %dma_wait3A_1168] : memref<3x625x64xf32, #tpu.memory_space<vmem>> -> memref<1x625x64xf32, #tpu.memory_space<vmem>>
    %dma_wait3A_1170 = tpu.memref_squeeze %dma_wait3A_1169 : memref<1x625x64xf32, #tpu.memory_space<vmem>> -> memref<625x64xf32, #tpu.memory_space<vmem>>
    tpu.wait_dma2 semaphore(%arg6 : memref<!tpu.dma_semaphore, #tpu.memory_space<semaphore_mem>>) src(%dma_wait3A_1170 : memref<625x64xf32, #tpu.memory_space<vmem>>) dst(%dma_wait3A_1166 : memref<625x64xf32, #tpu.memory_space<hbm>>)
    %add3A_1171 = arith.constant 11250 : i32
    %add3A_1172 = arith.addi %mul3A_2, %add3A_1171 : i32
    %dma_wait3A_1173 = arith.constant 0 : i32
    %dma_wait3A_1174 = arith.constant 0 : i32
    %dma_wait3A_1175 = arith.constant 0 : i32
    %dma_wait3A_1176 = tpu.memref_slice %arg4[%dma_wait3A_1173, %dma_wait3A_1174, %dma_wait3A_1175] : memref<3x625x64xf32, #tpu.memory_space<vmem>> -> memref<1x625x64xf32, #tpu.memory_space<vmem>>
    %dma_wait3A_1177 = tpu.memref_squeeze %dma_wait3A_1176 : memref<1x625x64xf32, #tpu.memory_space<vmem>> -> memref<625x64xf32, #tpu.memory_space<vmem>>
    %dma_wait3A_1178 = arith.constant 0 : i32
    %dma_wait3A_1179 = tpu.memref_slice %arg3[%add3A_1172, %dma_wait3A_1178] : memref<400000x64xf32, #tpu.memory_space<hbm>> -> memref<625x64xf32, #tpu.memory_space<hbm>>
    %dma_wait3A_1180 = arith.constant 0 : i32
    %dma_wait3A_1181 = tpu.memref_slice %arg3[%add3A_1172, %dma_wait3A_1180] : memref<400000x64xf32, #tpu.memory_space<hbm>> -> memref<625x64xf32, #tpu.memory_space<hbm>>
    %dma_wait3A_1182 = arith.constant 0 : i32
    %dma_wait3A_1183 = arith.constant 0 : i32
    %dma_wait3A_1184 = tpu.memref_slice %arg4[%dma_wait3A_1173, %dma_wait3A_1182, %dma_wait3A_1183] : memref<3x625x64xf32, #tpu.memory_space<vmem>> -> memref<1x625x64xf32, #tpu.memory_space<vmem>>
    %dma_wait3A_1185 = tpu.memref_squeeze %dma_wait3A_1184 : memref<1x625x64xf32, #tpu.memory_space<vmem>> -> memref<625x64xf32, #tpu.memory_space<vmem>>
    tpu.wait_dma2 semaphore(%arg6 : memref<!tpu.dma_semaphore, #tpu.memory_space<semaphore_mem>>) src(%dma_wait3A_1185 : memref<625x64xf32, #tpu.memory_space<vmem>>) dst(%dma_wait3A_1181 : memref<625x64xf32, #tpu.memory_space<hbm>>)
    %add3A_1186 = arith.constant 11875 : i32
    %add3A_1187 = arith.addi %mul3A_2, %add3A_1186 : i32
    %dma_wait3A_1188 = arith.constant 1 : i32
    %dma_wait3A_1189 = arith.constant 0 : i32
    %dma_wait3A_1190 = arith.constant 0 : i32
    %dma_wait3A_1191 = tpu.memref_slice %arg4[%dma_wait3A_1188, %dma_wait3A_1189, %dma_wait3A_1190] : memref<3x625x64xf32, #tpu.memory_space<vmem>> -> memref<1x625x64xf32, #tpu.memory_space<vmem>>
    %dma_wait3A_1192 = tpu.memref_squeeze %dma_wait3A_1191 : memref<1x625x64xf32, #tpu.memory_space<vmem>> -> memref<625x64xf32, #tpu.memory_space<vmem>>
    %dma_wait3A_1193 = arith.constant 0 : i32
    %dma_wait3A_1194 = tpu.memref_slice %arg3[%add3A_1187, %dma_wait3A_1193] : memref<400000x64xf32, #tpu.memory_space<hbm>> -> memref<625x64xf32, #tpu.memory_space<hbm>>
    %dma_wait3A_1195 = arith.constant 0 : i32
    %dma_wait3A_1196 = tpu.memref_slice %arg3[%add3A_1187, %dma_wait3A_1195] : memref<400000x64xf32, #tpu.memory_space<hbm>> -> memref<625x64xf32, #tpu.memory_space<hbm>>
    %dma_wait3A_1197 = arith.constant 0 : i32
    %dma_wait3A_1198 = arith.constant 0 : i32
    %dma_wait3A_1199 = tpu.memref_slice %arg4[%dma_wait3A_1188, %dma_wait3A_1197, %dma_wait3A_1198] : memref<3x625x64xf32, #tpu.memory_space<vmem>> -> memref<1x625x64xf32, #tpu.memory_space<vmem>>
    %dma_wait3A_1200 = tpu.memref_squeeze %dma_wait3A_1199 : memref<1x625x64xf32, #tpu.memory_space<vmem>> -> memref<625x64xf32, #tpu.memory_space<vmem>>
    tpu.wait_dma2 semaphore(%arg6 : memref<!tpu.dma_semaphore, #tpu.memory_space<semaphore_mem>>) src(%dma_wait3A_1200 : memref<625x64xf32, #tpu.memory_space<vmem>>) dst(%dma_wait3A_1196 : memref<625x64xf32, #tpu.memory_space<hbm>>)
    return
  }
}

#map = affine_map<(d0, d1) -> (0, 0)>
module attributes {stable_mosaic.version = 14 : i64} {
  func.func @new_body(%arg0: i32, %arg1: i32, %arg2: memref<400000x64xf32, #tpu.memory_space<hbm>>, %arg3: memref<160x128xi32, #tpu.memory_space<hbm>>, %arg4: memref<400000x64xf32, #tpu.memory_space<hbm>>, %arg5: memref<400000x64xf32, #tpu.memory_space<hbm>>, %arg6: memref<8x128xi32, #tpu.memory_space<vmem>>, %arg7: memref<1024x64xf32, #tpu.memory_space<vmem>>, %arg8: memref<!tpu.dma_semaphore, #tpu.memory_space<semaphore_mem>>, %arg9: memref<!tpu.dma_semaphore, #tpu.memory_space<semaphore_mem>>) attributes {dimension_semantics = [#tpu.dimension_semantics<core_parallel>, #tpu.dimension_semantics<subcore_parallel>], iteration_bounds = array<i64: 2, 16>, scalar_prefetch = 0 : i64, scratch_operands = 4 : i64, tpu.core_type = #tpu.core_type<sc_vector_subcore>, window_params = [{transform_indices = #map}, {transform_indices = #map}, {transform_indices = #map}, {transform_indices = #map}]} {
    %eq3A = arith.constant 0 : i32
    %eq3A_0 = arith.cmpi eq, %arg0, %eq3A : i32
    %convert_element_type3A = arith.extui %eq3A_0 : i1 to i32
    %cond3A = arith.constant 0 : i32
    %cond3A_1 = arith.cmpi ne, %convert_element_type3A, %cond3A : i32
    scf.if %cond3A_1 {
      %mul3A = arith.constant 8 : i32
      %mul3A_7 = arith.muli %arg1, %mul3A : i32
      "tpu.region"() ({
        %run_scoped3A = tpu.sem_alloc : memref<!tpu.dma_semaphore, #tpu.memory_space<semaphore_mem>>
        %dma_start3A_1861 = arith.constant 0 : i32
        %dma_start3A_1862 = arith.constant 0 : i32
        %dma_start3A_1863 = tpu.memref_slice %arg6[%dma_start3A_1861, %dma_start3A_1862] : memref<8x128xi32, #tpu.memory_space<vmem>> -> memref<8x128xi32, #tpu.memory_space<vmem>>
        %dma_start3A_1864 = arith.constant 0 : i32
        %dma_start3A_1865 = tpu.memref_slice %arg3[%mul3A_7, %dma_start3A_1864] : memref<160x128xi32, #tpu.memory_space<hbm>> -> memref<8x128xi32, #tpu.memory_space<hbm>>
        %dma_start3A_1866 = arith.constant 0 : i32
        %dma_start3A_1867 = arith.constant 0 : i32
        %dma_start3A_1868 = tpu.memref_slice %arg6[%dma_start3A_1866, %dma_start3A_1867] : memref<8x128xi32, #tpu.memory_space<vmem>> -> memref<8x128xi32, #tpu.memory_space<vmem>>
        %dma_start3A_1869 = arith.constant 0 : i32
        %dma_start3A_1870 = tpu.memref_slice %arg3[%mul3A_7, %dma_start3A_1869] : memref<160x128xi32, #tpu.memory_space<hbm>> -> memref<8x128xi32, #tpu.memory_space<hbm>>
        tpu.enqueue_dma source(%dma_start3A_1870 : memref<8x128xi32, #tpu.memory_space<hbm>>) target(%dma_start3A_1868 : memref<8x128xi32, #tpu.memory_space<vmem>>) target_semaphore(%run_scoped3A : memref<!tpu.dma_semaphore, #tpu.memory_space<semaphore_mem>>)
        %dma_wait3A_1871 = arith.constant 0 : i32
        %dma_wait3A_1872 = arith.constant 0 : i32
        %dma_wait3A_1873 = tpu.memref_slice %arg6[%dma_wait3A_1871, %dma_wait3A_1872] : memref<8x128xi32, #tpu.memory_space<vmem>> -> memref<8x128xi32, #tpu.memory_space<vmem>>
        %dma_wait3A_1874 = arith.constant 0 : i32
        %dma_wait3A_1875 = tpu.memref_slice %arg3[%mul3A_7, %dma_wait3A_1874] : memref<160x128xi32, #tpu.memory_space<hbm>> -> memref<8x128xi32, #tpu.memory_space<hbm>>
        %dma_wait3A_1876 = arith.constant 0 : i32
        %dma_wait3A_1877 = arith.constant 0 : i32
        %dma_wait3A_1878 = tpu.memref_slice %arg6[%dma_wait3A_1876, %dma_wait3A_1877] : memref<8x128xi32, #tpu.memory_space<vmem>> -> memref<8x128xi32, #tpu.memory_space<vmem>>
        %dma_wait3A_1879 = arith.constant 0 : i32
        %dma_wait3A_1880 = tpu.memref_slice %arg3[%mul3A_7, %dma_wait3A_1879] : memref<160x128xi32, #tpu.memory_space<hbm>> -> memref<8x128xi32, #tpu.memory_space<hbm>>
        tpu.wait_dma2 semaphore(%run_scoped3A : memref<!tpu.dma_semaphore, #tpu.memory_space<semaphore_mem>>) src(%dma_wait3A_1880 : memref<8x128xi32, #tpu.memory_space<hbm>>) dst(%dma_wait3A_1878 : memref<8x128xi32, #tpu.memory_space<vmem>>)
        tpu.yield
      }) : () -> ()
      %get3A = arith.constant 0 : i32
      %get3A_8 = arith.index_cast %get3A : i32 to index
      %get3A_9 = arith.constant 0 : index
      %get3A_10 = tpu.vector_load %arg6[%get3A_8, %get3A_9] {strides = array<i32>} : memref<8x128xi32, #tpu.memory_space<vmem>>, vector<1x16xi32>,
      %get3A_11 = vector.shape_cast %get3A_10 : vector<1x16xi32> to vector<16xi32>
      %shift_right_arithmetic3A = arith.constant 3 : i32
      %shift_right_arithmetic3A_12 = vector.broadcast %shift_right_arithmetic3A : i32 to vector<16xi32>
      %shift_right_arithmetic3A_13 = arith.shrsi %get3A_11, %shift_right_arithmetic3A_12 : vector<16xi32>
      %shift_left3A = arith.constant 5 : i32
      %shift_left3A_14 = vector.broadcast %shift_left3A : i32 to vector<16xi32>
      %shift_left3A_15 = arith.shli %shift_right_arithmetic3A_13, %shift_left3A_14 : vector<16xi32>
      %and3A = arith.constant 7 : i32
      %and3A_16 = vector.broadcast %and3A : i32 to vector<16xi32>
      %and3A_17 = arith.andi %get3A_11, %and3A_16 : vector<16xi32>
      %shift_left3A_18 = arith.constant 1 : i32
      %shift_left3A_19 = vector.broadcast %shift_left3A_18 : i32 to vector<16xi32>
      %shift_left3A_20 = arith.shli %and3A_17, %shift_left3A_19 : vector<16xi32>
      %add3A = arith.addi %shift_left3A_15, %shift_left3A_20 : vector<16xi32>
      %swap3A = arith.constant 0 : i32
      %swap3A_21 = arith.index_cast %swap3A : i32 to index
      %swap3A_22 = arith.constant 0 : index
      %swap3A_23 = tpu.vector_load %arg6[%swap3A_21, %swap3A_22] {strides = array<i32>} : memref<8x128xi32, #tpu.memory_space<vmem>>, vector<1x16xi32>,
      %swap3A_24 = vector.shape_cast %swap3A_23 : vector<1x16xi32> to vector<16xi32>
      %swap3A_25 = vector.shape_cast %add3A : vector<16xi32> to vector<1x16xi32>
      tpu.vector_store %arg6[%swap3A_21, %swap3A_22], %swap3A_25 {strides = array<i32>} : memref<8x128xi32, #tpu.memory_space<vmem>>, vector<1x16xi32>,
      %get3A_26 = arith.constant 0 : i32
      %get3A_27 = arith.index_cast %get3A_26 : i32 to index
      %get3A_28 = arith.constant 16 : index
      %get3A_29 = tpu.vector_load %arg6[%get3A_27, %get3A_28] {strides = array<i32>} : memref<8x128xi32, #tpu.memory_space<vmem>>, vector<1x16xi32>,
      %get3A_30 = vector.shape_cast %get3A_29 : vector<1x16xi32> to vector<16xi32>
      %shift_right_arithmetic3A_31 = arith.constant 3 : i32
      %shift_right_arithmetic3A_32 = vector.broadcast %shift_right_arithmetic3A_31 : i32 to vector<16xi32>
      %shift_right_arithmetic3A_33 = arith.shrsi %get3A_30, %shift_right_arithmetic3A_32 : vector<16xi32>
      %shift_left3A_34 = arith.constant 5 : i32
      %shift_left3A_35 = vector.broadcast %shift_left3A_34 : i32 to vector<16xi32>
      %shift_left3A_36 = arith.shli %shift_right_arithmetic3A_33, %shift_left3A_35 : vector<16xi32>
      %and3A_37 = arith.constant 7 : i32
      %and3A_38 = vector.broadcast %and3A_37 : i32 to vector<16xi32>
      %and3A_39 = arith.andi %get3A_30, %and3A_38 : vector<16xi32>
      %shift_left3A_40 = arith.constant 1 : i32
      %shift_left3A_41 = vector.broadcast %shift_left3A_40 : i32 to vector<16xi32>
      %shift_left3A_42 = arith.shli %and3A_39, %shift_left3A_41 : vector<16xi32>
      %add3A_43 = arith.addi %shift_left3A_36, %shift_left3A_42 : vector<16xi32>
      %swap3A_44 = arith.constant 0 : i32
      %swap3A_45 = arith.index_cast %swap3A_44 : i32 to index
      %swap3A_46 = arith.constant 16 : index
      %swap3A_47 = tpu.vector_load %arg6[%swap3A_45, %swap3A_46] {strides = array<i32>} : memref<8x128xi32, #tpu.memory_space<vmem>>, vector<1x16xi32>,
      %swap3A_48 = vector.shape_cast %swap3A_47 : vector<1x16xi32> to vector<16xi32>
      %swap3A_49 = vector.shape_cast %add3A_43 : vector<16xi32> to vector<1x16xi32>
      tpu.vector_store %arg6[%swap3A_45, %swap3A_46], %swap3A_49 {strides = array<i32>} : memref<8x128xi32, #tpu.memory_space<vmem>>, vector<1x16xi32>,
      %get3A_50 = arith.constant 0 : i32
      %get3A_51 = arith.index_cast %get3A_50 : i32 to index
      %get3A_52 = arith.constant 32 : index
      %get3A_53 = tpu.vector_load %arg6[%get3A_51, %get3A_52] {strides = array<i32>} : memref<8x128xi32, #tpu.memory_space<vmem>>, vector<1x16xi32>,
      %get3A_54 = vector.shape_cast %get3A_53 : vector<1x16xi32> to vector<16xi32>
      %shift_right_arithmetic3A_55 = arith.constant 3 : i32
      %shift_right_arithmetic3A_56 = vector.broadcast %shift_right_arithmetic3A_55 : i32 to vector<16xi32>
      %shift_right_arithmetic3A_57 = arith.shrsi %get3A_54, %shift_right_arithmetic3A_56 : vector<16xi32>
      %shift_left3A_58 = arith.constant 5 : i32
      %shift_left3A_59 = vector.broadcast %shift_left3A_58 : i32 to vector<16xi32>
      %shift_left3A_60 = arith.shli %shift_right_arithmetic3A_57, %shift_left3A_59 : vector<16xi32>
      %and3A_61 = arith.constant 7 : i32
      %and3A_62 = vector.broadcast %and3A_61 : i32 to vector<16xi32>
      %and3A_63 = arith.andi %get3A_54, %and3A_62 : vector<16xi32>
      %shift_left3A_64 = arith.constant 1 : i32
      %shift_left3A_65 = vector.broadcast %shift_left3A_64 : i32 to vector<16xi32>
      %shift_left3A_66 = arith.shli %and3A_63, %shift_left3A_65 : vector<16xi32>
      %add3A_67 = arith.addi %shift_left3A_60, %shift_left3A_66 : vector<16xi32>
      %swap3A_68 = arith.constant 0 : i32
      %swap3A_69 = arith.index_cast %swap3A_68 : i32 to index
      %swap3A_70 = arith.constant 32 : index
      %swap3A_71 = tpu.vector_load %arg6[%swap3A_69, %swap3A_70] {strides = array<i32>} : memref<8x128xi32, #tpu.memory_space<vmem>>, vector<1x16xi32>,
      %swap3A_72 = vector.shape_cast %swap3A_71 : vector<1x16xi32> to vector<16xi32>
      %swap3A_73 = vector.shape_cast %add3A_67 : vector<16xi32> to vector<1x16xi32>
      tpu.vector_store %arg6[%swap3A_69, %swap3A_70], %swap3A_73 {strides = array<i32>} : memref<8x128xi32, #tpu.memory_space<vmem>>, vector<1x16xi32>,
      %get3A_74 = arith.constant 0 : i32
      %get3A_75 = arith.index_cast %get3A_74 : i32 to index
      %get3A_76 = arith.constant 48 : index
      %get3A_77 = tpu.vector_load %arg6[%get3A_75, %get3A_76] {strides = array<i32>} : memref<8x128xi32, #tpu.memory_space<vmem>>, vector<1x16xi32>,
      %get3A_78 = vector.shape_cast %get3A_77 : vector<1x16xi32> to vector<16xi32>
      %shift_right_arithmetic3A_79 = arith.constant 3 : i32
      %shift_right_arithmetic3A_80 = vector.broadcast %shift_right_arithmetic3A_79 : i32 to vector<16xi32>
      %shift_right_arithmetic3A_81 = arith.shrsi %get3A_78, %shift_right_arithmetic3A_80 : vector<16xi32>
      %shift_left3A_82 = arith.constant 5 : i32
      %shift_left3A_83 = vector.broadcast %shift_left3A_82 : i32 to vector<16xi32>
      %shift_left3A_84 = arith.shli %shift_right_arithmetic3A_81, %shift_left3A_83 : vector<16xi32>
      %and3A_85 = arith.constant 7 : i32
      %and3A_86 = vector.broadcast %and3A_85 : i32 to vector<16xi32>
      %and3A_87 = arith.andi %get3A_78, %and3A_86 : vector<16xi32>
      %shift_left3A_88 = arith.constant 1 : i32
      %shift_left3A_89 = vector.broadcast %shift_left3A_88 : i32 to vector<16xi32>
      %shift_left3A_90 = arith.shli %and3A_87, %shift_left3A_89 : vector<16xi32>
      %add3A_91 = arith.addi %shift_left3A_84, %shift_left3A_90 : vector<16xi32>
      %swap3A_92 = arith.constant 0 : i32
      %swap3A_93 = arith.index_cast %swap3A_92 : i32 to index
      %swap3A_94 = arith.constant 48 : index
      %swap3A_95 = tpu.vector_load %arg6[%swap3A_93, %swap3A_94] {strides = array<i32>} : memref<8x128xi32, #tpu.memory_space<vmem>>, vector<1x16xi32>,
      %swap3A_96 = vector.shape_cast %swap3A_95 : vector<1x16xi32> to vector<16xi32>
      %swap3A_97 = vector.shape_cast %add3A_91 : vector<16xi32> to vector<1x16xi32>
      tpu.vector_store %arg6[%swap3A_93, %swap3A_94], %swap3A_97 {strides = array<i32>} : memref<8x128xi32, #tpu.memory_space<vmem>>, vector<1x16xi32>,
      %get3A_98 = arith.constant 0 : i32
      %get3A_99 = arith.index_cast %get3A_98 : i32 to index
      %get3A_100 = arith.constant 64 : index
      %get3A_101 = tpu.vector_load %arg6[%get3A_99, %get3A_100] {strides = array<i32>} : memref<8x128xi32, #tpu.memory_space<vmem>>, vector<1x16xi32>,
      %get3A_102 = vector.shape_cast %get3A_101 : vector<1x16xi32> to vector<16xi32>
      %shift_right_arithmetic3A_103 = arith.constant 3 : i32
      %shift_right_arithmetic3A_104 = vector.broadcast %shift_right_arithmetic3A_103 : i32 to vector<16xi32>
      %shift_right_arithmetic3A_105 = arith.shrsi %get3A_102, %shift_right_arithmetic3A_104 : vector<16xi32>
      %shift_left3A_106 = arith.constant 5 : i32
      %shift_left3A_107 = vector.broadcast %shift_left3A_106 : i32 to vector<16xi32>
      %shift_left3A_108 = arith.shli %shift_right_arithmetic3A_105, %shift_left3A_107 : vector<16xi32>
      %and3A_109 = arith.constant 7 : i32
      %and3A_110 = vector.broadcast %and3A_109 : i32 to vector<16xi32>
      %and3A_111 = arith.andi %get3A_102, %and3A_110 : vector<16xi32>
      %shift_left3A_112 = arith.constant 1 : i32
      %shift_left3A_113 = vector.broadcast %shift_left3A_112 : i32 to vector<16xi32>
      %shift_left3A_114 = arith.shli %and3A_111, %shift_left3A_113 : vector<16xi32>
      %add3A_115 = arith.addi %shift_left3A_108, %shift_left3A_114 : vector<16xi32>
      %swap3A_116 = arith.constant 0 : i32
      %swap3A_117 = arith.index_cast %swap3A_116 : i32 to index
      %swap3A_118 = arith.constant 64 : index
      %swap3A_119 = tpu.vector_load %arg6[%swap3A_117, %swap3A_118] {strides = array<i32>} : memref<8x128xi32, #tpu.memory_space<vmem>>, vector<1x16xi32>,
      %swap3A_120 = vector.shape_cast %swap3A_119 : vector<1x16xi32> to vector<16xi32>
      %swap3A_121 = vector.shape_cast %add3A_115 : vector<16xi32> to vector<1x16xi32>
      tpu.vector_store %arg6[%swap3A_117, %swap3A_118], %swap3A_121 {strides = array<i32>} : memref<8x128xi32, #tpu.memory_space<vmem>>, vector<1x16xi32>,
      %get3A_122 = arith.constant 0 : i32
      %get3A_123 = arith.index_cast %get3A_122 : i32 to index
      %get3A_124 = arith.constant 80 : index
      %get3A_125 = tpu.vector_load %arg6[%get3A_123, %get3A_124] {strides = array<i32>} : memref<8x128xi32, #tpu.memory_space<vmem>>, vector<1x16xi32>,
      %get3A_126 = vector.shape_cast %get3A_125 : vector<1x16xi32> to vector<16xi32>
      %shift_right_arithmetic3A_127 = arith.constant 3 : i32
      %shift_right_arithmetic3A_128 = vector.broadcast %shift_right_arithmetic3A_127 : i32 to vector<16xi32>
      %shift_right_arithmetic3A_129 = arith.shrsi %get3A_126, %shift_right_arithmetic3A_128 : vector<16xi32>
      %shift_left3A_130 = arith.constant 5 : i32
      %shift_left3A_131 = vector.broadcast %shift_left3A_130 : i32 to vector<16xi32>
      %shift_left3A_132 = arith.shli %shift_right_arithmetic3A_129, %shift_left3A_131 : vector<16xi32>
      %and3A_133 = arith.constant 7 : i32
      %and3A_134 = vector.broadcast %and3A_133 : i32 to vector<16xi32>
      %and3A_135 = arith.andi %get3A_126, %and3A_134 : vector<16xi32>
      %shift_left3A_136 = arith.constant 1 : i32
      %shift_left3A_137 = vector.broadcast %shift_left3A_136 : i32 to vector<16xi32>
      %shift_left3A_138 = arith.shli %and3A_135, %shift_left3A_137 : vector<16xi32>
      %add3A_139 = arith.addi %shift_left3A_132, %shift_left3A_138 : vector<16xi32>
      %swap3A_140 = arith.constant 0 : i32
      %swap3A_141 = arith.index_cast %swap3A_140 : i32 to index
      %swap3A_142 = arith.constant 80 : index
      %swap3A_143 = tpu.vector_load %arg6[%swap3A_141, %swap3A_142] {strides = array<i32>} : memref<8x128xi32, #tpu.memory_space<vmem>>, vector<1x16xi32>,
      %swap3A_144 = vector.shape_cast %swap3A_143 : vector<1x16xi32> to vector<16xi32>
      %swap3A_145 = vector.shape_cast %add3A_139 : vector<16xi32> to vector<1x16xi32>
      tpu.vector_store %arg6[%swap3A_141, %swap3A_142], %swap3A_145 {strides = array<i32>} : memref<8x128xi32, #tpu.memory_space<vmem>>, vector<1x16xi32>,
      %get3A_146 = arith.constant 0 : i32
      %get3A_147 = arith.index_cast %get3A_146 : i32 to index
      %get3A_148 = arith.constant 96 : index
      %get3A_149 = tpu.vector_load %arg6[%get3A_147, %get3A_148] {strides = array<i32>} : memref<8x128xi32, #tpu.memory_space<vmem>>, vector<1x16xi32>,
      %get3A_150 = vector.shape_cast %get3A_149 : vector<1x16xi32> to vector<16xi32>
      %shift_right_arithmetic3A_151 = arith.constant 3 : i32
      %shift_right_arithmetic3A_152 = vector.broadcast %shift_right_arithmetic3A_151 : i32 to vector<16xi32>
      %shift_right_arithmetic3A_153 = arith.shrsi %get3A_150, %shift_right_arithmetic3A_152 : vector<16xi32>
      %shift_left3A_154 = arith.constant 5 : i32
      %shift_left3A_155 = vector.broadcast %shift_left3A_154 : i32 to vector<16xi32>
      %shift_left3A_156 = arith.shli %shift_right_arithmetic3A_153, %shift_left3A_155 : vector<16xi32>
      %and3A_157 = arith.constant 7 : i32
      %and3A_158 = vector.broadcast %and3A_157 : i32 to vector<16xi32>
      %and3A_159 = arith.andi %get3A_150, %and3A_158 : vector<16xi32>
      %shift_left3A_160 = arith.constant 1 : i32
      %shift_left3A_161 = vector.broadcast %shift_left3A_160 : i32 to vector<16xi32>
      %shift_left3A_162 = arith.shli %and3A_159, %shift_left3A_161 : vector<16xi32>
      %add3A_163 = arith.addi %shift_left3A_156, %shift_left3A_162 : vector<16xi32>
      %swap3A_164 = arith.constant 0 : i32
      %swap3A_165 = arith.index_cast %swap3A_164 : i32 to index
      %swap3A_166 = arith.constant 96 : index
      %swap3A_167 = tpu.vector_load %arg6[%swap3A_165, %swap3A_166] {strides = array<i32>} : memref<8x128xi32, #tpu.memory_space<vmem>>, vector<1x16xi32>,
      %swap3A_168 = vector.shape_cast %swap3A_167 : vector<1x16xi32> to vector<16xi32>
      %swap3A_169 = vector.shape_cast %add3A_163 : vector<16xi32> to vector<1x16xi32>
      tpu.vector_store %arg6[%swap3A_165, %swap3A_166], %swap3A_169 {strides = array<i32>} : memref<8x128xi32, #tpu.memory_space<vmem>>, vector<1x16xi32>,
      %get3A_170 = arith.constant 0 : i32
      %get3A_171 = arith.index_cast %get3A_170 : i32 to index
      %get3A_172 = arith.constant 112 : index
      %get3A_173 = tpu.vector_load %arg6[%get3A_171, %get3A_172] {strides = array<i32>} : memref<8x128xi32, #tpu.memory_space<vmem>>, vector<1x16xi32>,
      %get3A_174 = vector.shape_cast %get3A_173 : vector<1x16xi32> to vector<16xi32>
      %shift_right_arithmetic3A_175 = arith.constant 3 : i32
      %shift_right_arithmetic3A_176 = vector.broadcast %shift_right_arithmetic3A_175 : i32 to vector<16xi32>
      %shift_right_arithmetic3A_177 = arith.shrsi %get3A_174, %shift_right_arithmetic3A_176 : vector<16xi32>
      %shift_left3A_178 = arith.constant 5 : i32
      %shift_left3A_179 = vector.broadcast %shift_left3A_178 : i32 to vector<16xi32>
      %shift_left3A_180 = arith.shli %shift_right_arithmetic3A_177, %shift_left3A_179 : vector<16xi32>
      %and3A_181 = arith.constant 7 : i32
      %and3A_182 = vector.broadcast %and3A_181 : i32 to vector<16xi32>
      %and3A_183 = arith.andi %get3A_174, %and3A_182 : vector<16xi32>
      %shift_left3A_184 = arith.constant 1 : i32
      %shift_left3A_185 = vector.broadcast %shift_left3A_184 : i32 to vector<16xi32>
      %shift_left3A_186 = arith.shli %and3A_183, %shift_left3A_185 : vector<16xi32>
      %add3A_187 = arith.addi %shift_left3A_180, %shift_left3A_186 : vector<16xi32>
      %swap3A_188 = arith.constant 0 : i32
      %swap3A_189 = arith.index_cast %swap3A_188 : i32 to index
      %swap3A_190 = arith.constant 112 : index
      %swap3A_191 = tpu.vector_load %arg6[%swap3A_189, %swap3A_190] {strides = array<i32>} : memref<8x128xi32, #tpu.memory_space<vmem>>, vector<1x16xi32>,
      %swap3A_192 = vector.shape_cast %swap3A_191 : vector<1x16xi32> to vector<16xi32>
      %swap3A_193 = vector.shape_cast %add3A_187 : vector<16xi32> to vector<1x16xi32>
      tpu.vector_store %arg6[%swap3A_189, %swap3A_190], %swap3A_193 {strides = array<i32>} : memref<8x128xi32, #tpu.memory_space<vmem>>, vector<1x16xi32>,
      %get3A_194 = arith.constant 1 : i32
      %get3A_195 = arith.index_cast %get3A_194 : i32 to index
      %get3A_196 = arith.constant 0 : index
      %get3A_197 = tpu.vector_load %arg6[%get3A_195, %get3A_196] {strides = array<i32>} : memref<8x128xi32, #tpu.memory_space<vmem>>, vector<1x16xi32>,
      %get3A_198 = vector.shape_cast %get3A_197 : vector<1x16xi32> to vector<16xi32>
      %shift_right_arithmetic3A_199 = arith.constant 3 : i32
      %shift_right_arithmetic3A_200 = vector.broadcast %shift_right_arithmetic3A_199 : i32 to vector<16xi32>
      %shift_right_arithmetic3A_201 = arith.shrsi %get3A_198, %shift_right_arithmetic3A_200 : vector<16xi32>
      %shift_left3A_202 = arith.constant 5 : i32
      %shift_left3A_203 = vector.broadcast %shift_left3A_202 : i32 to vector<16xi32>
      %shift_left3A_204 = arith.shli %shift_right_arithmetic3A_201, %shift_left3A_203 : vector<16xi32>
      %and3A_205 = arith.constant 7 : i32
      %and3A_206 = vector.broadcast %and3A_205 : i32 to vector<16xi32>
      %and3A_207 = arith.andi %get3A_198, %and3A_206 : vector<16xi32>
      %shift_left3A_208 = arith.constant 1 : i32
      %shift_left3A_209 = vector.broadcast %shift_left3A_208 : i32 to vector<16xi32>
      %shift_left3A_210 = arith.shli %and3A_207, %shift_left3A_209 : vector<16xi32>
      %add3A_211 = arith.addi %shift_left3A_204, %shift_left3A_210 : vector<16xi32>
      %swap3A_212 = arith.constant 1 : i32
      %swap3A_213 = arith.index_cast %swap3A_212 : i32 to index
      %swap3A_214 = arith.constant 0 : index
      %swap3A_215 = tpu.vector_load %arg6[%swap3A_213, %swap3A_214] {strides = array<i32>} : memref<8x128xi32, #tpu.memory_space<vmem>>, vector<1x16xi32>,
      %swap3A_216 = vector.shape_cast %swap3A_215 : vector<1x16xi32> to vector<16xi32>
      %swap3A_217 = vector.shape_cast %add3A_211 : vector<16xi32> to vector<1x16xi32>
      tpu.vector_store %arg6[%swap3A_213, %swap3A_214], %swap3A_217 {strides = array<i32>} : memref<8x128xi32, #tpu.memory_space<vmem>>, vector<1x16xi32>,
      %get3A_218 = arith.constant 1 : i32
      %get3A_219 = arith.index_cast %get3A_218 : i32 to index
      %get3A_220 = arith.constant 16 : index
      %get3A_221 = tpu.vector_load %arg6[%get3A_219, %get3A_220] {strides = array<i32>} : memref<8x128xi32, #tpu.memory_space<vmem>>, vector<1x16xi32>,
      %get3A_222 = vector.shape_cast %get3A_221 : vector<1x16xi32> to vector<16xi32>
      %shift_right_arithmetic3A_223 = arith.constant 3 : i32
      %shift_right_arithmetic3A_224 = vector.broadcast %shift_right_arithmetic3A_223 : i32 to vector<16xi32>
      %shift_right_arithmetic3A_225 = arith.shrsi %get3A_222, %shift_right_arithmetic3A_224 : vector<16xi32>
      %shift_left3A_226 = arith.constant 5 : i32
      %shift_left3A_227 = vector.broadcast %shift_left3A_226 : i32 to vector<16xi32>
      %shift_left3A_228 = arith.shli %shift_right_arithmetic3A_225, %shift_left3A_227 : vector<16xi32>
      %and3A_229 = arith.constant 7 : i32
      %and3A_230 = vector.broadcast %and3A_229 : i32 to vector<16xi32>
      %and3A_231 = arith.andi %get3A_222, %and3A_230 : vector<16xi32>
      %shift_left3A_232 = arith.constant 1 : i32
      %shift_left3A_233 = vector.broadcast %shift_left3A_232 : i32 to vector<16xi32>
      %shift_left3A_234 = arith.shli %and3A_231, %shift_left3A_233 : vector<16xi32>
      %add3A_235 = arith.addi %shift_left3A_228, %shift_left3A_234 : vector<16xi32>
      %swap3A_236 = arith.constant 1 : i32
      %swap3A_237 = arith.index_cast %swap3A_236 : i32 to index
      %swap3A_238 = arith.constant 16 : index
      %swap3A_239 = tpu.vector_load %arg6[%swap3A_237, %swap3A_238] {strides = array<i32>} : memref<8x128xi32, #tpu.memory_space<vmem>>, vector<1x16xi32>,
      %swap3A_240 = vector.shape_cast %swap3A_239 : vector<1x16xi32> to vector<16xi32>
      %swap3A_241 = vector.shape_cast %add3A_235 : vector<16xi32> to vector<1x16xi32>
      tpu.vector_store %arg6[%swap3A_237, %swap3A_238], %swap3A_241 {strides = array<i32>} : memref<8x128xi32, #tpu.memory_space<vmem>>, vector<1x16xi32>,
      %get3A_242 = arith.constant 1 : i32
      %get3A_243 = arith.index_cast %get3A_242 : i32 to index
      %get3A_244 = arith.constant 32 : index
      %get3A_245 = tpu.vector_load %arg6[%get3A_243, %get3A_244] {strides = array<i32>} : memref<8x128xi32, #tpu.memory_space<vmem>>, vector<1x16xi32>,
      %get3A_246 = vector.shape_cast %get3A_245 : vector<1x16xi32> to vector<16xi32>
      %shift_right_arithmetic3A_247 = arith.constant 3 : i32
      %shift_right_arithmetic3A_248 = vector.broadcast %shift_right_arithmetic3A_247 : i32 to vector<16xi32>
      %shift_right_arithmetic3A_249 = arith.shrsi %get3A_246, %shift_right_arithmetic3A_248 : vector<16xi32>
      %shift_left3A_250 = arith.constant 5 : i32
      %shift_left3A_251 = vector.broadcast %shift_left3A_250 : i32 to vector<16xi32>
      %shift_left3A_252 = arith.shli %shift_right_arithmetic3A_249, %shift_left3A_251 : vector<16xi32>
      %and3A_253 = arith.constant 7 : i32
      %and3A_254 = vector.broadcast %and3A_253 : i32 to vector<16xi32>
      %and3A_255 = arith.andi %get3A_246, %and3A_254 : vector<16xi32>
      %shift_left3A_256 = arith.constant 1 : i32
      %shift_left3A_257 = vector.broadcast %shift_left3A_256 : i32 to vector<16xi32>
      %shift_left3A_258 = arith.shli %and3A_255, %shift_left3A_257 : vector<16xi32>
      %add3A_259 = arith.addi %shift_left3A_252, %shift_left3A_258 : vector<16xi32>
      %swap3A_260 = arith.constant 1 : i32
      %swap3A_261 = arith.index_cast %swap3A_260 : i32 to index
      %swap3A_262 = arith.constant 32 : index
      %swap3A_263 = tpu.vector_load %arg6[%swap3A_261, %swap3A_262] {strides = array<i32>} : memref<8x128xi32, #tpu.memory_space<vmem>>, vector<1x16xi32>,
      %swap3A_264 = vector.shape_cast %swap3A_263 : vector<1x16xi32> to vector<16xi32>
      %swap3A_265 = vector.shape_cast %add3A_259 : vector<16xi32> to vector<1x16xi32>
      tpu.vector_store %arg6[%swap3A_261, %swap3A_262], %swap3A_265 {strides = array<i32>} : memref<8x128xi32, #tpu.memory_space<vmem>>, vector<1x16xi32>,
      %get3A_266 = arith.constant 1 : i32
      %get3A_267 = arith.index_cast %get3A_266 : i32 to index
      %get3A_268 = arith.constant 48 : index
      %get3A_269 = tpu.vector_load %arg6[%get3A_267, %get3A_268] {strides = array<i32>} : memref<8x128xi32, #tpu.memory_space<vmem>>, vector<1x16xi32>,
      %get3A_270 = vector.shape_cast %get3A_269 : vector<1x16xi32> to vector<16xi32>
      %shift_right_arithmetic3A_271 = arith.constant 3 : i32
      %shift_right_arithmetic3A_272 = vector.broadcast %shift_right_arithmetic3A_271 : i32 to vector<16xi32>
      %shift_right_arithmetic3A_273 = arith.shrsi %get3A_270, %shift_right_arithmetic3A_272 : vector<16xi32>
      %shift_left3A_274 = arith.constant 5 : i32
      %shift_left3A_275 = vector.broadcast %shift_left3A_274 : i32 to vector<16xi32>
      %shift_left3A_276 = arith.shli %shift_right_arithmetic3A_273, %shift_left3A_275 : vector<16xi32>
      %and3A_277 = arith.constant 7 : i32
      %and3A_278 = vector.broadcast %and3A_277 : i32 to vector<16xi32>
      %and3A_279 = arith.andi %get3A_270, %and3A_278 : vector<16xi32>
      %shift_left3A_280 = arith.constant 1 : i32
      %shift_left3A_281 = vector.broadcast %shift_left3A_280 : i32 to vector<16xi32>
      %shift_left3A_282 = arith.shli %and3A_279, %shift_left3A_281 : vector<16xi32>
      %add3A_283 = arith.addi %shift_left3A_276, %shift_left3A_282 : vector<16xi32>
      %swap3A_284 = arith.constant 1 : i32
      %swap3A_285 = arith.index_cast %swap3A_284 : i32 to index
      %swap3A_286 = arith.constant 48 : index
      %swap3A_287 = tpu.vector_load %arg6[%swap3A_285, %swap3A_286] {strides = array<i32>} : memref<8x128xi32, #tpu.memory_space<vmem>>, vector<1x16xi32>,
      %swap3A_288 = vector.shape_cast %swap3A_287 : vector<1x16xi32> to vector<16xi32>
      %swap3A_289 = vector.shape_cast %add3A_283 : vector<16xi32> to vector<1x16xi32>
      tpu.vector_store %arg6[%swap3A_285, %swap3A_286], %swap3A_289 {strides = array<i32>} : memref<8x128xi32, #tpu.memory_space<vmem>>, vector<1x16xi32>,
      %get3A_290 = arith.constant 1 : i32
      %get3A_291 = arith.index_cast %get3A_290 : i32 to index
      %get3A_292 = arith.constant 64 : index
      %get3A_293 = tpu.vector_load %arg6[%get3A_291, %get3A_292] {strides = array<i32>} : memref<8x128xi32, #tpu.memory_space<vmem>>, vector<1x16xi32>,
      %get3A_294 = vector.shape_cast %get3A_293 : vector<1x16xi32> to vector<16xi32>
      %shift_right_arithmetic3A_295 = arith.constant 3 : i32
      %shift_right_arithmetic3A_296 = vector.broadcast %shift_right_arithmetic3A_295 : i32 to vector<16xi32>
      %shift_right_arithmetic3A_297 = arith.shrsi %get3A_294, %shift_right_arithmetic3A_296 : vector<16xi32>
      %shift_left3A_298 = arith.constant 5 : i32
      %shift_left3A_299 = vector.broadcast %shift_left3A_298 : i32 to vector<16xi32>
      %shift_left3A_300 = arith.shli %shift_right_arithmetic3A_297, %shift_left3A_299 : vector<16xi32>
      %and3A_301 = arith.constant 7 : i32
      %and3A_302 = vector.broadcast %and3A_301 : i32 to vector<16xi32>
      %and3A_303 = arith.andi %get3A_294, %and3A_302 : vector<16xi32>
      %shift_left3A_304 = arith.constant 1 : i32
      %shift_left3A_305 = vector.broadcast %shift_left3A_304 : i32 to vector<16xi32>
      %shift_left3A_306 = arith.shli %and3A_303, %shift_left3A_305 : vector<16xi32>
      %add3A_307 = arith.addi %shift_left3A_300, %shift_left3A_306 : vector<16xi32>
      %swap3A_308 = arith.constant 1 : i32
      %swap3A_309 = arith.index_cast %swap3A_308 : i32 to index
      %swap3A_310 = arith.constant 64 : index
      %swap3A_311 = tpu.vector_load %arg6[%swap3A_309, %swap3A_310] {strides = array<i32>} : memref<8x128xi32, #tpu.memory_space<vmem>>, vector<1x16xi32>,
      %swap3A_312 = vector.shape_cast %swap3A_311 : vector<1x16xi32> to vector<16xi32>
      %swap3A_313 = vector.shape_cast %add3A_307 : vector<16xi32> to vector<1x16xi32>
      tpu.vector_store %arg6[%swap3A_309, %swap3A_310], %swap3A_313 {strides = array<i32>} : memref<8x128xi32, #tpu.memory_space<vmem>>, vector<1x16xi32>,
      %get3A_314 = arith.constant 1 : i32
      %get3A_315 = arith.index_cast %get3A_314 : i32 to index
      %get3A_316 = arith.constant 80 : index
      %get3A_317 = tpu.vector_load %arg6[%get3A_315, %get3A_316] {strides = array<i32>} : memref<8x128xi32, #tpu.memory_space<vmem>>, vector<1x16xi32>,
      %get3A_318 = vector.shape_cast %get3A_317 : vector<1x16xi32> to vector<16xi32>
      %shift_right_arithmetic3A_319 = arith.constant 3 : i32
      %shift_right_arithmetic3A_320 = vector.broadcast %shift_right_arithmetic3A_319 : i32 to vector<16xi32>
      %shift_right_arithmetic3A_321 = arith.shrsi %get3A_318, %shift_right_arithmetic3A_320 : vector<16xi32>
      %shift_left3A_322 = arith.constant 5 : i32
      %shift_left3A_323 = vector.broadcast %shift_left3A_322 : i32 to vector<16xi32>
      %shift_left3A_324 = arith.shli %shift_right_arithmetic3A_321, %shift_left3A_323 : vector<16xi32>
      %and3A_325 = arith.constant 7 : i32
      %and3A_326 = vector.broadcast %and3A_325 : i32 to vector<16xi32>
      %and3A_327 = arith.andi %get3A_318, %and3A_326 : vector<16xi32>
      %shift_left3A_328 = arith.constant 1 : i32
      %shift_left3A_329 = vector.broadcast %shift_left3A_328 : i32 to vector<16xi32>
      %shift_left3A_330 = arith.shli %and3A_327, %shift_left3A_329 : vector<16xi32>
      %add3A_331 = arith.addi %shift_left3A_324, %shift_left3A_330 : vector<16xi32>
      %swap3A_332 = arith.constant 1 : i32
      %swap3A_333 = arith.index_cast %swap3A_332 : i32 to index
      %swap3A_334 = arith.constant 80 : index
      %swap3A_335 = tpu.vector_load %arg6[%swap3A_333, %swap3A_334] {strides = array<i32>} : memref<8x128xi32, #tpu.memory_space<vmem>>, vector<1x16xi32>,
      %swap3A_336 = vector.shape_cast %swap3A_335 : vector<1x16xi32> to vector<16xi32>
      %swap3A_337 = vector.shape_cast %add3A_331 : vector<16xi32> to vector<1x16xi32>
      tpu.vector_store %arg6[%swap3A_333, %swap3A_334], %swap3A_337 {strides = array<i32>} : memref<8x128xi32, #tpu.memory_space<vmem>>, vector<1x16xi32>,
      %get3A_338 = arith.constant 1 : i32
      %get3A_339 = arith.index_cast %get3A_338 : i32 to index
      %get3A_340 = arith.constant 96 : index
      %get3A_341 = tpu.vector_load %arg6[%get3A_339, %get3A_340] {strides = array<i32>} : memref<8x128xi32, #tpu.memory_space<vmem>>, vector<1x16xi32>,
      %get3A_342 = vector.shape_cast %get3A_341 : vector<1x16xi32> to vector<16xi32>
      %shift_right_arithmetic3A_343 = arith.constant 3 : i32
      %shift_right_arithmetic3A_344 = vector.broadcast %shift_right_arithmetic3A_343 : i32 to vector<16xi32>
      %shift_right_arithmetic3A_345 = arith.shrsi %get3A_342, %shift_right_arithmetic3A_344 : vector<16xi32>
      %shift_left3A_346 = arith.constant 5 : i32
      %shift_left3A_347 = vector.broadcast %shift_left3A_346 : i32 to vector<16xi32>
      %shift_left3A_348 = arith.shli %shift_right_arithmetic3A_345, %shift_left3A_347 : vector<16xi32>
      %and3A_349 = arith.constant 7 : i32
      %and3A_350 = vector.broadcast %and3A_349 : i32 to vector<16xi32>
      %and3A_351 = arith.andi %get3A_342, %and3A_350 : vector<16xi32>
      %shift_left3A_352 = arith.constant 1 : i32
      %shift_left3A_353 = vector.broadcast %shift_left3A_352 : i32 to vector<16xi32>
      %shift_left3A_354 = arith.shli %and3A_351, %shift_left3A_353 : vector<16xi32>
      %add3A_355 = arith.addi %shift_left3A_348, %shift_left3A_354 : vector<16xi32>
      %swap3A_356 = arith.constant 1 : i32
      %swap3A_357 = arith.index_cast %swap3A_356 : i32 to index
      %swap3A_358 = arith.constant 96 : index
      %swap3A_359 = tpu.vector_load %arg6[%swap3A_357, %swap3A_358] {strides = array<i32>} : memref<8x128xi32, #tpu.memory_space<vmem>>, vector<1x16xi32>,
      %swap3A_360 = vector.shape_cast %swap3A_359 : vector<1x16xi32> to vector<16xi32>
      %swap3A_361 = vector.shape_cast %add3A_355 : vector<16xi32> to vector<1x16xi32>
      tpu.vector_store %arg6[%swap3A_357, %swap3A_358], %swap3A_361 {strides = array<i32>} : memref<8x128xi32, #tpu.memory_space<vmem>>, vector<1x16xi32>,
      %get3A_362 = arith.constant 1 : i32
      %get3A_363 = arith.index_cast %get3A_362 : i32 to index
      %get3A_364 = arith.constant 112 : index
      %get3A_365 = tpu.vector_load %arg6[%get3A_363, %get3A_364] {strides = array<i32>} : memref<8x128xi32, #tpu.memory_space<vmem>>, vector<1x16xi32>,
      %get3A_366 = vector.shape_cast %get3A_365 : vector<1x16xi32> to vector<16xi32>
      %shift_right_arithmetic3A_367 = arith.constant 3 : i32
      %shift_right_arithmetic3A_368 = vector.broadcast %shift_right_arithmetic3A_367 : i32 to vector<16xi32>
      %shift_right_arithmetic3A_369 = arith.shrsi %get3A_366, %shift_right_arithmetic3A_368 : vector<16xi32>
      %shift_left3A_370 = arith.constant 5 : i32
      %shift_left3A_371 = vector.broadcast %shift_left3A_370 : i32 to vector<16xi32>
      %shift_left3A_372 = arith.shli %shift_right_arithmetic3A_369, %shift_left3A_371 : vector<16xi32>
      %and3A_373 = arith.constant 7 : i32
      %and3A_374 = vector.broadcast %and3A_373 : i32 to vector<16xi32>
      %and3A_375 = arith.andi %get3A_366, %and3A_374 : vector<16xi32>
      %shift_left3A_376 = arith.constant 1 : i32
      %shift_left3A_377 = vector.broadcast %shift_left3A_376 : i32 to vector<16xi32>
      %shift_left3A_378 = arith.shli %and3A_375, %shift_left3A_377 : vector<16xi32>
      %add3A_379 = arith.addi %shift_left3A_372, %shift_left3A_378 : vector<16xi32>
      %swap3A_380 = arith.constant 1 : i32
      %swap3A_381 = arith.index_cast %swap3A_380 : i32 to index
      %swap3A_382 = arith.constant 112 : index
      %swap3A_383 = tpu.vector_load %arg6[%swap3A_381, %swap3A_382] {strides = array<i32>} : memref<8x128xi32, #tpu.memory_space<vmem>>, vector<1x16xi32>,
      %swap3A_384 = vector.shape_cast %swap3A_383 : vector<1x16xi32> to vector<16xi32>
      %swap3A_385 = vector.shape_cast %add3A_379 : vector<16xi32> to vector<1x16xi32>
      tpu.vector_store %arg6[%swap3A_381, %swap3A_382], %swap3A_385 {strides = array<i32>} : memref<8x128xi32, #tpu.memory_space<vmem>>, vector<1x16xi32>,
      %get3A_386 = arith.constant 2 : i32
      %get3A_387 = arith.index_cast %get3A_386 : i32 to index
      %get3A_388 = arith.constant 0 : index
      %get3A_389 = tpu.vector_load %arg6[%get3A_387, %get3A_388] {strides = array<i32>} : memref<8x128xi32, #tpu.memory_space<vmem>>, vector<1x16xi32>,
      %get3A_390 = vector.shape_cast %get3A_389 : vector<1x16xi32> to vector<16xi32>
      %shift_right_arithmetic3A_391 = arith.constant 3 : i32
      %shift_right_arithmetic3A_392 = vector.broadcast %shift_right_arithmetic3A_391 : i32 to vector<16xi32>
      %shift_right_arithmetic3A_393 = arith.shrsi %get3A_390, %shift_right_arithmetic3A_392 : vector<16xi32>
      %shift_left3A_394 = arith.constant 5 : i32
      %shift_left3A_395 = vector.broadcast %shift_left3A_394 : i32 to vector<16xi32>
      %shift_left3A_396 = arith.shli %shift_right_arithmetic3A_393, %shift_left3A_395 : vector<16xi32>
      %and3A_397 = arith.constant 7 : i32
      %and3A_398 = vector.broadcast %and3A_397 : i32 to vector<16xi32>
      %and3A_399 = arith.andi %get3A_390, %and3A_398 : vector<16xi32>
      %shift_left3A_400 = arith.constant 1 : i32
      %shift_left3A_401 = vector.broadcast %shift_left3A_400 : i32 to vector<16xi32>
      %shift_left3A_402 = arith.shli %and3A_399, %shift_left3A_401 : vector<16xi32>
      %add3A_403 = arith.addi %shift_left3A_396, %shift_left3A_402 : vector<16xi32>
      %swap3A_404 = arith.constant 2 : i32
      %swap3A_405 = arith.index_cast %swap3A_404 : i32 to index
      %swap3A_406 = arith.constant 0 : index
      %swap3A_407 = tpu.vector_load %arg6[%swap3A_405, %swap3A_406] {strides = array<i32>} : memref<8x128xi32, #tpu.memory_space<vmem>>, vector<1x16xi32>,
      %swap3A_408 = vector.shape_cast %swap3A_407 : vector<1x16xi32> to vector<16xi32>
      %swap3A_409 = vector.shape_cast %add3A_403 : vector<16xi32> to vector<1x16xi32>
      tpu.vector_store %arg6[%swap3A_405, %swap3A_406], %swap3A_409 {strides = array<i32>} : memref<8x128xi32, #tpu.memory_space<vmem>>, vector<1x16xi32>,
      %get3A_410 = arith.constant 2 : i32
      %get3A_411 = arith.index_cast %get3A_410 : i32 to index
      %get3A_412 = arith.constant 16 : index
      %get3A_413 = tpu.vector_load %arg6[%get3A_411, %get3A_412] {strides = array<i32>} : memref<8x128xi32, #tpu.memory_space<vmem>>, vector<1x16xi32>,
      %get3A_414 = vector.shape_cast %get3A_413 : vector<1x16xi32> to vector<16xi32>
      %shift_right_arithmetic3A_415 = arith.constant 3 : i32
      %shift_right_arithmetic3A_416 = vector.broadcast %shift_right_arithmetic3A_415 : i32 to vector<16xi32>
      %shift_right_arithmetic3A_417 = arith.shrsi %get3A_414, %shift_right_arithmetic3A_416 : vector<16xi32>
      %shift_left3A_418 = arith.constant 5 : i32
      %shift_left3A_419 = vector.broadcast %shift_left3A_418 : i32 to vector<16xi32>
      %shift_left3A_420 = arith.shli %shift_right_arithmetic3A_417, %shift_left3A_419 : vector<16xi32>
      %and3A_421 = arith.constant 7 : i32
      %and3A_422 = vector.broadcast %and3A_421 : i32 to vector<16xi32>
      %and3A_423 = arith.andi %get3A_414, %and3A_422 : vector<16xi32>
      %shift_left3A_424 = arith.constant 1 : i32
      %shift_left3A_425 = vector.broadcast %shift_left3A_424 : i32 to vector<16xi32>
      %shift_left3A_426 = arith.shli %and3A_423, %shift_left3A_425 : vector<16xi32>
      %add3A_427 = arith.addi %shift_left3A_420, %shift_left3A_426 : vector<16xi32>
      %swap3A_428 = arith.constant 2 : i32
      %swap3A_429 = arith.index_cast %swap3A_428 : i32 to index
      %swap3A_430 = arith.constant 16 : index
      %swap3A_431 = tpu.vector_load %arg6[%swap3A_429, %swap3A_430] {strides = array<i32>} : memref<8x128xi32, #tpu.memory_space<vmem>>, vector<1x16xi32>,
      %swap3A_432 = vector.shape_cast %swap3A_431 : vector<1x16xi32> to vector<16xi32>
      %swap3A_433 = vector.shape_cast %add3A_427 : vector<16xi32> to vector<1x16xi32>
      tpu.vector_store %arg6[%swap3A_429, %swap3A_430], %swap3A_433 {strides = array<i32>} : memref<8x128xi32, #tpu.memory_space<vmem>>, vector<1x16xi32>,
      %get3A_434 = arith.constant 2 : i32
      %get3A_435 = arith.index_cast %get3A_434 : i32 to index
      %get3A_436 = arith.constant 32 : index
      %get3A_437 = tpu.vector_load %arg6[%get3A_435, %get3A_436] {strides = array<i32>} : memref<8x128xi32, #tpu.memory_space<vmem>>, vector<1x16xi32>,
      %get3A_438 = vector.shape_cast %get3A_437 : vector<1x16xi32> to vector<16xi32>
      %shift_right_arithmetic3A_439 = arith.constant 3 : i32
      %shift_right_arithmetic3A_440 = vector.broadcast %shift_right_arithmetic3A_439 : i32 to vector<16xi32>
      %shift_right_arithmetic3A_441 = arith.shrsi %get3A_438, %shift_right_arithmetic3A_440 : vector<16xi32>
      %shift_left3A_442 = arith.constant 5 : i32
      %shift_left3A_443 = vector.broadcast %shift_left3A_442 : i32 to vector<16xi32>
      %shift_left3A_444 = arith.shli %shift_right_arithmetic3A_441, %shift_left3A_443 : vector<16xi32>
      %and3A_445 = arith.constant 7 : i32
      %and3A_446 = vector.broadcast %and3A_445 : i32 to vector<16xi32>
      %and3A_447 = arith.andi %get3A_438, %and3A_446 : vector<16xi32>
      %shift_left3A_448 = arith.constant 1 : i32
      %shift_left3A_449 = vector.broadcast %shift_left3A_448 : i32 to vector<16xi32>
      %shift_left3A_450 = arith.shli %and3A_447, %shift_left3A_449 : vector<16xi32>
      %add3A_451 = arith.addi %shift_left3A_444, %shift_left3A_450 : vector<16xi32>
      %swap3A_452 = arith.constant 2 : i32
      %swap3A_453 = arith.index_cast %swap3A_452 : i32 to index
      %swap3A_454 = arith.constant 32 : index
      %swap3A_455 = tpu.vector_load %arg6[%swap3A_453, %swap3A_454] {strides = array<i32>} : memref<8x128xi32, #tpu.memory_space<vmem>>, vector<1x16xi32>,
      %swap3A_456 = vector.shape_cast %swap3A_455 : vector<1x16xi32> to vector<16xi32>
      %swap3A_457 = vector.shape_cast %add3A_451 : vector<16xi32> to vector<1x16xi32>
      tpu.vector_store %arg6[%swap3A_453, %swap3A_454], %swap3A_457 {strides = array<i32>} : memref<8x128xi32, #tpu.memory_space<vmem>>, vector<1x16xi32>,
      %get3A_458 = arith.constant 2 : i32
      %get3A_459 = arith.index_cast %get3A_458 : i32 to index
      %get3A_460 = arith.constant 48 : index
      %get3A_461 = tpu.vector_load %arg6[%get3A_459, %get3A_460] {strides = array<i32>} : memref<8x128xi32, #tpu.memory_space<vmem>>, vector<1x16xi32>,
      %get3A_462 = vector.shape_cast %get3A_461 : vector<1x16xi32> to vector<16xi32>
      %shift_right_arithmetic3A_463 = arith.constant 3 : i32
      %shift_right_arithmetic3A_464 = vector.broadcast %shift_right_arithmetic3A_463 : i32 to vector<16xi32>
      %shift_right_arithmetic3A_465 = arith.shrsi %get3A_462, %shift_right_arithmetic3A_464 : vector<16xi32>
      %shift_left3A_466 = arith.constant 5 : i32
      %shift_left3A_467 = vector.broadcast %shift_left3A_466 : i32 to vector<16xi32>
      %shift_left3A_468 = arith.shli %shift_right_arithmetic3A_465, %shift_left3A_467 : vector<16xi32>
      %and3A_469 = arith.constant 7 : i32
      %and3A_470 = vector.broadcast %and3A_469 : i32 to vector<16xi32>
      %and3A_471 = arith.andi %get3A_462, %and3A_470 : vector<16xi32>
      %shift_left3A_472 = arith.constant 1 : i32
      %shift_left3A_473 = vector.broadcast %shift_left3A_472 : i32 to vector<16xi32>
      %shift_left3A_474 = arith.shli %and3A_471, %shift_left3A_473 : vector<16xi32>
      %add3A_475 = arith.addi %shift_left3A_468, %shift_left3A_474 : vector<16xi32>
      %swap3A_476 = arith.constant 2 : i32
      %swap3A_477 = arith.index_cast %swap3A_476 : i32 to index
      %swap3A_478 = arith.constant 48 : index
      %swap3A_479 = tpu.vector_load %arg6[%swap3A_477, %swap3A_478] {strides = array<i32>} : memref<8x128xi32, #tpu.memory_space<vmem>>, vector<1x16xi32>,
      %swap3A_480 = vector.shape_cast %swap3A_479 : vector<1x16xi32> to vector<16xi32>
      %swap3A_481 = vector.shape_cast %add3A_475 : vector<16xi32> to vector<1x16xi32>
      tpu.vector_store %arg6[%swap3A_477, %swap3A_478], %swap3A_481 {strides = array<i32>} : memref<8x128xi32, #tpu.memory_space<vmem>>, vector<1x16xi32>,
      %get3A_482 = arith.constant 2 : i32
      %get3A_483 = arith.index_cast %get3A_482 : i32 to index
      %get3A_484 = arith.constant 64 : index
      %get3A_485 = tpu.vector_load %arg6[%get3A_483, %get3A_484] {strides = array<i32>} : memref<8x128xi32, #tpu.memory_space<vmem>>, vector<1x16xi32>,
      %get3A_486 = vector.shape_cast %get3A_485 : vector<1x16xi32> to vector<16xi32>
      %shift_right_arithmetic3A_487 = arith.constant 3 : i32
      %shift_right_arithmetic3A_488 = vector.broadcast %shift_right_arithmetic3A_487 : i32 to vector<16xi32>
      %shift_right_arithmetic3A_489 = arith.shrsi %get3A_486, %shift_right_arithmetic3A_488 : vector<16xi32>
      %shift_left3A_490 = arith.constant 5 : i32
      %shift_left3A_491 = vector.broadcast %shift_left3A_490 : i32 to vector<16xi32>
      %shift_left3A_492 = arith.shli %shift_right_arithmetic3A_489, %shift_left3A_491 : vector<16xi32>
      %and3A_493 = arith.constant 7 : i32
      %and3A_494 = vector.broadcast %and3A_493 : i32 to vector<16xi32>
      %and3A_495 = arith.andi %get3A_486, %and3A_494 : vector<16xi32>
      %shift_left3A_496 = arith.constant 1 : i32
      %shift_left3A_497 = vector.broadcast %shift_left3A_496 : i32 to vector<16xi32>
      %shift_left3A_498 = arith.shli %and3A_495, %shift_left3A_497 : vector<16xi32>
      %add3A_499 = arith.addi %shift_left3A_492, %shift_left3A_498 : vector<16xi32>
      %swap3A_500 = arith.constant 2 : i32
      %swap3A_501 = arith.index_cast %swap3A_500 : i32 to index
      %swap3A_502 = arith.constant 64 : index
      %swap3A_503 = tpu.vector_load %arg6[%swap3A_501, %swap3A_502] {strides = array<i32>} : memref<8x128xi32, #tpu.memory_space<vmem>>, vector<1x16xi32>,
      %swap3A_504 = vector.shape_cast %swap3A_503 : vector<1x16xi32> to vector<16xi32>
      %swap3A_505 = vector.shape_cast %add3A_499 : vector<16xi32> to vector<1x16xi32>
      tpu.vector_store %arg6[%swap3A_501, %swap3A_502], %swap3A_505 {strides = array<i32>} : memref<8x128xi32, #tpu.memory_space<vmem>>, vector<1x16xi32>,
      %get3A_506 = arith.constant 2 : i32
      %get3A_507 = arith.index_cast %get3A_506 : i32 to index
      %get3A_508 = arith.constant 80 : index
      %get3A_509 = tpu.vector_load %arg6[%get3A_507, %get3A_508] {strides = array<i32>} : memref<8x128xi32, #tpu.memory_space<vmem>>, vector<1x16xi32>,
      %get3A_510 = vector.shape_cast %get3A_509 : vector<1x16xi32> to vector<16xi32>
      %shift_right_arithmetic3A_511 = arith.constant 3 : i32
      %shift_right_arithmetic3A_512 = vector.broadcast %shift_right_arithmetic3A_511 : i32 to vector<16xi32>
      %shift_right_arithmetic3A_513 = arith.shrsi %get3A_510, %shift_right_arithmetic3A_512 : vector<16xi32>
      %shift_left3A_514 = arith.constant 5 : i32
      %shift_left3A_515 = vector.broadcast %shift_left3A_514 : i32 to vector<16xi32>
      %shift_left3A_516 = arith.shli %shift_right_arithmetic3A_513, %shift_left3A_515 : vector<16xi32>
      %and3A_517 = arith.constant 7 : i32
      %and3A_518 = vector.broadcast %and3A_517 : i32 to vector<16xi32>
      %and3A_519 = arith.andi %get3A_510, %and3A_518 : vector<16xi32>
      %shift_left3A_520 = arith.constant 1 : i32
      %shift_left3A_521 = vector.broadcast %shift_left3A_520 : i32 to vector<16xi32>
      %shift_left3A_522 = arith.shli %and3A_519, %shift_left3A_521 : vector<16xi32>
      %add3A_523 = arith.addi %shift_left3A_516, %shift_left3A_522 : vector<16xi32>
      %swap3A_524 = arith.constant 2 : i32
      %swap3A_525 = arith.index_cast %swap3A_524 : i32 to index
      %swap3A_526 = arith.constant 80 : index
      %swap3A_527 = tpu.vector_load %arg6[%swap3A_525, %swap3A_526] {strides = array<i32>} : memref<8x128xi32, #tpu.memory_space<vmem>>, vector<1x16xi32>,
      %swap3A_528 = vector.shape_cast %swap3A_527 : vector<1x16xi32> to vector<16xi32>
      %swap3A_529 = vector.shape_cast %add3A_523 : vector<16xi32> to vector<1x16xi32>
      tpu.vector_store %arg6[%swap3A_525, %swap3A_526], %swap3A_529 {strides = array<i32>} : memref<8x128xi32, #tpu.memory_space<vmem>>, vector<1x16xi32>,
      %get3A_530 = arith.constant 2 : i32
      %get3A_531 = arith.index_cast %get3A_530 : i32 to index
      %get3A_532 = arith.constant 96 : index
      %get3A_533 = tpu.vector_load %arg6[%get3A_531, %get3A_532] {strides = array<i32>} : memref<8x128xi32, #tpu.memory_space<vmem>>, vector<1x16xi32>,
      %get3A_534 = vector.shape_cast %get3A_533 : vector<1x16xi32> to vector<16xi32>
      %shift_right_arithmetic3A_535 = arith.constant 3 : i32
      %shift_right_arithmetic3A_536 = vector.broadcast %shift_right_arithmetic3A_535 : i32 to vector<16xi32>
      %shift_right_arithmetic3A_537 = arith.shrsi %get3A_534, %shift_right_arithmetic3A_536 : vector<16xi32>
      %shift_left3A_538 = arith.constant 5 : i32
      %shift_left3A_539 = vector.broadcast %shift_left3A_538 : i32 to vector<16xi32>
      %shift_left3A_540 = arith.shli %shift_right_arithmetic3A_537, %shift_left3A_539 : vector<16xi32>
      %and3A_541 = arith.constant 7 : i32
      %and3A_542 = vector.broadcast %and3A_541 : i32 to vector<16xi32>
      %and3A_543 = arith.andi %get3A_534, %and3A_542 : vector<16xi32>
      %shift_left3A_544 = arith.constant 1 : i32
      %shift_left3A_545 = vector.broadcast %shift_left3A_544 : i32 to vector<16xi32>
      %shift_left3A_546 = arith.shli %and3A_543, %shift_left3A_545 : vector<16xi32>
      %add3A_547 = arith.addi %shift_left3A_540, %shift_left3A_546 : vector<16xi32>
      %swap3A_548 = arith.constant 2 : i32
      %swap3A_549 = arith.index_cast %swap3A_548 : i32 to index
      %swap3A_550 = arith.constant 96 : index
      %swap3A_551 = tpu.vector_load %arg6[%swap3A_549, %swap3A_550] {strides = array<i32>} : memref<8x128xi32, #tpu.memory_space<vmem>>, vector<1x16xi32>,
      %swap3A_552 = vector.shape_cast %swap3A_551 : vector<1x16xi32> to vector<16xi32>
      %swap3A_553 = vector.shape_cast %add3A_547 : vector<16xi32> to vector<1x16xi32>
      tpu.vector_store %arg6[%swap3A_549, %swap3A_550], %swap3A_553 {strides = array<i32>} : memref<8x128xi32, #tpu.memory_space<vmem>>, vector<1x16xi32>,
      %get3A_554 = arith.constant 2 : i32
      %get3A_555 = arith.index_cast %get3A_554 : i32 to index
      %get3A_556 = arith.constant 112 : index
      %get3A_557 = tpu.vector_load %arg6[%get3A_555, %get3A_556] {strides = array<i32>} : memref<8x128xi32, #tpu.memory_space<vmem>>, vector<1x16xi32>,
      %get3A_558 = vector.shape_cast %get3A_557 : vector<1x16xi32> to vector<16xi32>
      %shift_right_arithmetic3A_559 = arith.constant 3 : i32
      %shift_right_arithmetic3A_560 = vector.broadcast %shift_right_arithmetic3A_559 : i32 to vector<16xi32>
      %shift_right_arithmetic3A_561 = arith.shrsi %get3A_558, %shift_right_arithmetic3A_560 : vector<16xi32>
      %shift_left3A_562 = arith.constant 5 : i32
      %shift_left3A_563 = vector.broadcast %shift_left3A_562 : i32 to vector<16xi32>
      %shift_left3A_564 = arith.shli %shift_right_arithmetic3A_561, %shift_left3A_563 : vector<16xi32>
      %and3A_565 = arith.constant 7 : i32
      %and3A_566 = vector.broadcast %and3A_565 : i32 to vector<16xi32>
      %and3A_567 = arith.andi %get3A_558, %and3A_566 : vector<16xi32>
      %shift_left3A_568 = arith.constant 1 : i32
      %shift_left3A_569 = vector.broadcast %shift_left3A_568 : i32 to vector<16xi32>
      %shift_left3A_570 = arith.shli %and3A_567, %shift_left3A_569 : vector<16xi32>
      %add3A_571 = arith.addi %shift_left3A_564, %shift_left3A_570 : vector<16xi32>
      %swap3A_572 = arith.constant 2 : i32
      %swap3A_573 = arith.index_cast %swap3A_572 : i32 to index
      %swap3A_574 = arith.constant 112 : index
      %swap3A_575 = tpu.vector_load %arg6[%swap3A_573, %swap3A_574] {strides = array<i32>} : memref<8x128xi32, #tpu.memory_space<vmem>>, vector<1x16xi32>,
      %swap3A_576 = vector.shape_cast %swap3A_575 : vector<1x16xi32> to vector<16xi32>
      %swap3A_577 = vector.shape_cast %add3A_571 : vector<16xi32> to vector<1x16xi32>
      tpu.vector_store %arg6[%swap3A_573, %swap3A_574], %swap3A_577 {strides = array<i32>} : memref<8x128xi32, #tpu.memory_space<vmem>>, vector<1x16xi32>,
      %get3A_578 = arith.constant 3 : i32
      %get3A_579 = arith.index_cast %get3A_578 : i32 to index
      %get3A_580 = arith.constant 0 : index
      %get3A_581 = tpu.vector_load %arg6[%get3A_579, %get3A_580] {strides = array<i32>} : memref<8x128xi32, #tpu.memory_space<vmem>>, vector<1x16xi32>,
      %get3A_582 = vector.shape_cast %get3A_581 : vector<1x16xi32> to vector<16xi32>
      %shift_right_arithmetic3A_583 = arith.constant 3 : i32
      %shift_right_arithmetic3A_584 = vector.broadcast %shift_right_arithmetic3A_583 : i32 to vector<16xi32>
      %shift_right_arithmetic3A_585 = arith.shrsi %get3A_582, %shift_right_arithmetic3A_584 : vector<16xi32>
      %shift_left3A_586 = arith.constant 5 : i32
      %shift_left3A_587 = vector.broadcast %shift_left3A_586 : i32 to vector<16xi32>
      %shift_left3A_588 = arith.shli %shift_right_arithmetic3A_585, %shift_left3A_587 : vector<16xi32>
      %and3A_589 = arith.constant 7 : i32
      %and3A_590 = vector.broadcast %and3A_589 : i32 to vector<16xi32>
      %and3A_591 = arith.andi %get3A_582, %and3A_590 : vector<16xi32>
      %shift_left3A_592 = arith.constant 1 : i32
      %shift_left3A_593 = vector.broadcast %shift_left3A_592 : i32 to vector<16xi32>
      %shift_left3A_594 = arith.shli %and3A_591, %shift_left3A_593 : vector<16xi32>
      %add3A_595 = arith.addi %shift_left3A_588, %shift_left3A_594 : vector<16xi32>
      %swap3A_596 = arith.constant 3 : i32
      %swap3A_597 = arith.index_cast %swap3A_596 : i32 to index
      %swap3A_598 = arith.constant 0 : index
      %swap3A_599 = tpu.vector_load %arg6[%swap3A_597, %swap3A_598] {strides = array<i32>} : memref<8x128xi32, #tpu.memory_space<vmem>>, vector<1x16xi32>,
      %swap3A_600 = vector.shape_cast %swap3A_599 : vector<1x16xi32> to vector<16xi32>
      %swap3A_601 = vector.shape_cast %add3A_595 : vector<16xi32> to vector<1x16xi32>
      tpu.vector_store %arg6[%swap3A_597, %swap3A_598], %swap3A_601 {strides = array<i32>} : memref<8x128xi32, #tpu.memory_space<vmem>>, vector<1x16xi32>,
      %get3A_602 = arith.constant 3 : i32
      %get3A_603 = arith.index_cast %get3A_602 : i32 to index
      %get3A_604 = arith.constant 16 : index
      %get3A_605 = tpu.vector_load %arg6[%get3A_603, %get3A_604] {strides = array<i32>} : memref<8x128xi32, #tpu.memory_space<vmem>>, vector<1x16xi32>,
      %get3A_606 = vector.shape_cast %get3A_605 : vector<1x16xi32> to vector<16xi32>
      %shift_right_arithmetic3A_607 = arith.constant 3 : i32
      %shift_right_arithmetic3A_608 = vector.broadcast %shift_right_arithmetic3A_607 : i32 to vector<16xi32>
      %shift_right_arithmetic3A_609 = arith.shrsi %get3A_606, %shift_right_arithmetic3A_608 : vector<16xi32>
      %shift_left3A_610 = arith.constant 5 : i32
      %shift_left3A_611 = vector.broadcast %shift_left3A_610 : i32 to vector<16xi32>
      %shift_left3A_612 = arith.shli %shift_right_arithmetic3A_609, %shift_left3A_611 : vector<16xi32>
      %and3A_613 = arith.constant 7 : i32
      %and3A_614 = vector.broadcast %and3A_613 : i32 to vector<16xi32>
      %and3A_615 = arith.andi %get3A_606, %and3A_614 : vector<16xi32>
      %shift_left3A_616 = arith.constant 1 : i32
      %shift_left3A_617 = vector.broadcast %shift_left3A_616 : i32 to vector<16xi32>
      %shift_left3A_618 = arith.shli %and3A_615, %shift_left3A_617 : vector<16xi32>
      %add3A_619 = arith.addi %shift_left3A_612, %shift_left3A_618 : vector<16xi32>
      %swap3A_620 = arith.constant 3 : i32
      %swap3A_621 = arith.index_cast %swap3A_620 : i32 to index
      %swap3A_622 = arith.constant 16 : index
      %swap3A_623 = tpu.vector_load %arg6[%swap3A_621, %swap3A_622] {strides = array<i32>} : memref<8x128xi32, #tpu.memory_space<vmem>>, vector<1x16xi32>,
      %swap3A_624 = vector.shape_cast %swap3A_623 : vector<1x16xi32> to vector<16xi32>
      %swap3A_625 = vector.shape_cast %add3A_619 : vector<16xi32> to vector<1x16xi32>
      tpu.vector_store %arg6[%swap3A_621, %swap3A_622], %swap3A_625 {strides = array<i32>} : memref<8x128xi32, #tpu.memory_space<vmem>>, vector<1x16xi32>,
      %get3A_626 = arith.constant 3 : i32
      %get3A_627 = arith.index_cast %get3A_626 : i32 to index
      %get3A_628 = arith.constant 32 : index
      %get3A_629 = tpu.vector_load %arg6[%get3A_627, %get3A_628] {strides = array<i32>} : memref<8x128xi32, #tpu.memory_space<vmem>>, vector<1x16xi32>,
      %get3A_630 = vector.shape_cast %get3A_629 : vector<1x16xi32> to vector<16xi32>
      %shift_right_arithmetic3A_631 = arith.constant 3 : i32
      %shift_right_arithmetic3A_632 = vector.broadcast %shift_right_arithmetic3A_631 : i32 to vector<16xi32>
      %shift_right_arithmetic3A_633 = arith.shrsi %get3A_630, %shift_right_arithmetic3A_632 : vector<16xi32>
      %shift_left3A_634 = arith.constant 5 : i32
      %shift_left3A_635 = vector.broadcast %shift_left3A_634 : i32 to vector<16xi32>
      %shift_left3A_636 = arith.shli %shift_right_arithmetic3A_633, %shift_left3A_635 : vector<16xi32>
      %and3A_637 = arith.constant 7 : i32
      %and3A_638 = vector.broadcast %and3A_637 : i32 to vector<16xi32>
      %and3A_639 = arith.andi %get3A_630, %and3A_638 : vector<16xi32>
      %shift_left3A_640 = arith.constant 1 : i32
      %shift_left3A_641 = vector.broadcast %shift_left3A_640 : i32 to vector<16xi32>
      %shift_left3A_642 = arith.shli %and3A_639, %shift_left3A_641 : vector<16xi32>
      %add3A_643 = arith.addi %shift_left3A_636, %shift_left3A_642 : vector<16xi32>
      %swap3A_644 = arith.constant 3 : i32
      %swap3A_645 = arith.index_cast %swap3A_644 : i32 to index
      %swap3A_646 = arith.constant 32 : index
      %swap3A_647 = tpu.vector_load %arg6[%swap3A_645, %swap3A_646] {strides = array<i32>} : memref<8x128xi32, #tpu.memory_space<vmem>>, vector<1x16xi32>,
      %swap3A_648 = vector.shape_cast %swap3A_647 : vector<1x16xi32> to vector<16xi32>
      %swap3A_649 = vector.shape_cast %add3A_643 : vector<16xi32> to vector<1x16xi32>
      tpu.vector_store %arg6[%swap3A_645, %swap3A_646], %swap3A_649 {strides = array<i32>} : memref<8x128xi32, #tpu.memory_space<vmem>>, vector<1x16xi32>,
      %get3A_650 = arith.constant 3 : i32
      %get3A_651 = arith.index_cast %get3A_650 : i32 to index
      %get3A_652 = arith.constant 48 : index
      %get3A_653 = tpu.vector_load %arg6[%get3A_651, %get3A_652] {strides = array<i32>} : memref<8x128xi32, #tpu.memory_space<vmem>>, vector<1x16xi32>,
      %get3A_654 = vector.shape_cast %get3A_653 : vector<1x16xi32> to vector<16xi32>
      %shift_right_arithmetic3A_655 = arith.constant 3 : i32
      %shift_right_arithmetic3A_656 = vector.broadcast %shift_right_arithmetic3A_655 : i32 to vector<16xi32>
      %shift_right_arithmetic3A_657 = arith.shrsi %get3A_654, %shift_right_arithmetic3A_656 : vector<16xi32>
      %shift_left3A_658 = arith.constant 5 : i32
      %shift_left3A_659 = vector.broadcast %shift_left3A_658 : i32 to vector<16xi32>
      %shift_left3A_660 = arith.shli %shift_right_arithmetic3A_657, %shift_left3A_659 : vector<16xi32>
      %and3A_661 = arith.constant 7 : i32
      %and3A_662 = vector.broadcast %and3A_661 : i32 to vector<16xi32>
      %and3A_663 = arith.andi %get3A_654, %and3A_662 : vector<16xi32>
      %shift_left3A_664 = arith.constant 1 : i32
      %shift_left3A_665 = vector.broadcast %shift_left3A_664 : i32 to vector<16xi32>
      %shift_left3A_666 = arith.shli %and3A_663, %shift_left3A_665 : vector<16xi32>
      %add3A_667 = arith.addi %shift_left3A_660, %shift_left3A_666 : vector<16xi32>
      %swap3A_668 = arith.constant 3 : i32
      %swap3A_669 = arith.index_cast %swap3A_668 : i32 to index
      %swap3A_670 = arith.constant 48 : index
      %swap3A_671 = tpu.vector_load %arg6[%swap3A_669, %swap3A_670] {strides = array<i32>} : memref<8x128xi32, #tpu.memory_space<vmem>>, vector<1x16xi32>,
      %swap3A_672 = vector.shape_cast %swap3A_671 : vector<1x16xi32> to vector<16xi32>
      %swap3A_673 = vector.shape_cast %add3A_667 : vector<16xi32> to vector<1x16xi32>
      tpu.vector_store %arg6[%swap3A_669, %swap3A_670], %swap3A_673 {strides = array<i32>} : memref<8x128xi32, #tpu.memory_space<vmem>>, vector<1x16xi32>,
      %get3A_674 = arith.constant 3 : i32
      %get3A_675 = arith.index_cast %get3A_674 : i32 to index
      %get3A_676 = arith.constant 64 : index
      %get3A_677 = tpu.vector_load %arg6[%get3A_675, %get3A_676] {strides = array<i32>} : memref<8x128xi32, #tpu.memory_space<vmem>>, vector<1x16xi32>,
      %get3A_678 = vector.shape_cast %get3A_677 : vector<1x16xi32> to vector<16xi32>
      %shift_right_arithmetic3A_679 = arith.constant 3 : i32
      %shift_right_arithmetic3A_680 = vector.broadcast %shift_right_arithmetic3A_679 : i32 to vector<16xi32>
      %shift_right_arithmetic3A_681 = arith.shrsi %get3A_678, %shift_right_arithmetic3A_680 : vector<16xi32>
      %shift_left3A_682 = arith.constant 5 : i32
      %shift_left3A_683 = vector.broadcast %shift_left3A_682 : i32 to vector<16xi32>
      %shift_left3A_684 = arith.shli %shift_right_arithmetic3A_681, %shift_left3A_683 : vector<16xi32>
      %and3A_685 = arith.constant 7 : i32
      %and3A_686 = vector.broadcast %and3A_685 : i32 to vector<16xi32>
      %and3A_687 = arith.andi %get3A_678, %and3A_686 : vector<16xi32>
      %shift_left3A_688 = arith.constant 1 : i32
      %shift_left3A_689 = vector.broadcast %shift_left3A_688 : i32 to vector<16xi32>
      %shift_left3A_690 = arith.shli %and3A_687, %shift_left3A_689 : vector<16xi32>
      %add3A_691 = arith.addi %shift_left3A_684, %shift_left3A_690 : vector<16xi32>
      %swap3A_692 = arith.constant 3 : i32
      %swap3A_693 = arith.index_cast %swap3A_692 : i32 to index
      %swap3A_694 = arith.constant 64 : index
      %swap3A_695 = tpu.vector_load %arg6[%swap3A_693, %swap3A_694] {strides = array<i32>} : memref<8x128xi32, #tpu.memory_space<vmem>>, vector<1x16xi32>,
      %swap3A_696 = vector.shape_cast %swap3A_695 : vector<1x16xi32> to vector<16xi32>
      %swap3A_697 = vector.shape_cast %add3A_691 : vector<16xi32> to vector<1x16xi32>
      tpu.vector_store %arg6[%swap3A_693, %swap3A_694], %swap3A_697 {strides = array<i32>} : memref<8x128xi32, #tpu.memory_space<vmem>>, vector<1x16xi32>,
      %get3A_698 = arith.constant 3 : i32
      %get3A_699 = arith.index_cast %get3A_698 : i32 to index
      %get3A_700 = arith.constant 80 : index
      %get3A_701 = tpu.vector_load %arg6[%get3A_699, %get3A_700] {strides = array<i32>} : memref<8x128xi32, #tpu.memory_space<vmem>>, vector<1x16xi32>,
      %get3A_702 = vector.shape_cast %get3A_701 : vector<1x16xi32> to vector<16xi32>
      %shift_right_arithmetic3A_703 = arith.constant 3 : i32
      %shift_right_arithmetic3A_704 = vector.broadcast %shift_right_arithmetic3A_703 : i32 to vector<16xi32>
      %shift_right_arithmetic3A_705 = arith.shrsi %get3A_702, %shift_right_arithmetic3A_704 : vector<16xi32>
      %shift_left3A_706 = arith.constant 5 : i32
      %shift_left3A_707 = vector.broadcast %shift_left3A_706 : i32 to vector<16xi32>
      %shift_left3A_708 = arith.shli %shift_right_arithmetic3A_705, %shift_left3A_707 : vector<16xi32>
      %and3A_709 = arith.constant 7 : i32
      %and3A_710 = vector.broadcast %and3A_709 : i32 to vector<16xi32>
      %and3A_711 = arith.andi %get3A_702, %and3A_710 : vector<16xi32>
      %shift_left3A_712 = arith.constant 1 : i32
      %shift_left3A_713 = vector.broadcast %shift_left3A_712 : i32 to vector<16xi32>
      %shift_left3A_714 = arith.shli %and3A_711, %shift_left3A_713 : vector<16xi32>
      %add3A_715 = arith.addi %shift_left3A_708, %shift_left3A_714 : vector<16xi32>
      %swap3A_716 = arith.constant 3 : i32
      %swap3A_717 = arith.index_cast %swap3A_716 : i32 to index
      %swap3A_718 = arith.constant 80 : index
      %swap3A_719 = tpu.vector_load %arg6[%swap3A_717, %swap3A_718] {strides = array<i32>} : memref<8x128xi32, #tpu.memory_space<vmem>>, vector<1x16xi32>,
      %swap3A_720 = vector.shape_cast %swap3A_719 : vector<1x16xi32> to vector<16xi32>
      %swap3A_721 = vector.shape_cast %add3A_715 : vector<16xi32> to vector<1x16xi32>
      tpu.vector_store %arg6[%swap3A_717, %swap3A_718], %swap3A_721 {strides = array<i32>} : memref<8x128xi32, #tpu.memory_space<vmem>>, vector<1x16xi32>,
      %get3A_722 = arith.constant 3 : i32
      %get3A_723 = arith.index_cast %get3A_722 : i32 to index
      %get3A_724 = arith.constant 96 : index
      %get3A_725 = tpu.vector_load %arg6[%get3A_723, %get3A_724] {strides = array<i32>} : memref<8x128xi32, #tpu.memory_space<vmem>>, vector<1x16xi32>,
      %get3A_726 = vector.shape_cast %get3A_725 : vector<1x16xi32> to vector<16xi32>
      %shift_right_arithmetic3A_727 = arith.constant 3 : i32
      %shift_right_arithmetic3A_728 = vector.broadcast %shift_right_arithmetic3A_727 : i32 to vector<16xi32>
      %shift_right_arithmetic3A_729 = arith.shrsi %get3A_726, %shift_right_arithmetic3A_728 : vector<16xi32>
      %shift_left3A_730 = arith.constant 5 : i32
      %shift_left3A_731 = vector.broadcast %shift_left3A_730 : i32 to vector<16xi32>
      %shift_left3A_732 = arith.shli %shift_right_arithmetic3A_729, %shift_left3A_731 : vector<16xi32>
      %and3A_733 = arith.constant 7 : i32
      %and3A_734 = vector.broadcast %and3A_733 : i32 to vector<16xi32>
      %and3A_735 = arith.andi %get3A_726, %and3A_734 : vector<16xi32>
      %shift_left3A_736 = arith.constant 1 : i32
      %shift_left3A_737 = vector.broadcast %shift_left3A_736 : i32 to vector<16xi32>
      %shift_left3A_738 = arith.shli %and3A_735, %shift_left3A_737 : vector<16xi32>
      %add3A_739 = arith.addi %shift_left3A_732, %shift_left3A_738 : vector<16xi32>
      %swap3A_740 = arith.constant 3 : i32
      %swap3A_741 = arith.index_cast %swap3A_740 : i32 to index
      %swap3A_742 = arith.constant 96 : index
      %swap3A_743 = tpu.vector_load %arg6[%swap3A_741, %swap3A_742] {strides = array<i32>} : memref<8x128xi32, #tpu.memory_space<vmem>>, vector<1x16xi32>,
      %swap3A_744 = vector.shape_cast %swap3A_743 : vector<1x16xi32> to vector<16xi32>
      %swap3A_745 = vector.shape_cast %add3A_739 : vector<16xi32> to vector<1x16xi32>
      tpu.vector_store %arg6[%swap3A_741, %swap3A_742], %swap3A_745 {strides = array<i32>} : memref<8x128xi32, #tpu.memory_space<vmem>>, vector<1x16xi32>,
      %get3A_746 = arith.constant 3 : i32
      %get3A_747 = arith.index_cast %get3A_746 : i32 to index
      %get3A_748 = arith.constant 112 : index
      %get3A_749 = tpu.vector_load %arg6[%get3A_747, %get3A_748] {strides = array<i32>} : memref<8x128xi32, #tpu.memory_space<vmem>>, vector<1x16xi32>,
      %get3A_750 = vector.shape_cast %get3A_749 : vector<1x16xi32> to vector<16xi32>
      %shift_right_arithmetic3A_751 = arith.constant 3 : i32
      %shift_right_arithmetic3A_752 = vector.broadcast %shift_right_arithmetic3A_751 : i32 to vector<16xi32>
      %shift_right_arithmetic3A_753 = arith.shrsi %get3A_750, %shift_right_arithmetic3A_752 : vector<16xi32>
      %shift_left3A_754 = arith.constant 5 : i32
      %shift_left3A_755 = vector.broadcast %shift_left3A_754 : i32 to vector<16xi32>
      %shift_left3A_756 = arith.shli %shift_right_arithmetic3A_753, %shift_left3A_755 : vector<16xi32>
      %and3A_757 = arith.constant 7 : i32
      %and3A_758 = vector.broadcast %and3A_757 : i32 to vector<16xi32>
      %and3A_759 = arith.andi %get3A_750, %and3A_758 : vector<16xi32>
      %shift_left3A_760 = arith.constant 1 : i32
      %shift_left3A_761 = vector.broadcast %shift_left3A_760 : i32 to vector<16xi32>
      %shift_left3A_762 = arith.shli %and3A_759, %shift_left3A_761 : vector<16xi32>
      %add3A_763 = arith.addi %shift_left3A_756, %shift_left3A_762 : vector<16xi32>
      %swap3A_764 = arith.constant 3 : i32
      %swap3A_765 = arith.index_cast %swap3A_764 : i32 to index
      %swap3A_766 = arith.constant 112 : index
      %swap3A_767 = tpu.vector_load %arg6[%swap3A_765, %swap3A_766] {strides = array<i32>} : memref<8x128xi32, #tpu.memory_space<vmem>>, vector<1x16xi32>,
      %swap3A_768 = vector.shape_cast %swap3A_767 : vector<1x16xi32> to vector<16xi32>
      %swap3A_769 = vector.shape_cast %add3A_763 : vector<16xi32> to vector<1x16xi32>
      tpu.vector_store %arg6[%swap3A_765, %swap3A_766], %swap3A_769 {strides = array<i32>} : memref<8x128xi32, #tpu.memory_space<vmem>>, vector<1x16xi32>,
      %get3A_770 = arith.constant 4 : i32
      %get3A_771 = arith.index_cast %get3A_770 : i32 to index
      %get3A_772 = arith.constant 0 : index
      %get3A_773 = tpu.vector_load %arg6[%get3A_771, %get3A_772] {strides = array<i32>} : memref<8x128xi32, #tpu.memory_space<vmem>>, vector<1x16xi32>,
      %get3A_774 = vector.shape_cast %get3A_773 : vector<1x16xi32> to vector<16xi32>
      %shift_right_arithmetic3A_775 = arith.constant 3 : i32
      %shift_right_arithmetic3A_776 = vector.broadcast %shift_right_arithmetic3A_775 : i32 to vector<16xi32>
      %shift_right_arithmetic3A_777 = arith.shrsi %get3A_774, %shift_right_arithmetic3A_776 : vector<16xi32>
      %shift_left3A_778 = arith.constant 5 : i32
      %shift_left3A_779 = vector.broadcast %shift_left3A_778 : i32 to vector<16xi32>
      %shift_left3A_780 = arith.shli %shift_right_arithmetic3A_777, %shift_left3A_779 : vector<16xi32>
      %and3A_781 = arith.constant 7 : i32
      %and3A_782 = vector.broadcast %and3A_781 : i32 to vector<16xi32>
      %and3A_783 = arith.andi %get3A_774, %and3A_782 : vector<16xi32>
      %shift_left3A_784 = arith.constant 1 : i32
      %shift_left3A_785 = vector.broadcast %shift_left3A_784 : i32 to vector<16xi32>
      %shift_left3A_786 = arith.shli %and3A_783, %shift_left3A_785 : vector<16xi32>
      %add3A_787 = arith.addi %shift_left3A_780, %shift_left3A_786 : vector<16xi32>
      %swap3A_788 = arith.constant 4 : i32
      %swap3A_789 = arith.index_cast %swap3A_788 : i32 to index
      %swap3A_790 = arith.constant 0 : index
      %swap3A_791 = tpu.vector_load %arg6[%swap3A_789, %swap3A_790] {strides = array<i32>} : memref<8x128xi32, #tpu.memory_space<vmem>>, vector<1x16xi32>,
      %swap3A_792 = vector.shape_cast %swap3A_791 : vector<1x16xi32> to vector<16xi32>
      %swap3A_793 = vector.shape_cast %add3A_787 : vector<16xi32> to vector<1x16xi32>
      tpu.vector_store %arg6[%swap3A_789, %swap3A_790], %swap3A_793 {strides = array<i32>} : memref<8x128xi32, #tpu.memory_space<vmem>>, vector<1x16xi32>,
      %get3A_794 = arith.constant 4 : i32
      %get3A_795 = arith.index_cast %get3A_794 : i32 to index
      %get3A_796 = arith.constant 16 : index
      %get3A_797 = tpu.vector_load %arg6[%get3A_795, %get3A_796] {strides = array<i32>} : memref<8x128xi32, #tpu.memory_space<vmem>>, vector<1x16xi32>,
      %get3A_798 = vector.shape_cast %get3A_797 : vector<1x16xi32> to vector<16xi32>
      %shift_right_arithmetic3A_799 = arith.constant 3 : i32
      %shift_right_arithmetic3A_800 = vector.broadcast %shift_right_arithmetic3A_799 : i32 to vector<16xi32>
      %shift_right_arithmetic3A_801 = arith.shrsi %get3A_798, %shift_right_arithmetic3A_800 : vector<16xi32>
      %shift_left3A_802 = arith.constant 5 : i32
      %shift_left3A_803 = vector.broadcast %shift_left3A_802 : i32 to vector<16xi32>
      %shift_left3A_804 = arith.shli %shift_right_arithmetic3A_801, %shift_left3A_803 : vector<16xi32>
      %and3A_805 = arith.constant 7 : i32
      %and3A_806 = vector.broadcast %and3A_805 : i32 to vector<16xi32>
      %and3A_807 = arith.andi %get3A_798, %and3A_806 : vector<16xi32>
      %shift_left3A_808 = arith.constant 1 : i32
      %shift_left3A_809 = vector.broadcast %shift_left3A_808 : i32 to vector<16xi32>
      %shift_left3A_810 = arith.shli %and3A_807, %shift_left3A_809 : vector<16xi32>
      %add3A_811 = arith.addi %shift_left3A_804, %shift_left3A_810 : vector<16xi32>
      %swap3A_812 = arith.constant 4 : i32
      %swap3A_813 = arith.index_cast %swap3A_812 : i32 to index
      %swap3A_814 = arith.constant 16 : index
      %swap3A_815 = tpu.vector_load %arg6[%swap3A_813, %swap3A_814] {strides = array<i32>} : memref<8x128xi32, #tpu.memory_space<vmem>>, vector<1x16xi32>,
      %swap3A_816 = vector.shape_cast %swap3A_815 : vector<1x16xi32> to vector<16xi32>
      %swap3A_817 = vector.shape_cast %add3A_811 : vector<16xi32> to vector<1x16xi32>
      tpu.vector_store %arg6[%swap3A_813, %swap3A_814], %swap3A_817 {strides = array<i32>} : memref<8x128xi32, #tpu.memory_space<vmem>>, vector<1x16xi32>,
      %get3A_818 = arith.constant 4 : i32
      %get3A_819 = arith.index_cast %get3A_818 : i32 to index
      %get3A_820 = arith.constant 32 : index
      %get3A_821 = tpu.vector_load %arg6[%get3A_819, %get3A_820] {strides = array<i32>} : memref<8x128xi32, #tpu.memory_space<vmem>>, vector<1x16xi32>,
      %get3A_822 = vector.shape_cast %get3A_821 : vector<1x16xi32> to vector<16xi32>
      %shift_right_arithmetic3A_823 = arith.constant 3 : i32
      %shift_right_arithmetic3A_824 = vector.broadcast %shift_right_arithmetic3A_823 : i32 to vector<16xi32>
      %shift_right_arithmetic3A_825 = arith.shrsi %get3A_822, %shift_right_arithmetic3A_824 : vector<16xi32>
      %shift_left3A_826 = arith.constant 5 : i32
      %shift_left3A_827 = vector.broadcast %shift_left3A_826 : i32 to vector<16xi32>
      %shift_left3A_828 = arith.shli %shift_right_arithmetic3A_825, %shift_left3A_827 : vector<16xi32>
      %and3A_829 = arith.constant 7 : i32
      %and3A_830 = vector.broadcast %and3A_829 : i32 to vector<16xi32>
      %and3A_831 = arith.andi %get3A_822, %and3A_830 : vector<16xi32>
      %shift_left3A_832 = arith.constant 1 : i32
      %shift_left3A_833 = vector.broadcast %shift_left3A_832 : i32 to vector<16xi32>
      %shift_left3A_834 = arith.shli %and3A_831, %shift_left3A_833 : vector<16xi32>
      %add3A_835 = arith.addi %shift_left3A_828, %shift_left3A_834 : vector<16xi32>
      %swap3A_836 = arith.constant 4 : i32
      %swap3A_837 = arith.index_cast %swap3A_836 : i32 to index
      %swap3A_838 = arith.constant 32 : index
      %swap3A_839 = tpu.vector_load %arg6[%swap3A_837, %swap3A_838] {strides = array<i32>} : memref<8x128xi32, #tpu.memory_space<vmem>>, vector<1x16xi32>,
      %swap3A_840 = vector.shape_cast %swap3A_839 : vector<1x16xi32> to vector<16xi32>
      %swap3A_841 = vector.shape_cast %add3A_835 : vector<16xi32> to vector<1x16xi32>
      tpu.vector_store %arg6[%swap3A_837, %swap3A_838], %swap3A_841 {strides = array<i32>} : memref<8x128xi32, #tpu.memory_space<vmem>>, vector<1x16xi32>,
      %get3A_842 = arith.constant 4 : i32
      %get3A_843 = arith.index_cast %get3A_842 : i32 to index
      %get3A_844 = arith.constant 48 : index
      %get3A_845 = tpu.vector_load %arg6[%get3A_843, %get3A_844] {strides = array<i32>} : memref<8x128xi32, #tpu.memory_space<vmem>>, vector<1x16xi32>,
      %get3A_846 = vector.shape_cast %get3A_845 : vector<1x16xi32> to vector<16xi32>
      %shift_right_arithmetic3A_847 = arith.constant 3 : i32
      %shift_right_arithmetic3A_848 = vector.broadcast %shift_right_arithmetic3A_847 : i32 to vector<16xi32>
      %shift_right_arithmetic3A_849 = arith.shrsi %get3A_846, %shift_right_arithmetic3A_848 : vector<16xi32>
      %shift_left3A_850 = arith.constant 5 : i32
      %shift_left3A_851 = vector.broadcast %shift_left3A_850 : i32 to vector<16xi32>
      %shift_left3A_852 = arith.shli %shift_right_arithmetic3A_849, %shift_left3A_851 : vector<16xi32>
      %and3A_853 = arith.constant 7 : i32
      %and3A_854 = vector.broadcast %and3A_853 : i32 to vector<16xi32>
      %and3A_855 = arith.andi %get3A_846, %and3A_854 : vector<16xi32>
      %shift_left3A_856 = arith.constant 1 : i32
      %shift_left3A_857 = vector.broadcast %shift_left3A_856 : i32 to vector<16xi32>
      %shift_left3A_858 = arith.shli %and3A_855, %shift_left3A_857 : vector<16xi32>
      %add3A_859 = arith.addi %shift_left3A_852, %shift_left3A_858 : vector<16xi32>
      %swap3A_860 = arith.constant 4 : i32
      %swap3A_861 = arith.index_cast %swap3A_860 : i32 to index
      %swap3A_862 = arith.constant 48 : index
      %swap3A_863 = tpu.vector_load %arg6[%swap3A_861, %swap3A_862] {strides = array<i32>} : memref<8x128xi32, #tpu.memory_space<vmem>>, vector<1x16xi32>,
      %swap3A_864 = vector.shape_cast %swap3A_863 : vector<1x16xi32> to vector<16xi32>
      %swap3A_865 = vector.shape_cast %add3A_859 : vector<16xi32> to vector<1x16xi32>
      tpu.vector_store %arg6[%swap3A_861, %swap3A_862], %swap3A_865 {strides = array<i32>} : memref<8x128xi32, #tpu.memory_space<vmem>>, vector<1x16xi32>,
      %get3A_866 = arith.constant 4 : i32
      %get3A_867 = arith.index_cast %get3A_866 : i32 to index
      %get3A_868 = arith.constant 64 : index
      %get3A_869 = tpu.vector_load %arg6[%get3A_867, %get3A_868] {strides = array<i32>} : memref<8x128xi32, #tpu.memory_space<vmem>>, vector<1x16xi32>,
      %get3A_870 = vector.shape_cast %get3A_869 : vector<1x16xi32> to vector<16xi32>
      %shift_right_arithmetic3A_871 = arith.constant 3 : i32
      %shift_right_arithmetic3A_872 = vector.broadcast %shift_right_arithmetic3A_871 : i32 to vector<16xi32>
      %shift_right_arithmetic3A_873 = arith.shrsi %get3A_870, %shift_right_arithmetic3A_872 : vector<16xi32>
      %shift_left3A_874 = arith.constant 5 : i32
      %shift_left3A_875 = vector.broadcast %shift_left3A_874 : i32 to vector<16xi32>
      %shift_left3A_876 = arith.shli %shift_right_arithmetic3A_873, %shift_left3A_875 : vector<16xi32>
      %and3A_877 = arith.constant 7 : i32
      %and3A_878 = vector.broadcast %and3A_877 : i32 to vector<16xi32>
      %and3A_879 = arith.andi %get3A_870, %and3A_878 : vector<16xi32>
      %shift_left3A_880 = arith.constant 1 : i32
      %shift_left3A_881 = vector.broadcast %shift_left3A_880 : i32 to vector<16xi32>
      %shift_left3A_882 = arith.shli %and3A_879, %shift_left3A_881 : vector<16xi32>
      %add3A_883 = arith.addi %shift_left3A_876, %shift_left3A_882 : vector<16xi32>
      %swap3A_884 = arith.constant 4 : i32
      %swap3A_885 = arith.index_cast %swap3A_884 : i32 to index
      %swap3A_886 = arith.constant 64 : index
      %swap3A_887 = tpu.vector_load %arg6[%swap3A_885, %swap3A_886] {strides = array<i32>} : memref<8x128xi32, #tpu.memory_space<vmem>>, vector<1x16xi32>,
      %swap3A_888 = vector.shape_cast %swap3A_887 : vector<1x16xi32> to vector<16xi32>
      %swap3A_889 = vector.shape_cast %add3A_883 : vector<16xi32> to vector<1x16xi32>
      tpu.vector_store %arg6[%swap3A_885, %swap3A_886], %swap3A_889 {strides = array<i32>} : memref<8x128xi32, #tpu.memory_space<vmem>>, vector<1x16xi32>,
      %get3A_890 = arith.constant 4 : i32
      %get3A_891 = arith.index_cast %get3A_890 : i32 to index
      %get3A_892 = arith.constant 80 : index
      %get3A_893 = tpu.vector_load %arg6[%get3A_891, %get3A_892] {strides = array<i32>} : memref<8x128xi32, #tpu.memory_space<vmem>>, vector<1x16xi32>,
      %get3A_894 = vector.shape_cast %get3A_893 : vector<1x16xi32> to vector<16xi32>
      %shift_right_arithmetic3A_895 = arith.constant 3 : i32
      %shift_right_arithmetic3A_896 = vector.broadcast %shift_right_arithmetic3A_895 : i32 to vector<16xi32>
      %shift_right_arithmetic3A_897 = arith.shrsi %get3A_894, %shift_right_arithmetic3A_896 : vector<16xi32>
      %shift_left3A_898 = arith.constant 5 : i32
      %shift_left3A_899 = vector.broadcast %shift_left3A_898 : i32 to vector<16xi32>
      %shift_left3A_900 = arith.shli %shift_right_arithmetic3A_897, %shift_left3A_899 : vector<16xi32>
      %and3A_901 = arith.constant 7 : i32
      %and3A_902 = vector.broadcast %and3A_901 : i32 to vector<16xi32>
      %and3A_903 = arith.andi %get3A_894, %and3A_902 : vector<16xi32>
      %shift_left3A_904 = arith.constant 1 : i32
      %shift_left3A_905 = vector.broadcast %shift_left3A_904 : i32 to vector<16xi32>
      %shift_left3A_906 = arith.shli %and3A_903, %shift_left3A_905 : vector<16xi32>
      %add3A_907 = arith.addi %shift_left3A_900, %shift_left3A_906 : vector<16xi32>
      %swap3A_908 = arith.constant 4 : i32
      %swap3A_909 = arith.index_cast %swap3A_908 : i32 to index
      %swap3A_910 = arith.constant 80 : index
      %swap3A_911 = tpu.vector_load %arg6[%swap3A_909, %swap3A_910] {strides = array<i32>} : memref<8x128xi32, #tpu.memory_space<vmem>>, vector<1x16xi32>,
      %swap3A_912 = vector.shape_cast %swap3A_911 : vector<1x16xi32> to vector<16xi32>
      %swap3A_913 = vector.shape_cast %add3A_907 : vector<16xi32> to vector<1x16xi32>
      tpu.vector_store %arg6[%swap3A_909, %swap3A_910], %swap3A_913 {strides = array<i32>} : memref<8x128xi32, #tpu.memory_space<vmem>>, vector<1x16xi32>,
      %get3A_914 = arith.constant 4 : i32
      %get3A_915 = arith.index_cast %get3A_914 : i32 to index
      %get3A_916 = arith.constant 96 : index
      %get3A_917 = tpu.vector_load %arg6[%get3A_915, %get3A_916] {strides = array<i32>} : memref<8x128xi32, #tpu.memory_space<vmem>>, vector<1x16xi32>,
      %get3A_918 = vector.shape_cast %get3A_917 : vector<1x16xi32> to vector<16xi32>
      %shift_right_arithmetic3A_919 = arith.constant 3 : i32
      %shift_right_arithmetic3A_920 = vector.broadcast %shift_right_arithmetic3A_919 : i32 to vector<16xi32>
      %shift_right_arithmetic3A_921 = arith.shrsi %get3A_918, %shift_right_arithmetic3A_920 : vector<16xi32>
      %shift_left3A_922 = arith.constant 5 : i32
      %shift_left3A_923 = vector.broadcast %shift_left3A_922 : i32 to vector<16xi32>
      %shift_left3A_924 = arith.shli %shift_right_arithmetic3A_921, %shift_left3A_923 : vector<16xi32>
      %and3A_925 = arith.constant 7 : i32
      %and3A_926 = vector.broadcast %and3A_925 : i32 to vector<16xi32>
      %and3A_927 = arith.andi %get3A_918, %and3A_926 : vector<16xi32>
      %shift_left3A_928 = arith.constant 1 : i32
      %shift_left3A_929 = vector.broadcast %shift_left3A_928 : i32 to vector<16xi32>
      %shift_left3A_930 = arith.shli %and3A_927, %shift_left3A_929 : vector<16xi32>
      %add3A_931 = arith.addi %shift_left3A_924, %shift_left3A_930 : vector<16xi32>
      %swap3A_932 = arith.constant 4 : i32
      %swap3A_933 = arith.index_cast %swap3A_932 : i32 to index
      %swap3A_934 = arith.constant 96 : index
      %swap3A_935 = tpu.vector_load %arg6[%swap3A_933, %swap3A_934] {strides = array<i32>} : memref<8x128xi32, #tpu.memory_space<vmem>>, vector<1x16xi32>,
      %swap3A_936 = vector.shape_cast %swap3A_935 : vector<1x16xi32> to vector<16xi32>
      %swap3A_937 = vector.shape_cast %add3A_931 : vector<16xi32> to vector<1x16xi32>
      tpu.vector_store %arg6[%swap3A_933, %swap3A_934], %swap3A_937 {strides = array<i32>} : memref<8x128xi32, #tpu.memory_space<vmem>>, vector<1x16xi32>,
      %get3A_938 = arith.constant 4 : i32
      %get3A_939 = arith.index_cast %get3A_938 : i32 to index
      %get3A_940 = arith.constant 112 : index
      %get3A_941 = tpu.vector_load %arg6[%get3A_939, %get3A_940] {strides = array<i32>} : memref<8x128xi32, #tpu.memory_space<vmem>>, vector<1x16xi32>,
      %get3A_942 = vector.shape_cast %get3A_941 : vector<1x16xi32> to vector<16xi32>
      %shift_right_arithmetic3A_943 = arith.constant 3 : i32
      %shift_right_arithmetic3A_944 = vector.broadcast %shift_right_arithmetic3A_943 : i32 to vector<16xi32>
      %shift_right_arithmetic3A_945 = arith.shrsi %get3A_942, %shift_right_arithmetic3A_944 : vector<16xi32>
      %shift_left3A_946 = arith.constant 5 : i32
      %shift_left3A_947 = vector.broadcast %shift_left3A_946 : i32 to vector<16xi32>
      %shift_left3A_948 = arith.shli %shift_right_arithmetic3A_945, %shift_left3A_947 : vector<16xi32>
      %and3A_949 = arith.constant 7 : i32
      %and3A_950 = vector.broadcast %and3A_949 : i32 to vector<16xi32>
      %and3A_951 = arith.andi %get3A_942, %and3A_950 : vector<16xi32>
      %shift_left3A_952 = arith.constant 1 : i32
      %shift_left3A_953 = vector.broadcast %shift_left3A_952 : i32 to vector<16xi32>
      %shift_left3A_954 = arith.shli %and3A_951, %shift_left3A_953 : vector<16xi32>
      %add3A_955 = arith.addi %shift_left3A_948, %shift_left3A_954 : vector<16xi32>
      %swap3A_956 = arith.constant 4 : i32
      %swap3A_957 = arith.index_cast %swap3A_956 : i32 to index
      %swap3A_958 = arith.constant 112 : index
      %swap3A_959 = tpu.vector_load %arg6[%swap3A_957, %swap3A_958] {strides = array<i32>} : memref<8x128xi32, #tpu.memory_space<vmem>>, vector<1x16xi32>,
      %swap3A_960 = vector.shape_cast %swap3A_959 : vector<1x16xi32> to vector<16xi32>
      %swap3A_961 = vector.shape_cast %add3A_955 : vector<16xi32> to vector<1x16xi32>
      tpu.vector_store %arg6[%swap3A_957, %swap3A_958], %swap3A_961 {strides = array<i32>} : memref<8x128xi32, #tpu.memory_space<vmem>>, vector<1x16xi32>,
      %get3A_962 = arith.constant 5 : i32
      %get3A_963 = arith.index_cast %get3A_962 : i32 to index
      %get3A_964 = arith.constant 0 : index
      %get3A_965 = tpu.vector_load %arg6[%get3A_963, %get3A_964] {strides = array<i32>} : memref<8x128xi32, #tpu.memory_space<vmem>>, vector<1x16xi32>,
      %get3A_966 = vector.shape_cast %get3A_965 : vector<1x16xi32> to vector<16xi32>
      %shift_right_arithmetic3A_967 = arith.constant 3 : i32
      %shift_right_arithmetic3A_968 = vector.broadcast %shift_right_arithmetic3A_967 : i32 to vector<16xi32>
      %shift_right_arithmetic3A_969 = arith.shrsi %get3A_966, %shift_right_arithmetic3A_968 : vector<16xi32>
      %shift_left3A_970 = arith.constant 5 : i32
      %shift_left3A_971 = vector.broadcast %shift_left3A_970 : i32 to vector<16xi32>
      %shift_left3A_972 = arith.shli %shift_right_arithmetic3A_969, %shift_left3A_971 : vector<16xi32>
      %and3A_973 = arith.constant 7 : i32
      %and3A_974 = vector.broadcast %and3A_973 : i32 to vector<16xi32>
      %and3A_975 = arith.andi %get3A_966, %and3A_974 : vector<16xi32>
      %shift_left3A_976 = arith.constant 1 : i32
      %shift_left3A_977 = vector.broadcast %shift_left3A_976 : i32 to vector<16xi32>
      %shift_left3A_978 = arith.shli %and3A_975, %shift_left3A_977 : vector<16xi32>
      %add3A_979 = arith.addi %shift_left3A_972, %shift_left3A_978 : vector<16xi32>
      %swap3A_980 = arith.constant 5 : i32
      %swap3A_981 = arith.index_cast %swap3A_980 : i32 to index
      %swap3A_982 = arith.constant 0 : index
      %swap3A_983 = tpu.vector_load %arg6[%swap3A_981, %swap3A_982] {strides = array<i32>} : memref<8x128xi32, #tpu.memory_space<vmem>>, vector<1x16xi32>,
      %swap3A_984 = vector.shape_cast %swap3A_983 : vector<1x16xi32> to vector<16xi32>
      %swap3A_985 = vector.shape_cast %add3A_979 : vector<16xi32> to vector<1x16xi32>
      tpu.vector_store %arg6[%swap3A_981, %swap3A_982], %swap3A_985 {strides = array<i32>} : memref<8x128xi32, #tpu.memory_space<vmem>>, vector<1x16xi32>,
      %get3A_986 = arith.constant 5 : i32
      %get3A_987 = arith.index_cast %get3A_986 : i32 to index
      %get3A_988 = arith.constant 16 : index
      %get3A_989 = tpu.vector_load %arg6[%get3A_987, %get3A_988] {strides = array<i32>} : memref<8x128xi32, #tpu.memory_space<vmem>>, vector<1x16xi32>,
      %get3A_990 = vector.shape_cast %get3A_989 : vector<1x16xi32> to vector<16xi32>
      %shift_right_arithmetic3A_991 = arith.constant 3 : i32
      %shift_right_arithmetic3A_992 = vector.broadcast %shift_right_arithmetic3A_991 : i32 to vector<16xi32>
      %shift_right_arithmetic3A_993 = arith.shrsi %get3A_990, %shift_right_arithmetic3A_992 : vector<16xi32>
      %shift_left3A_994 = arith.constant 5 : i32
      %shift_left3A_995 = vector.broadcast %shift_left3A_994 : i32 to vector<16xi32>
      %shift_left3A_996 = arith.shli %shift_right_arithmetic3A_993, %shift_left3A_995 : vector<16xi32>
      %and3A_997 = arith.constant 7 : i32
      %and3A_998 = vector.broadcast %and3A_997 : i32 to vector<16xi32>
      %and3A_999 = arith.andi %get3A_990, %and3A_998 : vector<16xi32>
      %shift_left3A_1000 = arith.constant 1 : i32
      %shift_left3A_1001 = vector.broadcast %shift_left3A_1000 : i32 to vector<16xi32>
      %shift_left3A_1002 = arith.shli %and3A_999, %shift_left3A_1001 : vector<16xi32>
      %add3A_1003 = arith.addi %shift_left3A_996, %shift_left3A_1002 : vector<16xi32>
      %swap3A_1004 = arith.constant 5 : i32
      %swap3A_1005 = arith.index_cast %swap3A_1004 : i32 to index
      %swap3A_1006 = arith.constant 16 : index
      %swap3A_1007 = tpu.vector_load %arg6[%swap3A_1005, %swap3A_1006] {strides = array<i32>} : memref<8x128xi32, #tpu.memory_space<vmem>>, vector<1x16xi32>,
      %swap3A_1008 = vector.shape_cast %swap3A_1007 : vector<1x16xi32> to vector<16xi32>
      %swap3A_1009 = vector.shape_cast %add3A_1003 : vector<16xi32> to vector<1x16xi32>
      tpu.vector_store %arg6[%swap3A_1005, %swap3A_1006], %swap3A_1009 {strides = array<i32>} : memref<8x128xi32, #tpu.memory_space<vmem>>, vector<1x16xi32>,
      %get3A_1010 = arith.constant 5 : i32
      %get3A_1011 = arith.index_cast %get3A_1010 : i32 to index
      %get3A_1012 = arith.constant 32 : index
      %get3A_1013 = tpu.vector_load %arg6[%get3A_1011, %get3A_1012] {strides = array<i32>} : memref<8x128xi32, #tpu.memory_space<vmem>>, vector<1x16xi32>,
      %get3A_1014 = vector.shape_cast %get3A_1013 : vector<1x16xi32> to vector<16xi32>
      %shift_right_arithmetic3A_1015 = arith.constant 3 : i32
      %shift_right_arithmetic3A_1016 = vector.broadcast %shift_right_arithmetic3A_1015 : i32 to vector<16xi32>
      %shift_right_arithmetic3A_1017 = arith.shrsi %get3A_1014, %shift_right_arithmetic3A_1016 : vector<16xi32>
      %shift_left3A_1018 = arith.constant 5 : i32
      %shift_left3A_1019 = vector.broadcast %shift_left3A_1018 : i32 to vector<16xi32>
      %shift_left3A_1020 = arith.shli %shift_right_arithmetic3A_1017, %shift_left3A_1019 : vector<16xi32>
      %and3A_1021 = arith.constant 7 : i32
      %and3A_1022 = vector.broadcast %and3A_1021 : i32 to vector<16xi32>
      %and3A_1023 = arith.andi %get3A_1014, %and3A_1022 : vector<16xi32>
      %shift_left3A_1024 = arith.constant 1 : i32
      %shift_left3A_1025 = vector.broadcast %shift_left3A_1024 : i32 to vector<16xi32>
      %shift_left3A_1026 = arith.shli %and3A_1023, %shift_left3A_1025 : vector<16xi32>
      %add3A_1027 = arith.addi %shift_left3A_1020, %shift_left3A_1026 : vector<16xi32>
      %swap3A_1028 = arith.constant 5 : i32
      %swap3A_1029 = arith.index_cast %swap3A_1028 : i32 to index
      %swap3A_1030 = arith.constant 32 : index
      %swap3A_1031 = tpu.vector_load %arg6[%swap3A_1029, %swap3A_1030] {strides = array<i32>} : memref<8x128xi32, #tpu.memory_space<vmem>>, vector<1x16xi32>,
      %swap3A_1032 = vector.shape_cast %swap3A_1031 : vector<1x16xi32> to vector<16xi32>
      %swap3A_1033 = vector.shape_cast %add3A_1027 : vector<16xi32> to vector<1x16xi32>
      tpu.vector_store %arg6[%swap3A_1029, %swap3A_1030], %swap3A_1033 {strides = array<i32>} : memref<8x128xi32, #tpu.memory_space<vmem>>, vector<1x16xi32>,
      %get3A_1034 = arith.constant 5 : i32
      %get3A_1035 = arith.index_cast %get3A_1034 : i32 to index
      %get3A_1036 = arith.constant 48 : index
      %get3A_1037 = tpu.vector_load %arg6[%get3A_1035, %get3A_1036] {strides = array<i32>} : memref<8x128xi32, #tpu.memory_space<vmem>>, vector<1x16xi32>,
      %get3A_1038 = vector.shape_cast %get3A_1037 : vector<1x16xi32> to vector<16xi32>
      %shift_right_arithmetic3A_1039 = arith.constant 3 : i32
      %shift_right_arithmetic3A_1040 = vector.broadcast %shift_right_arithmetic3A_1039 : i32 to vector<16xi32>
      %shift_right_arithmetic3A_1041 = arith.shrsi %get3A_1038, %shift_right_arithmetic3A_1040 : vector<16xi32>
      %shift_left3A_1042 = arith.constant 5 : i32
      %shift_left3A_1043 = vector.broadcast %shift_left3A_1042 : i32 to vector<16xi32>
      %shift_left3A_1044 = arith.shli %shift_right_arithmetic3A_1041, %shift_left3A_1043 : vector<16xi32>
      %and3A_1045 = arith.constant 7 : i32
      %and3A_1046 = vector.broadcast %and3A_1045 : i32 to vector<16xi32>
      %and3A_1047 = arith.andi %get3A_1038, %and3A_1046 : vector<16xi32>
      %shift_left3A_1048 = arith.constant 1 : i32
      %shift_left3A_1049 = vector.broadcast %shift_left3A_1048 : i32 to vector<16xi32>
      %shift_left3A_1050 = arith.shli %and3A_1047, %shift_left3A_1049 : vector<16xi32>
      %add3A_1051 = arith.addi %shift_left3A_1044, %shift_left3A_1050 : vector<16xi32>
      %swap3A_1052 = arith.constant 5 : i32
      %swap3A_1053 = arith.index_cast %swap3A_1052 : i32 to index
      %swap3A_1054 = arith.constant 48 : index
      %swap3A_1055 = tpu.vector_load %arg6[%swap3A_1053, %swap3A_1054] {strides = array<i32>} : memref<8x128xi32, #tpu.memory_space<vmem>>, vector<1x16xi32>,
      %swap3A_1056 = vector.shape_cast %swap3A_1055 : vector<1x16xi32> to vector<16xi32>
      %swap3A_1057 = vector.shape_cast %add3A_1051 : vector<16xi32> to vector<1x16xi32>
      tpu.vector_store %arg6[%swap3A_1053, %swap3A_1054], %swap3A_1057 {strides = array<i32>} : memref<8x128xi32, #tpu.memory_space<vmem>>, vector<1x16xi32>,
      %get3A_1058 = arith.constant 5 : i32
      %get3A_1059 = arith.index_cast %get3A_1058 : i32 to index
      %get3A_1060 = arith.constant 64 : index
      %get3A_1061 = tpu.vector_load %arg6[%get3A_1059, %get3A_1060] {strides = array<i32>} : memref<8x128xi32, #tpu.memory_space<vmem>>, vector<1x16xi32>,
      %get3A_1062 = vector.shape_cast %get3A_1061 : vector<1x16xi32> to vector<16xi32>
      %shift_right_arithmetic3A_1063 = arith.constant 3 : i32
      %shift_right_arithmetic3A_1064 = vector.broadcast %shift_right_arithmetic3A_1063 : i32 to vector<16xi32>
      %shift_right_arithmetic3A_1065 = arith.shrsi %get3A_1062, %shift_right_arithmetic3A_1064 : vector<16xi32>
      %shift_left3A_1066 = arith.constant 5 : i32
      %shift_left3A_1067 = vector.broadcast %shift_left3A_1066 : i32 to vector<16xi32>
      %shift_left3A_1068 = arith.shli %shift_right_arithmetic3A_1065, %shift_left3A_1067 : vector<16xi32>
      %and3A_1069 = arith.constant 7 : i32
      %and3A_1070 = vector.broadcast %and3A_1069 : i32 to vector<16xi32>
      %and3A_1071 = arith.andi %get3A_1062, %and3A_1070 : vector<16xi32>
      %shift_left3A_1072 = arith.constant 1 : i32
      %shift_left3A_1073 = vector.broadcast %shift_left3A_1072 : i32 to vector<16xi32>
      %shift_left3A_1074 = arith.shli %and3A_1071, %shift_left3A_1073 : vector<16xi32>
      %add3A_1075 = arith.addi %shift_left3A_1068, %shift_left3A_1074 : vector<16xi32>
      %swap3A_1076 = arith.constant 5 : i32
      %swap3A_1077 = arith.index_cast %swap3A_1076 : i32 to index
      %swap3A_1078 = arith.constant 64 : index
      %swap3A_1079 = tpu.vector_load %arg6[%swap3A_1077, %swap3A_1078] {strides = array<i32>} : memref<8x128xi32, #tpu.memory_space<vmem>>, vector<1x16xi32>,
      %swap3A_1080 = vector.shape_cast %swap3A_1079 : vector<1x16xi32> to vector<16xi32>
      %swap3A_1081 = vector.shape_cast %add3A_1075 : vector<16xi32> to vector<1x16xi32>
      tpu.vector_store %arg6[%swap3A_1077, %swap3A_1078], %swap3A_1081 {strides = array<i32>} : memref<8x128xi32, #tpu.memory_space<vmem>>, vector<1x16xi32>,
      %get3A_1082 = arith.constant 5 : i32
      %get3A_1083 = arith.index_cast %get3A_1082 : i32 to index
      %get3A_1084 = arith.constant 80 : index
      %get3A_1085 = tpu.vector_load %arg6[%get3A_1083, %get3A_1084] {strides = array<i32>} : memref<8x128xi32, #tpu.memory_space<vmem>>, vector<1x16xi32>,
      %get3A_1086 = vector.shape_cast %get3A_1085 : vector<1x16xi32> to vector<16xi32>
      %shift_right_arithmetic3A_1087 = arith.constant 3 : i32
      %shift_right_arithmetic3A_1088 = vector.broadcast %shift_right_arithmetic3A_1087 : i32 to vector<16xi32>
      %shift_right_arithmetic3A_1089 = arith.shrsi %get3A_1086, %shift_right_arithmetic3A_1088 : vector<16xi32>
      %shift_left3A_1090 = arith.constant 5 : i32
      %shift_left3A_1091 = vector.broadcast %shift_left3A_1090 : i32 to vector<16xi32>
      %shift_left3A_1092 = arith.shli %shift_right_arithmetic3A_1089, %shift_left3A_1091 : vector<16xi32>
      %and3A_1093 = arith.constant 7 : i32
      %and3A_1094 = vector.broadcast %and3A_1093 : i32 to vector<16xi32>
      %and3A_1095 = arith.andi %get3A_1086, %and3A_1094 : vector<16xi32>
      %shift_left3A_1096 = arith.constant 1 : i32
      %shift_left3A_1097 = vector.broadcast %shift_left3A_1096 : i32 to vector<16xi32>
      %shift_left3A_1098 = arith.shli %and3A_1095, %shift_left3A_1097 : vector<16xi32>
      %add3A_1099 = arith.addi %shift_left3A_1092, %shift_left3A_1098 : vector<16xi32>
      %swap3A_1100 = arith.constant 5 : i32
      %swap3A_1101 = arith.index_cast %swap3A_1100 : i32 to index
      %swap3A_1102 = arith.constant 80 : index
      %swap3A_1103 = tpu.vector_load %arg6[%swap3A_1101, %swap3A_1102] {strides = array<i32>} : memref<8x128xi32, #tpu.memory_space<vmem>>, vector<1x16xi32>,
      %swap3A_1104 = vector.shape_cast %swap3A_1103 : vector<1x16xi32> to vector<16xi32>
      %swap3A_1105 = vector.shape_cast %add3A_1099 : vector<16xi32> to vector<1x16xi32>
      tpu.vector_store %arg6[%swap3A_1101, %swap3A_1102], %swap3A_1105 {strides = array<i32>} : memref<8x128xi32, #tpu.memory_space<vmem>>, vector<1x16xi32>,
      %get3A_1106 = arith.constant 5 : i32
      %get3A_1107 = arith.index_cast %get3A_1106 : i32 to index
      %get3A_1108 = arith.constant 96 : index
      %get3A_1109 = tpu.vector_load %arg6[%get3A_1107, %get3A_1108] {strides = array<i32>} : memref<8x128xi32, #tpu.memory_space<vmem>>, vector<1x16xi32>,
      %get3A_1110 = vector.shape_cast %get3A_1109 : vector<1x16xi32> to vector<16xi32>
      %shift_right_arithmetic3A_1111 = arith.constant 3 : i32
      %shift_right_arithmetic3A_1112 = vector.broadcast %shift_right_arithmetic3A_1111 : i32 to vector<16xi32>
      %shift_right_arithmetic3A_1113 = arith.shrsi %get3A_1110, %shift_right_arithmetic3A_1112 : vector<16xi32>
      %shift_left3A_1114 = arith.constant 5 : i32
      %shift_left3A_1115 = vector.broadcast %shift_left3A_1114 : i32 to vector<16xi32>
      %shift_left3A_1116 = arith.shli %shift_right_arithmetic3A_1113, %shift_left3A_1115 : vector<16xi32>
      %and3A_1117 = arith.constant 7 : i32
      %and3A_1118 = vector.broadcast %and3A_1117 : i32 to vector<16xi32>
      %and3A_1119 = arith.andi %get3A_1110, %and3A_1118 : vector<16xi32>
      %shift_left3A_1120 = arith.constant 1 : i32
      %shift_left3A_1121 = vector.broadcast %shift_left3A_1120 : i32 to vector<16xi32>
      %shift_left3A_1122 = arith.shli %and3A_1119, %shift_left3A_1121 : vector<16xi32>
      %add3A_1123 = arith.addi %shift_left3A_1116, %shift_left3A_1122 : vector<16xi32>
      %swap3A_1124 = arith.constant 5 : i32
      %swap3A_1125 = arith.index_cast %swap3A_1124 : i32 to index
      %swap3A_1126 = arith.constant 96 : index
      %swap3A_1127 = tpu.vector_load %arg6[%swap3A_1125, %swap3A_1126] {strides = array<i32>} : memref<8x128xi32, #tpu.memory_space<vmem>>, vector<1x16xi32>,
      %swap3A_1128 = vector.shape_cast %swap3A_1127 : vector<1x16xi32> to vector<16xi32>
      %swap3A_1129 = vector.shape_cast %add3A_1123 : vector<16xi32> to vector<1x16xi32>
      tpu.vector_store %arg6[%swap3A_1125, %swap3A_1126], %swap3A_1129 {strides = array<i32>} : memref<8x128xi32, #tpu.memory_space<vmem>>, vector<1x16xi32>,
      %get3A_1130 = arith.constant 5 : i32
      %get3A_1131 = arith.index_cast %get3A_1130 : i32 to index
      %get3A_1132 = arith.constant 112 : index
      %get3A_1133 = tpu.vector_load %arg6[%get3A_1131, %get3A_1132] {strides = array<i32>} : memref<8x128xi32, #tpu.memory_space<vmem>>, vector<1x16xi32>,
      %get3A_1134 = vector.shape_cast %get3A_1133 : vector<1x16xi32> to vector<16xi32>
      %shift_right_arithmetic3A_1135 = arith.constant 3 : i32
      %shift_right_arithmetic3A_1136 = vector.broadcast %shift_right_arithmetic3A_1135 : i32 to vector<16xi32>
      %shift_right_arithmetic3A_1137 = arith.shrsi %get3A_1134, %shift_right_arithmetic3A_1136 : vector<16xi32>
      %shift_left3A_1138 = arith.constant 5 : i32
      %shift_left3A_1139 = vector.broadcast %shift_left3A_1138 : i32 to vector<16xi32>
      %shift_left3A_1140 = arith.shli %shift_right_arithmetic3A_1137, %shift_left3A_1139 : vector<16xi32>
      %and3A_1141 = arith.constant 7 : i32
      %and3A_1142 = vector.broadcast %and3A_1141 : i32 to vector<16xi32>
      %and3A_1143 = arith.andi %get3A_1134, %and3A_1142 : vector<16xi32>
      %shift_left3A_1144 = arith.constant 1 : i32
      %shift_left3A_1145 = vector.broadcast %shift_left3A_1144 : i32 to vector<16xi32>
      %shift_left3A_1146 = arith.shli %and3A_1143, %shift_left3A_1145 : vector<16xi32>
      %add3A_1147 = arith.addi %shift_left3A_1140, %shift_left3A_1146 : vector<16xi32>
      %swap3A_1148 = arith.constant 5 : i32
      %swap3A_1149 = arith.index_cast %swap3A_1148 : i32 to index
      %swap3A_1150 = arith.constant 112 : index
      %swap3A_1151 = tpu.vector_load %arg6[%swap3A_1149, %swap3A_1150] {strides = array<i32>} : memref<8x128xi32, #tpu.memory_space<vmem>>, vector<1x16xi32>,
      %swap3A_1152 = vector.shape_cast %swap3A_1151 : vector<1x16xi32> to vector<16xi32>
      %swap3A_1153 = vector.shape_cast %add3A_1147 : vector<16xi32> to vector<1x16xi32>
      tpu.vector_store %arg6[%swap3A_1149, %swap3A_1150], %swap3A_1153 {strides = array<i32>} : memref<8x128xi32, #tpu.memory_space<vmem>>, vector<1x16xi32>,
      %get3A_1154 = arith.constant 6 : i32
      %get3A_1155 = arith.index_cast %get3A_1154 : i32 to index
      %get3A_1156 = arith.constant 0 : index
      %get3A_1157 = tpu.vector_load %arg6[%get3A_1155, %get3A_1156] {strides = array<i32>} : memref<8x128xi32, #tpu.memory_space<vmem>>, vector<1x16xi32>,
      %get3A_1158 = vector.shape_cast %get3A_1157 : vector<1x16xi32> to vector<16xi32>
      %shift_right_arithmetic3A_1159 = arith.constant 3 : i32
      %shift_right_arithmetic3A_1160 = vector.broadcast %shift_right_arithmetic3A_1159 : i32 to vector<16xi32>
      %shift_right_arithmetic3A_1161 = arith.shrsi %get3A_1158, %shift_right_arithmetic3A_1160 : vector<16xi32>
      %shift_left3A_1162 = arith.constant 5 : i32
      %shift_left3A_1163 = vector.broadcast %shift_left3A_1162 : i32 to vector<16xi32>
      %shift_left3A_1164 = arith.shli %shift_right_arithmetic3A_1161, %shift_left3A_1163 : vector<16xi32>
      %and3A_1165 = arith.constant 7 : i32
      %and3A_1166 = vector.broadcast %and3A_1165 : i32 to vector<16xi32>
      %and3A_1167 = arith.andi %get3A_1158, %and3A_1166 : vector<16xi32>
      %shift_left3A_1168 = arith.constant 1 : i32
      %shift_left3A_1169 = vector.broadcast %shift_left3A_1168 : i32 to vector<16xi32>
      %shift_left3A_1170 = arith.shli %and3A_1167, %shift_left3A_1169 : vector<16xi32>
      %add3A_1171 = arith.addi %shift_left3A_1164, %shift_left3A_1170 : vector<16xi32>
      %swap3A_1172 = arith.constant 6 : i32
      %swap3A_1173 = arith.index_cast %swap3A_1172 : i32 to index
      %swap3A_1174 = arith.constant 0 : index
      %swap3A_1175 = tpu.vector_load %arg6[%swap3A_1173, %swap3A_1174] {strides = array<i32>} : memref<8x128xi32, #tpu.memory_space<vmem>>, vector<1x16xi32>,
      %swap3A_1176 = vector.shape_cast %swap3A_1175 : vector<1x16xi32> to vector<16xi32>
      %swap3A_1177 = vector.shape_cast %add3A_1171 : vector<16xi32> to vector<1x16xi32>
      tpu.vector_store %arg6[%swap3A_1173, %swap3A_1174], %swap3A_1177 {strides = array<i32>} : memref<8x128xi32, #tpu.memory_space<vmem>>, vector<1x16xi32>,
      %get3A_1178 = arith.constant 6 : i32
      %get3A_1179 = arith.index_cast %get3A_1178 : i32 to index
      %get3A_1180 = arith.constant 16 : index
      %get3A_1181 = tpu.vector_load %arg6[%get3A_1179, %get3A_1180] {strides = array<i32>} : memref<8x128xi32, #tpu.memory_space<vmem>>, vector<1x16xi32>,
      %get3A_1182 = vector.shape_cast %get3A_1181 : vector<1x16xi32> to vector<16xi32>
      %shift_right_arithmetic3A_1183 = arith.constant 3 : i32
      %shift_right_arithmetic3A_1184 = vector.broadcast %shift_right_arithmetic3A_1183 : i32 to vector<16xi32>
      %shift_right_arithmetic3A_1185 = arith.shrsi %get3A_1182, %shift_right_arithmetic3A_1184 : vector<16xi32>
      %shift_left3A_1186 = arith.constant 5 : i32
      %shift_left3A_1187 = vector.broadcast %shift_left3A_1186 : i32 to vector<16xi32>
      %shift_left3A_1188 = arith.shli %shift_right_arithmetic3A_1185, %shift_left3A_1187 : vector<16xi32>
      %and3A_1189 = arith.constant 7 : i32
      %and3A_1190 = vector.broadcast %and3A_1189 : i32 to vector<16xi32>
      %and3A_1191 = arith.andi %get3A_1182, %and3A_1190 : vector<16xi32>
      %shift_left3A_1192 = arith.constant 1 : i32
      %shift_left3A_1193 = vector.broadcast %shift_left3A_1192 : i32 to vector<16xi32>
      %shift_left3A_1194 = arith.shli %and3A_1191, %shift_left3A_1193 : vector<16xi32>
      %add3A_1195 = arith.addi %shift_left3A_1188, %shift_left3A_1194 : vector<16xi32>
      %swap3A_1196 = arith.constant 6 : i32
      %swap3A_1197 = arith.index_cast %swap3A_1196 : i32 to index
      %swap3A_1198 = arith.constant 16 : index
      %swap3A_1199 = tpu.vector_load %arg6[%swap3A_1197, %swap3A_1198] {strides = array<i32>} : memref<8x128xi32, #tpu.memory_space<vmem>>, vector<1x16xi32>,
      %swap3A_1200 = vector.shape_cast %swap3A_1199 : vector<1x16xi32> to vector<16xi32>
      %swap3A_1201 = vector.shape_cast %add3A_1195 : vector<16xi32> to vector<1x16xi32>
      tpu.vector_store %arg6[%swap3A_1197, %swap3A_1198], %swap3A_1201 {strides = array<i32>} : memref<8x128xi32, #tpu.memory_space<vmem>>, vector<1x16xi32>,
      %get3A_1202 = arith.constant 6 : i32
      %get3A_1203 = arith.index_cast %get3A_1202 : i32 to index
      %get3A_1204 = arith.constant 32 : index
      %get3A_1205 = tpu.vector_load %arg6[%get3A_1203, %get3A_1204] {strides = array<i32>} : memref<8x128xi32, #tpu.memory_space<vmem>>, vector<1x16xi32>,
      %get3A_1206 = vector.shape_cast %get3A_1205 : vector<1x16xi32> to vector<16xi32>
      %shift_right_arithmetic3A_1207 = arith.constant 3 : i32
      %shift_right_arithmetic3A_1208 = vector.broadcast %shift_right_arithmetic3A_1207 : i32 to vector<16xi32>
      %shift_right_arithmetic3A_1209 = arith.shrsi %get3A_1206, %shift_right_arithmetic3A_1208 : vector<16xi32>
      %shift_left3A_1210 = arith.constant 5 : i32
      %shift_left3A_1211 = vector.broadcast %shift_left3A_1210 : i32 to vector<16xi32>
      %shift_left3A_1212 = arith.shli %shift_right_arithmetic3A_1209, %shift_left3A_1211 : vector<16xi32>
      %and3A_1213 = arith.constant 7 : i32
      %and3A_1214 = vector.broadcast %and3A_1213 : i32 to vector<16xi32>
      %and3A_1215 = arith.andi %get3A_1206, %and3A_1214 : vector<16xi32>
      %shift_left3A_1216 = arith.constant 1 : i32
      %shift_left3A_1217 = vector.broadcast %shift_left3A_1216 : i32 to vector<16xi32>
      %shift_left3A_1218 = arith.shli %and3A_1215, %shift_left3A_1217 : vector<16xi32>
      %add3A_1219 = arith.addi %shift_left3A_1212, %shift_left3A_1218 : vector<16xi32>
      %swap3A_1220 = arith.constant 6 : i32
      %swap3A_1221 = arith.index_cast %swap3A_1220 : i32 to index
      %swap3A_1222 = arith.constant 32 : index
      %swap3A_1223 = tpu.vector_load %arg6[%swap3A_1221, %swap3A_1222] {strides = array<i32>} : memref<8x128xi32, #tpu.memory_space<vmem>>, vector<1x16xi32>,
      %swap3A_1224 = vector.shape_cast %swap3A_1223 : vector<1x16xi32> to vector<16xi32>
      %swap3A_1225 = vector.shape_cast %add3A_1219 : vector<16xi32> to vector<1x16xi32>
      tpu.vector_store %arg6[%swap3A_1221, %swap3A_1222], %swap3A_1225 {strides = array<i32>} : memref<8x128xi32, #tpu.memory_space<vmem>>, vector<1x16xi32>,
      %get3A_1226 = arith.constant 6 : i32
      %get3A_1227 = arith.index_cast %get3A_1226 : i32 to index
      %get3A_1228 = arith.constant 48 : index
      %get3A_1229 = tpu.vector_load %arg6[%get3A_1227, %get3A_1228] {strides = array<i32>} : memref<8x128xi32, #tpu.memory_space<vmem>>, vector<1x16xi32>,
      %get3A_1230 = vector.shape_cast %get3A_1229 : vector<1x16xi32> to vector<16xi32>
      %shift_right_arithmetic3A_1231 = arith.constant 3 : i32
      %shift_right_arithmetic3A_1232 = vector.broadcast %shift_right_arithmetic3A_1231 : i32 to vector<16xi32>
      %shift_right_arithmetic3A_1233 = arith.shrsi %get3A_1230, %shift_right_arithmetic3A_1232 : vector<16xi32>
      %shift_left3A_1234 = arith.constant 5 : i32
      %shift_left3A_1235 = vector.broadcast %shift_left3A_1234 : i32 to vector<16xi32>
      %shift_left3A_1236 = arith.shli %shift_right_arithmetic3A_1233, %shift_left3A_1235 : vector<16xi32>
      %and3A_1237 = arith.constant 7 : i32
      %and3A_1238 = vector.broadcast %and3A_1237 : i32 to vector<16xi32>
      %and3A_1239 = arith.andi %get3A_1230, %and3A_1238 : vector<16xi32>
      %shift_left3A_1240 = arith.constant 1 : i32
      %shift_left3A_1241 = vector.broadcast %shift_left3A_1240 : i32 to vector<16xi32>
      %shift_left3A_1242 = arith.shli %and3A_1239, %shift_left3A_1241 : vector<16xi32>
      %add3A_1243 = arith.addi %shift_left3A_1236, %shift_left3A_1242 : vector<16xi32>
      %swap3A_1244 = arith.constant 6 : i32
      %swap3A_1245 = arith.index_cast %swap3A_1244 : i32 to index
      %swap3A_1246 = arith.constant 48 : index
      %swap3A_1247 = tpu.vector_load %arg6[%swap3A_1245, %swap3A_1246] {strides = array<i32>} : memref<8x128xi32, #tpu.memory_space<vmem>>, vector<1x16xi32>,
      %swap3A_1248 = vector.shape_cast %swap3A_1247 : vector<1x16xi32> to vector<16xi32>
      %swap3A_1249 = vector.shape_cast %add3A_1243 : vector<16xi32> to vector<1x16xi32>
      tpu.vector_store %arg6[%swap3A_1245, %swap3A_1246], %swap3A_1249 {strides = array<i32>} : memref<8x128xi32, #tpu.memory_space<vmem>>, vector<1x16xi32>,
      %get3A_1250 = arith.constant 6 : i32
      %get3A_1251 = arith.index_cast %get3A_1250 : i32 to index
      %get3A_1252 = arith.constant 64 : index
      %get3A_1253 = tpu.vector_load %arg6[%get3A_1251, %get3A_1252] {strides = array<i32>} : memref<8x128xi32, #tpu.memory_space<vmem>>, vector<1x16xi32>,
      %get3A_1254 = vector.shape_cast %get3A_1253 : vector<1x16xi32> to vector<16xi32>
      %shift_right_arithmetic3A_1255 = arith.constant 3 : i32
      %shift_right_arithmetic3A_1256 = vector.broadcast %shift_right_arithmetic3A_1255 : i32 to vector<16xi32>
      %shift_right_arithmetic3A_1257 = arith.shrsi %get3A_1254, %shift_right_arithmetic3A_1256 : vector<16xi32>
      %shift_left3A_1258 = arith.constant 5 : i32
      %shift_left3A_1259 = vector.broadcast %shift_left3A_1258 : i32 to vector<16xi32>
      %shift_left3A_1260 = arith.shli %shift_right_arithmetic3A_1257, %shift_left3A_1259 : vector<16xi32>
      %and3A_1261 = arith.constant 7 : i32
      %and3A_1262 = vector.broadcast %and3A_1261 : i32 to vector<16xi32>
      %and3A_1263 = arith.andi %get3A_1254, %and3A_1262 : vector<16xi32>
      %shift_left3A_1264 = arith.constant 1 : i32
      %shift_left3A_1265 = vector.broadcast %shift_left3A_1264 : i32 to vector<16xi32>
      %shift_left3A_1266 = arith.shli %and3A_1263, %shift_left3A_1265 : vector<16xi32>
      %add3A_1267 = arith.addi %shift_left3A_1260, %shift_left3A_1266 : vector<16xi32>
      %swap3A_1268 = arith.constant 6 : i32
      %swap3A_1269 = arith.index_cast %swap3A_1268 : i32 to index
      %swap3A_1270 = arith.constant 64 : index
      %swap3A_1271 = tpu.vector_load %arg6[%swap3A_1269, %swap3A_1270] {strides = array<i32>} : memref<8x128xi32, #tpu.memory_space<vmem>>, vector<1x16xi32>,
      %swap3A_1272 = vector.shape_cast %swap3A_1271 : vector<1x16xi32> to vector<16xi32>
      %swap3A_1273 = vector.shape_cast %add3A_1267 : vector<16xi32> to vector<1x16xi32>
      tpu.vector_store %arg6[%swap3A_1269, %swap3A_1270], %swap3A_1273 {strides = array<i32>} : memref<8x128xi32, #tpu.memory_space<vmem>>, vector<1x16xi32>,
      %get3A_1274 = arith.constant 6 : i32
      %get3A_1275 = arith.index_cast %get3A_1274 : i32 to index
      %get3A_1276 = arith.constant 80 : index
      %get3A_1277 = tpu.vector_load %arg6[%get3A_1275, %get3A_1276] {strides = array<i32>} : memref<8x128xi32, #tpu.memory_space<vmem>>, vector<1x16xi32>,
      %get3A_1278 = vector.shape_cast %get3A_1277 : vector<1x16xi32> to vector<16xi32>
      %shift_right_arithmetic3A_1279 = arith.constant 3 : i32
      %shift_right_arithmetic3A_1280 = vector.broadcast %shift_right_arithmetic3A_1279 : i32 to vector<16xi32>
      %shift_right_arithmetic3A_1281 = arith.shrsi %get3A_1278, %shift_right_arithmetic3A_1280 : vector<16xi32>
      %shift_left3A_1282 = arith.constant 5 : i32
      %shift_left3A_1283 = vector.broadcast %shift_left3A_1282 : i32 to vector<16xi32>
      %shift_left3A_1284 = arith.shli %shift_right_arithmetic3A_1281, %shift_left3A_1283 : vector<16xi32>
      %and3A_1285 = arith.constant 7 : i32
      %and3A_1286 = vector.broadcast %and3A_1285 : i32 to vector<16xi32>
      %and3A_1287 = arith.andi %get3A_1278, %and3A_1286 : vector<16xi32>
      %shift_left3A_1288 = arith.constant 1 : i32
      %shift_left3A_1289 = vector.broadcast %shift_left3A_1288 : i32 to vector<16xi32>
      %shift_left3A_1290 = arith.shli %and3A_1287, %shift_left3A_1289 : vector<16xi32>
      %add3A_1291 = arith.addi %shift_left3A_1284, %shift_left3A_1290 : vector<16xi32>
      %swap3A_1292 = arith.constant 6 : i32
      %swap3A_1293 = arith.index_cast %swap3A_1292 : i32 to index
      %swap3A_1294 = arith.constant 80 : index
      %swap3A_1295 = tpu.vector_load %arg6[%swap3A_1293, %swap3A_1294] {strides = array<i32>} : memref<8x128xi32, #tpu.memory_space<vmem>>, vector<1x16xi32>,
      %swap3A_1296 = vector.shape_cast %swap3A_1295 : vector<1x16xi32> to vector<16xi32>
      %swap3A_1297 = vector.shape_cast %add3A_1291 : vector<16xi32> to vector<1x16xi32>
      tpu.vector_store %arg6[%swap3A_1293, %swap3A_1294], %swap3A_1297 {strides = array<i32>} : memref<8x128xi32, #tpu.memory_space<vmem>>, vector<1x16xi32>,
      %get3A_1298 = arith.constant 6 : i32
      %get3A_1299 = arith.index_cast %get3A_1298 : i32 to index
      %get3A_1300 = arith.constant 96 : index
      %get3A_1301 = tpu.vector_load %arg6[%get3A_1299, %get3A_1300] {strides = array<i32>} : memref<8x128xi32, #tpu.memory_space<vmem>>, vector<1x16xi32>,
      %get3A_1302 = vector.shape_cast %get3A_1301 : vector<1x16xi32> to vector<16xi32>
      %shift_right_arithmetic3A_1303 = arith.constant 3 : i32
      %shift_right_arithmetic3A_1304 = vector.broadcast %shift_right_arithmetic3A_1303 : i32 to vector<16xi32>
      %shift_right_arithmetic3A_1305 = arith.shrsi %get3A_1302, %shift_right_arithmetic3A_1304 : vector<16xi32>
      %shift_left3A_1306 = arith.constant 5 : i32
      %shift_left3A_1307 = vector.broadcast %shift_left3A_1306 : i32 to vector<16xi32>
      %shift_left3A_1308 = arith.shli %shift_right_arithmetic3A_1305, %shift_left3A_1307 : vector<16xi32>
      %and3A_1309 = arith.constant 7 : i32
      %and3A_1310 = vector.broadcast %and3A_1309 : i32 to vector<16xi32>
      %and3A_1311 = arith.andi %get3A_1302, %and3A_1310 : vector<16xi32>
      %shift_left3A_1312 = arith.constant 1 : i32
      %shift_left3A_1313 = vector.broadcast %shift_left3A_1312 : i32 to vector<16xi32>
      %shift_left3A_1314 = arith.shli %and3A_1311, %shift_left3A_1313 : vector<16xi32>
      %add3A_1315 = arith.addi %shift_left3A_1308, %shift_left3A_1314 : vector<16xi32>
      %swap3A_1316 = arith.constant 6 : i32
      %swap3A_1317 = arith.index_cast %swap3A_1316 : i32 to index
      %swap3A_1318 = arith.constant 96 : index
      %swap3A_1319 = tpu.vector_load %arg6[%swap3A_1317, %swap3A_1318] {strides = array<i32>} : memref<8x128xi32, #tpu.memory_space<vmem>>, vector<1x16xi32>,
      %swap3A_1320 = vector.shape_cast %swap3A_1319 : vector<1x16xi32> to vector<16xi32>
      %swap3A_1321 = vector.shape_cast %add3A_1315 : vector<16xi32> to vector<1x16xi32>
      tpu.vector_store %arg6[%swap3A_1317, %swap3A_1318], %swap3A_1321 {strides = array<i32>} : memref<8x128xi32, #tpu.memory_space<vmem>>, vector<1x16xi32>,
      %get3A_1322 = arith.constant 6 : i32
      %get3A_1323 = arith.index_cast %get3A_1322 : i32 to index
      %get3A_1324 = arith.constant 112 : index
      %get3A_1325 = tpu.vector_load %arg6[%get3A_1323, %get3A_1324] {strides = array<i32>} : memref<8x128xi32, #tpu.memory_space<vmem>>, vector<1x16xi32>,
      %get3A_1326 = vector.shape_cast %get3A_1325 : vector<1x16xi32> to vector<16xi32>
      %shift_right_arithmetic3A_1327 = arith.constant 3 : i32
      %shift_right_arithmetic3A_1328 = vector.broadcast %shift_right_arithmetic3A_1327 : i32 to vector<16xi32>
      %shift_right_arithmetic3A_1329 = arith.shrsi %get3A_1326, %shift_right_arithmetic3A_1328 : vector<16xi32>
      %shift_left3A_1330 = arith.constant 5 : i32
      %shift_left3A_1331 = vector.broadcast %shift_left3A_1330 : i32 to vector<16xi32>
      %shift_left3A_1332 = arith.shli %shift_right_arithmetic3A_1329, %shift_left3A_1331 : vector<16xi32>
      %and3A_1333 = arith.constant 7 : i32
      %and3A_1334 = vector.broadcast %and3A_1333 : i32 to vector<16xi32>
      %and3A_1335 = arith.andi %get3A_1326, %and3A_1334 : vector<16xi32>
      %shift_left3A_1336 = arith.constant 1 : i32
      %shift_left3A_1337 = vector.broadcast %shift_left3A_1336 : i32 to vector<16xi32>
      %shift_left3A_1338 = arith.shli %and3A_1335, %shift_left3A_1337 : vector<16xi32>
      %add3A_1339 = arith.addi %shift_left3A_1332, %shift_left3A_1338 : vector<16xi32>
      %swap3A_1340 = arith.constant 6 : i32
      %swap3A_1341 = arith.index_cast %swap3A_1340 : i32 to index
      %swap3A_1342 = arith.constant 112 : index
      %swap3A_1343 = tpu.vector_load %arg6[%swap3A_1341, %swap3A_1342] {strides = array<i32>} : memref<8x128xi32, #tpu.memory_space<vmem>>, vector<1x16xi32>,
      %swap3A_1344 = vector.shape_cast %swap3A_1343 : vector<1x16xi32> to vector<16xi32>
      %swap3A_1345 = vector.shape_cast %add3A_1339 : vector<16xi32> to vector<1x16xi32>
      tpu.vector_store %arg6[%swap3A_1341, %swap3A_1342], %swap3A_1345 {strides = array<i32>} : memref<8x128xi32, #tpu.memory_space<vmem>>, vector<1x16xi32>,
      %get3A_1346 = arith.constant 7 : i32
      %get3A_1347 = arith.index_cast %get3A_1346 : i32 to index
      %get3A_1348 = arith.constant 0 : index
      %get3A_1349 = tpu.vector_load %arg6[%get3A_1347, %get3A_1348] {strides = array<i32>} : memref<8x128xi32, #tpu.memory_space<vmem>>, vector<1x16xi32>,
      %get3A_1350 = vector.shape_cast %get3A_1349 : vector<1x16xi32> to vector<16xi32>
      %shift_right_arithmetic3A_1351 = arith.constant 3 : i32
      %shift_right_arithmetic3A_1352 = vector.broadcast %shift_right_arithmetic3A_1351 : i32 to vector<16xi32>
      %shift_right_arithmetic3A_1353 = arith.shrsi %get3A_1350, %shift_right_arithmetic3A_1352 : vector<16xi32>
      %shift_left3A_1354 = arith.constant 5 : i32
      %shift_left3A_1355 = vector.broadcast %shift_left3A_1354 : i32 to vector<16xi32>
      %shift_left3A_1356 = arith.shli %shift_right_arithmetic3A_1353, %shift_left3A_1355 : vector<16xi32>
      %and3A_1357 = arith.constant 7 : i32
      %and3A_1358 = vector.broadcast %and3A_1357 : i32 to vector<16xi32>
      %and3A_1359 = arith.andi %get3A_1350, %and3A_1358 : vector<16xi32>
      %shift_left3A_1360 = arith.constant 1 : i32
      %shift_left3A_1361 = vector.broadcast %shift_left3A_1360 : i32 to vector<16xi32>
      %shift_left3A_1362 = arith.shli %and3A_1359, %shift_left3A_1361 : vector<16xi32>
      %add3A_1363 = arith.addi %shift_left3A_1356, %shift_left3A_1362 : vector<16xi32>
      %swap3A_1364 = arith.constant 7 : i32
      %swap3A_1365 = arith.index_cast %swap3A_1364 : i32 to index
      %swap3A_1366 = arith.constant 0 : index
      %swap3A_1367 = tpu.vector_load %arg6[%swap3A_1365, %swap3A_1366] {strides = array<i32>} : memref<8x128xi32, #tpu.memory_space<vmem>>, vector<1x16xi32>,
      %swap3A_1368 = vector.shape_cast %swap3A_1367 : vector<1x16xi32> to vector<16xi32>
      %swap3A_1369 = vector.shape_cast %add3A_1363 : vector<16xi32> to vector<1x16xi32>
      tpu.vector_store %arg6[%swap3A_1365, %swap3A_1366], %swap3A_1369 {strides = array<i32>} : memref<8x128xi32, #tpu.memory_space<vmem>>, vector<1x16xi32>,
      %get3A_1370 = arith.constant 7 : i32
      %get3A_1371 = arith.index_cast %get3A_1370 : i32 to index
      %get3A_1372 = arith.constant 16 : index
      %get3A_1373 = tpu.vector_load %arg6[%get3A_1371, %get3A_1372] {strides = array<i32>} : memref<8x128xi32, #tpu.memory_space<vmem>>, vector<1x16xi32>,
      %get3A_1374 = vector.shape_cast %get3A_1373 : vector<1x16xi32> to vector<16xi32>
      %shift_right_arithmetic3A_1375 = arith.constant 3 : i32
      %shift_right_arithmetic3A_1376 = vector.broadcast %shift_right_arithmetic3A_1375 : i32 to vector<16xi32>
      %shift_right_arithmetic3A_1377 = arith.shrsi %get3A_1374, %shift_right_arithmetic3A_1376 : vector<16xi32>
      %shift_left3A_1378 = arith.constant 5 : i32
      %shift_left3A_1379 = vector.broadcast %shift_left3A_1378 : i32 to vector<16xi32>
      %shift_left3A_1380 = arith.shli %shift_right_arithmetic3A_1377, %shift_left3A_1379 : vector<16xi32>
      %and3A_1381 = arith.constant 7 : i32
      %and3A_1382 = vector.broadcast %and3A_1381 : i32 to vector<16xi32>
      %and3A_1383 = arith.andi %get3A_1374, %and3A_1382 : vector<16xi32>
      %shift_left3A_1384 = arith.constant 1 : i32
      %shift_left3A_1385 = vector.broadcast %shift_left3A_1384 : i32 to vector<16xi32>
      %shift_left3A_1386 = arith.shli %and3A_1383, %shift_left3A_1385 : vector<16xi32>
      %add3A_1387 = arith.addi %shift_left3A_1380, %shift_left3A_1386 : vector<16xi32>
      %swap3A_1388 = arith.constant 7 : i32
      %swap3A_1389 = arith.index_cast %swap3A_1388 : i32 to index
      %swap3A_1390 = arith.constant 16 : index
      %swap3A_1391 = tpu.vector_load %arg6[%swap3A_1389, %swap3A_1390] {strides = array<i32>} : memref<8x128xi32, #tpu.memory_space<vmem>>, vector<1x16xi32>,
      %swap3A_1392 = vector.shape_cast %swap3A_1391 : vector<1x16xi32> to vector<16xi32>
      %swap3A_1393 = vector.shape_cast %add3A_1387 : vector<16xi32> to vector<1x16xi32>
      tpu.vector_store %arg6[%swap3A_1389, %swap3A_1390], %swap3A_1393 {strides = array<i32>} : memref<8x128xi32, #tpu.memory_space<vmem>>, vector<1x16xi32>,
      %get3A_1394 = arith.constant 7 : i32
      %get3A_1395 = arith.index_cast %get3A_1394 : i32 to index
      %get3A_1396 = arith.constant 32 : index
      %get3A_1397 = tpu.vector_load %arg6[%get3A_1395, %get3A_1396] {strides = array<i32>} : memref<8x128xi32, #tpu.memory_space<vmem>>, vector<1x16xi32>,
      %get3A_1398 = vector.shape_cast %get3A_1397 : vector<1x16xi32> to vector<16xi32>
      %shift_right_arithmetic3A_1399 = arith.constant 3 : i32
      %shift_right_arithmetic3A_1400 = vector.broadcast %shift_right_arithmetic3A_1399 : i32 to vector<16xi32>
      %shift_right_arithmetic3A_1401 = arith.shrsi %get3A_1398, %shift_right_arithmetic3A_1400 : vector<16xi32>
      %shift_left3A_1402 = arith.constant 5 : i32
      %shift_left3A_1403 = vector.broadcast %shift_left3A_1402 : i32 to vector<16xi32>
      %shift_left3A_1404 = arith.shli %shift_right_arithmetic3A_1401, %shift_left3A_1403 : vector<16xi32>
      %and3A_1405 = arith.constant 7 : i32
      %and3A_1406 = vector.broadcast %and3A_1405 : i32 to vector<16xi32>
      %and3A_1407 = arith.andi %get3A_1398, %and3A_1406 : vector<16xi32>
      %shift_left3A_1408 = arith.constant 1 : i32
      %shift_left3A_1409 = vector.broadcast %shift_left3A_1408 : i32 to vector<16xi32>
      %shift_left3A_1410 = arith.shli %and3A_1407, %shift_left3A_1409 : vector<16xi32>
      %add3A_1411 = arith.addi %shift_left3A_1404, %shift_left3A_1410 : vector<16xi32>
      %swap3A_1412 = arith.constant 7 : i32
      %swap3A_1413 = arith.index_cast %swap3A_1412 : i32 to index
      %swap3A_1414 = arith.constant 32 : index
      %swap3A_1415 = tpu.vector_load %arg6[%swap3A_1413, %swap3A_1414] {strides = array<i32>} : memref<8x128xi32, #tpu.memory_space<vmem>>, vector<1x16xi32>,
      %swap3A_1416 = vector.shape_cast %swap3A_1415 : vector<1x16xi32> to vector<16xi32>
      %swap3A_1417 = vector.shape_cast %add3A_1411 : vector<16xi32> to vector<1x16xi32>
      tpu.vector_store %arg6[%swap3A_1413, %swap3A_1414], %swap3A_1417 {strides = array<i32>} : memref<8x128xi32, #tpu.memory_space<vmem>>, vector<1x16xi32>,
      %get3A_1418 = arith.constant 7 : i32
      %get3A_1419 = arith.index_cast %get3A_1418 : i32 to index
      %get3A_1420 = arith.constant 48 : index
      %get3A_1421 = tpu.vector_load %arg6[%get3A_1419, %get3A_1420] {strides = array<i32>} : memref<8x128xi32, #tpu.memory_space<vmem>>, vector<1x16xi32>,
      %get3A_1422 = vector.shape_cast %get3A_1421 : vector<1x16xi32> to vector<16xi32>
      %shift_right_arithmetic3A_1423 = arith.constant 3 : i32
      %shift_right_arithmetic3A_1424 = vector.broadcast %shift_right_arithmetic3A_1423 : i32 to vector<16xi32>
      %shift_right_arithmetic3A_1425 = arith.shrsi %get3A_1422, %shift_right_arithmetic3A_1424 : vector<16xi32>
      %shift_left3A_1426 = arith.constant 5 : i32
      %shift_left3A_1427 = vector.broadcast %shift_left3A_1426 : i32 to vector<16xi32>
      %shift_left3A_1428 = arith.shli %shift_right_arithmetic3A_1425, %shift_left3A_1427 : vector<16xi32>
      %and3A_1429 = arith.constant 7 : i32
      %and3A_1430 = vector.broadcast %and3A_1429 : i32 to vector<16xi32>
      %and3A_1431 = arith.andi %get3A_1422, %and3A_1430 : vector<16xi32>
      %shift_left3A_1432 = arith.constant 1 : i32
      %shift_left3A_1433 = vector.broadcast %shift_left3A_1432 : i32 to vector<16xi32>
      %shift_left3A_1434 = arith.shli %and3A_1431, %shift_left3A_1433 : vector<16xi32>
      %add3A_1435 = arith.addi %shift_left3A_1428, %shift_left3A_1434 : vector<16xi32>
      %swap3A_1436 = arith.constant 7 : i32
      %swap3A_1437 = arith.index_cast %swap3A_1436 : i32 to index
      %swap3A_1438 = arith.constant 48 : index
      %swap3A_1439 = tpu.vector_load %arg6[%swap3A_1437, %swap3A_1438] {strides = array<i32>} : memref<8x128xi32, #tpu.memory_space<vmem>>, vector<1x16xi32>,
      %swap3A_1440 = vector.shape_cast %swap3A_1439 : vector<1x16xi32> to vector<16xi32>
      %swap3A_1441 = vector.shape_cast %add3A_1435 : vector<16xi32> to vector<1x16xi32>
      tpu.vector_store %arg6[%swap3A_1437, %swap3A_1438], %swap3A_1441 {strides = array<i32>} : memref<8x128xi32, #tpu.memory_space<vmem>>, vector<1x16xi32>,
      %get3A_1442 = arith.constant 7 : i32
      %get3A_1443 = arith.index_cast %get3A_1442 : i32 to index
      %get3A_1444 = arith.constant 64 : index
      %get3A_1445 = tpu.vector_load %arg6[%get3A_1443, %get3A_1444] {strides = array<i32>} : memref<8x128xi32, #tpu.memory_space<vmem>>, vector<1x16xi32>,
      %get3A_1446 = vector.shape_cast %get3A_1445 : vector<1x16xi32> to vector<16xi32>
      %shift_right_arithmetic3A_1447 = arith.constant 3 : i32
      %shift_right_arithmetic3A_1448 = vector.broadcast %shift_right_arithmetic3A_1447 : i32 to vector<16xi32>
      %shift_right_arithmetic3A_1449 = arith.shrsi %get3A_1446, %shift_right_arithmetic3A_1448 : vector<16xi32>
      %shift_left3A_1450 = arith.constant 5 : i32
      %shift_left3A_1451 = vector.broadcast %shift_left3A_1450 : i32 to vector<16xi32>
      %shift_left3A_1452 = arith.shli %shift_right_arithmetic3A_1449, %shift_left3A_1451 : vector<16xi32>
      %and3A_1453 = arith.constant 7 : i32
      %and3A_1454 = vector.broadcast %and3A_1453 : i32 to vector<16xi32>
      %and3A_1455 = arith.andi %get3A_1446, %and3A_1454 : vector<16xi32>
      %shift_left3A_1456 = arith.constant 1 : i32
      %shift_left3A_1457 = vector.broadcast %shift_left3A_1456 : i32 to vector<16xi32>
      %shift_left3A_1458 = arith.shli %and3A_1455, %shift_left3A_1457 : vector<16xi32>
      %add3A_1459 = arith.addi %shift_left3A_1452, %shift_left3A_1458 : vector<16xi32>
      %swap3A_1460 = arith.constant 7 : i32
      %swap3A_1461 = arith.index_cast %swap3A_1460 : i32 to index
      %swap3A_1462 = arith.constant 64 : index
      %swap3A_1463 = tpu.vector_load %arg6[%swap3A_1461, %swap3A_1462] {strides = array<i32>} : memref<8x128xi32, #tpu.memory_space<vmem>>, vector<1x16xi32>,
      %swap3A_1464 = vector.shape_cast %swap3A_1463 : vector<1x16xi32> to vector<16xi32>
      %swap3A_1465 = vector.shape_cast %add3A_1459 : vector<16xi32> to vector<1x16xi32>
      tpu.vector_store %arg6[%swap3A_1461, %swap3A_1462], %swap3A_1465 {strides = array<i32>} : memref<8x128xi32, #tpu.memory_space<vmem>>, vector<1x16xi32>,
      %get3A_1466 = arith.constant 7 : i32
      %get3A_1467 = arith.index_cast %get3A_1466 : i32 to index
      %get3A_1468 = arith.constant 80 : index
      %get3A_1469 = tpu.vector_load %arg6[%get3A_1467, %get3A_1468] {strides = array<i32>} : memref<8x128xi32, #tpu.memory_space<vmem>>, vector<1x16xi32>,
      %get3A_1470 = vector.shape_cast %get3A_1469 : vector<1x16xi32> to vector<16xi32>
      %shift_right_arithmetic3A_1471 = arith.constant 3 : i32
      %shift_right_arithmetic3A_1472 = vector.broadcast %shift_right_arithmetic3A_1471 : i32 to vector<16xi32>
      %shift_right_arithmetic3A_1473 = arith.shrsi %get3A_1470, %shift_right_arithmetic3A_1472 : vector<16xi32>
      %shift_left3A_1474 = arith.constant 5 : i32
      %shift_left3A_1475 = vector.broadcast %shift_left3A_1474 : i32 to vector<16xi32>
      %shift_left3A_1476 = arith.shli %shift_right_arithmetic3A_1473, %shift_left3A_1475 : vector<16xi32>
      %and3A_1477 = arith.constant 7 : i32
      %and3A_1478 = vector.broadcast %and3A_1477 : i32 to vector<16xi32>
      %and3A_1479 = arith.andi %get3A_1470, %and3A_1478 : vector<16xi32>
      %shift_left3A_1480 = arith.constant 1 : i32
      %shift_left3A_1481 = vector.broadcast %shift_left3A_1480 : i32 to vector<16xi32>
      %shift_left3A_1482 = arith.shli %and3A_1479, %shift_left3A_1481 : vector<16xi32>
      %add3A_1483 = arith.addi %shift_left3A_1476, %shift_left3A_1482 : vector<16xi32>
      %swap3A_1484 = arith.constant 7 : i32
      %swap3A_1485 = arith.index_cast %swap3A_1484 : i32 to index
      %swap3A_1486 = arith.constant 80 : index
      %swap3A_1487 = tpu.vector_load %arg6[%swap3A_1485, %swap3A_1486] {strides = array<i32>} : memref<8x128xi32, #tpu.memory_space<vmem>>, vector<1x16xi32>,
      %swap3A_1488 = vector.shape_cast %swap3A_1487 : vector<1x16xi32> to vector<16xi32>
      %swap3A_1489 = vector.shape_cast %add3A_1483 : vector<16xi32> to vector<1x16xi32>
      tpu.vector_store %arg6[%swap3A_1485, %swap3A_1486], %swap3A_1489 {strides = array<i32>} : memref<8x128xi32, #tpu.memory_space<vmem>>, vector<1x16xi32>,
      %get3A_1490 = arith.constant 7 : i32
      %get3A_1491 = arith.index_cast %get3A_1490 : i32 to index
      %get3A_1492 = arith.constant 96 : index
      %get3A_1493 = tpu.vector_load %arg6[%get3A_1491, %get3A_1492] {strides = array<i32>} : memref<8x128xi32, #tpu.memory_space<vmem>>, vector<1x16xi32>,
      %get3A_1494 = vector.shape_cast %get3A_1493 : vector<1x16xi32> to vector<16xi32>
      %shift_right_arithmetic3A_1495 = arith.constant 3 : i32
      %shift_right_arithmetic3A_1496 = vector.broadcast %shift_right_arithmetic3A_1495 : i32 to vector<16xi32>
      %shift_right_arithmetic3A_1497 = arith.shrsi %get3A_1494, %shift_right_arithmetic3A_1496 : vector<16xi32>
      %shift_left3A_1498 = arith.constant 5 : i32
      %shift_left3A_1499 = vector.broadcast %shift_left3A_1498 : i32 to vector<16xi32>
      %shift_left3A_1500 = arith.shli %shift_right_arithmetic3A_1497, %shift_left3A_1499 : vector<16xi32>
      %and3A_1501 = arith.constant 7 : i32
      %and3A_1502 = vector.broadcast %and3A_1501 : i32 to vector<16xi32>
      %and3A_1503 = arith.andi %get3A_1494, %and3A_1502 : vector<16xi32>
      %shift_left3A_1504 = arith.constant 1 : i32
      %shift_left3A_1505 = vector.broadcast %shift_left3A_1504 : i32 to vector<16xi32>
      %shift_left3A_1506 = arith.shli %and3A_1503, %shift_left3A_1505 : vector<16xi32>
      %add3A_1507 = arith.addi %shift_left3A_1500, %shift_left3A_1506 : vector<16xi32>
      %swap3A_1508 = arith.constant 7 : i32
      %swap3A_1509 = arith.index_cast %swap3A_1508 : i32 to index
      %swap3A_1510 = arith.constant 96 : index
      %swap3A_1511 = tpu.vector_load %arg6[%swap3A_1509, %swap3A_1510] {strides = array<i32>} : memref<8x128xi32, #tpu.memory_space<vmem>>, vector<1x16xi32>,
      %swap3A_1512 = vector.shape_cast %swap3A_1511 : vector<1x16xi32> to vector<16xi32>
      %swap3A_1513 = vector.shape_cast %add3A_1507 : vector<16xi32> to vector<1x16xi32>
      tpu.vector_store %arg6[%swap3A_1509, %swap3A_1510], %swap3A_1513 {strides = array<i32>} : memref<8x128xi32, #tpu.memory_space<vmem>>, vector<1x16xi32>,
      %get3A_1514 = arith.constant 7 : i32
      %get3A_1515 = arith.index_cast %get3A_1514 : i32 to index
      %get3A_1516 = arith.constant 112 : index
      %get3A_1517 = tpu.vector_load %arg6[%get3A_1515, %get3A_1516] {strides = array<i32>} : memref<8x128xi32, #tpu.memory_space<vmem>>, vector<1x16xi32>,
      %get3A_1518 = vector.shape_cast %get3A_1517 : vector<1x16xi32> to vector<16xi32>
      %shift_right_arithmetic3A_1519 = arith.constant 3 : i32
      %shift_right_arithmetic3A_1520 = vector.broadcast %shift_right_arithmetic3A_1519 : i32 to vector<16xi32>
      %shift_right_arithmetic3A_1521 = arith.shrsi %get3A_1518, %shift_right_arithmetic3A_1520 : vector<16xi32>
      %shift_left3A_1522 = arith.constant 5 : i32
      %shift_left3A_1523 = vector.broadcast %shift_left3A_1522 : i32 to vector<16xi32>
      %shift_left3A_1524 = arith.shli %shift_right_arithmetic3A_1521, %shift_left3A_1523 : vector<16xi32>
      %and3A_1525 = arith.constant 7 : i32
      %and3A_1526 = vector.broadcast %and3A_1525 : i32 to vector<16xi32>
      %and3A_1527 = arith.andi %get3A_1518, %and3A_1526 : vector<16xi32>
      %shift_left3A_1528 = arith.constant 1 : i32
      %shift_left3A_1529 = vector.broadcast %shift_left3A_1528 : i32 to vector<16xi32>
      %shift_left3A_1530 = arith.shli %and3A_1527, %shift_left3A_1529 : vector<16xi32>
      %add3A_1531 = arith.addi %shift_left3A_1524, %shift_left3A_1530 : vector<16xi32>
      %swap3A_1532 = arith.constant 7 : i32
      %swap3A_1533 = arith.index_cast %swap3A_1532 : i32 to index
      %swap3A_1534 = arith.constant 112 : index
      %swap3A_1535 = tpu.vector_load %arg6[%swap3A_1533, %swap3A_1534] {strides = array<i32>} : memref<8x128xi32, #tpu.memory_space<vmem>>, vector<1x16xi32>,
      %swap3A_1536 = vector.shape_cast %swap3A_1535 : vector<1x16xi32> to vector<16xi32>
      %swap3A_1537 = vector.shape_cast %add3A_1531 : vector<16xi32> to vector<1x16xi32>
      tpu.vector_store %arg6[%swap3A_1533, %swap3A_1534], %swap3A_1537 {strides = array<i32>} : memref<8x128xi32, #tpu.memory_space<vmem>>, vector<1x16xi32>,
      %dma_start3A = arith.constant 0 : i32
      %dma_start3A_1538 = arith.constant 0 : i32
      %dma_start3A_1539 = arith.constant 0 : i32
      %dma_start3A_1540 = tpu.memref_slice %arg7[%dma_start3A_1538, %dma_start3A_1539] : memref<1024x64xf32, #tpu.memory_space<vmem>> -> memref<128x64xf32, #tpu.memory_space<vmem>>
      %dma_start3A_1541 = arith.constant 0 : i32
      %dma_start3A_1542 = tpu.memref_slice %arg6[%dma_start3A, %dma_start3A_1541] : memref<8x128xi32, #tpu.memory_space<vmem>> -> memref<1x128xi32, #tpu.memory_space<vmem>>
      %dma_start3A_1543 = tpu.memref_squeeze %dma_start3A_1542 : memref<1x128xi32, #tpu.memory_space<vmem>> -> memref<128xi32, #tpu.memory_space<vmem>>
      %dma_start3A_1544 = arith.constant 0 : i32
      %dma_start3A_1545 = arith.constant 0 : i32
      %dma_start3A_1546 = tpu.memref_slice %arg2[%dma_start3A_1544, %dma_start3A_1545] : memref<400000x64xf32, #tpu.memory_space<hbm>> -> memref<400000x64xf32, #tpu.memory_space<hbm>>
      tpu.enqueue_indirect_dma source(%dma_start3A_1546 : memref<400000x64xf32, #tpu.memory_space<hbm>>) target(%dma_start3A_1540 : memref<128x64xf32, #tpu.memory_space<vmem>>) offsets(%dma_start3A_1543 : memref<128xi32, #tpu.memory_space<vmem>>) semaphore(%arg8 : memref<!tpu.dma_semaphore, #tpu.memory_space<semaphore_mem>>)
      %dma_start3A_1547 = arith.constant 1 : i32
      %dma_start3A_1548 = arith.constant 128 : i32
      %dma_start3A_1549 = arith.constant 0 : i32
      %dma_start3A_1550 = tpu.memref_slice %arg7[%dma_start3A_1548, %dma_start3A_1549] : memref<1024x64xf32, #tpu.memory_space<vmem>> -> memref<128x64xf32, #tpu.memory_space<vmem>>
      %dma_start3A_1551 = arith.constant 0 : i32
      %dma_start3A_1552 = tpu.memref_slice %arg6[%dma_start3A_1547, %dma_start3A_1551] : memref<8x128xi32, #tpu.memory_space<vmem>> -> memref<1x128xi32, #tpu.memory_space<vmem>>
      %dma_start3A_1553 = tpu.memref_squeeze %dma_start3A_1552 : memref<1x128xi32, #tpu.memory_space<vmem>> -> memref<128xi32, #tpu.memory_space<vmem>>
      %dma_start3A_1554 = arith.constant 0 : i32
      %dma_start3A_1555 = arith.constant 0 : i32
      %dma_start3A_1556 = tpu.memref_slice %arg2[%dma_start3A_1554, %dma_start3A_1555] : memref<400000x64xf32, #tpu.memory_space<hbm>> -> memref<400000x64xf32, #tpu.memory_space<hbm>>
      tpu.enqueue_indirect_dma source(%dma_start3A_1556 : memref<400000x64xf32, #tpu.memory_space<hbm>>) target(%dma_start3A_1550 : memref<128x64xf32, #tpu.memory_space<vmem>>) offsets(%dma_start3A_1553 : memref<128xi32, #tpu.memory_space<vmem>>) semaphore(%arg8 : memref<!tpu.dma_semaphore, #tpu.memory_space<semaphore_mem>>)
      %dma_start3A_1557 = arith.constant 2 : i32
      %dma_start3A_1558 = arith.constant 256 : i32
      %dma_start3A_1559 = arith.constant 0 : i32
      %dma_start3A_1560 = tpu.memref_slice %arg7[%dma_start3A_1558, %dma_start3A_1559] : memref<1024x64xf32, #tpu.memory_space<vmem>> -> memref<128x64xf32, #tpu.memory_space<vmem>>
      %dma_start3A_1561 = arith.constant 0 : i32
      %dma_start3A_1562 = tpu.memref_slice %arg6[%dma_start3A_1557, %dma_start3A_1561] : memref<8x128xi32, #tpu.memory_space<vmem>> -> memref<1x128xi32, #tpu.memory_space<vmem>>
      %dma_start3A_1563 = tpu.memref_squeeze %dma_start3A_1562 : memref<1x128xi32, #tpu.memory_space<vmem>> -> memref<128xi32, #tpu.memory_space<vmem>>
      %dma_start3A_1564 = arith.constant 0 : i32
      %dma_start3A_1565 = arith.constant 0 : i32
      %dma_start3A_1566 = tpu.memref_slice %arg2[%dma_start3A_1564, %dma_start3A_1565] : memref<400000x64xf32, #tpu.memory_space<hbm>> -> memref<400000x64xf32, #tpu.memory_space<hbm>>
      tpu.enqueue_indirect_dma source(%dma_start3A_1566 : memref<400000x64xf32, #tpu.memory_space<hbm>>) target(%dma_start3A_1560 : memref<128x64xf32, #tpu.memory_space<vmem>>) offsets(%dma_start3A_1563 : memref<128xi32, #tpu.memory_space<vmem>>) semaphore(%arg8 : memref<!tpu.dma_semaphore, #tpu.memory_space<semaphore_mem>>)
      %dma_start3A_1567 = arith.constant 3 : i32
      %dma_start3A_1568 = arith.constant 384 : i32
      %dma_start3A_1569 = arith.constant 0 : i32
      %dma_start3A_1570 = tpu.memref_slice %arg7[%dma_start3A_1568, %dma_start3A_1569] : memref<1024x64xf32, #tpu.memory_space<vmem>> -> memref<128x64xf32, #tpu.memory_space<vmem>>
      %dma_start3A_1571 = arith.constant 0 : i32
      %dma_start3A_1572 = tpu.memref_slice %arg6[%dma_start3A_1567, %dma_start3A_1571] : memref<8x128xi32, #tpu.memory_space<vmem>> -> memref<1x128xi32, #tpu.memory_space<vmem>>
      %dma_start3A_1573 = tpu.memref_squeeze %dma_start3A_1572 : memref<1x128xi32, #tpu.memory_space<vmem>> -> memref<128xi32, #tpu.memory_space<vmem>>
      %dma_start3A_1574 = arith.constant 0 : i32
      %dma_start3A_1575 = arith.constant 0 : i32
      %dma_start3A_1576 = tpu.memref_slice %arg2[%dma_start3A_1574, %dma_start3A_1575] : memref<400000x64xf32, #tpu.memory_space<hbm>> -> memref<400000x64xf32, #tpu.memory_space<hbm>>
      tpu.enqueue_indirect_dma source(%dma_start3A_1576 : memref<400000x64xf32, #tpu.memory_space<hbm>>) target(%dma_start3A_1570 : memref<128x64xf32, #tpu.memory_space<vmem>>) offsets(%dma_start3A_1573 : memref<128xi32, #tpu.memory_space<vmem>>) semaphore(%arg8 : memref<!tpu.dma_semaphore, #tpu.memory_space<semaphore_mem>>)
      %dma_start3A_1577 = arith.constant 4 : i32
      %dma_start3A_1578 = arith.constant 512 : i32
      %dma_start3A_1579 = arith.constant 0 : i32
      %dma_start3A_1580 = tpu.memref_slice %arg7[%dma_start3A_1578, %dma_start3A_1579] : memref<1024x64xf32, #tpu.memory_space<vmem>> -> memref<128x64xf32, #tpu.memory_space<vmem>>
      %dma_start3A_1581 = arith.constant 0 : i32
      %dma_start3A_1582 = tpu.memref_slice %arg6[%dma_start3A_1577, %dma_start3A_1581] : memref<8x128xi32, #tpu.memory_space<vmem>> -> memref<1x128xi32, #tpu.memory_space<vmem>>
      %dma_start3A_1583 = tpu.memref_squeeze %dma_start3A_1582 : memref<1x128xi32, #tpu.memory_space<vmem>> -> memref<128xi32, #tpu.memory_space<vmem>>
      %dma_start3A_1584 = arith.constant 0 : i32
      %dma_start3A_1585 = arith.constant 0 : i32
      %dma_start3A_1586 = tpu.memref_slice %arg2[%dma_start3A_1584, %dma_start3A_1585] : memref<400000x64xf32, #tpu.memory_space<hbm>> -> memref<400000x64xf32, #tpu.memory_space<hbm>>
      tpu.enqueue_indirect_dma source(%dma_start3A_1586 : memref<400000x64xf32, #tpu.memory_space<hbm>>) target(%dma_start3A_1580 : memref<128x64xf32, #tpu.memory_space<vmem>>) offsets(%dma_start3A_1583 : memref<128xi32, #tpu.memory_space<vmem>>) semaphore(%arg8 : memref<!tpu.dma_semaphore, #tpu.memory_space<semaphore_mem>>)
      %dma_start3A_1587 = arith.constant 5 : i32
      %dma_start3A_1588 = arith.constant 640 : i32
      %dma_start3A_1589 = arith.constant 0 : i32
      %dma_start3A_1590 = tpu.memref_slice %arg7[%dma_start3A_1588, %dma_start3A_1589] : memref<1024x64xf32, #tpu.memory_space<vmem>> -> memref<128x64xf32, #tpu.memory_space<vmem>>
      %dma_start3A_1591 = arith.constant 0 : i32
      %dma_start3A_1592 = tpu.memref_slice %arg6[%dma_start3A_1587, %dma_start3A_1591] : memref<8x128xi32, #tpu.memory_space<vmem>> -> memref<1x128xi32, #tpu.memory_space<vmem>>
      %dma_start3A_1593 = tpu.memref_squeeze %dma_start3A_1592 : memref<1x128xi32, #tpu.memory_space<vmem>> -> memref<128xi32, #tpu.memory_space<vmem>>
      %dma_start3A_1594 = arith.constant 0 : i32
      %dma_start3A_1595 = arith.constant 0 : i32
      %dma_start3A_1596 = tpu.memref_slice %arg2[%dma_start3A_1594, %dma_start3A_1595] : memref<400000x64xf32, #tpu.memory_space<hbm>> -> memref<400000x64xf32, #tpu.memory_space<hbm>>
      tpu.enqueue_indirect_dma source(%dma_start3A_1596 : memref<400000x64xf32, #tpu.memory_space<hbm>>) target(%dma_start3A_1590 : memref<128x64xf32, #tpu.memory_space<vmem>>) offsets(%dma_start3A_1593 : memref<128xi32, #tpu.memory_space<vmem>>) semaphore(%arg8 : memref<!tpu.dma_semaphore, #tpu.memory_space<semaphore_mem>>)
      %dma_start3A_1597 = arith.constant 6 : i32
      %dma_start3A_1598 = arith.constant 768 : i32
      %dma_start3A_1599 = arith.constant 0 : i32
      %dma_start3A_1600 = tpu.memref_slice %arg7[%dma_start3A_1598, %dma_start3A_1599] : memref<1024x64xf32, #tpu.memory_space<vmem>> -> memref<128x64xf32, #tpu.memory_space<vmem>>
      %dma_start3A_1601 = arith.constant 0 : i32
      %dma_start3A_1602 = tpu.memref_slice %arg6[%dma_start3A_1597, %dma_start3A_1601] : memref<8x128xi32, #tpu.memory_space<vmem>> -> memref<1x128xi32, #tpu.memory_space<vmem>>
      %dma_start3A_1603 = tpu.memref_squeeze %dma_start3A_1602 : memref<1x128xi32, #tpu.memory_space<vmem>> -> memref<128xi32, #tpu.memory_space<vmem>>
      %dma_start3A_1604 = arith.constant 0 : i32
      %dma_start3A_1605 = arith.constant 0 : i32
      %dma_start3A_1606 = tpu.memref_slice %arg2[%dma_start3A_1604, %dma_start3A_1605] : memref<400000x64xf32, #tpu.memory_space<hbm>> -> memref<400000x64xf32, #tpu.memory_space<hbm>>
      tpu.enqueue_indirect_dma source(%dma_start3A_1606 : memref<400000x64xf32, #tpu.memory_space<hbm>>) target(%dma_start3A_1600 : memref<128x64xf32, #tpu.memory_space<vmem>>) offsets(%dma_start3A_1603 : memref<128xi32, #tpu.memory_space<vmem>>) semaphore(%arg8 : memref<!tpu.dma_semaphore, #tpu.memory_space<semaphore_mem>>)
      %dma_start3A_1607 = arith.constant 7 : i32
      %dma_start3A_1608 = arith.constant 896 : i32
      %dma_start3A_1609 = arith.constant 0 : i32
      %dma_start3A_1610 = tpu.memref_slice %arg7[%dma_start3A_1608, %dma_start3A_1609] : memref<1024x64xf32, #tpu.memory_space<vmem>> -> memref<128x64xf32, #tpu.memory_space<vmem>>
      %dma_start3A_1611 = arith.constant 0 : i32
      %dma_start3A_1612 = tpu.memref_slice %arg6[%dma_start3A_1607, %dma_start3A_1611] : memref<8x128xi32, #tpu.memory_space<vmem>> -> memref<1x128xi32, #tpu.memory_space<vmem>>
      %dma_start3A_1613 = tpu.memref_squeeze %dma_start3A_1612 : memref<1x128xi32, #tpu.memory_space<vmem>> -> memref<128xi32, #tpu.memory_space<vmem>>
      %dma_start3A_1614 = arith.constant 0 : i32
      %dma_start3A_1615 = arith.constant 0 : i32
      %dma_start3A_1616 = tpu.memref_slice %arg2[%dma_start3A_1614, %dma_start3A_1615] : memref<400000x64xf32, #tpu.memory_space<hbm>> -> memref<400000x64xf32, #tpu.memory_space<hbm>>
      tpu.enqueue_indirect_dma source(%dma_start3A_1616 : memref<400000x64xf32, #tpu.memory_space<hbm>>) target(%dma_start3A_1610 : memref<128x64xf32, #tpu.memory_space<vmem>>) offsets(%dma_start3A_1613 : memref<128xi32, #tpu.memory_space<vmem>>) semaphore(%arg8 : memref<!tpu.dma_semaphore, #tpu.memory_space<semaphore_mem>>)
      %dma_wait3A = arith.constant 0 : i32
      %dma_wait3A_1617 = arith.constant 0 : i32
      %dma_wait3A_1618 = arith.constant 0 : i32
      %dma_wait3A_1619 = tpu.memref_slice %arg7[%dma_wait3A_1617, %dma_wait3A_1618] : memref<1024x64xf32, #tpu.memory_space<vmem>> -> memref<128x64xf32, #tpu.memory_space<vmem>>
      %dma_wait3A_1620 = arith.constant 0 : i32
      %dma_wait3A_1621 = tpu.memref_slice %arg6[%dma_wait3A, %dma_wait3A_1620] : memref<8x128xi32, #tpu.memory_space<vmem>> -> memref<1x128xi32, #tpu.memory_space<vmem>>
      %dma_wait3A_1622 = tpu.memref_squeeze %dma_wait3A_1621 : memref<1x128xi32, #tpu.memory_space<vmem>> -> memref<128xi32, #tpu.memory_space<vmem>>
      %dma_wait3A_1623 = arith.constant 0 : i32
      %dma_wait3A_1624 = arith.constant 0 : i32
      %dma_wait3A_1625 = tpu.memref_slice %arg2[%dma_wait3A_1623, %dma_wait3A_1624] : memref<400000x64xf32, #tpu.memory_space<hbm>> -> memref<400000x64xf32, #tpu.memory_space<hbm>>
      tpu.wait_indirect_dma semaphore(%arg8 : memref<!tpu.dma_semaphore, #tpu.memory_space<semaphore_mem>>) src(%dma_wait3A_1625 : memref<400000x64xf32, #tpu.memory_space<hbm>>) dst(%dma_wait3A_1619 : memref<128x64xf32, #tpu.memory_space<vmem>>)
      %dma_wait3A_1626 = arith.constant 1 : i32
      %dma_wait3A_1627 = arith.constant 128 : i32
      %dma_wait3A_1628 = arith.constant 0 : i32
      %dma_wait3A_1629 = tpu.memref_slice %arg7[%dma_wait3A_1627, %dma_wait3A_1628] : memref<1024x64xf32, #tpu.memory_space<vmem>> -> memref<128x64xf32, #tpu.memory_space<vmem>>
      %dma_wait3A_1630 = arith.constant 0 : i32
      %dma_wait3A_1631 = tpu.memref_slice %arg6[%dma_wait3A_1626, %dma_wait3A_1630] : memref<8x128xi32, #tpu.memory_space<vmem>> -> memref<1x128xi32, #tpu.memory_space<vmem>>
      %dma_wait3A_1632 = tpu.memref_squeeze %dma_wait3A_1631 : memref<1x128xi32, #tpu.memory_space<vmem>> -> memref<128xi32, #tpu.memory_space<vmem>>
      %dma_wait3A_1633 = arith.constant 0 : i32
      %dma_wait3A_1634 = arith.constant 0 : i32
      %dma_wait3A_1635 = tpu.memref_slice %arg2[%dma_wait3A_1633, %dma_wait3A_1634] : memref<400000x64xf32, #tpu.memory_space<hbm>> -> memref<400000x64xf32, #tpu.memory_space<hbm>>
      tpu.wait_indirect_dma semaphore(%arg8 : memref<!tpu.dma_semaphore, #tpu.memory_space<semaphore_mem>>) src(%dma_wait3A_1635 : memref<400000x64xf32, #tpu.memory_space<hbm>>) dst(%dma_wait3A_1629 : memref<128x64xf32, #tpu.memory_space<vmem>>)
      %dma_wait3A_1636 = arith.constant 2 : i32
      %dma_wait3A_1637 = arith.constant 256 : i32
      %dma_wait3A_1638 = arith.constant 0 : i32
      %dma_wait3A_1639 = tpu.memref_slice %arg7[%dma_wait3A_1637, %dma_wait3A_1638] : memref<1024x64xf32, #tpu.memory_space<vmem>> -> memref<128x64xf32, #tpu.memory_space<vmem>>
      %dma_wait3A_1640 = arith.constant 0 : i32
      %dma_wait3A_1641 = tpu.memref_slice %arg6[%dma_wait3A_1636, %dma_wait3A_1640] : memref<8x128xi32, #tpu.memory_space<vmem>> -> memref<1x128xi32, #tpu.memory_space<vmem>>
      %dma_wait3A_1642 = tpu.memref_squeeze %dma_wait3A_1641 : memref<1x128xi32, #tpu.memory_space<vmem>> -> memref<128xi32, #tpu.memory_space<vmem>>
      %dma_wait3A_1643 = arith.constant 0 : i32
      %dma_wait3A_1644 = arith.constant 0 : i32
      %dma_wait3A_1645 = tpu.memref_slice %arg2[%dma_wait3A_1643, %dma_wait3A_1644] : memref<400000x64xf32, #tpu.memory_space<hbm>> -> memref<400000x64xf32, #tpu.memory_space<hbm>>
      tpu.wait_indirect_dma semaphore(%arg8 : memref<!tpu.dma_semaphore, #tpu.memory_space<semaphore_mem>>) src(%dma_wait3A_1645 : memref<400000x64xf32, #tpu.memory_space<hbm>>) dst(%dma_wait3A_1639 : memref<128x64xf32, #tpu.memory_space<vmem>>)
      %dma_wait3A_1646 = arith.constant 3 : i32
      %dma_wait3A_1647 = arith.constant 384 : i32
      %dma_wait3A_1648 = arith.constant 0 : i32
      %dma_wait3A_1649 = tpu.memref_slice %arg7[%dma_wait3A_1647, %dma_wait3A_1648] : memref<1024x64xf32, #tpu.memory_space<vmem>> -> memref<128x64xf32, #tpu.memory_space<vmem>>
      %dma_wait3A_1650 = arith.constant 0 : i32
      %dma_wait3A_1651 = tpu.memref_slice %arg6[%dma_wait3A_1646, %dma_wait3A_1650] : memref<8x128xi32, #tpu.memory_space<vmem>> -> memref<1x128xi32, #tpu.memory_space<vmem>>
      %dma_wait3A_1652 = tpu.memref_squeeze %dma_wait3A_1651 : memref<1x128xi32, #tpu.memory_space<vmem>> -> memref<128xi32, #tpu.memory_space<vmem>>
      %dma_wait3A_1653 = arith.constant 0 : i32
      %dma_wait3A_1654 = arith.constant 0 : i32
      %dma_wait3A_1655 = tpu.memref_slice %arg2[%dma_wait3A_1653, %dma_wait3A_1654] : memref<400000x64xf32, #tpu.memory_space<hbm>> -> memref<400000x64xf32, #tpu.memory_space<hbm>>
      tpu.wait_indirect_dma semaphore(%arg8 : memref<!tpu.dma_semaphore, #tpu.memory_space<semaphore_mem>>) src(%dma_wait3A_1655 : memref<400000x64xf32, #tpu.memory_space<hbm>>) dst(%dma_wait3A_1649 : memref<128x64xf32, #tpu.memory_space<vmem>>)
      %dma_wait3A_1656 = arith.constant 4 : i32
      %dma_wait3A_1657 = arith.constant 512 : i32
      %dma_wait3A_1658 = arith.constant 0 : i32
      %dma_wait3A_1659 = tpu.memref_slice %arg7[%dma_wait3A_1657, %dma_wait3A_1658] : memref<1024x64xf32, #tpu.memory_space<vmem>> -> memref<128x64xf32, #tpu.memory_space<vmem>>
      %dma_wait3A_1660 = arith.constant 0 : i32
      %dma_wait3A_1661 = tpu.memref_slice %arg6[%dma_wait3A_1656, %dma_wait3A_1660] : memref<8x128xi32, #tpu.memory_space<vmem>> -> memref<1x128xi32, #tpu.memory_space<vmem>>
      %dma_wait3A_1662 = tpu.memref_squeeze %dma_wait3A_1661 : memref<1x128xi32, #tpu.memory_space<vmem>> -> memref<128xi32, #tpu.memory_space<vmem>>
      %dma_wait3A_1663 = arith.constant 0 : i32
      %dma_wait3A_1664 = arith.constant 0 : i32
      %dma_wait3A_1665 = tpu.memref_slice %arg2[%dma_wait3A_1663, %dma_wait3A_1664] : memref<400000x64xf32, #tpu.memory_space<hbm>> -> memref<400000x64xf32, #tpu.memory_space<hbm>>
      tpu.wait_indirect_dma semaphore(%arg8 : memref<!tpu.dma_semaphore, #tpu.memory_space<semaphore_mem>>) src(%dma_wait3A_1665 : memref<400000x64xf32, #tpu.memory_space<hbm>>) dst(%dma_wait3A_1659 : memref<128x64xf32, #tpu.memory_space<vmem>>)
      %dma_wait3A_1666 = arith.constant 5 : i32
      %dma_wait3A_1667 = arith.constant 640 : i32
      %dma_wait3A_1668 = arith.constant 0 : i32
      %dma_wait3A_1669 = tpu.memref_slice %arg7[%dma_wait3A_1667, %dma_wait3A_1668] : memref<1024x64xf32, #tpu.memory_space<vmem>> -> memref<128x64xf32, #tpu.memory_space<vmem>>
      %dma_wait3A_1670 = arith.constant 0 : i32
      %dma_wait3A_1671 = tpu.memref_slice %arg6[%dma_wait3A_1666, %dma_wait3A_1670] : memref<8x128xi32, #tpu.memory_space<vmem>> -> memref<1x128xi32, #tpu.memory_space<vmem>>
      %dma_wait3A_1672 = tpu.memref_squeeze %dma_wait3A_1671 : memref<1x128xi32, #tpu.memory_space<vmem>> -> memref<128xi32, #tpu.memory_space<vmem>>
      %dma_wait3A_1673 = arith.constant 0 : i32
      %dma_wait3A_1674 = arith.constant 0 : i32
      %dma_wait3A_1675 = tpu.memref_slice %arg2[%dma_wait3A_1673, %dma_wait3A_1674] : memref<400000x64xf32, #tpu.memory_space<hbm>> -> memref<400000x64xf32, #tpu.memory_space<hbm>>
      tpu.wait_indirect_dma semaphore(%arg8 : memref<!tpu.dma_semaphore, #tpu.memory_space<semaphore_mem>>) src(%dma_wait3A_1675 : memref<400000x64xf32, #tpu.memory_space<hbm>>) dst(%dma_wait3A_1669 : memref<128x64xf32, #tpu.memory_space<vmem>>)
      %dma_wait3A_1676 = arith.constant 6 : i32
      %dma_wait3A_1677 = arith.constant 768 : i32
      %dma_wait3A_1678 = arith.constant 0 : i32
      %dma_wait3A_1679 = tpu.memref_slice %arg7[%dma_wait3A_1677, %dma_wait3A_1678] : memref<1024x64xf32, #tpu.memory_space<vmem>> -> memref<128x64xf32, #tpu.memory_space<vmem>>
      %dma_wait3A_1680 = arith.constant 0 : i32
      %dma_wait3A_1681 = tpu.memref_slice %arg6[%dma_wait3A_1676, %dma_wait3A_1680] : memref<8x128xi32, #tpu.memory_space<vmem>> -> memref<1x128xi32, #tpu.memory_space<vmem>>
      %dma_wait3A_1682 = tpu.memref_squeeze %dma_wait3A_1681 : memref<1x128xi32, #tpu.memory_space<vmem>> -> memref<128xi32, #tpu.memory_space<vmem>>
      %dma_wait3A_1683 = arith.constant 0 : i32
      %dma_wait3A_1684 = arith.constant 0 : i32
      %dma_wait3A_1685 = tpu.memref_slice %arg2[%dma_wait3A_1683, %dma_wait3A_1684] : memref<400000x64xf32, #tpu.memory_space<hbm>> -> memref<400000x64xf32, #tpu.memory_space<hbm>>
      tpu.wait_indirect_dma semaphore(%arg8 : memref<!tpu.dma_semaphore, #tpu.memory_space<semaphore_mem>>) src(%dma_wait3A_1685 : memref<400000x64xf32, #tpu.memory_space<hbm>>) dst(%dma_wait3A_1679 : memref<128x64xf32, #tpu.memory_space<vmem>>)
      %dma_wait3A_1686 = arith.constant 7 : i32
      %dma_wait3A_1687 = arith.constant 896 : i32
      %dma_wait3A_1688 = arith.constant 0 : i32
      %dma_wait3A_1689 = tpu.memref_slice %arg7[%dma_wait3A_1687, %dma_wait3A_1688] : memref<1024x64xf32, #tpu.memory_space<vmem>> -> memref<128x64xf32, #tpu.memory_space<vmem>>
      %dma_wait3A_1690 = arith.constant 0 : i32
      %dma_wait3A_1691 = tpu.memref_slice %arg6[%dma_wait3A_1686, %dma_wait3A_1690] : memref<8x128xi32, #tpu.memory_space<vmem>> -> memref<1x128xi32, #tpu.memory_space<vmem>>
      %dma_wait3A_1692 = tpu.memref_squeeze %dma_wait3A_1691 : memref<1x128xi32, #tpu.memory_space<vmem>> -> memref<128xi32, #tpu.memory_space<vmem>>
      %dma_wait3A_1693 = arith.constant 0 : i32
      %dma_wait3A_1694 = arith.constant 0 : i32
      %dma_wait3A_1695 = tpu.memref_slice %arg2[%dma_wait3A_1693, %dma_wait3A_1694] : memref<400000x64xf32, #tpu.memory_space<hbm>> -> memref<400000x64xf32, #tpu.memory_space<hbm>>
      tpu.wait_indirect_dma semaphore(%arg8 : memref<!tpu.dma_semaphore, #tpu.memory_space<semaphore_mem>>) src(%dma_wait3A_1695 : memref<400000x64xf32, #tpu.memory_space<hbm>>) dst(%dma_wait3A_1689 : memref<128x64xf32, #tpu.memory_space<vmem>>)
      %scan3A = arith.constant 0 : i32
      %scan3A_1696 = arith.constant 0 : i32
      %scan3A_1697 = arith.constant 1024 : i32
      %scan3A_1698 = arith.addi %scan3A_1696, %scan3A_1697 : i32
      %scan3A_1699 = arith.constant 1 : i32
      scf.for %scan3A_1861 = %scan3A_1696 to %scan3A_1698 step %scan3A_1699  : i32 {
        %get3A_1862 = arith.index_cast %scan3A_1861 : i32 to index
        %get3A_1863 = arith.constant 0 : index
        %get3A_1864 = tpu.vector_load %arg7[%get3A_1862, %get3A_1863] {strides = array<i32>} : memref<1024x64xf32, #tpu.memory_space<vmem>>, vector<1x16xf32>,
        %get3A_1865 = vector.shape_cast %get3A_1864 : vector<1x16xf32> to vector<16xf32>
        %add3A_1866 = arith.constant 5.000000e-01 : f32
        %add3A_1867 = vector.broadcast %add3A_1866 : f32 to vector<16xf32>
        %add3A_1868 = arith.addf %get3A_1865, %add3A_1867 : vector<16xf32>
        %min3A = arith.constant 1.000000e+00 : f32
        %min3A_1869 = vector.broadcast %min3A : f32 to vector<16xf32>
        %min3A_1870 = arith.minimumf %add3A_1868, %min3A_1869 : vector<16xf32>
        %swap3A_1871 = arith.index_cast %scan3A_1861 : i32 to index
        %swap3A_1872 = arith.constant 0 : index
        %swap3A_1873 = tpu.vector_load %arg7[%swap3A_1871, %swap3A_1872] {strides = array<i32>} : memref<1024x64xf32, #tpu.memory_space<vmem>>, vector<1x16xf32>,
        %swap3A_1874 = vector.shape_cast %swap3A_1873 : vector<1x16xf32> to vector<16xf32>
        %swap3A_1875 = vector.shape_cast %min3A_1870 : vector<16xf32> to vector<1x16xf32>
        tpu.vector_store %arg7[%swap3A_1871, %swap3A_1872], %swap3A_1875 {strides = array<i32>} : memref<1024x64xf32, #tpu.memory_space<vmem>>, vector<1x16xf32>,
        %get3A_1876 = arith.index_cast %scan3A_1861 : i32 to index
        %get3A_1877 = arith.constant 16 : index
        %get3A_1878 = tpu.vector_load %arg7[%get3A_1876, %get3A_1877] {strides = array<i32>} : memref<1024x64xf32, #tpu.memory_space<vmem>>, vector<1x16xf32>,
        %get3A_1879 = vector.shape_cast %get3A_1878 : vector<1x16xf32> to vector<16xf32>
        %add3A_1880 = arith.constant 5.000000e-01 : f32
        %add3A_1881 = vector.broadcast %add3A_1880 : f32 to vector<16xf32>
        %add3A_1882 = arith.addf %get3A_1879, %add3A_1881 : vector<16xf32>
        %min3A_1883 = arith.constant 1.000000e+00 : f32
        %min3A_1884 = vector.broadcast %min3A_1883 : f32 to vector<16xf32>
        %min3A_1885 = arith.minimumf %add3A_1882, %min3A_1884 : vector<16xf32>
        %swap3A_1886 = arith.index_cast %scan3A_1861 : i32 to index
        %swap3A_1887 = arith.constant 16 : index
        %swap3A_1888 = tpu.vector_load %arg7[%swap3A_1886, %swap3A_1887] {strides = array<i32>} : memref<1024x64xf32, #tpu.memory_space<vmem>>, vector<1x16xf32>,
        %swap3A_1889 = vector.shape_cast %swap3A_1888 : vector<1x16xf32> to vector<16xf32>
        %swap3A_1890 = vector.shape_cast %min3A_1885 : vector<16xf32> to vector<1x16xf32>
        tpu.vector_store %arg7[%swap3A_1886, %swap3A_1887], %swap3A_1890 {strides = array<i32>} : memref<1024x64xf32, #tpu.memory_space<vmem>>, vector<1x16xf32>,
        %get3A_1891 = arith.index_cast %scan3A_1861 : i32 to index
        %get3A_1892 = arith.constant 32 : index
        %get3A_1893 = tpu.vector_load %arg7[%get3A_1891, %get3A_1892] {strides = array<i32>} : memref<1024x64xf32, #tpu.memory_space<vmem>>, vector<1x16xf32>,
        %get3A_1894 = vector.shape_cast %get3A_1893 : vector<1x16xf32> to vector<16xf32>
        %add3A_1895 = arith.constant 5.000000e-01 : f32
        %add3A_1896 = vector.broadcast %add3A_1895 : f32 to vector<16xf32>
        %add3A_1897 = arith.addf %get3A_1894, %add3A_1896 : vector<16xf32>
        %min3A_1898 = arith.constant 1.000000e+00 : f32
        %min3A_1899 = vector.broadcast %min3A_1898 : f32 to vector<16xf32>
        %min3A_1900 = arith.minimumf %add3A_1897, %min3A_1899 : vector<16xf32>
        %swap3A_1901 = arith.index_cast %scan3A_1861 : i32 to index
        %swap3A_1902 = arith.constant 32 : index
        %swap3A_1903 = tpu.vector_load %arg7[%swap3A_1901, %swap3A_1902] {strides = array<i32>} : memref<1024x64xf32, #tpu.memory_space<vmem>>, vector<1x16xf32>,
        %swap3A_1904 = vector.shape_cast %swap3A_1903 : vector<1x16xf32> to vector<16xf32>
        %swap3A_1905 = vector.shape_cast %min3A_1900 : vector<16xf32> to vector<1x16xf32>
        tpu.vector_store %arg7[%swap3A_1901, %swap3A_1902], %swap3A_1905 {strides = array<i32>} : memref<1024x64xf32, #tpu.memory_space<vmem>>, vector<1x16xf32>,
        %get3A_1906 = arith.index_cast %scan3A_1861 : i32 to index
        %get3A_1907 = arith.constant 48 : index
        %get3A_1908 = tpu.vector_load %arg7[%get3A_1906, %get3A_1907] {strides = array<i32>} : memref<1024x64xf32, #tpu.memory_space<vmem>>, vector<1x16xf32>,
        %get3A_1909 = vector.shape_cast %get3A_1908 : vector<1x16xf32> to vector<16xf32>
        %add3A_1910 = arith.constant 5.000000e-01 : f32
        %add3A_1911 = vector.broadcast %add3A_1910 : f32 to vector<16xf32>
        %add3A_1912 = arith.addf %get3A_1909, %add3A_1911 : vector<16xf32>
        %min3A_1913 = arith.constant 1.000000e+00 : f32
        %min3A_1914 = vector.broadcast %min3A_1913 : f32 to vector<16xf32>
        %min3A_1915 = arith.minimumf %add3A_1912, %min3A_1914 : vector<16xf32>
        %swap3A_1916 = arith.index_cast %scan3A_1861 : i32 to index
        %swap3A_1917 = arith.constant 48 : index
        %swap3A_1918 = tpu.vector_load %arg7[%swap3A_1916, %swap3A_1917] {strides = array<i32>} : memref<1024x64xf32, #tpu.memory_space<vmem>>, vector<1x16xf32>,
        %swap3A_1919 = vector.shape_cast %swap3A_1918 : vector<1x16xf32> to vector<16xf32>
        %swap3A_1920 = vector.shape_cast %min3A_1915 : vector<16xf32> to vector<1x16xf32>
        tpu.vector_store %arg7[%swap3A_1916, %swap3A_1917], %swap3A_1920 {strides = array<i32>} : memref<1024x64xf32, #tpu.memory_space<vmem>>, vector<1x16xf32>,
      }
      %scan3A_1700 = arith.constant 1024 : i32
      %dma_start3A_1701 = arith.constant 0 : i32
      %dma_start3A_1702 = arith.constant 0 : i32
      %dma_start3A_1703 = arith.constant 0 : i32
      %dma_start3A_1704 = tpu.memref_slice %arg7[%dma_start3A_1702, %dma_start3A_1703] : memref<1024x64xf32, #tpu.memory_space<vmem>> -> memref<128x64xf32, #tpu.memory_space<vmem>>
      %dma_start3A_1705 = arith.constant 0 : i32
      %dma_start3A_1706 = tpu.memref_slice %arg6[%dma_start3A_1701, %dma_start3A_1705] : memref<8x128xi32, #tpu.memory_space<vmem>> -> memref<1x128xi32, #tpu.memory_space<vmem>>
      %dma_start3A_1707 = tpu.memref_squeeze %dma_start3A_1706 : memref<1x128xi32, #tpu.memory_space<vmem>> -> memref<128xi32, #tpu.memory_space<vmem>>
      %dma_start3A_1708 = arith.constant 0 : i32
      %dma_start3A_1709 = arith.constant 0 : i32
      %dma_start3A_1710 = tpu.memref_slice %arg4[%dma_start3A_1708, %dma_start3A_1709] : memref<400000x64xf32, #tpu.memory_space<hbm>> -> memref<400000x64xf32, #tpu.memory_space<hbm>>
      tpu.enqueue_indirect_dma source(%dma_start3A_1704 : memref<128x64xf32, #tpu.memory_space<vmem>>) target(%dma_start3A_1710 : memref<400000x64xf32, #tpu.memory_space<hbm>>) offsets(%dma_start3A_1707 : memref<128xi32, #tpu.memory_space<vmem>>) semaphore(%arg9 : memref<!tpu.dma_semaphore, #tpu.memory_space<semaphore_mem>>)
      %dma_start3A_1711 = arith.constant 1 : i32
      %dma_start3A_1712 = arith.constant 128 : i32
      %dma_start3A_1713 = arith.constant 0 : i32
      %dma_start3A_1714 = tpu.memref_slice %arg7[%dma_start3A_1712, %dma_start3A_1713] : memref<1024x64xf32, #tpu.memory_space<vmem>> -> memref<128x64xf32, #tpu.memory_space<vmem>>
      %dma_start3A_1715 = arith.constant 0 : i32
      %dma_start3A_1716 = tpu.memref_slice %arg6[%dma_start3A_1711, %dma_start3A_1715] : memref<8x128xi32, #tpu.memory_space<vmem>> -> memref<1x128xi32, #tpu.memory_space<vmem>>
      %dma_start3A_1717 = tpu.memref_squeeze %dma_start3A_1716 : memref<1x128xi32, #tpu.memory_space<vmem>> -> memref<128xi32, #tpu.memory_space<vmem>>
      %dma_start3A_1718 = arith.constant 0 : i32
      %dma_start3A_1719 = arith.constant 0 : i32
      %dma_start3A_1720 = tpu.memref_slice %arg4[%dma_start3A_1718, %dma_start3A_1719] : memref<400000x64xf32, #tpu.memory_space<hbm>> -> memref<400000x64xf32, #tpu.memory_space<hbm>>
      tpu.enqueue_indirect_dma source(%dma_start3A_1714 : memref<128x64xf32, #tpu.memory_space<vmem>>) target(%dma_start3A_1720 : memref<400000x64xf32, #tpu.memory_space<hbm>>) offsets(%dma_start3A_1717 : memref<128xi32, #tpu.memory_space<vmem>>) semaphore(%arg9 : memref<!tpu.dma_semaphore, #tpu.memory_space<semaphore_mem>>)
      %dma_start3A_1721 = arith.constant 2 : i32
      %dma_start3A_1722 = arith.constant 256 : i32
      %dma_start3A_1723 = arith.constant 0 : i32
      %dma_start3A_1724 = tpu.memref_slice %arg7[%dma_start3A_1722, %dma_start3A_1723] : memref<1024x64xf32, #tpu.memory_space<vmem>> -> memref<128x64xf32, #tpu.memory_space<vmem>>
      %dma_start3A_1725 = arith.constant 0 : i32
      %dma_start3A_1726 = tpu.memref_slice %arg6[%dma_start3A_1721, %dma_start3A_1725] : memref<8x128xi32, #tpu.memory_space<vmem>> -> memref<1x128xi32, #tpu.memory_space<vmem>>
      %dma_start3A_1727 = tpu.memref_squeeze %dma_start3A_1726 : memref<1x128xi32, #tpu.memory_space<vmem>> -> memref<128xi32, #tpu.memory_space<vmem>>
      %dma_start3A_1728 = arith.constant 0 : i32
      %dma_start3A_1729 = arith.constant 0 : i32
      %dma_start3A_1730 = tpu.memref_slice %arg4[%dma_start3A_1728, %dma_start3A_1729] : memref<400000x64xf32, #tpu.memory_space<hbm>> -> memref<400000x64xf32, #tpu.memory_space<hbm>>
      tpu.enqueue_indirect_dma source(%dma_start3A_1724 : memref<128x64xf32, #tpu.memory_space<vmem>>) target(%dma_start3A_1730 : memref<400000x64xf32, #tpu.memory_space<hbm>>) offsets(%dma_start3A_1727 : memref<128xi32, #tpu.memory_space<vmem>>) semaphore(%arg9 : memref<!tpu.dma_semaphore, #tpu.memory_space<semaphore_mem>>)
      %dma_start3A_1731 = arith.constant 3 : i32
      %dma_start3A_1732 = arith.constant 384 : i32
      %dma_start3A_1733 = arith.constant 0 : i32
      %dma_start3A_1734 = tpu.memref_slice %arg7[%dma_start3A_1732, %dma_start3A_1733] : memref<1024x64xf32, #tpu.memory_space<vmem>> -> memref<128x64xf32, #tpu.memory_space<vmem>>
      %dma_start3A_1735 = arith.constant 0 : i32
      %dma_start3A_1736 = tpu.memref_slice %arg6[%dma_start3A_1731, %dma_start3A_1735] : memref<8x128xi32, #tpu.memory_space<vmem>> -> memref<1x128xi32, #tpu.memory_space<vmem>>
      %dma_start3A_1737 = tpu.memref_squeeze %dma_start3A_1736 : memref<1x128xi32, #tpu.memory_space<vmem>> -> memref<128xi32, #tpu.memory_space<vmem>>
      %dma_start3A_1738 = arith.constant 0 : i32
      %dma_start3A_1739 = arith.constant 0 : i32
      %dma_start3A_1740 = tpu.memref_slice %arg4[%dma_start3A_1738, %dma_start3A_1739] : memref<400000x64xf32, #tpu.memory_space<hbm>> -> memref<400000x64xf32, #tpu.memory_space<hbm>>
      tpu.enqueue_indirect_dma source(%dma_start3A_1734 : memref<128x64xf32, #tpu.memory_space<vmem>>) target(%dma_start3A_1740 : memref<400000x64xf32, #tpu.memory_space<hbm>>) offsets(%dma_start3A_1737 : memref<128xi32, #tpu.memory_space<vmem>>) semaphore(%arg9 : memref<!tpu.dma_semaphore, #tpu.memory_space<semaphore_mem>>)
      %dma_start3A_1741 = arith.constant 4 : i32
      %dma_start3A_1742 = arith.constant 512 : i32
      %dma_start3A_1743 = arith.constant 0 : i32
      %dma_start3A_1744 = tpu.memref_slice %arg7[%dma_start3A_1742, %dma_start3A_1743] : memref<1024x64xf32, #tpu.memory_space<vmem>> -> memref<128x64xf32, #tpu.memory_space<vmem>>
      %dma_start3A_1745 = arith.constant 0 : i32
      %dma_start3A_1746 = tpu.memref_slice %arg6[%dma_start3A_1741, %dma_start3A_1745] : memref<8x128xi32, #tpu.memory_space<vmem>> -> memref<1x128xi32, #tpu.memory_space<vmem>>
      %dma_start3A_1747 = tpu.memref_squeeze %dma_start3A_1746 : memref<1x128xi32, #tpu.memory_space<vmem>> -> memref<128xi32, #tpu.memory_space<vmem>>
      %dma_start3A_1748 = arith.constant 0 : i32
      %dma_start3A_1749 = arith.constant 0 : i32
      %dma_start3A_1750 = tpu.memref_slice %arg4[%dma_start3A_1748, %dma_start3A_1749] : memref<400000x64xf32, #tpu.memory_space<hbm>> -> memref<400000x64xf32, #tpu.memory_space<hbm>>
      tpu.enqueue_indirect_dma source(%dma_start3A_1744 : memref<128x64xf32, #tpu.memory_space<vmem>>) target(%dma_start3A_1750 : memref<400000x64xf32, #tpu.memory_space<hbm>>) offsets(%dma_start3A_1747 : memref<128xi32, #tpu.memory_space<vmem>>) semaphore(%arg9 : memref<!tpu.dma_semaphore, #tpu.memory_space<semaphore_mem>>)
      %dma_start3A_1751 = arith.constant 5 : i32
      %dma_start3A_1752 = arith.constant 640 : i32
      %dma_start3A_1753 = arith.constant 0 : i32
      %dma_start3A_1754 = tpu.memref_slice %arg7[%dma_start3A_1752, %dma_start3A_1753] : memref<1024x64xf32, #tpu.memory_space<vmem>> -> memref<128x64xf32, #tpu.memory_space<vmem>>
      %dma_start3A_1755 = arith.constant 0 : i32
      %dma_start3A_1756 = tpu.memref_slice %arg6[%dma_start3A_1751, %dma_start3A_1755] : memref<8x128xi32, #tpu.memory_space<vmem>> -> memref<1x128xi32, #tpu.memory_space<vmem>>
      %dma_start3A_1757 = tpu.memref_squeeze %dma_start3A_1756 : memref<1x128xi32, #tpu.memory_space<vmem>> -> memref<128xi32, #tpu.memory_space<vmem>>
      %dma_start3A_1758 = arith.constant 0 : i32
      %dma_start3A_1759 = arith.constant 0 : i32
      %dma_start3A_1760 = tpu.memref_slice %arg4[%dma_start3A_1758, %dma_start3A_1759] : memref<400000x64xf32, #tpu.memory_space<hbm>> -> memref<400000x64xf32, #tpu.memory_space<hbm>>
      tpu.enqueue_indirect_dma source(%dma_start3A_1754 : memref<128x64xf32, #tpu.memory_space<vmem>>) target(%dma_start3A_1760 : memref<400000x64xf32, #tpu.memory_space<hbm>>) offsets(%dma_start3A_1757 : memref<128xi32, #tpu.memory_space<vmem>>) semaphore(%arg9 : memref<!tpu.dma_semaphore, #tpu.memory_space<semaphore_mem>>)
      %dma_start3A_1761 = arith.constant 6 : i32
      %dma_start3A_1762 = arith.constant 768 : i32
      %dma_start3A_1763 = arith.constant 0 : i32
      %dma_start3A_1764 = tpu.memref_slice %arg7[%dma_start3A_1762, %dma_start3A_1763] : memref<1024x64xf32, #tpu.memory_space<vmem>> -> memref<128x64xf32, #tpu.memory_space<vmem>>
      %dma_start3A_1765 = arith.constant 0 : i32
      %dma_start3A_1766 = tpu.memref_slice %arg6[%dma_start3A_1761, %dma_start3A_1765] : memref<8x128xi32, #tpu.memory_space<vmem>> -> memref<1x128xi32, #tpu.memory_space<vmem>>
      %dma_start3A_1767 = tpu.memref_squeeze %dma_start3A_1766 : memref<1x128xi32, #tpu.memory_space<vmem>> -> memref<128xi32, #tpu.memory_space<vmem>>
      %dma_start3A_1768 = arith.constant 0 : i32
      %dma_start3A_1769 = arith.constant 0 : i32
      %dma_start3A_1770 = tpu.memref_slice %arg4[%dma_start3A_1768, %dma_start3A_1769] : memref<400000x64xf32, #tpu.memory_space<hbm>> -> memref<400000x64xf32, #tpu.memory_space<hbm>>
      tpu.enqueue_indirect_dma source(%dma_start3A_1764 : memref<128x64xf32, #tpu.memory_space<vmem>>) target(%dma_start3A_1770 : memref<400000x64xf32, #tpu.memory_space<hbm>>) offsets(%dma_start3A_1767 : memref<128xi32, #tpu.memory_space<vmem>>) semaphore(%arg9 : memref<!tpu.dma_semaphore, #tpu.memory_space<semaphore_mem>>)
      %dma_start3A_1771 = arith.constant 7 : i32
      %dma_start3A_1772 = arith.constant 896 : i32
      %dma_start3A_1773 = arith.constant 0 : i32
      %dma_start3A_1774 = tpu.memref_slice %arg7[%dma_start3A_1772, %dma_start3A_1773] : memref<1024x64xf32, #tpu.memory_space<vmem>> -> memref<128x64xf32, #tpu.memory_space<vmem>>
      %dma_start3A_1775 = arith.constant 0 : i32
      %dma_start3A_1776 = tpu.memref_slice %arg6[%dma_start3A_1771, %dma_start3A_1775] : memref<8x128xi32, #tpu.memory_space<vmem>> -> memref<1x128xi32, #tpu.memory_space<vmem>>
      %dma_start3A_1777 = tpu.memref_squeeze %dma_start3A_1776 : memref<1x128xi32, #tpu.memory_space<vmem>> -> memref<128xi32, #tpu.memory_space<vmem>>
      %dma_start3A_1778 = arith.constant 0 : i32
      %dma_start3A_1779 = arith.constant 0 : i32
      %dma_start3A_1780 = tpu.memref_slice %arg4[%dma_start3A_1778, %dma_start3A_1779] : memref<400000x64xf32, #tpu.memory_space<hbm>> -> memref<400000x64xf32, #tpu.memory_space<hbm>>
      tpu.enqueue_indirect_dma source(%dma_start3A_1774 : memref<128x64xf32, #tpu.memory_space<vmem>>) target(%dma_start3A_1780 : memref<400000x64xf32, #tpu.memory_space<hbm>>) offsets(%dma_start3A_1777 : memref<128xi32, #tpu.memory_space<vmem>>) semaphore(%arg9 : memref<!tpu.dma_semaphore, #tpu.memory_space<semaphore_mem>>)
      %dma_wait3A_1781 = arith.constant 0 : i32
      %dma_wait3A_1782 = arith.constant 0 : i32
      %dma_wait3A_1783 = arith.constant 0 : i32
      %dma_wait3A_1784 = tpu.memref_slice %arg7[%dma_wait3A_1782, %dma_wait3A_1783] : memref<1024x64xf32, #tpu.memory_space<vmem>> -> memref<128x64xf32, #tpu.memory_space<vmem>>
      %dma_wait3A_1785 = arith.constant 0 : i32
      %dma_wait3A_1786 = tpu.memref_slice %arg6[%dma_wait3A_1781, %dma_wait3A_1785] : memref<8x128xi32, #tpu.memory_space<vmem>> -> memref<1x128xi32, #tpu.memory_space<vmem>>
      %dma_wait3A_1787 = tpu.memref_squeeze %dma_wait3A_1786 : memref<1x128xi32, #tpu.memory_space<vmem>> -> memref<128xi32, #tpu.memory_space<vmem>>
      %dma_wait3A_1788 = arith.constant 0 : i32
      %dma_wait3A_1789 = arith.constant 0 : i32
      %dma_wait3A_1790 = tpu.memref_slice %arg4[%dma_wait3A_1788, %dma_wait3A_1789] : memref<400000x64xf32, #tpu.memory_space<hbm>> -> memref<400000x64xf32, #tpu.memory_space<hbm>>
      tpu.wait_indirect_dma semaphore(%arg9 : memref<!tpu.dma_semaphore, #tpu.memory_space<semaphore_mem>>) src(%dma_wait3A_1784 : memref<128x64xf32, #tpu.memory_space<vmem>>) dst(%dma_wait3A_1790 : memref<400000x64xf32, #tpu.memory_space<hbm>>)
      %dma_wait3A_1791 = arith.constant 1 : i32
      %dma_wait3A_1792 = arith.constant 128 : i32
      %dma_wait3A_1793 = arith.constant 0 : i32
      %dma_wait3A_1794 = tpu.memref_slice %arg7[%dma_wait3A_1792, %dma_wait3A_1793] : memref<1024x64xf32, #tpu.memory_space<vmem>> -> memref<128x64xf32, #tpu.memory_space<vmem>>
      %dma_wait3A_1795 = arith.constant 0 : i32
      %dma_wait3A_1796 = tpu.memref_slice %arg6[%dma_wait3A_1791, %dma_wait3A_1795] : memref<8x128xi32, #tpu.memory_space<vmem>> -> memref<1x128xi32, #tpu.memory_space<vmem>>
      %dma_wait3A_1797 = tpu.memref_squeeze %dma_wait3A_1796 : memref<1x128xi32, #tpu.memory_space<vmem>> -> memref<128xi32, #tpu.memory_space<vmem>>
      %dma_wait3A_1798 = arith.constant 0 : i32
      %dma_wait3A_1799 = arith.constant 0 : i32
      %dma_wait3A_1800 = tpu.memref_slice %arg4[%dma_wait3A_1798, %dma_wait3A_1799] : memref<400000x64xf32, #tpu.memory_space<hbm>> -> memref<400000x64xf32, #tpu.memory_space<hbm>>
      tpu.wait_indirect_dma semaphore(%arg9 : memref<!tpu.dma_semaphore, #tpu.memory_space<semaphore_mem>>) src(%dma_wait3A_1794 : memref<128x64xf32, #tpu.memory_space<vmem>>) dst(%dma_wait3A_1800 : memref<400000x64xf32, #tpu.memory_space<hbm>>)
      %dma_wait3A_1801 = arith.constant 2 : i32
      %dma_wait3A_1802 = arith.constant 256 : i32
      %dma_wait3A_1803 = arith.constant 0 : i32
      %dma_wait3A_1804 = tpu.memref_slice %arg7[%dma_wait3A_1802, %dma_wait3A_1803] : memref<1024x64xf32, #tpu.memory_space<vmem>> -> memref<128x64xf32, #tpu.memory_space<vmem>>
      %dma_wait3A_1805 = arith.constant 0 : i32
      %dma_wait3A_1806 = tpu.memref_slice %arg6[%dma_wait3A_1801, %dma_wait3A_1805] : memref<8x128xi32, #tpu.memory_space<vmem>> -> memref<1x128xi32, #tpu.memory_space<vmem>>
      %dma_wait3A_1807 = tpu.memref_squeeze %dma_wait3A_1806 : memref<1x128xi32, #tpu.memory_space<vmem>> -> memref<128xi32, #tpu.memory_space<vmem>>
      %dma_wait3A_1808 = arith.constant 0 : i32
      %dma_wait3A_1809 = arith.constant 0 : i32
      %dma_wait3A_1810 = tpu.memref_slice %arg4[%dma_wait3A_1808, %dma_wait3A_1809] : memref<400000x64xf32, #tpu.memory_space<hbm>> -> memref<400000x64xf32, #tpu.memory_space<hbm>>
      tpu.wait_indirect_dma semaphore(%arg9 : memref<!tpu.dma_semaphore, #tpu.memory_space<semaphore_mem>>) src(%dma_wait3A_1804 : memref<128x64xf32, #tpu.memory_space<vmem>>) dst(%dma_wait3A_1810 : memref<400000x64xf32, #tpu.memory_space<hbm>>)
      %dma_wait3A_1811 = arith.constant 3 : i32
      %dma_wait3A_1812 = arith.constant 384 : i32
      %dma_wait3A_1813 = arith.constant 0 : i32
      %dma_wait3A_1814 = tpu.memref_slice %arg7[%dma_wait3A_1812, %dma_wait3A_1813] : memref<1024x64xf32, #tpu.memory_space<vmem>> -> memref<128x64xf32, #tpu.memory_space<vmem>>
      %dma_wait3A_1815 = arith.constant 0 : i32
      %dma_wait3A_1816 = tpu.memref_slice %arg6[%dma_wait3A_1811, %dma_wait3A_1815] : memref<8x128xi32, #tpu.memory_space<vmem>> -> memref<1x128xi32, #tpu.memory_space<vmem>>
      %dma_wait3A_1817 = tpu.memref_squeeze %dma_wait3A_1816 : memref<1x128xi32, #tpu.memory_space<vmem>> -> memref<128xi32, #tpu.memory_space<vmem>>
      %dma_wait3A_1818 = arith.constant 0 : i32
      %dma_wait3A_1819 = arith.constant 0 : i32
      %dma_wait3A_1820 = tpu.memref_slice %arg4[%dma_wait3A_1818, %dma_wait3A_1819] : memref<400000x64xf32, #tpu.memory_space<hbm>> -> memref<400000x64xf32, #tpu.memory_space<hbm>>
      tpu.wait_indirect_dma semaphore(%arg9 : memref<!tpu.dma_semaphore, #tpu.memory_space<semaphore_mem>>) src(%dma_wait3A_1814 : memref<128x64xf32, #tpu.memory_space<vmem>>) dst(%dma_wait3A_1820 : memref<400000x64xf32, #tpu.memory_space<hbm>>)
      %dma_wait3A_1821 = arith.constant 4 : i32
      %dma_wait3A_1822 = arith.constant 512 : i32
      %dma_wait3A_1823 = arith.constant 0 : i32
      %dma_wait3A_1824 = tpu.memref_slice %arg7[%dma_wait3A_1822, %dma_wait3A_1823] : memref<1024x64xf32, #tpu.memory_space<vmem>> -> memref<128x64xf32, #tpu.memory_space<vmem>>
      %dma_wait3A_1825 = arith.constant 0 : i32
      %dma_wait3A_1826 = tpu.memref_slice %arg6[%dma_wait3A_1821, %dma_wait3A_1825] : memref<8x128xi32, #tpu.memory_space<vmem>> -> memref<1x128xi32, #tpu.memory_space<vmem>>
      %dma_wait3A_1827 = tpu.memref_squeeze %dma_wait3A_1826 : memref<1x128xi32, #tpu.memory_space<vmem>> -> memref<128xi32, #tpu.memory_space<vmem>>
      %dma_wait3A_1828 = arith.constant 0 : i32
      %dma_wait3A_1829 = arith.constant 0 : i32
      %dma_wait3A_1830 = tpu.memref_slice %arg4[%dma_wait3A_1828, %dma_wait3A_1829] : memref<400000x64xf32, #tpu.memory_space<hbm>> -> memref<400000x64xf32, #tpu.memory_space<hbm>>
      tpu.wait_indirect_dma semaphore(%arg9 : memref<!tpu.dma_semaphore, #tpu.memory_space<semaphore_mem>>) src(%dma_wait3A_1824 : memref<128x64xf32, #tpu.memory_space<vmem>>) dst(%dma_wait3A_1830 : memref<400000x64xf32, #tpu.memory_space<hbm>>)
      %dma_wait3A_1831 = arith.constant 5 : i32
      %dma_wait3A_1832 = arith.constant 640 : i32
      %dma_wait3A_1833 = arith.constant 0 : i32
      %dma_wait3A_1834 = tpu.memref_slice %arg7[%dma_wait3A_1832, %dma_wait3A_1833] : memref<1024x64xf32, #tpu.memory_space<vmem>> -> memref<128x64xf32, #tpu.memory_space<vmem>>
      %dma_wait3A_1835 = arith.constant 0 : i32
      %dma_wait3A_1836 = tpu.memref_slice %arg6[%dma_wait3A_1831, %dma_wait3A_1835] : memref<8x128xi32, #tpu.memory_space<vmem>> -> memref<1x128xi32, #tpu.memory_space<vmem>>
      %dma_wait3A_1837 = tpu.memref_squeeze %dma_wait3A_1836 : memref<1x128xi32, #tpu.memory_space<vmem>> -> memref<128xi32, #tpu.memory_space<vmem>>
      %dma_wait3A_1838 = arith.constant 0 : i32
      %dma_wait3A_1839 = arith.constant 0 : i32
      %dma_wait3A_1840 = tpu.memref_slice %arg4[%dma_wait3A_1838, %dma_wait3A_1839] : memref<400000x64xf32, #tpu.memory_space<hbm>> -> memref<400000x64xf32, #tpu.memory_space<hbm>>
      tpu.wait_indirect_dma semaphore(%arg9 : memref<!tpu.dma_semaphore, #tpu.memory_space<semaphore_mem>>) src(%dma_wait3A_1834 : memref<128x64xf32, #tpu.memory_space<vmem>>) dst(%dma_wait3A_1840 : memref<400000x64xf32, #tpu.memory_space<hbm>>)
      %dma_wait3A_1841 = arith.constant 6 : i32
      %dma_wait3A_1842 = arith.constant 768 : i32
      %dma_wait3A_1843 = arith.constant 0 : i32
      %dma_wait3A_1844 = tpu.memref_slice %arg7[%dma_wait3A_1842, %dma_wait3A_1843] : memref<1024x64xf32, #tpu.memory_space<vmem>> -> memref<128x64xf32, #tpu.memory_space<vmem>>
      %dma_wait3A_1845 = arith.constant 0 : i32
      %dma_wait3A_1846 = tpu.memref_slice %arg6[%dma_wait3A_1841, %dma_wait3A_1845] : memref<8x128xi32, #tpu.memory_space<vmem>> -> memref<1x128xi32, #tpu.memory_space<vmem>>
      %dma_wait3A_1847 = tpu.memref_squeeze %dma_wait3A_1846 : memref<1x128xi32, #tpu.memory_space<vmem>> -> memref<128xi32, #tpu.memory_space<vmem>>
      %dma_wait3A_1848 = arith.constant 0 : i32
      %dma_wait3A_1849 = arith.constant 0 : i32
      %dma_wait3A_1850 = tpu.memref_slice %arg4[%dma_wait3A_1848, %dma_wait3A_1849] : memref<400000x64xf32, #tpu.memory_space<hbm>> -> memref<400000x64xf32, #tpu.memory_space<hbm>>
      tpu.wait_indirect_dma semaphore(%arg9 : memref<!tpu.dma_semaphore, #tpu.memory_space<semaphore_mem>>) src(%dma_wait3A_1844 : memref<128x64xf32, #tpu.memory_space<vmem>>) dst(%dma_wait3A_1850 : memref<400000x64xf32, #tpu.memory_space<hbm>>)
      %dma_wait3A_1851 = arith.constant 7 : i32
      %dma_wait3A_1852 = arith.constant 896 : i32
      %dma_wait3A_1853 = arith.constant 0 : i32
      %dma_wait3A_1854 = tpu.memref_slice %arg7[%dma_wait3A_1852, %dma_wait3A_1853] : memref<1024x64xf32, #tpu.memory_space<vmem>> -> memref<128x64xf32, #tpu.memory_space<vmem>>
      %dma_wait3A_1855 = arith.constant 0 : i32
      %dma_wait3A_1856 = tpu.memref_slice %arg6[%dma_wait3A_1851, %dma_wait3A_1855] : memref<8x128xi32, #tpu.memory_space<vmem>> -> memref<1x128xi32, #tpu.memory_space<vmem>>
      %dma_wait3A_1857 = tpu.memref_squeeze %dma_wait3A_1856 : memref<1x128xi32, #tpu.memory_space<vmem>> -> memref<128xi32, #tpu.memory_space<vmem>>
      %dma_wait3A_1858 = arith.constant 0 : i32
      %dma_wait3A_1859 = arith.constant 0 : i32
      %dma_wait3A_1860 = tpu.memref_slice %arg4[%dma_wait3A_1858, %dma_wait3A_1859] : memref<400000x64xf32, #tpu.memory_space<hbm>> -> memref<400000x64xf32, #tpu.memory_space<hbm>>
      tpu.wait_indirect_dma semaphore(%arg9 : memref<!tpu.dma_semaphore, #tpu.memory_space<semaphore_mem>>) src(%dma_wait3A_1854 : memref<128x64xf32, #tpu.memory_space<vmem>>) dst(%dma_wait3A_1860 : memref<400000x64xf32, #tpu.memory_space<hbm>>)
    } else {
    }
    %eq3A_2 = arith.constant 1 : i32
    %eq3A_3 = arith.cmpi eq, %arg0, %eq3A_2 : i32
    %convert_element_type3A_4 = arith.extui %eq3A_3 : i1 to i32
    %cond3A_5 = arith.constant 0 : i32
    %cond3A_6 = arith.cmpi ne, %convert_element_type3A_4, %cond3A_5 : i32
    scf.if %cond3A_6 {
      %mul3A = arith.constant 2 : i32
      %mul3A_7 = arith.muli %arg1, %mul3A : i32
      %add3A = arith.constant 128 : i32
      %add3A_8 = arith.addi %add3A, %mul3A_7 : i32
      "tpu.region"() ({
        %run_scoped3A = tpu.sem_alloc : memref<!tpu.dma_semaphore, #tpu.memory_space<semaphore_mem>>
        %dma_start3A_471 = arith.constant 0 : i32
        %dma_start3A_472 = arith.constant 0 : i32
        %dma_start3A_473 = tpu.memref_slice %arg6[%dma_start3A_471, %dma_start3A_472] : memref<8x128xi32, #tpu.memory_space<vmem>> -> memref<2x128xi32, #tpu.memory_space<vmem>>
        %dma_start3A_474 = arith.constant 0 : i32
        %dma_start3A_475 = tpu.memref_slice %arg3[%add3A_8, %dma_start3A_474] : memref<160x128xi32, #tpu.memory_space<hbm>> -> memref<2x128xi32, #tpu.memory_space<hbm>>
        %dma_start3A_476 = arith.constant 0 : i32
        %dma_start3A_477 = arith.constant 0 : i32
        %dma_start3A_478 = tpu.memref_slice %arg6[%dma_start3A_476, %dma_start3A_477] : memref<8x128xi32, #tpu.memory_space<vmem>> -> memref<2x128xi32, #tpu.memory_space<vmem>>
        %dma_start3A_479 = arith.constant 0 : i32
        %dma_start3A_480 = tpu.memref_slice %arg3[%add3A_8, %dma_start3A_479] : memref<160x128xi32, #tpu.memory_space<hbm>> -> memref<2x128xi32, #tpu.memory_space<hbm>>
        tpu.enqueue_dma source(%dma_start3A_480 : memref<2x128xi32, #tpu.memory_space<hbm>>) target(%dma_start3A_478 : memref<2x128xi32, #tpu.memory_space<vmem>>) target_semaphore(%run_scoped3A : memref<!tpu.dma_semaphore, #tpu.memory_space<semaphore_mem>>)
        %dma_wait3A_481 = arith.constant 0 : i32
        %dma_wait3A_482 = arith.constant 0 : i32
        %dma_wait3A_483 = tpu.memref_slice %arg6[%dma_wait3A_481, %dma_wait3A_482] : memref<8x128xi32, #tpu.memory_space<vmem>> -> memref<2x128xi32, #tpu.memory_space<vmem>>
        %dma_wait3A_484 = arith.constant 0 : i32
        %dma_wait3A_485 = tpu.memref_slice %arg3[%add3A_8, %dma_wait3A_484] : memref<160x128xi32, #tpu.memory_space<hbm>> -> memref<2x128xi32, #tpu.memory_space<hbm>>
        %dma_wait3A_486 = arith.constant 0 : i32
        %dma_wait3A_487 = arith.constant 0 : i32
        %dma_wait3A_488 = tpu.memref_slice %arg6[%dma_wait3A_486, %dma_wait3A_487] : memref<8x128xi32, #tpu.memory_space<vmem>> -> memref<2x128xi32, #tpu.memory_space<vmem>>
        %dma_wait3A_489 = arith.constant 0 : i32
        %dma_wait3A_490 = tpu.memref_slice %arg3[%add3A_8, %dma_wait3A_489] : memref<160x128xi32, #tpu.memory_space<hbm>> -> memref<2x128xi32, #tpu.memory_space<hbm>>
        tpu.wait_dma2 semaphore(%run_scoped3A : memref<!tpu.dma_semaphore, #tpu.memory_space<semaphore_mem>>) src(%dma_wait3A_490 : memref<2x128xi32, #tpu.memory_space<hbm>>) dst(%dma_wait3A_488 : memref<2x128xi32, #tpu.memory_space<vmem>>)
        tpu.yield
      }) : () -> ()
      %get3A = arith.constant 0 : i32
      %get3A_9 = arith.index_cast %get3A : i32 to index
      %get3A_10 = arith.constant 0 : index
      %get3A_11 = tpu.vector_load %arg6[%get3A_9, %get3A_10] {strides = array<i32>} : memref<8x128xi32, #tpu.memory_space<vmem>>, vector<1x16xi32>,
      %get3A_12 = vector.shape_cast %get3A_11 : vector<1x16xi32> to vector<16xi32>
      %shift_right_arithmetic3A = arith.constant 3 : i32
      %shift_right_arithmetic3A_13 = vector.broadcast %shift_right_arithmetic3A : i32 to vector<16xi32>
      %shift_right_arithmetic3A_14 = arith.shrsi %get3A_12, %shift_right_arithmetic3A_13 : vector<16xi32>
      %shift_left3A = arith.constant 5 : i32
      %shift_left3A_15 = vector.broadcast %shift_left3A : i32 to vector<16xi32>
      %shift_left3A_16 = arith.shli %shift_right_arithmetic3A_14, %shift_left3A_15 : vector<16xi32>
      %and3A = arith.constant 7 : i32
      %and3A_17 = vector.broadcast %and3A : i32 to vector<16xi32>
      %and3A_18 = arith.andi %get3A_12, %and3A_17 : vector<16xi32>
      %shift_left3A_19 = arith.constant 1 : i32
      %shift_left3A_20 = vector.broadcast %shift_left3A_19 : i32 to vector<16xi32>
      %shift_left3A_21 = arith.shli %and3A_18, %shift_left3A_20 : vector<16xi32>
      %add3A_22 = arith.addi %shift_left3A_16, %shift_left3A_21 : vector<16xi32>
      %swap3A = arith.constant 0 : i32
      %swap3A_23 = arith.index_cast %swap3A : i32 to index
      %swap3A_24 = arith.constant 0 : index
      %swap3A_25 = tpu.vector_load %arg6[%swap3A_23, %swap3A_24] {strides = array<i32>} : memref<8x128xi32, #tpu.memory_space<vmem>>, vector<1x16xi32>,
      %swap3A_26 = vector.shape_cast %swap3A_25 : vector<1x16xi32> to vector<16xi32>
      %swap3A_27 = vector.shape_cast %add3A_22 : vector<16xi32> to vector<1x16xi32>
      tpu.vector_store %arg6[%swap3A_23, %swap3A_24], %swap3A_27 {strides = array<i32>} : memref<8x128xi32, #tpu.memory_space<vmem>>, vector<1x16xi32>,
      %get3A_28 = arith.constant 0 : i32
      %get3A_29 = arith.index_cast %get3A_28 : i32 to index
      %get3A_30 = arith.constant 16 : index
      %get3A_31 = tpu.vector_load %arg6[%get3A_29, %get3A_30] {strides = array<i32>} : memref<8x128xi32, #tpu.memory_space<vmem>>, vector<1x16xi32>,
      %get3A_32 = vector.shape_cast %get3A_31 : vector<1x16xi32> to vector<16xi32>
      %shift_right_arithmetic3A_33 = arith.constant 3 : i32
      %shift_right_arithmetic3A_34 = vector.broadcast %shift_right_arithmetic3A_33 : i32 to vector<16xi32>
      %shift_right_arithmetic3A_35 = arith.shrsi %get3A_32, %shift_right_arithmetic3A_34 : vector<16xi32>
      %shift_left3A_36 = arith.constant 5 : i32
      %shift_left3A_37 = vector.broadcast %shift_left3A_36 : i32 to vector<16xi32>
      %shift_left3A_38 = arith.shli %shift_right_arithmetic3A_35, %shift_left3A_37 : vector<16xi32>
      %and3A_39 = arith.constant 7 : i32
      %and3A_40 = vector.broadcast %and3A_39 : i32 to vector<16xi32>
      %and3A_41 = arith.andi %get3A_32, %and3A_40 : vector<16xi32>
      %shift_left3A_42 = arith.constant 1 : i32
      %shift_left3A_43 = vector.broadcast %shift_left3A_42 : i32 to vector<16xi32>
      %shift_left3A_44 = arith.shli %and3A_41, %shift_left3A_43 : vector<16xi32>
      %add3A_45 = arith.addi %shift_left3A_38, %shift_left3A_44 : vector<16xi32>
      %swap3A_46 = arith.constant 0 : i32
      %swap3A_47 = arith.index_cast %swap3A_46 : i32 to index
      %swap3A_48 = arith.constant 16 : index
      %swap3A_49 = tpu.vector_load %arg6[%swap3A_47, %swap3A_48] {strides = array<i32>} : memref<8x128xi32, #tpu.memory_space<vmem>>, vector<1x16xi32>,
      %swap3A_50 = vector.shape_cast %swap3A_49 : vector<1x16xi32> to vector<16xi32>
      %swap3A_51 = vector.shape_cast %add3A_45 : vector<16xi32> to vector<1x16xi32>
      tpu.vector_store %arg6[%swap3A_47, %swap3A_48], %swap3A_51 {strides = array<i32>} : memref<8x128xi32, #tpu.memory_space<vmem>>, vector<1x16xi32>,
      %get3A_52 = arith.constant 0 : i32
      %get3A_53 = arith.index_cast %get3A_52 : i32 to index
      %get3A_54 = arith.constant 32 : index
      %get3A_55 = tpu.vector_load %arg6[%get3A_53, %get3A_54] {strides = array<i32>} : memref<8x128xi32, #tpu.memory_space<vmem>>, vector<1x16xi32>,
      %get3A_56 = vector.shape_cast %get3A_55 : vector<1x16xi32> to vector<16xi32>
      %shift_right_arithmetic3A_57 = arith.constant 3 : i32
      %shift_right_arithmetic3A_58 = vector.broadcast %shift_right_arithmetic3A_57 : i32 to vector<16xi32>
      %shift_right_arithmetic3A_59 = arith.shrsi %get3A_56, %shift_right_arithmetic3A_58 : vector<16xi32>
      %shift_left3A_60 = arith.constant 5 : i32
      %shift_left3A_61 = vector.broadcast %shift_left3A_60 : i32 to vector<16xi32>
      %shift_left3A_62 = arith.shli %shift_right_arithmetic3A_59, %shift_left3A_61 : vector<16xi32>
      %and3A_63 = arith.constant 7 : i32
      %and3A_64 = vector.broadcast %and3A_63 : i32 to vector<16xi32>
      %and3A_65 = arith.andi %get3A_56, %and3A_64 : vector<16xi32>
      %shift_left3A_66 = arith.constant 1 : i32
      %shift_left3A_67 = vector.broadcast %shift_left3A_66 : i32 to vector<16xi32>
      %shift_left3A_68 = arith.shli %and3A_65, %shift_left3A_67 : vector<16xi32>
      %add3A_69 = arith.addi %shift_left3A_62, %shift_left3A_68 : vector<16xi32>
      %swap3A_70 = arith.constant 0 : i32
      %swap3A_71 = arith.index_cast %swap3A_70 : i32 to index
      %swap3A_72 = arith.constant 32 : index
      %swap3A_73 = tpu.vector_load %arg6[%swap3A_71, %swap3A_72] {strides = array<i32>} : memref<8x128xi32, #tpu.memory_space<vmem>>, vector<1x16xi32>,
      %swap3A_74 = vector.shape_cast %swap3A_73 : vector<1x16xi32> to vector<16xi32>
      %swap3A_75 = vector.shape_cast %add3A_69 : vector<16xi32> to vector<1x16xi32>
      tpu.vector_store %arg6[%swap3A_71, %swap3A_72], %swap3A_75 {strides = array<i32>} : memref<8x128xi32, #tpu.memory_space<vmem>>, vector<1x16xi32>,
      %get3A_76 = arith.constant 0 : i32
      %get3A_77 = arith.index_cast %get3A_76 : i32 to index
      %get3A_78 = arith.constant 48 : index
      %get3A_79 = tpu.vector_load %arg6[%get3A_77, %get3A_78] {strides = array<i32>} : memref<8x128xi32, #tpu.memory_space<vmem>>, vector<1x16xi32>,
      %get3A_80 = vector.shape_cast %get3A_79 : vector<1x16xi32> to vector<16xi32>
      %shift_right_arithmetic3A_81 = arith.constant 3 : i32
      %shift_right_arithmetic3A_82 = vector.broadcast %shift_right_arithmetic3A_81 : i32 to vector<16xi32>
      %shift_right_arithmetic3A_83 = arith.shrsi %get3A_80, %shift_right_arithmetic3A_82 : vector<16xi32>
      %shift_left3A_84 = arith.constant 5 : i32
      %shift_left3A_85 = vector.broadcast %shift_left3A_84 : i32 to vector<16xi32>
      %shift_left3A_86 = arith.shli %shift_right_arithmetic3A_83, %shift_left3A_85 : vector<16xi32>
      %and3A_87 = arith.constant 7 : i32
      %and3A_88 = vector.broadcast %and3A_87 : i32 to vector<16xi32>
      %and3A_89 = arith.andi %get3A_80, %and3A_88 : vector<16xi32>
      %shift_left3A_90 = arith.constant 1 : i32
      %shift_left3A_91 = vector.broadcast %shift_left3A_90 : i32 to vector<16xi32>
      %shift_left3A_92 = arith.shli %and3A_89, %shift_left3A_91 : vector<16xi32>
      %add3A_93 = arith.addi %shift_left3A_86, %shift_left3A_92 : vector<16xi32>
      %swap3A_94 = arith.constant 0 : i32
      %swap3A_95 = arith.index_cast %swap3A_94 : i32 to index
      %swap3A_96 = arith.constant 48 : index
      %swap3A_97 = tpu.vector_load %arg6[%swap3A_95, %swap3A_96] {strides = array<i32>} : memref<8x128xi32, #tpu.memory_space<vmem>>, vector<1x16xi32>,
      %swap3A_98 = vector.shape_cast %swap3A_97 : vector<1x16xi32> to vector<16xi32>
      %swap3A_99 = vector.shape_cast %add3A_93 : vector<16xi32> to vector<1x16xi32>
      tpu.vector_store %arg6[%swap3A_95, %swap3A_96], %swap3A_99 {strides = array<i32>} : memref<8x128xi32, #tpu.memory_space<vmem>>, vector<1x16xi32>,
      %get3A_100 = arith.constant 0 : i32
      %get3A_101 = arith.index_cast %get3A_100 : i32 to index
      %get3A_102 = arith.constant 64 : index
      %get3A_103 = tpu.vector_load %arg6[%get3A_101, %get3A_102] {strides = array<i32>} : memref<8x128xi32, #tpu.memory_space<vmem>>, vector<1x16xi32>,
      %get3A_104 = vector.shape_cast %get3A_103 : vector<1x16xi32> to vector<16xi32>
      %shift_right_arithmetic3A_105 = arith.constant 3 : i32
      %shift_right_arithmetic3A_106 = vector.broadcast %shift_right_arithmetic3A_105 : i32 to vector<16xi32>
      %shift_right_arithmetic3A_107 = arith.shrsi %get3A_104, %shift_right_arithmetic3A_106 : vector<16xi32>
      %shift_left3A_108 = arith.constant 5 : i32
      %shift_left3A_109 = vector.broadcast %shift_left3A_108 : i32 to vector<16xi32>
      %shift_left3A_110 = arith.shli %shift_right_arithmetic3A_107, %shift_left3A_109 : vector<16xi32>
      %and3A_111 = arith.constant 7 : i32
      %and3A_112 = vector.broadcast %and3A_111 : i32 to vector<16xi32>
      %and3A_113 = arith.andi %get3A_104, %and3A_112 : vector<16xi32>
      %shift_left3A_114 = arith.constant 1 : i32
      %shift_left3A_115 = vector.broadcast %shift_left3A_114 : i32 to vector<16xi32>
      %shift_left3A_116 = arith.shli %and3A_113, %shift_left3A_115 : vector<16xi32>
      %add3A_117 = arith.addi %shift_left3A_110, %shift_left3A_116 : vector<16xi32>
      %swap3A_118 = arith.constant 0 : i32
      %swap3A_119 = arith.index_cast %swap3A_118 : i32 to index
      %swap3A_120 = arith.constant 64 : index
      %swap3A_121 = tpu.vector_load %arg6[%swap3A_119, %swap3A_120] {strides = array<i32>} : memref<8x128xi32, #tpu.memory_space<vmem>>, vector<1x16xi32>,
      %swap3A_122 = vector.shape_cast %swap3A_121 : vector<1x16xi32> to vector<16xi32>
      %swap3A_123 = vector.shape_cast %add3A_117 : vector<16xi32> to vector<1x16xi32>
      tpu.vector_store %arg6[%swap3A_119, %swap3A_120], %swap3A_123 {strides = array<i32>} : memref<8x128xi32, #tpu.memory_space<vmem>>, vector<1x16xi32>,
      %get3A_124 = arith.constant 0 : i32
      %get3A_125 = arith.index_cast %get3A_124 : i32 to index
      %get3A_126 = arith.constant 80 : index
      %get3A_127 = tpu.vector_load %arg6[%get3A_125, %get3A_126] {strides = array<i32>} : memref<8x128xi32, #tpu.memory_space<vmem>>, vector<1x16xi32>,
      %get3A_128 = vector.shape_cast %get3A_127 : vector<1x16xi32> to vector<16xi32>
      %shift_right_arithmetic3A_129 = arith.constant 3 : i32
      %shift_right_arithmetic3A_130 = vector.broadcast %shift_right_arithmetic3A_129 : i32 to vector<16xi32>
      %shift_right_arithmetic3A_131 = arith.shrsi %get3A_128, %shift_right_arithmetic3A_130 : vector<16xi32>
      %shift_left3A_132 = arith.constant 5 : i32
      %shift_left3A_133 = vector.broadcast %shift_left3A_132 : i32 to vector<16xi32>
      %shift_left3A_134 = arith.shli %shift_right_arithmetic3A_131, %shift_left3A_133 : vector<16xi32>
      %and3A_135 = arith.constant 7 : i32
      %and3A_136 = vector.broadcast %and3A_135 : i32 to vector<16xi32>
      %and3A_137 = arith.andi %get3A_128, %and3A_136 : vector<16xi32>
      %shift_left3A_138 = arith.constant 1 : i32
      %shift_left3A_139 = vector.broadcast %shift_left3A_138 : i32 to vector<16xi32>
      %shift_left3A_140 = arith.shli %and3A_137, %shift_left3A_139 : vector<16xi32>
      %add3A_141 = arith.addi %shift_left3A_134, %shift_left3A_140 : vector<16xi32>
      %swap3A_142 = arith.constant 0 : i32
      %swap3A_143 = arith.index_cast %swap3A_142 : i32 to index
      %swap3A_144 = arith.constant 80 : index
      %swap3A_145 = tpu.vector_load %arg6[%swap3A_143, %swap3A_144] {strides = array<i32>} : memref<8x128xi32, #tpu.memory_space<vmem>>, vector<1x16xi32>,
      %swap3A_146 = vector.shape_cast %swap3A_145 : vector<1x16xi32> to vector<16xi32>
      %swap3A_147 = vector.shape_cast %add3A_141 : vector<16xi32> to vector<1x16xi32>
      tpu.vector_store %arg6[%swap3A_143, %swap3A_144], %swap3A_147 {strides = array<i32>} : memref<8x128xi32, #tpu.memory_space<vmem>>, vector<1x16xi32>,
      %get3A_148 = arith.constant 0 : i32
      %get3A_149 = arith.index_cast %get3A_148 : i32 to index
      %get3A_150 = arith.constant 96 : index
      %get3A_151 = tpu.vector_load %arg6[%get3A_149, %get3A_150] {strides = array<i32>} : memref<8x128xi32, #tpu.memory_space<vmem>>, vector<1x16xi32>,
      %get3A_152 = vector.shape_cast %get3A_151 : vector<1x16xi32> to vector<16xi32>
      %shift_right_arithmetic3A_153 = arith.constant 3 : i32
      %shift_right_arithmetic3A_154 = vector.broadcast %shift_right_arithmetic3A_153 : i32 to vector<16xi32>
      %shift_right_arithmetic3A_155 = arith.shrsi %get3A_152, %shift_right_arithmetic3A_154 : vector<16xi32>
      %shift_left3A_156 = arith.constant 5 : i32
      %shift_left3A_157 = vector.broadcast %shift_left3A_156 : i32 to vector<16xi32>
      %shift_left3A_158 = arith.shli %shift_right_arithmetic3A_155, %shift_left3A_157 : vector<16xi32>
      %and3A_159 = arith.constant 7 : i32
      %and3A_160 = vector.broadcast %and3A_159 : i32 to vector<16xi32>
      %and3A_161 = arith.andi %get3A_152, %and3A_160 : vector<16xi32>
      %shift_left3A_162 = arith.constant 1 : i32
      %shift_left3A_163 = vector.broadcast %shift_left3A_162 : i32 to vector<16xi32>
      %shift_left3A_164 = arith.shli %and3A_161, %shift_left3A_163 : vector<16xi32>
      %add3A_165 = arith.addi %shift_left3A_158, %shift_left3A_164 : vector<16xi32>
      %swap3A_166 = arith.constant 0 : i32
      %swap3A_167 = arith.index_cast %swap3A_166 : i32 to index
      %swap3A_168 = arith.constant 96 : index
      %swap3A_169 = tpu.vector_load %arg6[%swap3A_167, %swap3A_168] {strides = array<i32>} : memref<8x128xi32, #tpu.memory_space<vmem>>, vector<1x16xi32>,
      %swap3A_170 = vector.shape_cast %swap3A_169 : vector<1x16xi32> to vector<16xi32>
      %swap3A_171 = vector.shape_cast %add3A_165 : vector<16xi32> to vector<1x16xi32>
      tpu.vector_store %arg6[%swap3A_167, %swap3A_168], %swap3A_171 {strides = array<i32>} : memref<8x128xi32, #tpu.memory_space<vmem>>, vector<1x16xi32>,
      %get3A_172 = arith.constant 0 : i32
      %get3A_173 = arith.index_cast %get3A_172 : i32 to index
      %get3A_174 = arith.constant 112 : index
      %get3A_175 = tpu.vector_load %arg6[%get3A_173, %get3A_174] {strides = array<i32>} : memref<8x128xi32, #tpu.memory_space<vmem>>, vector<1x16xi32>,
      %get3A_176 = vector.shape_cast %get3A_175 : vector<1x16xi32> to vector<16xi32>
      %shift_right_arithmetic3A_177 = arith.constant 3 : i32
      %shift_right_arithmetic3A_178 = vector.broadcast %shift_right_arithmetic3A_177 : i32 to vector<16xi32>
      %shift_right_arithmetic3A_179 = arith.shrsi %get3A_176, %shift_right_arithmetic3A_178 : vector<16xi32>
      %shift_left3A_180 = arith.constant 5 : i32
      %shift_left3A_181 = vector.broadcast %shift_left3A_180 : i32 to vector<16xi32>
      %shift_left3A_182 = arith.shli %shift_right_arithmetic3A_179, %shift_left3A_181 : vector<16xi32>
      %and3A_183 = arith.constant 7 : i32
      %and3A_184 = vector.broadcast %and3A_183 : i32 to vector<16xi32>
      %and3A_185 = arith.andi %get3A_176, %and3A_184 : vector<16xi32>
      %shift_left3A_186 = arith.constant 1 : i32
      %shift_left3A_187 = vector.broadcast %shift_left3A_186 : i32 to vector<16xi32>
      %shift_left3A_188 = arith.shli %and3A_185, %shift_left3A_187 : vector<16xi32>
      %add3A_189 = arith.addi %shift_left3A_182, %shift_left3A_188 : vector<16xi32>
      %swap3A_190 = arith.constant 0 : i32
      %swap3A_191 = arith.index_cast %swap3A_190 : i32 to index
      %swap3A_192 = arith.constant 112 : index
      %swap3A_193 = tpu.vector_load %arg6[%swap3A_191, %swap3A_192] {strides = array<i32>} : memref<8x128xi32, #tpu.memory_space<vmem>>, vector<1x16xi32>,
      %swap3A_194 = vector.shape_cast %swap3A_193 : vector<1x16xi32> to vector<16xi32>
      %swap3A_195 = vector.shape_cast %add3A_189 : vector<16xi32> to vector<1x16xi32>
      tpu.vector_store %arg6[%swap3A_191, %swap3A_192], %swap3A_195 {strides = array<i32>} : memref<8x128xi32, #tpu.memory_space<vmem>>, vector<1x16xi32>,
      %get3A_196 = arith.constant 1 : i32
      %get3A_197 = arith.index_cast %get3A_196 : i32 to index
      %get3A_198 = arith.constant 0 : index
      %get3A_199 = tpu.vector_load %arg6[%get3A_197, %get3A_198] {strides = array<i32>} : memref<8x128xi32, #tpu.memory_space<vmem>>, vector<1x16xi32>,
      %get3A_200 = vector.shape_cast %get3A_199 : vector<1x16xi32> to vector<16xi32>
      %shift_right_arithmetic3A_201 = arith.constant 3 : i32
      %shift_right_arithmetic3A_202 = vector.broadcast %shift_right_arithmetic3A_201 : i32 to vector<16xi32>
      %shift_right_arithmetic3A_203 = arith.shrsi %get3A_200, %shift_right_arithmetic3A_202 : vector<16xi32>
      %shift_left3A_204 = arith.constant 5 : i32
      %shift_left3A_205 = vector.broadcast %shift_left3A_204 : i32 to vector<16xi32>
      %shift_left3A_206 = arith.shli %shift_right_arithmetic3A_203, %shift_left3A_205 : vector<16xi32>
      %and3A_207 = arith.constant 7 : i32
      %and3A_208 = vector.broadcast %and3A_207 : i32 to vector<16xi32>
      %and3A_209 = arith.andi %get3A_200, %and3A_208 : vector<16xi32>
      %shift_left3A_210 = arith.constant 1 : i32
      %shift_left3A_211 = vector.broadcast %shift_left3A_210 : i32 to vector<16xi32>
      %shift_left3A_212 = arith.shli %and3A_209, %shift_left3A_211 : vector<16xi32>
      %add3A_213 = arith.addi %shift_left3A_206, %shift_left3A_212 : vector<16xi32>
      %swap3A_214 = arith.constant 1 : i32
      %swap3A_215 = arith.index_cast %swap3A_214 : i32 to index
      %swap3A_216 = arith.constant 0 : index
      %swap3A_217 = tpu.vector_load %arg6[%swap3A_215, %swap3A_216] {strides = array<i32>} : memref<8x128xi32, #tpu.memory_space<vmem>>, vector<1x16xi32>,
      %swap3A_218 = vector.shape_cast %swap3A_217 : vector<1x16xi32> to vector<16xi32>
      %swap3A_219 = vector.shape_cast %add3A_213 : vector<16xi32> to vector<1x16xi32>
      tpu.vector_store %arg6[%swap3A_215, %swap3A_216], %swap3A_219 {strides = array<i32>} : memref<8x128xi32, #tpu.memory_space<vmem>>, vector<1x16xi32>,
      %get3A_220 = arith.constant 1 : i32
      %get3A_221 = arith.index_cast %get3A_220 : i32 to index
      %get3A_222 = arith.constant 16 : index
      %get3A_223 = tpu.vector_load %arg6[%get3A_221, %get3A_222] {strides = array<i32>} : memref<8x128xi32, #tpu.memory_space<vmem>>, vector<1x16xi32>,
      %get3A_224 = vector.shape_cast %get3A_223 : vector<1x16xi32> to vector<16xi32>
      %shift_right_arithmetic3A_225 = arith.constant 3 : i32
      %shift_right_arithmetic3A_226 = vector.broadcast %shift_right_arithmetic3A_225 : i32 to vector<16xi32>
      %shift_right_arithmetic3A_227 = arith.shrsi %get3A_224, %shift_right_arithmetic3A_226 : vector<16xi32>
      %shift_left3A_228 = arith.constant 5 : i32
      %shift_left3A_229 = vector.broadcast %shift_left3A_228 : i32 to vector<16xi32>
      %shift_left3A_230 = arith.shli %shift_right_arithmetic3A_227, %shift_left3A_229 : vector<16xi32>
      %and3A_231 = arith.constant 7 : i32
      %and3A_232 = vector.broadcast %and3A_231 : i32 to vector<16xi32>
      %and3A_233 = arith.andi %get3A_224, %and3A_232 : vector<16xi32>
      %shift_left3A_234 = arith.constant 1 : i32
      %shift_left3A_235 = vector.broadcast %shift_left3A_234 : i32 to vector<16xi32>
      %shift_left3A_236 = arith.shli %and3A_233, %shift_left3A_235 : vector<16xi32>
      %add3A_237 = arith.addi %shift_left3A_230, %shift_left3A_236 : vector<16xi32>
      %swap3A_238 = arith.constant 1 : i32
      %swap3A_239 = arith.index_cast %swap3A_238 : i32 to index
      %swap3A_240 = arith.constant 16 : index
      %swap3A_241 = tpu.vector_load %arg6[%swap3A_239, %swap3A_240] {strides = array<i32>} : memref<8x128xi32, #tpu.memory_space<vmem>>, vector<1x16xi32>,
      %swap3A_242 = vector.shape_cast %swap3A_241 : vector<1x16xi32> to vector<16xi32>
      %swap3A_243 = vector.shape_cast %add3A_237 : vector<16xi32> to vector<1x16xi32>
      tpu.vector_store %arg6[%swap3A_239, %swap3A_240], %swap3A_243 {strides = array<i32>} : memref<8x128xi32, #tpu.memory_space<vmem>>, vector<1x16xi32>,
      %get3A_244 = arith.constant 1 : i32
      %get3A_245 = arith.index_cast %get3A_244 : i32 to index
      %get3A_246 = arith.constant 32 : index
      %get3A_247 = tpu.vector_load %arg6[%get3A_245, %get3A_246] {strides = array<i32>} : memref<8x128xi32, #tpu.memory_space<vmem>>, vector<1x16xi32>,
      %get3A_248 = vector.shape_cast %get3A_247 : vector<1x16xi32> to vector<16xi32>
      %shift_right_arithmetic3A_249 = arith.constant 3 : i32
      %shift_right_arithmetic3A_250 = vector.broadcast %shift_right_arithmetic3A_249 : i32 to vector<16xi32>
      %shift_right_arithmetic3A_251 = arith.shrsi %get3A_248, %shift_right_arithmetic3A_250 : vector<16xi32>
      %shift_left3A_252 = arith.constant 5 : i32
      %shift_left3A_253 = vector.broadcast %shift_left3A_252 : i32 to vector<16xi32>
      %shift_left3A_254 = arith.shli %shift_right_arithmetic3A_251, %shift_left3A_253 : vector<16xi32>
      %and3A_255 = arith.constant 7 : i32
      %and3A_256 = vector.broadcast %and3A_255 : i32 to vector<16xi32>
      %and3A_257 = arith.andi %get3A_248, %and3A_256 : vector<16xi32>
      %shift_left3A_258 = arith.constant 1 : i32
      %shift_left3A_259 = vector.broadcast %shift_left3A_258 : i32 to vector<16xi32>
      %shift_left3A_260 = arith.shli %and3A_257, %shift_left3A_259 : vector<16xi32>
      %add3A_261 = arith.addi %shift_left3A_254, %shift_left3A_260 : vector<16xi32>
      %swap3A_262 = arith.constant 1 : i32
      %swap3A_263 = arith.index_cast %swap3A_262 : i32 to index
      %swap3A_264 = arith.constant 32 : index
      %swap3A_265 = tpu.vector_load %arg6[%swap3A_263, %swap3A_264] {strides = array<i32>} : memref<8x128xi32, #tpu.memory_space<vmem>>, vector<1x16xi32>,
      %swap3A_266 = vector.shape_cast %swap3A_265 : vector<1x16xi32> to vector<16xi32>
      %swap3A_267 = vector.shape_cast %add3A_261 : vector<16xi32> to vector<1x16xi32>
      tpu.vector_store %arg6[%swap3A_263, %swap3A_264], %swap3A_267 {strides = array<i32>} : memref<8x128xi32, #tpu.memory_space<vmem>>, vector<1x16xi32>,
      %get3A_268 = arith.constant 1 : i32
      %get3A_269 = arith.index_cast %get3A_268 : i32 to index
      %get3A_270 = arith.constant 48 : index
      %get3A_271 = tpu.vector_load %arg6[%get3A_269, %get3A_270] {strides = array<i32>} : memref<8x128xi32, #tpu.memory_space<vmem>>, vector<1x16xi32>,
      %get3A_272 = vector.shape_cast %get3A_271 : vector<1x16xi32> to vector<16xi32>
      %shift_right_arithmetic3A_273 = arith.constant 3 : i32
      %shift_right_arithmetic3A_274 = vector.broadcast %shift_right_arithmetic3A_273 : i32 to vector<16xi32>
      %shift_right_arithmetic3A_275 = arith.shrsi %get3A_272, %shift_right_arithmetic3A_274 : vector<16xi32>
      %shift_left3A_276 = arith.constant 5 : i32
      %shift_left3A_277 = vector.broadcast %shift_left3A_276 : i32 to vector<16xi32>
      %shift_left3A_278 = arith.shli %shift_right_arithmetic3A_275, %shift_left3A_277 : vector<16xi32>
      %and3A_279 = arith.constant 7 : i32
      %and3A_280 = vector.broadcast %and3A_279 : i32 to vector<16xi32>
      %and3A_281 = arith.andi %get3A_272, %and3A_280 : vector<16xi32>
      %shift_left3A_282 = arith.constant 1 : i32
      %shift_left3A_283 = vector.broadcast %shift_left3A_282 : i32 to vector<16xi32>
      %shift_left3A_284 = arith.shli %and3A_281, %shift_left3A_283 : vector<16xi32>
      %add3A_285 = arith.addi %shift_left3A_278, %shift_left3A_284 : vector<16xi32>
      %swap3A_286 = arith.constant 1 : i32
      %swap3A_287 = arith.index_cast %swap3A_286 : i32 to index
      %swap3A_288 = arith.constant 48 : index
      %swap3A_289 = tpu.vector_load %arg6[%swap3A_287, %swap3A_288] {strides = array<i32>} : memref<8x128xi32, #tpu.memory_space<vmem>>, vector<1x16xi32>,
      %swap3A_290 = vector.shape_cast %swap3A_289 : vector<1x16xi32> to vector<16xi32>
      %swap3A_291 = vector.shape_cast %add3A_285 : vector<16xi32> to vector<1x16xi32>
      tpu.vector_store %arg6[%swap3A_287, %swap3A_288], %swap3A_291 {strides = array<i32>} : memref<8x128xi32, #tpu.memory_space<vmem>>, vector<1x16xi32>,
      %get3A_292 = arith.constant 1 : i32
      %get3A_293 = arith.index_cast %get3A_292 : i32 to index
      %get3A_294 = arith.constant 64 : index
      %get3A_295 = tpu.vector_load %arg6[%get3A_293, %get3A_294] {strides = array<i32>} : memref<8x128xi32, #tpu.memory_space<vmem>>, vector<1x16xi32>,
      %get3A_296 = vector.shape_cast %get3A_295 : vector<1x16xi32> to vector<16xi32>
      %shift_right_arithmetic3A_297 = arith.constant 3 : i32
      %shift_right_arithmetic3A_298 = vector.broadcast %shift_right_arithmetic3A_297 : i32 to vector<16xi32>
      %shift_right_arithmetic3A_299 = arith.shrsi %get3A_296, %shift_right_arithmetic3A_298 : vector<16xi32>
      %shift_left3A_300 = arith.constant 5 : i32
      %shift_left3A_301 = vector.broadcast %shift_left3A_300 : i32 to vector<16xi32>
      %shift_left3A_302 = arith.shli %shift_right_arithmetic3A_299, %shift_left3A_301 : vector<16xi32>
      %and3A_303 = arith.constant 7 : i32
      %and3A_304 = vector.broadcast %and3A_303 : i32 to vector<16xi32>
      %and3A_305 = arith.andi %get3A_296, %and3A_304 : vector<16xi32>
      %shift_left3A_306 = arith.constant 1 : i32
      %shift_left3A_307 = vector.broadcast %shift_left3A_306 : i32 to vector<16xi32>
      %shift_left3A_308 = arith.shli %and3A_305, %shift_left3A_307 : vector<16xi32>
      %add3A_309 = arith.addi %shift_left3A_302, %shift_left3A_308 : vector<16xi32>
      %swap3A_310 = arith.constant 1 : i32
      %swap3A_311 = arith.index_cast %swap3A_310 : i32 to index
      %swap3A_312 = arith.constant 64 : index
      %swap3A_313 = tpu.vector_load %arg6[%swap3A_311, %swap3A_312] {strides = array<i32>} : memref<8x128xi32, #tpu.memory_space<vmem>>, vector<1x16xi32>,
      %swap3A_314 = vector.shape_cast %swap3A_313 : vector<1x16xi32> to vector<16xi32>
      %swap3A_315 = vector.shape_cast %add3A_309 : vector<16xi32> to vector<1x16xi32>
      tpu.vector_store %arg6[%swap3A_311, %swap3A_312], %swap3A_315 {strides = array<i32>} : memref<8x128xi32, #tpu.memory_space<vmem>>, vector<1x16xi32>,
      %get3A_316 = arith.constant 1 : i32
      %get3A_317 = arith.index_cast %get3A_316 : i32 to index
      %get3A_318 = arith.constant 80 : index
      %get3A_319 = tpu.vector_load %arg6[%get3A_317, %get3A_318] {strides = array<i32>} : memref<8x128xi32, #tpu.memory_space<vmem>>, vector<1x16xi32>,
      %get3A_320 = vector.shape_cast %get3A_319 : vector<1x16xi32> to vector<16xi32>
      %shift_right_arithmetic3A_321 = arith.constant 3 : i32
      %shift_right_arithmetic3A_322 = vector.broadcast %shift_right_arithmetic3A_321 : i32 to vector<16xi32>
      %shift_right_arithmetic3A_323 = arith.shrsi %get3A_320, %shift_right_arithmetic3A_322 : vector<16xi32>
      %shift_left3A_324 = arith.constant 5 : i32
      %shift_left3A_325 = vector.broadcast %shift_left3A_324 : i32 to vector<16xi32>
      %shift_left3A_326 = arith.shli %shift_right_arithmetic3A_323, %shift_left3A_325 : vector<16xi32>
      %and3A_327 = arith.constant 7 : i32
      %and3A_328 = vector.broadcast %and3A_327 : i32 to vector<16xi32>
      %and3A_329 = arith.andi %get3A_320, %and3A_328 : vector<16xi32>
      %shift_left3A_330 = arith.constant 1 : i32
      %shift_left3A_331 = vector.broadcast %shift_left3A_330 : i32 to vector<16xi32>
      %shift_left3A_332 = arith.shli %and3A_329, %shift_left3A_331 : vector<16xi32>
      %add3A_333 = arith.addi %shift_left3A_326, %shift_left3A_332 : vector<16xi32>
      %swap3A_334 = arith.constant 1 : i32
      %swap3A_335 = arith.index_cast %swap3A_334 : i32 to index
      %swap3A_336 = arith.constant 80 : index
      %swap3A_337 = tpu.vector_load %arg6[%swap3A_335, %swap3A_336] {strides = array<i32>} : memref<8x128xi32, #tpu.memory_space<vmem>>, vector<1x16xi32>,
      %swap3A_338 = vector.shape_cast %swap3A_337 : vector<1x16xi32> to vector<16xi32>
      %swap3A_339 = vector.shape_cast %add3A_333 : vector<16xi32> to vector<1x16xi32>
      tpu.vector_store %arg6[%swap3A_335, %swap3A_336], %swap3A_339 {strides = array<i32>} : memref<8x128xi32, #tpu.memory_space<vmem>>, vector<1x16xi32>,
      %get3A_340 = arith.constant 1 : i32
      %get3A_341 = arith.index_cast %get3A_340 : i32 to index
      %get3A_342 = arith.constant 96 : index
      %get3A_343 = tpu.vector_load %arg6[%get3A_341, %get3A_342] {strides = array<i32>} : memref<8x128xi32, #tpu.memory_space<vmem>>, vector<1x16xi32>,
      %get3A_344 = vector.shape_cast %get3A_343 : vector<1x16xi32> to vector<16xi32>
      %shift_right_arithmetic3A_345 = arith.constant 3 : i32
      %shift_right_arithmetic3A_346 = vector.broadcast %shift_right_arithmetic3A_345 : i32 to vector<16xi32>
      %shift_right_arithmetic3A_347 = arith.shrsi %get3A_344, %shift_right_arithmetic3A_346 : vector<16xi32>
      %shift_left3A_348 = arith.constant 5 : i32
      %shift_left3A_349 = vector.broadcast %shift_left3A_348 : i32 to vector<16xi32>
      %shift_left3A_350 = arith.shli %shift_right_arithmetic3A_347, %shift_left3A_349 : vector<16xi32>
      %and3A_351 = arith.constant 7 : i32
      %and3A_352 = vector.broadcast %and3A_351 : i32 to vector<16xi32>
      %and3A_353 = arith.andi %get3A_344, %and3A_352 : vector<16xi32>
      %shift_left3A_354 = arith.constant 1 : i32
      %shift_left3A_355 = vector.broadcast %shift_left3A_354 : i32 to vector<16xi32>
      %shift_left3A_356 = arith.shli %and3A_353, %shift_left3A_355 : vector<16xi32>
      %add3A_357 = arith.addi %shift_left3A_350, %shift_left3A_356 : vector<16xi32>
      %swap3A_358 = arith.constant 1 : i32
      %swap3A_359 = arith.index_cast %swap3A_358 : i32 to index
      %swap3A_360 = arith.constant 96 : index
      %swap3A_361 = tpu.vector_load %arg6[%swap3A_359, %swap3A_360] {strides = array<i32>} : memref<8x128xi32, #tpu.memory_space<vmem>>, vector<1x16xi32>,
      %swap3A_362 = vector.shape_cast %swap3A_361 : vector<1x16xi32> to vector<16xi32>
      %swap3A_363 = vector.shape_cast %add3A_357 : vector<16xi32> to vector<1x16xi32>
      tpu.vector_store %arg6[%swap3A_359, %swap3A_360], %swap3A_363 {strides = array<i32>} : memref<8x128xi32, #tpu.memory_space<vmem>>, vector<1x16xi32>,
      %get3A_364 = arith.constant 1 : i32
      %get3A_365 = arith.index_cast %get3A_364 : i32 to index
      %get3A_366 = arith.constant 112 : index
      %get3A_367 = tpu.vector_load %arg6[%get3A_365, %get3A_366] {strides = array<i32>} : memref<8x128xi32, #tpu.memory_space<vmem>>, vector<1x16xi32>,
      %get3A_368 = vector.shape_cast %get3A_367 : vector<1x16xi32> to vector<16xi32>
      %shift_right_arithmetic3A_369 = arith.constant 3 : i32
      %shift_right_arithmetic3A_370 = vector.broadcast %shift_right_arithmetic3A_369 : i32 to vector<16xi32>
      %shift_right_arithmetic3A_371 = arith.shrsi %get3A_368, %shift_right_arithmetic3A_370 : vector<16xi32>
      %shift_left3A_372 = arith.constant 5 : i32
      %shift_left3A_373 = vector.broadcast %shift_left3A_372 : i32 to vector<16xi32>
      %shift_left3A_374 = arith.shli %shift_right_arithmetic3A_371, %shift_left3A_373 : vector<16xi32>
      %and3A_375 = arith.constant 7 : i32
      %and3A_376 = vector.broadcast %and3A_375 : i32 to vector<16xi32>
      %and3A_377 = arith.andi %get3A_368, %and3A_376 : vector<16xi32>
      %shift_left3A_378 = arith.constant 1 : i32
      %shift_left3A_379 = vector.broadcast %shift_left3A_378 : i32 to vector<16xi32>
      %shift_left3A_380 = arith.shli %and3A_377, %shift_left3A_379 : vector<16xi32>
      %add3A_381 = arith.addi %shift_left3A_374, %shift_left3A_380 : vector<16xi32>
      %swap3A_382 = arith.constant 1 : i32
      %swap3A_383 = arith.index_cast %swap3A_382 : i32 to index
      %swap3A_384 = arith.constant 112 : index
      %swap3A_385 = tpu.vector_load %arg6[%swap3A_383, %swap3A_384] {strides = array<i32>} : memref<8x128xi32, #tpu.memory_space<vmem>>, vector<1x16xi32>,
      %swap3A_386 = vector.shape_cast %swap3A_385 : vector<1x16xi32> to vector<16xi32>
      %swap3A_387 = vector.shape_cast %add3A_381 : vector<16xi32> to vector<1x16xi32>
      tpu.vector_store %arg6[%swap3A_383, %swap3A_384], %swap3A_387 {strides = array<i32>} : memref<8x128xi32, #tpu.memory_space<vmem>>, vector<1x16xi32>,
      %dma_start3A = arith.constant 0 : i32
      %dma_start3A_388 = arith.constant 0 : i32
      %dma_start3A_389 = arith.constant 0 : i32
      %dma_start3A_390 = tpu.memref_slice %arg7[%dma_start3A_388, %dma_start3A_389] : memref<1024x64xf32, #tpu.memory_space<vmem>> -> memref<128x64xf32, #tpu.memory_space<vmem>>
      %dma_start3A_391 = arith.constant 0 : i32
      %dma_start3A_392 = tpu.memref_slice %arg6[%dma_start3A, %dma_start3A_391] : memref<8x128xi32, #tpu.memory_space<vmem>> -> memref<1x128xi32, #tpu.memory_space<vmem>>
      %dma_start3A_393 = tpu.memref_squeeze %dma_start3A_392 : memref<1x128xi32, #tpu.memory_space<vmem>> -> memref<128xi32, #tpu.memory_space<vmem>>
      %dma_start3A_394 = arith.constant 0 : i32
      %dma_start3A_395 = arith.constant 0 : i32
      %dma_start3A_396 = tpu.memref_slice %arg2[%dma_start3A_394, %dma_start3A_395] : memref<400000x64xf32, #tpu.memory_space<hbm>> -> memref<400000x64xf32, #tpu.memory_space<hbm>>
      tpu.enqueue_indirect_dma source(%dma_start3A_396 : memref<400000x64xf32, #tpu.memory_space<hbm>>) target(%dma_start3A_390 : memref<128x64xf32, #tpu.memory_space<vmem>>) offsets(%dma_start3A_393 : memref<128xi32, #tpu.memory_space<vmem>>) semaphore(%arg8 : memref<!tpu.dma_semaphore, #tpu.memory_space<semaphore_mem>>)
      %dma_start3A_397 = arith.constant 1 : i32
      %dma_start3A_398 = arith.constant 128 : i32
      %dma_start3A_399 = arith.constant 0 : i32
      %dma_start3A_400 = tpu.memref_slice %arg7[%dma_start3A_398, %dma_start3A_399] : memref<1024x64xf32, #tpu.memory_space<vmem>> -> memref<128x64xf32, #tpu.memory_space<vmem>>
      %dma_start3A_401 = arith.constant 0 : i32
      %dma_start3A_402 = tpu.memref_slice %arg6[%dma_start3A_397, %dma_start3A_401] : memref<8x128xi32, #tpu.memory_space<vmem>> -> memref<1x128xi32, #tpu.memory_space<vmem>>
      %dma_start3A_403 = tpu.memref_squeeze %dma_start3A_402 : memref<1x128xi32, #tpu.memory_space<vmem>> -> memref<128xi32, #tpu.memory_space<vmem>>
      %dma_start3A_404 = arith.constant 0 : i32
      %dma_start3A_405 = arith.constant 0 : i32
      %dma_start3A_406 = tpu.memref_slice %arg2[%dma_start3A_404, %dma_start3A_405] : memref<400000x64xf32, #tpu.memory_space<hbm>> -> memref<400000x64xf32, #tpu.memory_space<hbm>>
      tpu.enqueue_indirect_dma source(%dma_start3A_406 : memref<400000x64xf32, #tpu.memory_space<hbm>>) target(%dma_start3A_400 : memref<128x64xf32, #tpu.memory_space<vmem>>) offsets(%dma_start3A_403 : memref<128xi32, #tpu.memory_space<vmem>>) semaphore(%arg8 : memref<!tpu.dma_semaphore, #tpu.memory_space<semaphore_mem>>)
      %dma_wait3A = arith.constant 0 : i32
      %dma_wait3A_407 = arith.constant 0 : i32
      %dma_wait3A_408 = arith.constant 0 : i32
      %dma_wait3A_409 = tpu.memref_slice %arg7[%dma_wait3A_407, %dma_wait3A_408] : memref<1024x64xf32, #tpu.memory_space<vmem>> -> memref<128x64xf32, #tpu.memory_space<vmem>>
      %dma_wait3A_410 = arith.constant 0 : i32
      %dma_wait3A_411 = tpu.memref_slice %arg6[%dma_wait3A, %dma_wait3A_410] : memref<8x128xi32, #tpu.memory_space<vmem>> -> memref<1x128xi32, #tpu.memory_space<vmem>>
      %dma_wait3A_412 = tpu.memref_squeeze %dma_wait3A_411 : memref<1x128xi32, #tpu.memory_space<vmem>> -> memref<128xi32, #tpu.memory_space<vmem>>
      %dma_wait3A_413 = arith.constant 0 : i32
      %dma_wait3A_414 = arith.constant 0 : i32
      %dma_wait3A_415 = tpu.memref_slice %arg2[%dma_wait3A_413, %dma_wait3A_414] : memref<400000x64xf32, #tpu.memory_space<hbm>> -> memref<400000x64xf32, #tpu.memory_space<hbm>>
      tpu.wait_indirect_dma semaphore(%arg8 : memref<!tpu.dma_semaphore, #tpu.memory_space<semaphore_mem>>) src(%dma_wait3A_415 : memref<400000x64xf32, #tpu.memory_space<hbm>>) dst(%dma_wait3A_409 : memref<128x64xf32, #tpu.memory_space<vmem>>)
      %dma_wait3A_416 = arith.constant 1 : i32
      %dma_wait3A_417 = arith.constant 128 : i32
      %dma_wait3A_418 = arith.constant 0 : i32
      %dma_wait3A_419 = tpu.memref_slice %arg7[%dma_wait3A_417, %dma_wait3A_418] : memref<1024x64xf32, #tpu.memory_space<vmem>> -> memref<128x64xf32, #tpu.memory_space<vmem>>
      %dma_wait3A_420 = arith.constant 0 : i32
      %dma_wait3A_421 = tpu.memref_slice %arg6[%dma_wait3A_416, %dma_wait3A_420] : memref<8x128xi32, #tpu.memory_space<vmem>> -> memref<1x128xi32, #tpu.memory_space<vmem>>
      %dma_wait3A_422 = tpu.memref_squeeze %dma_wait3A_421 : memref<1x128xi32, #tpu.memory_space<vmem>> -> memref<128xi32, #tpu.memory_space<vmem>>
      %dma_wait3A_423 = arith.constant 0 : i32
      %dma_wait3A_424 = arith.constant 0 : i32
      %dma_wait3A_425 = tpu.memref_slice %arg2[%dma_wait3A_423, %dma_wait3A_424] : memref<400000x64xf32, #tpu.memory_space<hbm>> -> memref<400000x64xf32, #tpu.memory_space<hbm>>
      tpu.wait_indirect_dma semaphore(%arg8 : memref<!tpu.dma_semaphore, #tpu.memory_space<semaphore_mem>>) src(%dma_wait3A_425 : memref<400000x64xf32, #tpu.memory_space<hbm>>) dst(%dma_wait3A_419 : memref<128x64xf32, #tpu.memory_space<vmem>>)
      %scan3A = arith.constant 0 : i32
      %scan3A_426 = arith.constant 0 : i32
      %scan3A_427 = arith.constant 256 : i32
      %scan3A_428 = arith.addi %scan3A_426, %scan3A_427 : i32
      %scan3A_429 = arith.constant 1 : i32
      scf.for %scan3A_471 = %scan3A_426 to %scan3A_428 step %scan3A_429  : i32 {
        %get3A_472 = arith.index_cast %scan3A_471 : i32 to index
        %get3A_473 = arith.constant 0 : index
        %get3A_474 = tpu.vector_load %arg7[%get3A_472, %get3A_473] {strides = array<i32>} : memref<1024x64xf32, #tpu.memory_space<vmem>>, vector<1x16xf32>,
        %get3A_475 = vector.shape_cast %get3A_474 : vector<1x16xf32> to vector<16xf32>
        %add3A_476 = arith.constant 5.000000e-01 : f32
        %add3A_477 = vector.broadcast %add3A_476 : f32 to vector<16xf32>
        %add3A_478 = arith.addf %get3A_475, %add3A_477 : vector<16xf32>
        %min3A = arith.constant 1.000000e+00 : f32
        %min3A_479 = vector.broadcast %min3A : f32 to vector<16xf32>
        %min3A_480 = arith.minimumf %add3A_478, %min3A_479 : vector<16xf32>
        %swap3A_481 = arith.index_cast %scan3A_471 : i32 to index
        %swap3A_482 = arith.constant 0 : index
        %swap3A_483 = tpu.vector_load %arg7[%swap3A_481, %swap3A_482] {strides = array<i32>} : memref<1024x64xf32, #tpu.memory_space<vmem>>, vector<1x16xf32>,
        %swap3A_484 = vector.shape_cast %swap3A_483 : vector<1x16xf32> to vector<16xf32>
        %swap3A_485 = vector.shape_cast %min3A_480 : vector<16xf32> to vector<1x16xf32>
        tpu.vector_store %arg7[%swap3A_481, %swap3A_482], %swap3A_485 {strides = array<i32>} : memref<1024x64xf32, #tpu.memory_space<vmem>>, vector<1x16xf32>,
        %get3A_486 = arith.index_cast %scan3A_471 : i32 to index
        %get3A_487 = arith.constant 16 : index
        %get3A_488 = tpu.vector_load %arg7[%get3A_486, %get3A_487] {strides = array<i32>} : memref<1024x64xf32, #tpu.memory_space<vmem>>, vector<1x16xf32>,
        %get3A_489 = vector.shape_cast %get3A_488 : vector<1x16xf32> to vector<16xf32>
        %add3A_490 = arith.constant 5.000000e-01 : f32
        %add3A_491 = vector.broadcast %add3A_490 : f32 to vector<16xf32>
        %add3A_492 = arith.addf %get3A_489, %add3A_491 : vector<16xf32>
        %min3A_493 = arith.constant 1.000000e+00 : f32
        %min3A_494 = vector.broadcast %min3A_493 : f32 to vector<16xf32>
        %min3A_495 = arith.minimumf %add3A_492, %min3A_494 : vector<16xf32>
        %swap3A_496 = arith.index_cast %scan3A_471 : i32 to index
        %swap3A_497 = arith.constant 16 : index
        %swap3A_498 = tpu.vector_load %arg7[%swap3A_496, %swap3A_497] {strides = array<i32>} : memref<1024x64xf32, #tpu.memory_space<vmem>>, vector<1x16xf32>,
        %swap3A_499 = vector.shape_cast %swap3A_498 : vector<1x16xf32> to vector<16xf32>
        %swap3A_500 = vector.shape_cast %min3A_495 : vector<16xf32> to vector<1x16xf32>
        tpu.vector_store %arg7[%swap3A_496, %swap3A_497], %swap3A_500 {strides = array<i32>} : memref<1024x64xf32, #tpu.memory_space<vmem>>, vector<1x16xf32>,
        %get3A_501 = arith.index_cast %scan3A_471 : i32 to index
        %get3A_502 = arith.constant 32 : index
        %get3A_503 = tpu.vector_load %arg7[%get3A_501, %get3A_502] {strides = array<i32>} : memref<1024x64xf32, #tpu.memory_space<vmem>>, vector<1x16xf32>,
        %get3A_504 = vector.shape_cast %get3A_503 : vector<1x16xf32> to vector<16xf32>
        %add3A_505 = arith.constant 5.000000e-01 : f32
        %add3A_506 = vector.broadcast %add3A_505 : f32 to vector<16xf32>
        %add3A_507 = arith.addf %get3A_504, %add3A_506 : vector<16xf32>
        %min3A_508 = arith.constant 1.000000e+00 : f32
        %min3A_509 = vector.broadcast %min3A_508 : f32 to vector<16xf32>
        %min3A_510 = arith.minimumf %add3A_507, %min3A_509 : vector<16xf32>
        %swap3A_511 = arith.index_cast %scan3A_471 : i32 to index
        %swap3A_512 = arith.constant 32 : index
        %swap3A_513 = tpu.vector_load %arg7[%swap3A_511, %swap3A_512] {strides = array<i32>} : memref<1024x64xf32, #tpu.memory_space<vmem>>, vector<1x16xf32>,
        %swap3A_514 = vector.shape_cast %swap3A_513 : vector<1x16xf32> to vector<16xf32>
        %swap3A_515 = vector.shape_cast %min3A_510 : vector<16xf32> to vector<1x16xf32>
        tpu.vector_store %arg7[%swap3A_511, %swap3A_512], %swap3A_515 {strides = array<i32>} : memref<1024x64xf32, #tpu.memory_space<vmem>>, vector<1x16xf32>,
        %get3A_516 = arith.index_cast %scan3A_471 : i32 to index
        %get3A_517 = arith.constant 48 : index
        %get3A_518 = tpu.vector_load %arg7[%get3A_516, %get3A_517] {strides = array<i32>} : memref<1024x64xf32, #tpu.memory_space<vmem>>, vector<1x16xf32>,
        %get3A_519 = vector.shape_cast %get3A_518 : vector<1x16xf32> to vector<16xf32>
        %add3A_520 = arith.constant 5.000000e-01 : f32
        %add3A_521 = vector.broadcast %add3A_520 : f32 to vector<16xf32>
        %add3A_522 = arith.addf %get3A_519, %add3A_521 : vector<16xf32>
        %min3A_523 = arith.constant 1.000000e+00 : f32
        %min3A_524 = vector.broadcast %min3A_523 : f32 to vector<16xf32>
        %min3A_525 = arith.minimumf %add3A_522, %min3A_524 : vector<16xf32>
        %swap3A_526 = arith.index_cast %scan3A_471 : i32 to index
        %swap3A_527 = arith.constant 48 : index
        %swap3A_528 = tpu.vector_load %arg7[%swap3A_526, %swap3A_527] {strides = array<i32>} : memref<1024x64xf32, #tpu.memory_space<vmem>>, vector<1x16xf32>,
        %swap3A_529 = vector.shape_cast %swap3A_528 : vector<1x16xf32> to vector<16xf32>
        %swap3A_530 = vector.shape_cast %min3A_525 : vector<16xf32> to vector<1x16xf32>
        tpu.vector_store %arg7[%swap3A_526, %swap3A_527], %swap3A_530 {strides = array<i32>} : memref<1024x64xf32, #tpu.memory_space<vmem>>, vector<1x16xf32>,
      }
      %scan3A_430 = arith.constant 256 : i32
      %dma_start3A_431 = arith.constant 0 : i32
      %dma_start3A_432 = arith.constant 0 : i32
      %dma_start3A_433 = arith.constant 0 : i32
      %dma_start3A_434 = tpu.memref_slice %arg7[%dma_start3A_432, %dma_start3A_433] : memref<1024x64xf32, #tpu.memory_space<vmem>> -> memref<128x64xf32, #tpu.memory_space<vmem>>
      %dma_start3A_435 = arith.constant 0 : i32
      %dma_start3A_436 = tpu.memref_slice %arg6[%dma_start3A_431, %dma_start3A_435] : memref<8x128xi32, #tpu.memory_space<vmem>> -> memref<1x128xi32, #tpu.memory_space<vmem>>
      %dma_start3A_437 = tpu.memref_squeeze %dma_start3A_436 : memref<1x128xi32, #tpu.memory_space<vmem>> -> memref<128xi32, #tpu.memory_space<vmem>>
      %dma_start3A_438 = arith.constant 0 : i32
      %dma_start3A_439 = arith.constant 0 : i32
      %dma_start3A_440 = tpu.memref_slice %arg4[%dma_start3A_438, %dma_start3A_439] : memref<400000x64xf32, #tpu.memory_space<hbm>> -> memref<400000x64xf32, #tpu.memory_space<hbm>>
      tpu.enqueue_indirect_dma source(%dma_start3A_434 : memref<128x64xf32, #tpu.memory_space<vmem>>) target(%dma_start3A_440 : memref<400000x64xf32, #tpu.memory_space<hbm>>) offsets(%dma_start3A_437 : memref<128xi32, #tpu.memory_space<vmem>>) semaphore(%arg9 : memref<!tpu.dma_semaphore, #tpu.memory_space<semaphore_mem>>)
      %dma_start3A_441 = arith.constant 1 : i32
      %dma_start3A_442 = arith.constant 128 : i32
      %dma_start3A_443 = arith.constant 0 : i32
      %dma_start3A_444 = tpu.memref_slice %arg7[%dma_start3A_442, %dma_start3A_443] : memref<1024x64xf32, #tpu.memory_space<vmem>> -> memref<128x64xf32, #tpu.memory_space<vmem>>
      %dma_start3A_445 = arith.constant 0 : i32
      %dma_start3A_446 = tpu.memref_slice %arg6[%dma_start3A_441, %dma_start3A_445] : memref<8x128xi32, #tpu.memory_space<vmem>> -> memref<1x128xi32, #tpu.memory_space<vmem>>
      %dma_start3A_447 = tpu.memref_squeeze %dma_start3A_446 : memref<1x128xi32, #tpu.memory_space<vmem>> -> memref<128xi32, #tpu.memory_space<vmem>>
      %dma_start3A_448 = arith.constant 0 : i32
      %dma_start3A_449 = arith.constant 0 : i32
      %dma_start3A_450 = tpu.memref_slice %arg4[%dma_start3A_448, %dma_start3A_449] : memref<400000x64xf32, #tpu.memory_space<hbm>> -> memref<400000x64xf32, #tpu.memory_space<hbm>>
      tpu.enqueue_indirect_dma source(%dma_start3A_444 : memref<128x64xf32, #tpu.memory_space<vmem>>) target(%dma_start3A_450 : memref<400000x64xf32, #tpu.memory_space<hbm>>) offsets(%dma_start3A_447 : memref<128xi32, #tpu.memory_space<vmem>>) semaphore(%arg9 : memref<!tpu.dma_semaphore, #tpu.memory_space<semaphore_mem>>)
      %dma_wait3A_451 = arith.constant 0 : i32
      %dma_wait3A_452 = arith.constant 0 : i32
      %dma_wait3A_453 = arith.constant 0 : i32
      %dma_wait3A_454 = tpu.memref_slice %arg7[%dma_wait3A_452, %dma_wait3A_453] : memref<1024x64xf32, #tpu.memory_space<vmem>> -> memref<128x64xf32, #tpu.memory_space<vmem>>
      %dma_wait3A_455 = arith.constant 0 : i32
      %dma_wait3A_456 = tpu.memref_slice %arg6[%dma_wait3A_451, %dma_wait3A_455] : memref<8x128xi32, #tpu.memory_space<vmem>> -> memref<1x128xi32, #tpu.memory_space<vmem>>
      %dma_wait3A_457 = tpu.memref_squeeze %dma_wait3A_456 : memref<1x128xi32, #tpu.memory_space<vmem>> -> memref<128xi32, #tpu.memory_space<vmem>>
      %dma_wait3A_458 = arith.constant 0 : i32
      %dma_wait3A_459 = arith.constant 0 : i32
      %dma_wait3A_460 = tpu.memref_slice %arg4[%dma_wait3A_458, %dma_wait3A_459] : memref<400000x64xf32, #tpu.memory_space<hbm>> -> memref<400000x64xf32, #tpu.memory_space<hbm>>
      tpu.wait_indirect_dma semaphore(%arg9 : memref<!tpu.dma_semaphore, #tpu.memory_space<semaphore_mem>>) src(%dma_wait3A_454 : memref<128x64xf32, #tpu.memory_space<vmem>>) dst(%dma_wait3A_460 : memref<400000x64xf32, #tpu.memory_space<hbm>>)
      %dma_wait3A_461 = arith.constant 1 : i32
      %dma_wait3A_462 = arith.constant 128 : i32
      %dma_wait3A_463 = arith.constant 0 : i32
      %dma_wait3A_464 = tpu.memref_slice %arg7[%dma_wait3A_462, %dma_wait3A_463] : memref<1024x64xf32, #tpu.memory_space<vmem>> -> memref<128x64xf32, #tpu.memory_space<vmem>>
      %dma_wait3A_465 = arith.constant 0 : i32
      %dma_wait3A_466 = tpu.memref_slice %arg6[%dma_wait3A_461, %dma_wait3A_465] : memref<8x128xi32, #tpu.memory_space<vmem>> -> memref<1x128xi32, #tpu.memory_space<vmem>>
      %dma_wait3A_467 = tpu.memref_squeeze %dma_wait3A_466 : memref<1x128xi32, #tpu.memory_space<vmem>> -> memref<128xi32, #tpu.memory_space<vmem>>
      %dma_wait3A_468 = arith.constant 0 : i32
      %dma_wait3A_469 = arith.constant 0 : i32
      %dma_wait3A_470 = tpu.memref_slice %arg4[%dma_wait3A_468, %dma_wait3A_469] : memref<400000x64xf32, #tpu.memory_space<hbm>> -> memref<400000x64xf32, #tpu.memory_space<hbm>>
      tpu.wait_indirect_dma semaphore(%arg9 : memref<!tpu.dma_semaphore, #tpu.memory_space<semaphore_mem>>) src(%dma_wait3A_464 : memref<128x64xf32, #tpu.memory_space<vmem>>) dst(%dma_wait3A_470 : memref<400000x64xf32, #tpu.memory_space<hbm>>)
    } else {
    }
    return
  }
}

</mosaic_0001>

<sc_bundles>
// kernel: kernel.4.cloned.1.call-start
scs
__scs_entry_jumppad:
0x0: {  	(pc) =	sbr.rel $0x88, $3  }
0x1: {  	(tag) =	ssettag $0x0;
	lr =	simm.s32 $0x1  }
0x2: {  	[smem:$0x3F9F] =	sst lr;
	_ =	strace $0xD0000000  }
0x3: {  	_ = 	snop  }
0x4: {  	_ = 	snop  }
0x5: {  	_ = 	snop  }
0x6: {  	_ = 	snop  }
0x7: {  	_ = 	snop  }
__scs_overlays_trampoline_lowered:
0x8: {  	[smem:$0x3FAE] =	sst s0  }
0x9: {  	[smem:$0x3FAF] =	sst s1  }
0xa: {  	[smem:$0x3FB0] =	sst s2  }
0xb: {  	[smem:$0x3FB1] =	sst s3  }
0xc: {  	[smem:$0x3FB2] =	sst s4  }
0xd: {  	[smem:$0x3FB3] =	sst s5  }
0xe: {  	[smem:$0x3FB4] =	sst s6  }
0xf: {  	[smem:$0x3FB5] =	sst s7  }
0x10: {  	[smem:$0x3FB6] =	sst s8  }
0x11: {  	[smem:$0x3FB7] =	sst s9;
	s0 =	simm.s32 @!p0 $0x0  }
0x12: {  	s1 =	sld [smem:$0x3F9D];
	s0 =	simm.s32 @p0 $0x1  }
0x13: {  	[smem:$0x3FB8] =	sst s0;
	s0 =	simm.s32 @!p1 $0x0  }
0x14: {  	s2 =	sld [smem:$0x3F9C];
	s0 =	simm.s32 @p1 $0x1  }
0x15: {  	[smem:$0x3FB9] =	sst s0;
	s0 =	simm.s32 @!p2 $0x0  }
0x16: {  	s3 =	sld [smem:$0x3FDB];
	s0 =	simm.s32 @p2 $0x1  }
0x17: {  	s4 =	simm.s32 $0x1BF5;
	[smem:$0x3FBB] =	sst s0  }
0x18: {  	s0 =	sld [smem:$0x3F9E];
	_ =	swait.ge [sflag:s4], $0x0  }
0x19: {  	s7 =	sld [smem:$0x3F9F]  }
0x1a: {  	s8 =	sadd.s32 $0xFFFFE003, lr  }
0x1b: {  	s9 =	sadd.s32 $0xFFFFFEF7, lr;
	s5 =	simm.s32 $0xFFFFFFFF;
	p2 =	slt.u32 s8, $0xFFFFF086  }
0x1c: {  	p1 =	slt.u32 s9, $0xF7A;
	s5 =	simm.s32 @!p2 $0x0  }
0x1d: {  	s5 =	simm.s32 @p1 $0x1;
	p0 =	seq.s32 s7, s2  }
0x1e: {  	s7 =	smul.u32 @!p0 $0xF7A, s2;
	p2 =	seq.s32 @!p0 s5, $0x0  }
0x1f: {  	s9 =	smul.u32 $0xF7A, s1;
	s8 =	simm.s32 @!p0 $0x1BF5;
	p2 =	por !p2, p0  }
0x20: {  	[sflag:s8] =	ssyncset.s32 @!p0 $0xFFFFF086;
	s6 =	sadd.s32 @!p0 s3, s7;
	s7 =	simm.s32 @!p0 $0x108  }
0x21: {  	s3 =	sadd.s32 s3, s9;
	s6 =	sadd.s32 @!p0 $0x88, s6;
	s7 =	simm.s32 @p2 $0x1082  }
0x22: {  	[simem:s7], [sflag:s8] =	dma.local @!p0 [hbm:s6], $0xF7A  }
0x23: {  	s9 =	sor.u32 $0xD0000000, s2;
	s6 =	simm.s32 $0x108;
	_ =	swait.ge @!p0 [sflag:s8], $0x0  }
0x24: {  	s3 =	sadd.s32 $0x88, s3;
	s6 =	simm.s32 @!p1 $0x1082;
	[sflag:s4] =	ssyncset.s32 $0xFFFFF086  }
0x25: {  	[simem:s6], [sflag:s4] =	dma.local [hbm:s3], $0xF7A  }
0x26: {  	[smem:$0x3F9F] =	sst s1;
	(tag) =	ssettag s2;
	_ =	strace s9  }
0x27: {  	s1 =	sld [smem:$0x3FAF]  }
0x28: {  	s2 =	sld [smem:$0x3FB0]  }
0x29: {  	s4 =	sld [smem:$0x3FB2]  }
0x2a: {  	p0 =	seq.s32 s5, $0x0;
	s5 =	sld [smem:$0x3FB3]  }
0x2b: {  	s6 =	sld [smem:$0x3FB4]  }
0x2c: {  	s7 =	sld [smem:$0x3FB5]  }
0x2d: {  	s3 =	simm.s32 $0x108;
	s8 =	sld [smem:$0x3FB6]  }
0x2e: {  	s3 =	simm.s32 @!p0 $0x1082;
	s9 =	sld [smem:$0x3FB7]  }
0x2f: {  	lr =	sadd.s32 s0, s3;
	s0 =	sld [smem:$0x3FAE]  }
0x30: {  	s3 =	sld [smem:$0x3FB1]  }
0x31: {  	[smem:$0x3FBA] =	sst s10  }
0x32: {  	s10 =	sld [smem:$0x3FB8];
	_ =	sdelay $0x3  }
0x33: {  	p0 =	seq.s32 s10, $0x1;
	s10 =	sld [smem:$0x3FBA];
	_ =	sdelay $0x3  }
0x34: {  	[smem:$0x3FBA] =	sst s10  }
0x35: {  	s10 =	sld [smem:$0x3FB9];
	_ =	sdelay $0x3  }
0x36: {  	p1 =	seq.s32 s10, $0x1;
	s10 =	sld [smem:$0x3FBA];
	_ =	sdelay $0x3  }
0x37: {  	[smem:$0x3FBA] =	sst s10  }
0x38: {  	s10 =	sld [smem:$0x3FBB]  }
0x39: {  	_ = 	snop;
	(pc) =	sbr.ind lr, $3  }
0x3a: {  	_ = 	snop  }
0x3b: {  	_ = 	snop  }
0x3c: {  	p2 =	seq.s32 s10, $0x1;
	s10 =	sld [smem:$0x3FBA]  }
0x3d: {  	_ =	shalt  }
0x3e: {  	_ =	shalt  }
0x3f: {  	_ =	shalt  }
0x40: {  	_ =	shalt  }
0x41: {  	_ =	shalt  }
0x42: {  	_ =	shalt  }
0x43: {  	_ =	shalt  }
0x44: {  	_ =	shalt  }
0x45: {  	_ =	shalt  }
0x46: {  	_ =	shalt  }
0x47: {  	_ =	shalt  }
0x48: {  	_ =	shalt  }
0x49: {  	_ =	shalt  }
0x4a: {  	_ =	shalt  }
0x4b: {  	_ =	shalt  }
0x4c: {  	_ =	shalt  }
0x4d: {  	_ =	shalt  }
0x4e: {  	_ =	shalt  }
0x4f: {  	_ =	shalt  }
0x50: {  	_ =	shalt  }
0x51: {  	_ =	shalt  }
0x52: {  	_ =	shalt  }
0x53: {  	_ =	shalt  }
0x54: {  	_ =	shalt  }
0x55: {  	_ =	shalt  }
0x56: {  	_ =	shalt  }
0x57: {  	_ =	shalt  }
0x58: {  	_ =	shalt  }
0x59: {  	_ =	shalt  }
0x5a: {  	_ =	shalt  }
0x5b: {  	_ =	shalt  }
0x5c: {  	_ =	shalt  }
0x5d: {  	_ =	shalt  }
0x5e: {  	_ =	shalt  }
0x5f: {  	_ =	shalt  }
0x60: {  	_ =	shalt  }
0x61: {  	_ =	shalt  }
0x62: {  	_ =	shalt  }
0x63: {  	_ =	shalt  }
0x64: {  	_ =	shalt  }
0x65: {  	_ =	shalt  }
0x66: {  	_ =	shalt  }
0x67: {  	_ =	shalt  }
0x68: {  	_ =	shalt  }
0x69: {  	_ =	shalt  }
0x6a: {  	_ =	shalt  }
0x6b: {  	_ =	shalt  }
0x6c: {  	_ =	shalt  }
0x6d: {  	_ =	shalt  }
0x6e: {  	_ =	shalt  }
0x6f: {  	_ =	shalt  }
0x70: {  	_ =	shalt  }
0x71: {  	_ =	shalt  }
0x72: {  	_ =	shalt  }
0x73: {  	_ =	shalt  }
0x74: {  	_ =	shalt  }
0x75: {  	_ =	shalt  }
0x76: {  	_ =	shalt  }
0x77: {  	_ =	shalt  }
0x78: {  	_ =	shalt  }
0x79: {  	_ =	shalt  }
0x7a: {  	_ =	shalt  }
0x7b: {  	_ =	shalt  }
0x7c: {  	_ =	shalt  }
0x7d: {  	_ =	shalt  }
0x7e: {  	_ =	shalt  }
0x7f: {  	_ =	shalt  }
0x80: {  	_ =	shalt  }
0x81: {  	_ =	shalt  }
0x82: {  	_ =	shalt  }
0x83: {  	_ =	shalt  }
0x84: {  	_ =	shalt  }
0x85: {  	_ =	shalt  }
0x86: {  	_ =	shalt  }
0x87: {  	_ =	shalt  }
.Lfunc_end0:
.L_simem_size_0:
called_computation_lowered:
.L_overlay_start_0:
0x88: {  	s2 =	sld [smem:$0x3FD9]  }
0x89: {  	s3 =	sld [smem:$0x3FFE];
	_ =	sdelay $0x1  }
0x8a: {  	s1 =	srdreg.scid  }
0x8b: {  	s0 =	sand.u32 $0x1, s1  }
0x8c: {  	s18 =	sshll.u32 s0, $0xA;
	s2 =	sadd.s32 s3, s2  }
0x8d: {  	s2 =	sadd.s32 s2, s18  }
0x8e: {  	[smem:$0x3FC6] =	sst s2  }
0x8f: {  	_ = 	snop  }
0x90: {  	s2 =	sld [smem:$0x3FC9]  }
0x91: {  	s19 =	sld [smem:$0x3FD0];
	(tm) =	ssettm $0x1  }
0x92: {  	s4 =	sld [smem:$0x3FFB];
	_ =	sdelay $0x3  }
0x93: {  	_ =	strace s4  }
0x94: {  	s4 =	sld [smem:$0x3FFC];
	_ =	sdelay $0x3  }
0x95: {  	_ =	strace s4  }
0x96: {  	s4 =	sld [smem:$0x3FFD];
	_ =	sdelay $0x3  }
0x97: {  	_ =	strace s4  }
0x98: {  	_ =	strace $0x8FFFFFFF  }
0x99: {  	s20 =	sld [smem:$0x3FDB];
	_ =	sdelay $0x1  }
0x9a: {  	s5 =	simm.s32 $_scs_section_size  }
0x9b: {  	s6 =	simm.s32 $_size__tile_overlayer_lowered;
	s7 =	simm.s32 $_tile_overlayer_lowered  }
0x9c: {  	s23 =	simm.s32 $0x1BFF;
	s22 =	sshll.u32 s7, $0x1;
	s4 =	sadd.s32 s5, s20  }
0x9d: {  	s8 =	simm.s32 $0x0;
	s21 =	sshll.u32 s6, $0x1;
	s6 =	sadd.s32 s22, s4  }
0x9e: {  	[timem:s8], [sflag:s23] =	dma.local [hbm:s6], s21  }
0x9f: {  	_ =	swait.ge [sflag:s23], s21  }
0xa0: {  	s5 =	ssub.s32 $0x0, s21;
	[sflag:s23] =	ssyncset.done $0x0  }
0xa1: {  	[sflag:s23] =	ssyncadd.s32 s5;
	_ =	sdelay $0x1  }
0xa2: {  	s24 =	simm.s32 $0x1B8B  }
0xa3: {  	_ =	swait.ge [sflag:s24], $0x1  }
0xa4: {  	[sflag:s24] =	ssyncset.done $0x0  }
0xa5: {  	s25 =	simm.s32 $0x1B8E;
	[sflag:s24] =	ssyncadd.s32 $0xFFFFFFFF  }
0xa6: {  	s26 =	simm.s32 $execute0_lowered;
	[smem:$0x3FD2] =	sst s25  }
0xa7: {  	s5 =	sshll.u32 s26, $0x1;
	_ =	strace $0x80000046;
	[dreg:$0x1] =	wrdreg $0xFFFFFFFF  }
0xa8: {  	s28 =	simm.s32 $_size_execute0_lowered;
	s4 =	sadd.s32 s4, s5;
	[dreg:$0x0] =	wrdreg $0x0  }
0xa9: {  	s5 =	sshll.u32 s28, $0x1;
	[dreg:$0x2] =	wrdreg s4  }
0xaa: {  	[dreg:$0x3] =	wrdreg s5  }
0xab: {  	[dreg:$0x4] =	wrdreg $0xC0  }
0xac: {  	_ =	task [dreg:s8], $0x5FFFF  }
0xad: {  	[dreg:$0x1] =	wrdreg $0xFFFFFFFF  }
0xae: {  	[dreg:$0x0] =	wrdreg $0x60  }
0xaf: {  	[dreg:$0x2] =	wrdreg s2  }
0xb0: {  	[dreg:$0x3] =	wrdreg s19  }
0xb1: {  	[dreg:$0x4] =	wrdreg $0x9  }
0xb2: {  	_ =	task.clear_ibuf [dreg:s8], $0x5FFFF;
	_ =	strace $0x90000046  }
0xb3: {  	s29 =	simm.s32 $0x9;
	_ =	strace $0x80000048  }
0xb4: {  	_ =	swait.ge [sflag:s29], $0x1  }
0xb5: {  	[sflag:s29] =	ssyncadd.s32 $0xFFFFFFFF  }
0xb6: {  	_ =	strace $0x90000048  }
0xb7: {  	_ =	sfence  }
0xb8: {  	s30 =	sld [smem:$0x0];
	_ =	sdelay $0x2  }
0xb9: {  	s31 =	sshll.u32 s1, $0xD;
	s1 =	sshrl.u32 s1, $0x2  }
0xba: {  	s3 =	sand.u32 $0x4000, s31;
	s1 =	sadd.s32 s1, s30  }
0xbb: {  	s0 =	sor.u32 s3, s0;
	s1 =	sshll.u32 s1, $0x11  }
0xbc: {  	s0 =	sor.u32 s1, s0  }
0xbd: {  	s0 =	sadd.s32 $0x8F2B, s0  }
0xbe: {  	[sflag:s0] =	ssyncadd.remote.s32 $0x1  }
0xbf: {  	_ =	sfence.sel $0xFFFF  }
0xc0: {  	[dreg:$0x0] =	wrdreg $0xFFFFFFFF;
	(pc) =	sbr.abs _section_cstart, $3  }
0xc1: {  	[dreg:$0x1] =	wrdreg $0xFFFFFFFF  }
0xc2: {  	_ =	task.clear_ibuf [dreg:s8], $0x2FFFF;
	_ =	strace $0x9FFFFFFF  }
0xc3: {  	(tm) =	ssettm $0x7FFFFFFF  }
tec
execute0_lowered:
.L_overlay_start_1:
0x0: {  	(tag) =	ssettag $0x1  }
0x1: {  	s1 =	srdreg.scid;
	s0 =	stileid.u32  }
0x2: {  	s1 =	sand.u32 $0x1, s1;
	s2 =	sshll.u32 s0, $0x1  }
0x3: {  	s3 =	sor.u32 s1, s2  }
0x4: {  	s28 =	rddreg [dreg:$0x0];
	s4 =	smul.u32 $0xC3500, s3  }
0x5: {  	[dreg:$0x14] =	wrdreg s1;
	s2 =	simm.s32 $0x0;
	s3 =	smul.u32 $0x186A0, s3  }
0x6: {  	[smem:$0x7FF] =	sst s2  }
0x7: {  	s31 =	rddreg [dreg:$0x1];
	_ =	strace $0x80000047;
	s14 =	sadd.s32 s28, s3  }
0x8: {  	s29 =	sshrl.u32 s4, $0x3;
	s3 =	sadd.s32 s31, s3;
	[dreg:$0x3] =	wrdreg s14  }
0x9: {  	s5 =	sadd.s32 $0x1388, s29;
	[dreg:$0x6] =	wrdreg s3  }
0xa: {  	s6 =	sadd.s32 $0x2710, s29;
	s15 =	sadd.s32 s28, s5;
	s11 =	rddreg [dreg:$0x3]  }
0xb: {  	s17 =	sadd.s32 $0x3A98, s29;
	s16 =	sadd.s32 s28, s6;
	[dreg:$0x4] =	wrdreg s15  }
0xc: {  	s18 =	sadd.s32 s28, s17;
	[dreg:$0x5] =	wrdreg s16  }
0xd: {  	s20 =	sadd.s32 $0x4E20, s29;
	s19 =	sadd.s32 s31, s5;
	[dreg:$0x7] =	wrdreg s18  }
0xe: {  	s21 =	sadd.s32 s28, s20;
	[dreg:$0x8] =	wrdreg s19  }
0xf: {  	s23 =	sadd.s32 $0x61A8, s29;
	s22 =	sadd.s32 s31, s6;
	[dreg:$0x9] =	wrdreg s21  }
0x10: {  	s24 =	sadd.s32 s28, s23;
	[dreg:$0xa] =	wrdreg s22  }
0x11: {  	s26 =	sadd.s32 $0x7530, s29;
	s25 =	sadd.s32 s31, s17;
	[dreg:$0xb] =	wrdreg s24  }
0x12: {  	s1 =	sadd.s32 s28, s26;
	[dreg:$0xc] =	wrdreg s25  }
0x13: {  	s0 =	sadd.s32 $0x88B8, s29;
	s5 =	sadd.s32 s31, s20;
	[dreg:$0xd] =	wrdreg s1  }
0x14: {  	s7 =	sadd.s32 s28, s0;
	[dreg:$0xe] =	wrdreg s5  }
0x15: {  	s10 =	sadd.s32 $0x9C40, s29;
	s8 =	sadd.s32 s31, s23;
	[dreg:$0xf] =	wrdreg s7  }
0x16: {  	s9 =	sadd.s32 s28, s10;
	[dreg:$0x10] =	wrdreg s8  }
0x17: {  	s4 =	sadd.s32 s31, s26;
	[dreg:$0x11] =	wrdreg s9  }
0x18: {  	[tilespmem:s2], [sflag:$0x1] =	stream.linear.gather [hbm4b:s11+s2], $0x9C40, $0x38;
	[tilespmem:$0x1D4C0] =	vst v63  }
0x19: {  	[dreg:$0x12] =	wrdreg s4  }
0x1a: {  	s3 =	simm.s32 $0x9C40;
	s12 =	rddreg [dreg:$0x4]  }
0x1b: {  	[tilespmem:s3], [sflag:$0x1] =	stream.linear.gather [hbm4b:s12+s2], $0x9C40, $0x38;
	[tilespmem:$0x1D4C0] =	vst v63  }
0x1c: {  	s4 =	simm.s32 $0x13880;
	s5 =	simm.s32 $0x1;
	s7 =	rddreg [dreg:$0x5]  }
0x1d: {  	[tilespmem:s4], [sflag:$0x1] =	stream.linear.gather [hbm4b:s7+s2], $0x9C40, $0x38;
	[tilespmem:$0x1D4C0] =	vst v63  }
0x1e: {  	_ =	swait.ge [sflag:s5], $0x9C40  }
0x1f: {  	[sflag:s5] =	ssyncset.done $0x0  }
0x20: {  	s6 =	simm.s32 $0x2;
	s13 =	rddreg [dreg:$0x6];
	[sflag:s5] =	ssyncadd.s32 $0xFFFF63C0  }
0x21: {  	[hbm4b:s13+s2] =	stream.linear.scatter [tilespmem:s2], [sflag:$0x2], $0x9C40, $0x38;
	[tilespmem:$0x1D4C0] =	vst v63  }
0x22: {  	_ =	swait.ge [sflag:s6], $0x9C40  }
0x23: {  	[sflag:s6] =	ssyncset.done $0x0  }
0x24: {  	s14 =	rddreg [dreg:$0x7];
	[sflag:s6] =	ssyncadd.s32 $0xFFFF63C0  }
0x25: {  	[tilespmem:s2], [sflag:$0x1] =	stream.linear.gather [hbm4b:s14+s2], $0x9C40, $0x38;
	[tilespmem:$0x1D4C0] =	vst v63  }
0x26: {  	_ =	swait.ge [sflag:s5], $0x9C40  }
0x27: {  	[sflag:s5] =	ssyncset.done $0x0  }
0x28: {  	s15 =	rddreg [dreg:$0x8];
	[sflag:s5] =	ssyncadd.s32 $0xFFFF63C0  }
0x29: {  	[hbm4b:s15+s2] =	stream.linear.scatter [tilespmem:s3], [sflag:$0x2], $0x9C40, $0x38;
	[tilespmem:$0x1D4C0] =	vst v63  }
0x2a: {  	_ =	swait.ge [sflag:s6], $0x9C40  }
0x2b: {  	[sflag:s6] =	ssyncset.done $0x0  }
0x2c: {  	s16 =	rddreg [dreg:$0x9];
	[sflag:s6] =	ssyncadd.s32 $0xFFFF63C0  }
0x2d: {  	[tilespmem:s3], [sflag:$0x1] =	stream.linear.gather [hbm4b:s16+s2], $0x9C40, $0x38;
	[tilespmem:$0x1D4C0] =	vst v63  }
0x2e: {  	_ =	swait.ge [sflag:s5], $0x9C40  }
0x2f: {  	[sflag:s5] =	ssyncset.done $0x0  }
0x30: {  	s17 =	rddreg [dreg:$0xa];
	[sflag:s5] =	ssyncadd.s32 $0xFFFF63C0  }
0x31: {  	[hbm4b:s17+s2] =	stream.linear.scatter [tilespmem:s4], [sflag:$0x2], $0x9C40, $0x38;
	[tilespmem:$0x1D4C0] =	vst v63  }
0x32: {  	_ =	swait.ge [sflag:s6], $0x9C40  }
0x33: {  	[sflag:s6] =	ssyncset.done $0x0  }
0x34: {  	s18 =	rddreg [dreg:$0xb];
	[sflag:s6] =	ssyncadd.s32 $0xFFFF63C0  }
0x35: {  	[tilespmem:s4], [sflag:$0x1] =	stream.linear.gather [hbm4b:s18+s2], $0x9C40, $0x38;
	[tilespmem:$0x1D4C0] =	vst v63  }
0x36: {  	_ =	swait.ge [sflag:s5], $0x9C40  }
0x37: {  	[sflag:s5] =	ssyncset.done $0x0  }
0x38: {  	s19 =	rddreg [dreg:$0xc];
	[sflag:s5] =	ssyncadd.s32 $0xFFFF63C0  }
0x39: {  	[hbm4b:s19+s2] =	stream.linear.scatter [tilespmem:s2], [sflag:$0x2], $0x9C40, $0x38;
	[tilespmem:$0x1D4C0] =	vst v63  }
0x3a: {  	_ =	swait.ge [sflag:s6], $0x9C40  }
0x3b: {  	[sflag:s6] =	ssyncset.done $0x0  }
0x3c: {  	s20 =	rddreg [dreg:$0xd];
	[sflag:s6] =	ssyncadd.s32 $0xFFFF63C0  }
0x3d: {  	[tilespmem:s2], [sflag:$0x1] =	stream.linear.gather [hbm4b:s20+s2], $0x9C40, $0x38;
	[tilespmem:$0x1D4C0] =	vst v63  }
0x3e: {  	_ =	swait.ge [sflag:s5], $0x9C40  }
0x3f: {  	[sflag:s5] =	ssyncset.done $0x0  }
0x40: {  	s21 =	rddreg [dreg:$0xe];
	[sflag:s5] =	ssyncadd.s32 $0xFFFF63C0  }
0x41: {  	[hbm4b:s21+s2] =	stream.linear.scatter [tilespmem:s3], [sflag:$0x2], $0x9C40, $0x38;
	[tilespmem:$0x1D4C0] =	vst v63  }
0x42: {  	_ =	swait.ge [sflag:s6], $0x9C40  }
0x43: {  	[sflag:s6] =	ssyncset.done $0x0  }
0x44: {  	s22 =	rddreg [dreg:$0xf];
	[sflag:s6] =	ssyncadd.s32 $0xFFFF63C0  }
0x45: {  	[tilespmem:s3], [sflag:$0x1] =	stream.linear.gather [hbm4b:s22+s2], $0x9C40, $0x38;
	[tilespmem:$0x1D4C0] =	vst v63  }
0x46: {  	_ =	swait.ge [sflag:s5], $0x9C40  }
0x47: {  	[sflag:s5] =	ssyncset.done $0x0  }
0x48: {  	s23 =	rddreg [dreg:$0x10];
	[sflag:s5] =	ssyncadd.s32 $0xFFFF63C0  }
0x49: {  	[hbm4b:s23+s2] =	stream.linear.scatter [tilespmem:s4], [sflag:$0x2], $0x9C40, $0x38;
	[tilespmem:$0x1D4C0] =	vst v63  }
0x4a: {  	_ =	swait.ge [sflag:s6], $0x9C40  }
0x4b: {  	[sflag:s6] =	ssyncset.done $0x0  }
0x4c: {  	s24 =	rddreg [dreg:$0x11];
	[sflag:s6] =	ssyncadd.s32 $0xFFFF63C0  }
0x4d: {  	[tilespmem:s4], [sflag:$0x1] =	stream.linear.gather [hbm4b:s24+s2], $0x9C40, $0x38;
	[tilespmem:$0x1D4C0] =	vst v63  }
0x4e: {  	_ =	swait.ge [sflag:s5], $0x9C40  }
0x4f: {  	[sflag:s5] =	ssyncset.done $0x0  }
0x50: {  	s25 =	rddreg [dreg:$0x12];
	[sflag:s5] =	ssyncadd.s32 $0xFFFF63C0  }
0x51: {  	[hbm4b:s25+s2] =	stream.linear.scatter [tilespmem:s2], [sflag:$0x2], $0x9C40, $0x38;
	[tilespmem:$0x1D4C0] =	vst v63  }
0x52: {  	s12 =	sadd.s32 $0xAFC8, s29;
	_ =	swait.ge [sflag:s6], $0x9C40  }
0x53: {  	s26 =	sadd.s32 s28, s12;
	[sflag:s6] =	ssyncset.done $0x0  }
0x54: {  	[dreg:$0x13] =	wrdreg s26;
	[sflag:s6] =	ssyncadd.s32 $0xFFFF63C0  }
0x55: {  	[tilespmem:s2], [sflag:$0x1] =	stream.linear.gather [hbm4b:s26+s2], $0x9C40, $0x38;
	[tilespmem:$0x1D4C0] =	vst v63  }
0x56: {  	_ =	swait.ge [sflag:s5], $0x9C40  }
0x57: {  	[sflag:s5] =	ssyncset.done $0x0  }
0x58: {  	s0 =	sadd.s32 s31, s0;
	[sflag:s5] =	ssyncadd.s32 $0xFFFF63C0  }
0x59: {  	[hbm4b:s0+s2] =	stream.linear.scatter [tilespmem:s3], [sflag:$0x2], $0x9C40, $0x38;
	[tilespmem:$0x1D4C0] =	vst v63  }
0x5a: {  	_ =	swait.ge [sflag:s6], $0x9C40  }
0x5b: {  	s14 =	sadd.s32 $0xC350, s29;
	[sflag:s6] =	ssyncset.done $0x0  }
0x5c: {  	s9 =	sadd.s32 s28, s14;
	[sflag:s6] =	ssyncadd.s32 $0xFFFF63C0  }
0x5d: {  	[tilespmem:s3], [sflag:$0x1] =	stream.linear.gather [hbm4b:s9+s2], $0x9C40, $0x38;
	[tilespmem:$0x1D4C0] =	vst v63  }
0x5e: {  	_ =	swait.ge [sflag:s5], $0x9C40  }
0x5f: {  	[sflag:s5] =	ssyncset.done $0x0  }
0x60: {  	s10 =	sadd.s32 s31, s10;
	[sflag:s5] =	ssyncadd.s32 $0xFFFF63C0  }
0x61: {  	[hbm4b:s10+s2] =	stream.linear.scatter [tilespmem:s4], [sflag:$0x2], $0x9C40, $0x38;
	[tilespmem:$0x1D4C0] =	vst v63  }
0x62: {  	_ =	swait.ge [sflag:s6], $0x9C40  }
0x63: {  	s16 =	sadd.s32 $0xD6D8, s29;
	[sflag:s6] =	ssyncset.done $0x0  }
0x64: {  	s11 =	sadd.s32 s28, s16;
	[sflag:s6] =	ssyncadd.s32 $0xFFFF63C0  }
0x65: {  	[tilespmem:s4], [sflag:$0x1] =	stream.linear.gather [hbm4b:s11+s2], $0x9C40, $0x38;
	[tilespmem:$0x1D4C0] =	vst v63  }
0x66: {  	_ =	swait.ge [sflag:s5], $0x9C40  }
0x67: {  	[sflag:s5] =	ssyncset.done $0x0  }
0x68: {  	s12 =	sadd.s32 s31, s12;
	[sflag:s5] =	ssyncadd.s32 $0xFFFF63C0  }
0x69: {  	[hbm4b:s12+s2] =	stream.linear.scatter [tilespmem:s2], [sflag:$0x2], $0x9C40, $0x38;
	[tilespmem:$0x1D4C0] =	vst v63  }
0x6a: {  	_ =	swait.ge [sflag:s6], $0x9C40  }
0x6b: {  	s18 =	sadd.s32 $0xEA60, s29;
	[sflag:s6] =	ssyncset.done $0x0  }
0x6c: {  	s13 =	sadd.s32 s28, s18;
	[sflag:s6] =	ssyncadd.s32 $0xFFFF63C0  }
0x6d: {  	[tilespmem:s2], [sflag:$0x1] =	stream.linear.gather [hbm4b:s13+s2], $0x9C40, $0x38;
	[tilespmem:$0x1D4C0] =	vst v63  }
0x6e: {  	_ =	swait.ge [sflag:s5], $0x9C40  }
0x6f: {  	[sflag:s5] =	ssyncset.done $0x0  }
0x70: {  	s14 =	sadd.s32 s31, s14;
	[sflag:s5] =	ssyncadd.s32 $0xFFFF63C0  }
0x71: {  	[hbm4b:s14+s2] =	stream.linear.scatter [tilespmem:s3], [sflag:$0x2], $0x9C40, $0x38;
	[tilespmem:$0x1D4C0] =	vst v63  }
0x72: {  	_ =	swait.ge [sflag:s6], $0x9C40  }
0x73: {  	s20 =	sadd.s32 $0xFDE8, s29;
	[sflag:s6] =	ssyncset.done $0x0  }
0x74: {  	s15 =	sadd.s32 s28, s20;
	[sflag:s6] =	ssyncadd.s32 $0xFFFF63C0  }
0x75: {  	[tilespmem:s3], [sflag:$0x1] =	stream.linear.gather [hbm4b:s15+s2], $0x9C40, $0x38;
	[tilespmem:$0x1D4C0] =	vst v63  }
0x76: {  	_ =	swait.ge [sflag:s5], $0x9C40  }
0x77: {  	[sflag:s5] =	ssyncset.done $0x0  }
0x78: {  	s16 =	sadd.s32 s31, s16;
	[sflag:s5] =	ssyncadd.s32 $0xFFFF63C0  }
0x79: {  	[hbm4b:s16+s2] =	stream.linear.scatter [tilespmem:s4], [sflag:$0x2], $0x9C40, $0x38;
	[tilespmem:$0x1D4C0] =	vst v63  }
0x7a: {  	_ =	swait.ge [sflag:s6], $0x9C40  }
0x7b: {  	s22 =	sadd.s32 $0x11170, s29;
	[sflag:s6] =	ssyncset.done $0x0  }
0x7c: {  	s17 =	sadd.s32 s28, s22;
	[sflag:s6] =	ssyncadd.s32 $0xFFFF63C0  }
0x7d: {  	[tilespmem:s4], [sflag:$0x1] =	stream.linear.gather [hbm4b:s17+s2], $0x9C40, $0x38;
	[tilespmem:$0x1D4C0] =	vst v63  }
0x7e: {  	_ =	swait.ge [sflag:s5], $0x9C40  }
0x7f: {  	[sflag:s5] =	ssyncset.done $0x0  }
0x80: {  	s18 =	sadd.s32 s31, s18;
	[sflag:s5] =	ssyncadd.s32 $0xFFFF63C0  }
0x81: {  	[hbm4b:s18+s2] =	stream.linear.scatter [tilespmem:s2], [sflag:$0x2], $0x9C40, $0x38;
	[tilespmem:$0x1D4C0] =	vst v63  }
0x82: {  	_ =	swait.ge [sflag:s6], $0x9C40  }
0x83: {  	s24 =	sadd.s32 $0x124F8, s29;
	[sflag:s6] =	ssyncset.done $0x0  }
0x84: {  	s19 =	sadd.s32 s28, s24;
	[sflag:s6] =	ssyncadd.s32 $0xFFFF63C0  }
0x85: {  	[tilespmem:s2], [sflag:$0x1] =	stream.linear.gather [hbm4b:s19+s2], $0x9C40, $0x38;
	[tilespmem:$0x1D4C0] =	vst v63  }
0x86: {  	_ =	swait.ge [sflag:s5], $0x9C40  }
0x87: {  	[sflag:s5] =	ssyncset.done $0x0  }
0x88: {  	s20 =	sadd.s32 s31, s20;
	[sflag:s5] =	ssyncadd.s32 $0xFFFF63C0  }
0x89: {  	[hbm4b:s20+s2] =	stream.linear.scatter [tilespmem:s3], [sflag:$0x2], $0x9C40, $0x38;
	[tilespmem:$0x1D4C0] =	vst v63  }
0x8a: {  	_ =	swait.ge [sflag:s6], $0x9C40  }
0x8b: {  	s26 =	sadd.s32 $0x13880, s29;
	[sflag:s6] =	ssyncset.done $0x0  }
0x8c: {  	s21 =	sadd.s32 s28, s26;
	[sflag:s6] =	ssyncadd.s32 $0xFFFF63C0  }
0x8d: {  	[tilespmem:s3], [sflag:$0x1] =	stream.linear.gather [hbm4b:s21+s2], $0x9C40, $0x38;
	[tilespmem:$0x1D4C0] =	vst v63  }
0x8e: {  	_ =	swait.ge [sflag:s5], $0x9C40  }
0x8f: {  	[sflag:s5] =	ssyncset.done $0x0  }
0x90: {  	s22 =	sadd.s32 s31, s22;
	[sflag:s5] =	ssyncadd.s32 $0xFFFF63C0  }
0x91: {  	[hbm4b:s22+s2] =	stream.linear.scatter [tilespmem:s4], [sflag:$0x2], $0x9C40, $0x38;
	[tilespmem:$0x1D4C0] =	vst v63  }
0x92: {  	_ =	swait.ge [sflag:s6], $0x9C40  }
0x93: {  	s30 =	sadd.s32 $0x14C08, s29;
	[sflag:s6] =	ssyncset.done $0x0  }
0x94: {  	s23 =	sadd.s32 s28, s30;
	[sflag:s6] =	ssyncadd.s32 $0xFFFF63C0  }
0x95: {  	[tilespmem:s4], [sflag:$0x1] =	stream.linear.gather [hbm4b:s23+s2], $0x9C40, $0x38;
	[tilespmem:$0x1D4C0] =	vst v63  }
0x96: {  	_ =	swait.ge [sflag:s5], $0x9C40  }
0x97: {  	[sflag:s5] =	ssyncset.done $0x0  }
0x98: {  	s24 =	sadd.s32 s31, s24;
	[sflag:s5] =	ssyncadd.s32 $0xFFFF63C0  }
0x99: {  	[hbm4b:s24+s2] =	stream.linear.scatter [tilespmem:s2], [sflag:$0x2], $0x9C40, $0x38;
	[tilespmem:$0x1D4C0] =	vst v63  }
0x9a: {  	_ =	swait.ge [sflag:s6], $0x9C40  }
0x9b: {  	s8 =	smov.u32 s0;
	s0 =	sadd.s32 $0x15F90, s29;
	[sflag:s6] =	ssyncset.done $0x0  }
0x9c: {  	s25 =	sadd.s32 s28, s0;
	[sflag:s6] =	ssyncadd.s32 $0xFFFF63C0  }
0x9d: {  	[tilespmem:s2], [sflag:$0x1] =	stream.linear.gather [hbm4b:s25+s2], $0x9C40, $0x38;
	[tilespmem:$0x1D4C0] =	vst v63  }
0x9e: {  	_ =	swait.ge [sflag:s5], $0x9C40  }
0x9f: {  	[sflag:s5] =	ssyncset.done $0x0  }
0xa0: {  	s26 =	sadd.s32 s31, s26;
	[sflag:s5] =	ssyncadd.s32 $0xFFFF63C0  }
0xa1: {  	[hbm4b:s26+s2] =	stream.linear.scatter [tilespmem:s3], [sflag:$0x2], $0x9C40, $0x38;
	[tilespmem:$0x1D4C0] =	vst v63  }
0xa2: {  	_ =	swait.ge [sflag:s6], $0x9C40  }
0xa3: {  	s7 =	sadd.s32 $0x17318, s29;
	[sflag:s6] =	ssyncset.done $0x0  }
0xa4: {  	s28 =	sadd.s32 s28, s7;
	[sflag:s6] =	ssyncadd.s32 $0xFFFF63C0  }
0xa5: {  	[tilespmem:s3], [sflag:$0x1] =	stream.linear.gather [hbm4b:s28+s2], $0x9C40, $0x38;
	[tilespmem:$0x1D4C0] =	vst v63  }
0xa6: {  	_ =	swait.ge [sflag:s5], $0x9C40  }
0xa7: {  	[sflag:s5] =	ssyncset.done $0x0  }
0xa8: {  	s29 =	sadd.s32 s31, s30;
	[sflag:s5] =	ssyncadd.s32 $0xFFFF63C0  }
0xa9: {  	[hbm4b:s29+s2] =	stream.linear.scatter [tilespmem:s4], [sflag:$0x2], $0x9C40, $0x38;
	[tilespmem:$0x1D4C0] =	vst v63  }
0xaa: {  	_ =	swait.ge [sflag:s5], $0x9C40  }
0xab: {  	[sflag:s5] =	ssyncset.done $0x0  }
0xac: {  	s30 =	sadd.s32 s31, s0;
	[sflag:s5] =	ssyncadd.s32 $0xFFFF63C0  }
0xad: {  	[hbm4b:s30+s2] =	stream.linear.scatter [tilespmem:s2], [sflag:$0x2], $0x9C40, $0x38;
	[tilespmem:$0x1D4C0] =	vst v63  }
0xae: {  	_ =	swait.ge [sflag:s5], $0x9C40  }
0xaf: {  	[sflag:s5] =	ssyncset.done $0x0  }
0xb0: {  	s31 =	sadd.s32 s31, s7;
	[sflag:s5] =	ssyncadd.s32 $0xFFFF63C0  }
0xb1: {  	[hbm4b:s31+s2] =	stream.linear.scatter [tilespmem:s3], [sflag:$0x2], $0x9C40, $0x38;
	[tilespmem:$0x1D4C0] =	vst v63  }
0xb2: {  	_ =	swait.ge [sflag:s6], $0x9C40  }
0xb3: {  	s1 =	rddreg [dreg:$0x14]  }
0xb4: {  	s0 =	ssub.s32 $0x2, s1  }
0xb5: {  	s7 =	sshrl.u32 s0, $0x1  }
0xb6: {  	s0 =	ssub.s32 s0, s7  }
0xb7: {  	s0 =	smax.u32 s0, $0x1  }
0xb8: {  	[sflag:s6] =	ssyncset.done $0x0;
	p0 =	sne.s32 s0, $0x1  }
.Ltmp0:
0xb9: {  	[sflag:s6] =	ssyncadd.s32 $0xFFFF63C0;
	(pc) =	sbr.rel @!p0 .LBB2_2-.Ltmp0, $4  }
0xba: {  	_ =	swait.ge [sflag:s6], $0x9C40  }
0xbb: {  	[sflag:s6] =	ssyncset.done $0x0  }
0xbc: {  	[sflag:s6] =	ssyncadd.s32 $0xFFFF63C0  }
0xbd: {  	s1 =	sadd.s32 $0xFFFFFFFF, s0;
	_ =	swait.ge [sflag:s6], $0x9C40  }
.LBB2_1:
0xbe: {  	[sflag:s6] =	ssyncset.done $0x0  }
0xbf: {  	s0 =	rddreg [dreg:$0x3];
	[sflag:s6] =	ssyncadd.s32 $0xFFFF63C0  }
0xc0: {  	[tilespmem:s2], [sflag:$0x1] =	stream.linear.gather [hbm4b:s0+s2], $0x9C40, $0x38;
	[tilespmem:$0x1D4C0] =	vst v63  }
0xc1: {  	s7 =	rddreg [dreg:$0x4]  }
0xc2: {  	[tilespmem:s3], [sflag:$0x1] =	stream.linear.gather [hbm4b:s7+s2], $0x9C40, $0x38;
	[tilespmem:$0x1D4C0] =	vst v63  }
0xc3: {  	s0 =	rddreg [dreg:$0x5]  }
0xc4: {  	[tilespmem:s4], [sflag:$0x1] =	stream.linear.gather [hbm4b:s0+s2], $0x9C40, $0x38;
	[tilespmem:$0x1D4C0] =	vst v63  }
0xc5: {  	_ =	swait.ge [sflag:s5], $0x9C40  }
0xc6: {  	[sflag:s5] =	ssyncset.done $0x0  }
0xc7: {  	s7 =	rddreg [dreg:$0x6];
	[sflag:s5] =	ssyncadd.s32 $0xFFFF63C0  }
0xc8: {  	[hbm4b:s7+s2] =	stream.linear.scatter [tilespmem:s2], [sflag:$0x2], $0x9C40, $0x38;
	[tilespmem:$0x1D4C0] =	vst v63  }
0xc9: {  	_ =	swait.ge [sflag:s6], $0x9C40  }
0xca: {  	[sflag:s6] =	ssyncset.done $0x0  }
0xcb: {  	s7 =	rddreg [dreg:$0x7];
	[sflag:s6] =	ssyncadd.s32 $0xFFFF63C0  }
0xcc: {  	[tilespmem:s2], [sflag:$0x1] =	stream.linear.gather [hbm4b:s7+s2], $0x9C40, $0x38;
	[tilespmem:$0x1D4C0] =	vst v63  }
0xcd: {  	_ =	swait.ge [sflag:s5], $0x9C40  }
0xce: {  	[sflag:s5] =	ssyncset.done $0x0  }
0xcf: {  	s7 =	rddreg [dreg:$0x8];
	[sflag:s5] =	ssyncadd.s32 $0xFFFF63C0  }
0xd0: {  	[hbm4b:s7+s2] =	stream.linear.scatter [tilespmem:s3], [sflag:$0x2], $0x9C40, $0x38;
	[tilespmem:$0x1D4C0] =	vst v63  }
0xd1: {  	_ =	swait.ge [sflag:s6], $0x9C40  }
0xd2: {  	[sflag:s6] =	ssyncset.done $0x0  }
0xd3: {  	s7 =	rddreg [dreg:$0x9];
	[sflag:s6] =	ssyncadd.s32 $0xFFFF63C0  }
0xd4: {  	[tilespmem:s3], [sflag:$0x1] =	stream.linear.gather [hbm4b:s7+s2], $0x9C40, $0x38;
	[tilespmem:$0x1D4C0] =	vst v63  }
0xd5: {  	_ =	swait.ge [sflag:s5], $0x9C40  }
0xd6: {  	[sflag:s5] =	ssyncset.done $0x0  }
0xd7: {  	s7 =	rddreg [dreg:$0xa];
	[sflag:s5] =	ssyncadd.s32 $0xFFFF63C0  }
0xd8: {  	[hbm4b:s7+s2] =	stream.linear.scatter [tilespmem:s4], [sflag:$0x2], $0x9C40, $0x38;
	[tilespmem:$0x1D4C0] =	vst v63  }
0xd9: {  	_ =	swait.ge [sflag:s6], $0x9C40  }
0xda: {  	[sflag:s6] =	ssyncset.done $0x0  }
0xdb: {  	s7 =	rddreg [dreg:$0xb];
	[sflag:s6] =	ssyncadd.s32 $0xFFFF63C0  }
0xdc: {  	[tilespmem:s4], [sflag:$0x1] =	stream.linear.gather [hbm4b:s7+s2], $0x9C40, $0x38;
	[tilespmem:$0x1D4C0] =	vst v63  }
0xdd: {  	_ =	swait.ge [sflag:s5], $0x9C40  }
0xde: {  	[sflag:s5] =	ssyncset.done $0x0  }
0xdf: {  	s7 =	rddreg [dreg:$0xc];
	[sflag:s5] =	ssyncadd.s32 $0xFFFF63C0  }
0xe0: {  	[hbm4b:s7+s2] =	stream.linear.scatter [tilespmem:s2], [sflag:$0x2], $0x9C40, $0x38;
	[tilespmem:$0x1D4C0] =	vst v63  }
0xe1: {  	_ =	swait.ge [sflag:s6], $0x9C40  }
0xe2: {  	[sflag:s6] =	ssyncset.done $0x0  }
0xe3: {  	s7 =	rddreg [dreg:$0xd];
	[sflag:s6] =	ssyncadd.s32 $0xFFFF63C0  }
0xe4: {  	[tilespmem:s2], [sflag:$0x1] =	stream.linear.gather [hbm4b:s7+s2], $0x9C40, $0x38;
	[tilespmem:$0x1D4C0] =	vst v63  }
0xe5: {  	_ =	swait.ge [sflag:s5], $0x9C40  }
0xe6: {  	[sflag:s5] =	ssyncset.done $0x0  }
0xe7: {  	s7 =	rddreg [dreg:$0xe];
	[sflag:s5] =	ssyncadd.s32 $0xFFFF63C0  }
0xe8: {  	[hbm4b:s7+s2] =	stream.linear.scatter [tilespmem:s3], [sflag:$0x2], $0x9C40, $0x38;
	[tilespmem:$0x1D4C0] =	vst v63  }
0xe9: {  	_ =	swait.ge [sflag:s6], $0x9C40  }
0xea: {  	[sflag:s6] =	ssyncset.done $0x0  }
0xeb: {  	s7 =	rddreg [dreg:$0xf];
	[sflag:s6] =	ssyncadd.s32 $0xFFFF63C0  }
0xec: {  	[tilespmem:s3], [sflag:$0x1] =	stream.linear.gather [hbm4b:s7+s2], $0x9C40, $0x38;
	[tilespmem:$0x1D4C0] =	vst v63  }
0xed: {  	_ =	swait.ge [sflag:s5], $0x9C40  }
0xee: {  	[sflag:s5] =	ssyncset.done $0x0  }
0xef: {  	s7 =	rddreg [dreg:$0x10];
	[sflag:s5] =	ssyncadd.s32 $0xFFFF63C0  }
0xf0: {  	[hbm4b:s7+s2] =	stream.linear.scatter [tilespmem:s4], [sflag:$0x2], $0x9C40, $0x38;
	[tilespmem:$0x1D4C0] =	vst v63  }
0xf1: {  	_ =	swait.ge [sflag:s6], $0x9C40  }
0xf2: {  	[sflag:s6] =	ssyncset.done $0x0  }
0xf3: {  	s7 =	rddreg [dreg:$0x11];
	[sflag:s6] =	ssyncadd.s32 $0xFFFF63C0  }
0xf4: {  	[tilespmem:s4], [sflag:$0x1] =	stream.linear.gather [hbm4b:s7+s2], $0x9C40, $0x38;
	[tilespmem:$0x1D4C0] =	vst v63  }
0xf5: {  	_ =	swait.ge [sflag:s5], $0x9C40  }
0xf6: {  	[sflag:s5] =	ssyncset.done $0x0  }
0xf7: {  	s7 =	rddreg [dreg:$0x12];
	[sflag:s5] =	ssyncadd.s32 $0xFFFF63C0  }
0xf8: {  	[hbm4b:s7+s2] =	stream.linear.scatter [tilespmem:s2], [sflag:$0x2], $0x9C40, $0x38;
	[tilespmem:$0x1D4C0] =	vst v63  }
0xf9: {  	_ =	swait.ge [sflag:s6], $0x9C40  }
0xfa: {  	[sflag:s6] =	ssyncset.done $0x0  }
0xfb: {  	s7 =	rddreg [dreg:$0x13];
	[sflag:s6] =	ssyncadd.s32 $0xFFFF63C0  }
0xfc: {  	[tilespmem:s2], [sflag:$0x1] =	stream.linear.gather [hbm4b:s7+s2], $0x9C40, $0x38;
	[tilespmem:$0x1D4C0] =	vst v63  }
0xfd: {  	_ =	swait.ge [sflag:s5], $0x9C40  }
0xfe: {  	[sflag:s5] =	ssyncset.done $0x0  }
0xff: {  	[sflag:s5] =	ssyncadd.s32 $0xFFFF63C0  }
0x100: {  	[hbm4b:s8+s2] =	stream.linear.scatter [tilespmem:s3], [sflag:$0x2], $0x9C40, $0x38;
	[tilespmem:$0x1D4C0] =	vst v63  }
0x101: {  	_ =	swait.ge [sflag:s6], $0x9C40  }
0x102: {  	[sflag:s6] =	ssyncset.done $0x0  }
0x103: {  	[sflag:s6] =	ssyncadd.s32 $0xFFFF63C0  }
0x104: {  	[tilespmem:s3], [sflag:$0x1] =	stream.linear.gather [hbm4b:s9+s2], $0x9C40, $0x38;
	[tilespmem:$0x1D4C0] =	vst v63  }
0x105: {  	_ =	swait.ge [sflag:s5], $0x9C40  }
0x106: {  	[sflag:s5] =	ssyncset.done $0x0  }
0x107: {  	[sflag:s5] =	ssyncadd.s32 $0xFFFF63C0  }
0x108: {  	[hbm4b:s10+s2] =	stream.linear.scatter [tilespmem:s4], [sflag:$0x2], $0x9C40, $0x38;
	[tilespmem:$0x1D4C0] =	vst v63  }
0x109: {  	_ =	swait.ge [sflag:s6], $0x9C40  }
0x10a: {  	[sflag:s6] =	ssyncset.done $0x0  }
0x10b: {  	[sflag:s6] =	ssyncadd.s32 $0xFFFF63C0  }
0x10c: {  	[tilespmem:s4], [sflag:$0x1] =	stream.linear.gather [hbm4b:s11+s2], $0x9C40, $0x38;
	[tilespmem:$0x1D4C0] =	vst v63  }
0x10d: {  	_ =	swait.ge [sflag:s5], $0x9C40  }
0x10e: {  	[sflag:s5] =	ssyncset.done $0x0  }
0x10f: {  	[sflag:s5] =	ssyncadd.s32 $0xFFFF63C0  }
0x110: {  	[hbm4b:s12+s2] =	stream.linear.scatter [tilespmem:s2], [sflag:$0x2], $0x9C40, $0x38;
	[tilespmem:$0x1D4C0] =	vst v63  }
0x111: {  	_ =	swait.ge [sflag:s6], $0x9C40  }
0x112: {  	[sflag:s6] =	ssyncset.done $0x0  }
0x113: {  	[sflag:s6] =	ssyncadd.s32 $0xFFFF63C0  }
0x114: {  	[tilespmem:s2], [sflag:$0x1] =	stream.linear.gather [hbm4b:s13+s2], $0x9C40, $0x38;
	[tilespmem:$0x1D4C0] =	vst v63  }
0x115: {  	_ =	swait.ge [sflag:s5], $0x9C40  }
0x116: {  	[sflag:s5] =	ssyncset.done $0x0  }
0x117: {  	[sflag:s5] =	ssyncadd.s32 $0xFFFF63C0  }
0x118: {  	[hbm4b:s14+s2] =	stream.linear.scatter [tilespmem:s3], [sflag:$0x2], $0x9C40, $0x38;
	[tilespmem:$0x1D4C0] =	vst v63  }
0x119: {  	_ =	swait.ge [sflag:s6], $0x9C40  }
0x11a: {  	[sflag:s6] =	ssyncset.done $0x0  }
0x11b: {  	[sflag:s6] =	ssyncadd.s32 $0xFFFF63C0  }
0x11c: {  	[tilespmem:s3], [sflag:$0x1] =	stream.linear.gather [hbm4b:s15+s2], $0x9C40, $0x38;
	[tilespmem:$0x1D4C0] =	vst v63  }
0x11d: {  	_ =	swait.ge [sflag:s5], $0x9C40  }
0x11e: {  	[sflag:s5] =	ssyncset.done $0x0  }
0x11f: {  	[sflag:s5] =	ssyncadd.s32 $0xFFFF63C0  }
0x120: {  	[hbm4b:s16+s2] =	stream.linear.scatter [tilespmem:s4], [sflag:$0x2], $0x9C40, $0x38;
	[tilespmem:$0x1D4C0] =	vst v63  }
0x121: {  	_ =	swait.ge [sflag:s6], $0x9C40  }
0x122: {  	[sflag:s6] =	ssyncset.done $0x0  }
0x123: {  	[sflag:s6] =	ssyncadd.s32 $0xFFFF63C0  }
0x124: {  	[tilespmem:s4], [sflag:$0x1] =	stream.linear.gather [hbm4b:s17+s2], $0x9C40, $0x38;
	[tilespmem:$0x1D4C0] =	vst v63  }
0x125: {  	_ =	swait.ge [sflag:s5], $0x9C40  }
0x126: {  	[sflag:s5] =	ssyncset.done $0x0  }
0x127: {  	[sflag:s5] =	ssyncadd.s32 $0xFFFF63C0  }
0x128: {  	[hbm4b:s18+s2] =	stream.linear.scatter [tilespmem:s2], [sflag:$0x2], $0x9C40, $0x38;
	[tilespmem:$0x1D4C0] =	vst v63  }
0x129: {  	_ =	swait.ge [sflag:s6], $0x9C40  }
0x12a: {  	[sflag:s6] =	ssyncset.done $0x0  }
0x12b: {  	[sflag:s6] =	ssyncadd.s32 $0xFFFF63C0  }
0x12c: {  	[tilespmem:s2], [sflag:$0x1] =	stream.linear.gather [hbm4b:s19+s2], $0x9C40, $0x38;
	[tilespmem:$0x1D4C0] =	vst v63  }
0x12d: {  	_ =	swait.ge [sflag:s5], $0x9C40  }
0x12e: {  	[sflag:s5] =	ssyncset.done $0x0  }
0x12f: {  	[sflag:s5] =	ssyncadd.s32 $0xFFFF63C0  }
0x130: {  	[hbm4b:s20+s2] =	stream.linear.scatter [tilespmem:s3], [sflag:$0x2], $0x9C40, $0x38;
	[tilespmem:$0x1D4C0] =	vst v63  }
0x131: {  	_ =	swait.ge [sflag:s6], $0x9C40  }
0x132: {  	[sflag:s6] =	ssyncset.done $0x0  }
0x133: {  	[sflag:s6] =	ssyncadd.s32 $0xFFFF63C0  }
0x134: {  	[tilespmem:s3], [sflag:$0x1] =	stream.linear.gather [hbm4b:s21+s2], $0x9C40, $0x38;
	[tilespmem:$0x1D4C0] =	vst v63  }
0x135: {  	_ =	swait.ge [sflag:s5], $0x9C40  }
0x136: {  	[sflag:s5] =	ssyncset.done $0x0  }
0x137: {  	[sflag:s5] =	ssyncadd.s32 $0xFFFF63C0  }
0x138: {  	[hbm4b:s22+s2] =	stream.linear.scatter [tilespmem:s4], [sflag:$0x2], $0x9C40, $0x38;
	[tilespmem:$0x1D4C0] =	vst v63  }
0x139: {  	_ =	swait.ge [sflag:s6], $0x9C40  }
0x13a: {  	[sflag:s6] =	ssyncset.done $0x0  }
0x13b: {  	[sflag:s6] =	ssyncadd.s32 $0xFFFF63C0  }
0x13c: {  	[tilespmem:s4], [sflag:$0x1] =	stream.linear.gather [hbm4b:s23+s2], $0x9C40, $0x38;
	[tilespmem:$0x1D4C0] =	vst v63  }
0x13d: {  	_ =	swait.ge [sflag:s5], $0x9C40  }
0x13e: {  	[sflag:s5] =	ssyncset.done $0x0  }
0x13f: {  	[sflag:s5] =	ssyncadd.s32 $0xFFFF63C0  }
0x140: {  	[hbm4b:s24+s2] =	stream.linear.scatter [tilespmem:s2], [sflag:$0x2], $0x9C40, $0x38;
	[tilespmem:$0x1D4C0] =	vst v63  }
0x141: {  	_ =	swait.ge [sflag:s6], $0x9C40  }
0x142: {  	[sflag:s6] =	ssyncset.done $0x0  }
0x143: {  	[sflag:s6] =	ssyncadd.s32 $0xFFFF63C0  }
0x144: {  	[tilespmem:s2], [sflag:$0x1] =	stream.linear.gather [hbm4b:s25+s2], $0x9C40, $0x38;
	[tilespmem:$0x1D4C0] =	vst v63  }
0x145: {  	_ =	swait.ge [sflag:s5], $0x9C40  }
0x146: {  	[sflag:s5] =	ssyncset.done $0x0  }
0x147: {  	[sflag:s5] =	ssyncadd.s32 $0xFFFF63C0  }
0x148: {  	[hbm4b:s26+s2] =	stream.linear.scatter [tilespmem:s3], [sflag:$0x2], $0x9C40, $0x38;
	[tilespmem:$0x1D4C0] =	vst v63  }
0x149: {  	_ =	swait.ge [sflag:s6], $0x9C40  }
0x14a: {  	[sflag:s6] =	ssyncset.done $0x0  }
0x14b: {  	[sflag:s6] =	ssyncadd.s32 $0xFFFF63C0  }
0x14c: {  	[tilespmem:s3], [sflag:$0x1] =	stream.linear.gather [hbm4b:s28+s2], $0x9C40, $0x38;
	[tilespmem:$0x1D4C0] =	vst v63  }
0x14d: {  	_ =	swait.ge [sflag:s5], $0x9C40  }
0x14e: {  	[sflag:s5] =	ssyncset.done $0x0  }
0x14f: {  	[sflag:s5] =	ssyncadd.s32 $0xFFFF63C0  }
0x150: {  	[hbm4b:s29+s2] =	stream.linear.scatter [tilespmem:s4], [sflag:$0x2], $0x9C40, $0x38;
	[tilespmem:$0x1D4C0] =	vst v63  }
0x151: {  	_ =	swait.ge [sflag:s5], $0x9C40  }
0x152: {  	[sflag:s5] =	ssyncset.done $0x0  }
0x153: {  	[sflag:s5] =	ssyncadd.s32 $0xFFFF63C0  }
0x154: {  	[hbm4b:s30+s2] =	stream.linear.scatter [tilespmem:s2], [sflag:$0x2], $0x9C40, $0x38;
	[tilespmem:$0x1D4C0] =	vst v63  }
0x155: {  	_ =	swait.ge [sflag:s5], $0x9C40  }
0x156: {  	[sflag:s5] =	ssyncset.done $0x0  }
0x157: {  	[sflag:s5] =	ssyncadd.s32 $0xFFFF63C0  }
0x158: {  	[hbm4b:s31+s2] =	stream.linear.scatter [tilespmem:s3], [sflag:$0x2], $0x9C40, $0x38;
	[tilespmem:$0x1D4C0] =	vst v63  }
0x159: {  	_ =	swait.ge [sflag:s6], $0x9C40  }
0x15a: {  	p0 =	sne.s32 s1, $0x1;
	[sflag:s6] =	ssyncset.done $0x0  }
.Ltmp1:
0x15b: {  	[sflag:s6] =	ssyncadd.s32 $0xFFFF63C0;
	(pc) =	sbr.rel @p0 .LBB2_1-.Ltmp1, $4  }
0x15c: {  	_ =	swait.ge [sflag:s6], $0x9C40  }
0x15d: {  	[sflag:s6] =	ssyncset.done $0x0  }
0x15e: {  	[sflag:s6] =	ssyncadd.s32 $0xFFFF63C0  }
0x15f: {  	s1 =	sadd.s32 $0xFFFFFFFF, s1;
	_ =	swait.ge [sflag:s6], $0x9C40  }
.LBB2_2:
0x160: {  	[sflag:s6] =	ssyncset.done $0x0  }
0x161: {  	[sflag:s6] =	ssyncadd.s32 $0xFFFF63C0  }
0x162: {  	_ =	sfence.sel $0x180000  }
0x163: {  	[bflag:$0x0] =	sbarrier.arrive $0xFFFF  }
0x164: {  	_ =	strace $0x90000047  }
0x165: {  	s0 =	stileid.u32;
	[bflag:$0x2] =	sbarrier.arrive $0xFFFF  }
0x166: {  	p0 =	sne.s32 s0, $0x0;
	s0 =	rddreg [dreg:$0x2]  }
0x167: {  	s0 =	sadd.s32 @!p0 $0x100000, s0  }
0x168: {  	[sflag:s0] =	ssyncadd.tile.s32 @!p0 $0x1;
	_ =	shalt  }
.Lfunc_end2:
_tile_overlayer_lowered:
.L_overlay_start_2:
0x169: {  	(tag) =	ssettag $0x2  }
0x16a: {  	s0 =	rddreg [dreg:$0x0];
	s2 =	stileid.u32  }
0x16b: {  	s1 =	rddreg [dreg:$0x1];
	p0 =	sne.s32 s2, $0x0  }
0x16c: {  	s3 =	rddreg [dreg:$0x2];
	[bflag:$0x3] =	sbarrier.arrive $0xFFFF;
	s2 =	simm.s32 @!p0 $0x1C03  }
0x16d: {  	[timem:s3], [sflag:s2] =	dma.local @!p0 [hbm:s0], s1  }
0x16e: {  	s0 =	simm.s32 @!p0 $0x3  }
0x16f: {  	_ =	swait.ge @!p0 [sflag:s0], s1  }
0x170: {  	s1 =	ssub.s32 @!p0 $0x0, s1;
	[sflag:s0] =	ssyncset.done @!p0 $0x0  }
0x171: {  	[sflag:s0] =	ssyncadd.s32 @!p0 s1  }
0x172: {  	[bflag:$0x3] =	sbarrier.arrive $0xFFFF  }
0x173: {  	_ =	shalt  }

// kernel: kernel.7.cloned.1.call-start
scs
__scs_entry_jumppad:
0x0: {  	(pc) =	sbr.rel $0x88, $3  }
0x1: {  	(tag) =	ssettag $0x0;
	lr =	simm.s32 $0x1  }
0x2: {  	[smem:$0x3F9F] =	sst lr;
	_ =	strace $0xD0000000  }
0x3: {  	_ = 	snop  }
0x4: {  	_ = 	snop  }
0x5: {  	_ = 	snop  }
0x6: {  	_ = 	snop  }
0x7: {  	_ = 	snop  }
__scs_overlays_trampoline_lowered:
0x8: {  	[smem:$0x3FAE] =	sst s0  }
0x9: {  	[smem:$0x3FAF] =	sst s1  }
0xa: {  	[smem:$0x3FB0] =	sst s2  }
0xb: {  	[smem:$0x3FB1] =	sst s3  }
0xc: {  	[smem:$0x3FB2] =	sst s4  }
0xd: {  	[smem:$0x3FB3] =	sst s5  }
0xe: {  	[smem:$0x3FB4] =	sst s6  }
0xf: {  	[smem:$0x3FB5] =	sst s7  }
0x10: {  	[smem:$0x3FB6] =	sst s8  }
0x11: {  	[smem:$0x3FB7] =	sst s9;
	s0 =	simm.s32 @!p0 $0x0  }
0x12: {  	s1 =	sld [smem:$0x3F9D];
	s0 =	simm.s32 @p0 $0x1  }
0x13: {  	[smem:$0x3FB8] =	sst s0;
	s0 =	simm.s32 @!p1 $0x0  }
0x14: {  	s2 =	sld [smem:$0x3F9C];
	s0 =	simm.s32 @p1 $0x1  }
0x15: {  	[smem:$0x3FB9] =	sst s0;
	s0 =	simm.s32 @!p2 $0x0  }
0x16: {  	s3 =	sld [smem:$0x3FDB];
	s0 =	simm.s32 @p2 $0x1  }
0x17: {  	s4 =	simm.s32 $0x1BF5;
	[smem:$0x3FBB] =	sst s0  }
0x18: {  	s0 =	sld [smem:$0x3F9E];
	_ =	swait.ge [sflag:s4], $0x0  }
0x19: {  	s7 =	sld [smem:$0x3F9F]  }
0x1a: {  	s8 =	sadd.s32 $0xFFFFE003, lr  }
0x1b: {  	s9 =	sadd.s32 $0xFFFFFEF7, lr;
	s5 =	simm.s32 $0xFFFFFFFF;
	p2 =	slt.u32 s8, $0xFFFFF086  }
0x1c: {  	p1 =	slt.u32 s9, $0xF7A;
	s5 =	simm.s32 @!p2 $0x0  }
0x1d: {  	s5 =	simm.s32 @p1 $0x1;
	p0 =	seq.s32 s7, s2  }
0x1e: {  	s7 =	smul.u32 @!p0 $0xF7A, s2;
	p2 =	seq.s32 @!p0 s5, $0x0  }
0x1f: {  	s9 =	smul.u32 $0xF7A, s1;
	s8 =	simm.s32 @!p0 $0x1BF5;
	p2 =	por !p2, p0  }
0x20: {  	[sflag:s8] =	ssyncset.s32 @!p0 $0xFFFFF086;
	s6 =	sadd.s32 @!p0 s3, s7;
	s7 =	simm.s32 @!p0 $0x108  }
0x21: {  	s3 =	sadd.s32 s3, s9;
	s6 =	sadd.s32 @!p0 $0x88, s6;
	s7 =	simm.s32 @p2 $0x1082  }
0x22: {  	[simem:s7], [sflag:s8] =	dma.local @!p0 [hbm:s6], $0xF7A  }
0x23: {  	s9 =	sor.u32 $0xD0000000, s2;
	s6 =	simm.s32 $0x108;
	_ =	swait.ge @!p0 [sflag:s8], $0x0  }
0x24: {  	s3 =	sadd.s32 $0x88, s3;
	s6 =	simm.s32 @!p1 $0x1082;
	[sflag:s4] =	ssyncset.s32 $0xFFFFF086  }
0x25: {  	[simem:s6], [sflag:s4] =	dma.local [hbm:s3], $0xF7A  }
0x26: {  	[smem:$0x3F9F] =	sst s1;
	(tag) =	ssettag s2;
	_ =	strace s9  }
0x27: {  	s1 =	sld [smem:$0x3FAF]  }
0x28: {  	s2 =	sld [smem:$0x3FB0]  }
0x29: {  	s4 =	sld [smem:$0x3FB2]  }
0x2a: {  	p0 =	seq.s32 s5, $0x0;
	s5 =	sld [smem:$0x3FB3]  }
0x2b: {  	s6 =	sld [smem:$0x3FB4]  }
0x2c: {  	s7 =	sld [smem:$0x3FB5]  }
0x2d: {  	s3 =	simm.s32 $0x108;
	s8 =	sld [smem:$0x3FB6]  }
0x2e: {  	s3 =	simm.s32 @!p0 $0x1082;
	s9 =	sld [smem:$0x3FB7]  }
0x2f: {  	lr =	sadd.s32 s0, s3;
	s0 =	sld [smem:$0x3FAE]  }
0x30: {  	s3 =	sld [smem:$0x3FB1]  }
0x31: {  	[smem:$0x3FBA] =	sst s10  }
0x32: {  	s10 =	sld [smem:$0x3FB8];
	_ =	sdelay $0x3  }
0x33: {  	p0 =	seq.s32 s10, $0x1;
	s10 =	sld [smem:$0x3FBA];
	_ =	sdelay $0x3  }
0x34: {  	[smem:$0x3FBA] =	sst s10  }
0x35: {  	s10 =	sld [smem:$0x3FB9];
	_ =	sdelay $0x3  }
0x36: {  	p1 =	seq.s32 s10, $0x1;
	s10 =	sld [smem:$0x3FBA];
	_ =	sdelay $0x3  }
0x37: {  	[smem:$0x3FBA] =	sst s10  }
0x38: {  	s10 =	sld [smem:$0x3FBB]  }
0x39: {  	_ = 	snop;
	(pc) =	sbr.ind lr, $3  }
0x3a: {  	_ = 	snop  }
0x3b: {  	_ = 	snop  }
0x3c: {  	p2 =	seq.s32 s10, $0x1;
	s10 =	sld [smem:$0x3FBA]  }
0x3d: {  	_ =	shalt  }
0x3e: {  	_ =	shalt  }
0x3f: {  	_ =	shalt  }
0x40: {  	_ =	shalt  }
0x41: {  	_ =	shalt  }
0x42: {  	_ =	shalt  }
0x43: {  	_ =	shalt  }
0x44: {  	_ =	shalt  }
0x45: {  	_ =	shalt  }
0x46: {  	_ =	shalt  }
0x47: {  	_ =	shalt  }
0x48: {  	_ =	shalt  }
0x49: {  	_ =	shalt  }
0x4a: {  	_ =	shalt  }
0x4b: {  	_ =	shalt  }
0x4c: {  	_ =	shalt  }
0x4d: {  	_ =	shalt  }
0x4e: {  	_ =	shalt  }
0x4f: {  	_ =	shalt  }
0x50: {  	_ =	shalt  }
0x51: {  	_ =	shalt  }
0x52: {  	_ =	shalt  }
0x53: {  	_ =	shalt  }
0x54: {  	_ =	shalt  }
0x55: {  	_ =	shalt  }
0x56: {  	_ =	shalt  }
0x57: {  	_ =	shalt  }
0x58: {  	_ =	shalt  }
0x59: {  	_ =	shalt  }
0x5a: {  	_ =	shalt  }
0x5b: {  	_ =	shalt  }
0x5c: {  	_ =	shalt  }
0x5d: {  	_ =	shalt  }
0x5e: {  	_ =	shalt  }
0x5f: {  	_ =	shalt  }
0x60: {  	_ =	shalt  }
0x61: {  	_ =	shalt  }
0x62: {  	_ =	shalt  }
0x63: {  	_ =	shalt  }
0x64: {  	_ =	shalt  }
0x65: {  	_ =	shalt  }
0x66: {  	_ =	shalt  }
0x67: {  	_ =	shalt  }
0x68: {  	_ =	shalt  }
0x69: {  	_ =	shalt  }
0x6a: {  	_ =	shalt  }
0x6b: {  	_ =	shalt  }
0x6c: {  	_ =	shalt  }
0x6d: {  	_ =	shalt  }
0x6e: {  	_ =	shalt  }
0x6f: {  	_ =	shalt  }
0x70: {  	_ =	shalt  }
0x71: {  	_ =	shalt  }
0x72: {  	_ =	shalt  }
0x73: {  	_ =	shalt  }
0x74: {  	_ =	shalt  }
0x75: {  	_ =	shalt  }
0x76: {  	_ =	shalt  }
0x77: {  	_ =	shalt  }
0x78: {  	_ =	shalt  }
0x79: {  	_ =	shalt  }
0x7a: {  	_ =	shalt  }
0x7b: {  	_ =	shalt  }
0x7c: {  	_ =	shalt  }
0x7d: {  	_ =	shalt  }
0x7e: {  	_ =	shalt  }
0x7f: {  	_ =	shalt  }
0x80: {  	_ =	shalt  }
0x81: {  	_ =	shalt  }
0x82: {  	_ =	shalt  }
0x83: {  	_ =	shalt  }
0x84: {  	_ =	shalt  }
0x85: {  	_ =	shalt  }
0x86: {  	_ =	shalt  }
0x87: {  	_ =	shalt  }
.Lfunc_end0:
.L_simem_size_0:
called_computation.1_lowered:
.L_overlay_start_0:
0x88: {  	s2 =	sld [smem:$0x3FD9]  }
0x89: {  	s3 =	sld [smem:$0x3FFE];
	_ =	sdelay $0x1  }
0x8a: {  	s1 =	srdreg.scid  }
0x8b: {  	s0 =	sand.u32 $0x1, s1  }
0x8c: {  	s17 =	sshll.u32 s0, $0xA;
	s2 =	sadd.s32 s3, s2  }
0x8d: {  	s2 =	sadd.s32 s2, s17  }
0x8e: {  	[smem:$0x3FC6] =	sst s2  }
0x8f: {  	_ = 	snop  }
0x90: {  	s2 =	sld [smem:$0x3FC9]  }
0x91: {  	s18 =	sld [smem:$0x3FD0];
	(tm) =	ssettm $0x1  }
0x92: {  	s4 =	sld [smem:$0x3FFB];
	_ =	sdelay $0x3  }
0x93: {  	_ =	strace s4  }
0x94: {  	s4 =	sld [smem:$0x3FFC];
	_ =	sdelay $0x3  }
0x95: {  	_ =	strace s4  }
0x96: {  	s4 =	sld [smem:$0x3FFD];
	_ =	sdelay $0x3  }
0x97: {  	_ =	strace s4  }
0x98: {  	_ =	strace $0x8FFFFFFF  }
0x99: {  	s19 =	sld [smem:$0x3FDB];
	_ =	sdelay $0x1  }
0x9a: {  	s5 =	simm.s32 $_scs_section_size  }
0x9b: {  	s6 =	simm.s32 $_size__tile_overlayer_lowered;
	s7 =	simm.s32 $_tile_overlayer_lowered  }
0x9c: {  	s22 =	simm.s32 $0x1BFF;
	s21 =	sshll.u32 s7, $0x1;
	s4 =	sadd.s32 s5, s19  }
0x9d: {  	s8 =	simm.s32 $0x0;
	s20 =	sshll.u32 s6, $0x1;
	s6 =	sadd.s32 s21, s4  }
0x9e: {  	[timem:s8], [sflag:s22] =	dma.local [hbm:s6], s20  }
0x9f: {  	_ =	swait.ge [sflag:s22], s20  }
0xa0: {  	s5 =	ssub.s32 $0x0, s20;
	[sflag:s22] =	ssyncset.done $0x0  }
0xa1: {  	[sflag:s22] =	ssyncadd.s32 s5;
	_ =	sdelay $0x1  }
0xa2: {  	s23 =	simm.s32 $0x1B8B  }
0xa3: {  	_ =	swait.ge [sflag:s23], $0x1  }
0xa4: {  	[sflag:s23] =	ssyncset.done $0x0  }
0xa5: {  	s25 =	simm.s32 $0x1B8E;
	s24 =	sld [smem:$0x3FFE];
	[sflag:s23] =	ssyncadd.s32 $0xFFFFFFFF  }
0xa6: {  	s26 =	simm.s32 $execute0_lowered;
	[smem:$0x3FD2] =	sst s25  }
0xa7: {  	s6 =	sshll.u32 s26, $0x1;
	_ =	strace $0x80000049;
	[dreg:$0x1] =	wrdreg $0xFFFFFFFF  }
0xa8: {  	s28 =	simm.s32 $_size_execute0_lowered;
	s4 =	sadd.s32 s4, s6;
	[dreg:$0x0] =	wrdreg $0x0  }
0xa9: {  	s6 =	sshll.u32 s28, $0x1;
	[dreg:$0x2] =	wrdreg s4  }
0xaa: {  	[dreg:$0x3] =	wrdreg s6  }
0xab: {  	[dreg:$0x4] =	wrdreg $0xC0  }
0xac: {  	_ =	task [dreg:s8], $0x5FFFF  }
0xad: {  	[dreg:$0x1] =	wrdreg $0xFFFFFFFF  }
0xae: {  	[dreg:$0x0] =	wrdreg $0x60  }
0xaf: {  	[dreg:$0x2] =	wrdreg s2  }
0xb0: {  	[dreg:$0x3] =	wrdreg s24  }
0xb1: {  	[dreg:$0x4] =	wrdreg s18  }
0xb2: {  	[dreg:$0x5] =	wrdreg $0x9  }
0xb3: {  	_ =	task.clear_ibuf [dreg:s8], $0x6FFFF;
	_ =	strace $0x90000049  }
0xb4: {  	s29 =	simm.s32 $0x9;
	_ =	strace $0x8000004B  }
0xb5: {  	_ =	swait.ge [sflag:s29], $0x1  }
0xb6: {  	[sflag:s29] =	ssyncadd.s32 $0xFFFFFFFF  }
0xb7: {  	_ =	strace $0x9000004B  }
0xb8: {  	_ =	sfence  }
0xb9: {  	s30 =	sld [smem:$0x0];
	_ =	sdelay $0x2  }
0xba: {  	s31 =	sshll.u32 s1, $0xD;
	s1 =	sshrl.u32 s1, $0x2  }
0xbb: {  	s3 =	sand.u32 $0x4000, s31;
	s1 =	sadd.s32 s1, s30  }
0xbc: {  	s0 =	sor.u32 s3, s0;
	s1 =	sshll.u32 s1, $0x11  }
0xbd: {  	s0 =	sor.u32 s1, s0  }
0xbe: {  	s0 =	sadd.s32 $0x8F2B, s0  }
0xbf: {  	[sflag:s0] =	ssyncadd.remote.s32 $0x1  }
0xc0: {  	_ =	sfence.sel $0xFFFF  }
0xc1: {  	[dreg:$0x0] =	wrdreg $0xFFFFFFFF;
	(pc) =	sbr.abs _section_cstart, $3  }
0xc2: {  	[dreg:$0x1] =	wrdreg $0xFFFFFFFF  }
0xc3: {  	_ =	task.clear_ibuf [dreg:s8], $0x2FFFF;
	_ =	strace $0x9FFFFFFF  }
0xc4: {  	(tm) =	ssettm $0x7FFFFFFF  }
0xc5: {  	_ =	shalt  }
tec
execute0_lowered:
.L_overlay_start_1:
0x0: {  	(tag) =	ssettag $0x1  }
0x1: {  	s1 =	rddreg [dreg:$0x0]  }
0x2: {  	s4 =	rddreg [dreg:$0x1]  }
0x3: {  	s2 =	rddreg [dreg:$0x2]  }
0x4: {  	s0 =	rddreg [dreg:$0x3];
	s3 =	simm.s32 $0x0  }
0x5: {  	s5 =	srdreg.scid;
	s10 =	simm.s32 $0x400;
	s11 =	simm.s32 $0x2400  }
0x6: {  	s12 =	simm.s32 $0x1;
	s13 =	simm.s32 $0x2;
	s14 =	simm.s32 $0x100  }
0x7: {  	s15 =	simm.s32 $0x4400;
	s16 =	simm.s32 $0x180;
	s17 =	simm.s32 $0x6400  }
0x8: {  	s18 =	simm.s32 $0x200;
	s19 =	simm.s32 $0x8400;
	s20 =	simm.s32 $0x280  }
0x9: {  	s21 =	simm.s32 $0xA400;
	s22 =	simm.s32 $0x300;
	s23 =	simm.s32 $0xC400  }
0xa: {  	s24 =	simm.s32 $0x380;
	s25 =	simm.s32 $0xE400;
	s26 =	simm.s32 $0x0  }
0xb: {  	[smem:$0x7FF] =	sst s3;
	s5 =	sand.u32 $0x1, s5;
	s7 =	sadd.s32 $0xC00, s4  }
.Ltmp0:
0xc: {  	s4 =	stileid.u32;
	_ =	strace $0x8000004A;
	(pc) =	sbr.rel .LBB2_1-.Ltmp0, $4  }
0xd: {  	s6 =	ssub.s32 $0x2, s5;
	s30 =	sshll.u32 s4, $0x7;
	s9 =	sshll.u32 s4, $0x5  }
0xe: {  	p0 =	seq.s32 s5, $0x1;
	s8 =	sshrl.u32 s6, $0x1;
	s5 =	sadd.s32 s7, s30  }
0xf: {  	s31 =	sadd.s32 s9, s7;
	s9 =	simm.s32 $0x80;
	s8 =	ssub.s32 s6, s8  }
0x10: {  	s6 =	sadd.s32 $0x800, s31;
	s7 =	smax.u32 s8, $0x1;
	s8 =	simm.s32 $0x3  }
.LBB2_7:
0x11: {  	v3 =	vld [tilespmem:s28+$0x430];
	_ =	sdelay $0x1  }
0x12: {  	v0 =	vadd.f32 $5.000000000e-01, v0  }
0x13: {  	v1 =	vadd.f32 $5.000000000e-01, v1  }
0x14: {  	v2 =	vadd.f32 $5.000000000e-01, v2;
	v0 =	vmin.f32 v0, $1.000000000e+00  }
0x15: {  	v60 =	vmin.f32 v1, $1.000000000e+00;
	[tilespmem:s28+$0x400] =	vst v0;
	v61 =	vadd.f32 $5.000000000e-01, v3  }
0x16: {  	v62 =	vmin.f32 v2, $1.000000000e+00;
	[tilespmem:s28+$0x410] =	vst v60  }
0x17: {  	[tilespmem:s28+$0x420] =	vst v62;
	v63 =	vmin.f32 v61, $1.000000000e+00  }
0x18: {  	[tilespmem:s28+$0x430] =	vst v63  }
0x19: {  	[hbm4b:s2+s9] =	stream.indirect.scatter [tilespmem:s10], [sflag:$0x2], $0x40, s3, s9, $0xb8;
	[tilespmem:$0x10400] =	vst v63  }
0x1a: {  	_ = 	snop  }
0x1b: {  	[hbm4b:s2+s9] =	stream.indirect.scatter [tilespmem:s11], [sflag:$0x2], $0x40, s9, s9, $0xb8;
	[tilespmem:$0x10400] =	vst v63  }
.LBB2_8:
0x1c: {  	s26 =	sadd.s32 $0x1, s26  }
0x1d: {  	_ =	swait.ge [sflag:s13], $0x2000;
	p1 =	sne.s32 s26, s7  }
.Ltmp1:
0x1e: {  	[sflag:s13] =	ssyncset.done $0x0;
	(pc) =	sbr.rel @!p1 .LBB2_9-.Ltmp1, $4  }
0x1f: {  	[sflag:s13] =	ssyncadd.s32 $0xFFFFE000  }
0x20: {  	_ =	swait.ge [sflag:s13], $0x2000  }
0x21: {  	[sflag:s13] =	ssyncset.done $0x0  }
0x22: {  	[sflag:s13] =	ssyncadd.s32 $0xFFFFE000  }
.LBB2_1:
.Ltmp2:
0x23: {  	(pc) =	sbr.rel @!p0 .LBB2_2-.Ltmp2, $2  }
0x24: {  	_ =	sdelay $0x2  }
0x25: {  	s28 =	simm.s32 $0x0  }
0x26: {  	[tilespmem:s28], [sflag:$0x3] =	stream.linear.gather [hbm4b:s6+s28], $0x100, $0x38;
	[tilespmem:$0x10400] =	vst v63  }
0x27: {  	_ =	swait.ge [sflag:s8], $0x100  }
0x28: {  	[sflag:s8] =	ssyncset.done $0x0  }
0x29: {  	[sflag:s8] =	ssyncadd.s32 $0xFFFFFF00  }
0x2a: {  	v0 =	vld [tilespmem:$0x0]  }
0x2b: {  	v2 =	vld [tilespmem:$0x20]  }
0x2c: {  	v4 =	vld [tilespmem:$0x30]  }
0x2d: {  	v5 =	vld [tilespmem:$0x40]  }
0x2e: {  	v7 =	vld [tilespmem:$0x50]  }
0x2f: {  	v8 =	vld [tilespmem:$0x60]  }
0x30: {  	v40 =	vld [tilespmem:$0x70]  }
0x31: {  	v10 =	vld [tilespmem:$0x80]  }
0x32: {  	v11 =	vld [tilespmem:$0x90]  }
0x33: {  	v45 =	vld [tilespmem:$0xA0]  }
0x34: {  	v12 =	vld [tilespmem:$0xB0]  }
0x35: {  	v50 =	vld [tilespmem:$0xC0];
	v3 =	vshll.u32 v0, $0x2  }
0x36: {  	v52 =	vld [tilespmem:$0xD0];
	v0 =	vshll.u32 v0, $0x1;
	v6 =	vshll.u32 v2, $0x2;
	v2 =	vshll.u32 v2, $0x1  }
0x37: {  	v54 =	vld [tilespmem:$0xE0];
	v38 =	vshll.u32 v4, $0x2;
	v4 =	vshll.u32 v4, $0x1;
	v39 =	vshll.u32 v5, $0x2  }
0x38: {  	v59 =	vld [tilespmem:$0xF0];
	v5 =	vshll.u32 v5, $0x1;
	v9 =	vshll.u32 v7, $0x2;
	v7 =	vshll.u32 v7, $0x1  }
0x39: {  	v42 =	vshll.u32 v8, $0x2;
	v8 =	vshll.u32 v8, $0x1;
	v44 =	vshll.u32 v40, $0x2  }
0x3a: {  	v46 =	vshll.u32 v10, $0x2;
	v47 =	vshll.u32 v10, $0x1;
	v48 =	vshll.u32 v11, $0x2  }
0x3b: {  	v1 =	vld [tilespmem:$0x10];
	v49 =	vshll.u32 v11, $0x1;
	v51 =	vshll.u32 v45, $0x1;
	v53 =	vshll.u32 v12, $0x2  }
0x3c: {  	v56 =	vshll.u32 v12, $0x1;
	v57 =	vshll.u32 v50, $0x2;
	v58 =	vshll.u32 v50, $0x1  }
0x3d: {  	v61 =	vshll.u32 v52, $0x1;
	v62 =	vshll.u32 v54, $0x2;
	v63 =	vshll.u32 v59, $0x1  }
0x3e: {  	v3 =	vand.u32 $0xFFFFFFE0, v3;
	v0 =	vand.u32 $0xE, v0;
	v2 =	vand.u32 $0xE, v2  }
0x3f: {  	v4 =	vand.u32 $0xE, v4;
	v5 =	vand.u32 $0xE, v5;
	v41 =	vand.u32 $0xFFFFFFE0, v9  }
0x40: {  	v0 =	vor.u32 v0, v3;
	v3 =	vshll.u32 v1, $0x2;
	v1 =	vshll.u32 v1, $0x1  }
0x41: {  	v7 =	vand.u32 $0xE, v7;
	v3 =	vand.u32 $0xFFFFFFE0, v3;
	v1 =	vand.u32 $0xE, v1  }
0x42: {  	v43 =	vand.u32 $0xFFFFFFE0, v42;
	[tilespmem:$0x0] =	vst v0;
	v1 =	vor.u32 v1, v3;
	v3 =	vand.u32 $0xFFFFFFE0, v6  }
0x43: {  	v6 =	vshll.u32 v40, $0x1;
	v2 =	vor.u32 v2, v3;
	v3 =	vand.u32 $0xFFFFFFE0, v38;
	[tilespmem:$0x10] =	vst v1  }
0x44: {  	v0 =	vand.u32 $0xFFFFFFE0, v44;
	v6 =	vand.u32 $0xE, v6;
	v3 =	vor.u32 v4, v3;
	[tilespmem:$0x20] =	vst v2  }
0x45: {  	v8 =	vand.u32 $0xE, v8;
	v4 =	vand.u32 $0xFFFFFFE0, v39;
	v0 =	vor.u32 v6, v0;
	[tilespmem:$0x30] =	vst v3  }
0x46: {  	v55 =	vand.u32 $0xFFFFFFE0, v53;
	v1 =	vand.u32 $0xFFFFFFE0, v46;
	v4 =	vor.u32 v5, v4;
	[tilespmem:$0x70] =	vst v0  }
0x47: {  	v2 =	vand.u32 $0xE, v47;
	v5 =	vor.u32 v7, v41;
	v7 =	vor.u32 v8, v43;
	[tilespmem:$0x40] =	vst v4  }
0x48: {  	v1 =	vor.u32 v2, v1;
	v2 =	vand.u32 $0xFFFFFFE0, v48;
	v3 =	vand.u32 $0xE, v49;
	[tilespmem:$0x50] =	vst v5  }
0x49: {  	v60 =	vand.u32 $0xE, v58;
	v2 =	vor.u32 v3, v2;
	v3 =	vshll.u32 v45, $0x2;
	[tilespmem:$0x60] =	vst v7  }
0x4a: {  	v0 =	vand.u32 $0xE, v56;
	v4 =	vand.u32 $0xE, v51;
	[tilespmem:$0x80] =	vst v1;
	v3 =	vand.u32 $0xFFFFFFE0, v3  }
0x4b: {  	v0 =	vor.u32 v0, v55;
	[tilespmem:$0x90] =	vst v2;
	v2 =	vshll.u32 v52, $0x2;
	v3 =	vor.u32 v4, v3  }
0x4c: {  	v1 =	vand.u32 $0xFFFFFFE0, v57;
	v2 =	vand.u32 $0xFFFFFFE0, v2;
	[tilespmem:$0xA0] =	vst v3;
	v3 =	vand.u32 $0xE, v61  }
0x4d: {  	v1 =	vor.u32 v60, v1;
	[tilespmem:$0xB0] =	vst v0;
	v0 =	vor.u32 v3, v2;
	v3 =	vshll.u32 v54, $0x1  }
0x4e: {  	[tilespmem:$0xC0] =	vst v1;
	v2 =	vand.u32 $0xFFFFFFE0, v62;
	v1 =	vand.u32 $0xE, v3;
	v3 =	vshll.u32 v59, $0x2  }
0x4f: {  	[tilespmem:$0xD0] =	vst v0;
	v0 =	vor.u32 v1, v2;
	v1 =	vand.u32 $0xFFFFFFE0, v3;
	v2 =	vand.u32 $0xE, v63  }
0x50: {  	[tilespmem:$0xE0] =	vst v0;
	v0 =	vor.u32 v2, v1  }
0x51: {  	[tilespmem:$0xF0] =	vst v0  }
0x52: {  	[tilespmem:s10], [sflag:$0x1] =	stream.indirect.gather [hbm4b:s1+s9], $0x40, s28, s9, $0xb8;
	[tilespmem:$0x10400] =	vst v63  }
0x53: {  	_ = 	snop  }
0x54: {  	[tilespmem:s11], [sflag:$0x1] =	stream.indirect.gather [hbm4b:s1+s9], $0x40, s9, s9, $0xb8;
	[tilespmem:$0x10400] =	vst v63  }
0x55: {  	_ =	swait.ge [sflag:s12], $0x2000  }
0x56: {  	[sflag:s12] =	ssyncset.done $0x0  }
0x57: {  	[sflag:s12] =	ssyncadd.s32 $0xFFFFE000  }
0x58: {  	_ =	swait.ge [sflag:s12], $0x2000  }
0x59: {  	[sflag:s12] =	ssyncset.done $0x0  }
0x5a: {  	s28 =	simm.s32 $0x0;
	[sflag:s12] =	ssyncadd.s32 $0xFFFFE000  }
0x5b: {  	v0 =	vld [tilespmem:s28+$0x400]  }
0x5c: {  	v1 =	vld [tilespmem:s28+$0x410]  }
0x5d: {  	s29 =	simm.s32 $0x100;
	v2 =	vld [tilespmem:s28+$0x420]  }
.LBB2_6:
0x5e: {  	p1 =	sne.s32 s29, $0xFF00;
	v3 =	vld [tilespmem:s28+$0x430];
	_ =	sdelay $0x1  }
0x5f: {  	v0 =	vadd.f32 $5.000000000e-01, v0  }
0x60: {  	v1 =	vadd.f32 $5.000000000e-01, v1  }
.Ltmp3:
0x61: {  	v2 =	vadd.f32 $5.000000000e-01, v2;
	v0 =	vmin.f32 v0, $1.000000000e+00;
	(pc) =	sbr.rel @p1 .LBB2_6-.Ltmp3, $4  }
0x62: {  	s30 =	sshra.s32 s29, $0x2;
	v1 =	vmin.f32 v1, $1.000000000e+00;
	[tilespmem:s28+$0x400] =	vst v0;
	v3 =	vadd.f32 $5.000000000e-01, v3  }
0x63: {  	v2 =	vmin.f32 v2, $1.000000000e+00;
	v0 =	vld [tilespmem:s30+$0x400];
	[tilespmem:s28+$0x410] =	vst v1  }
0x64: {  	v1 =	vld [tilespmem:s30+$0x410];
	[tilespmem:s28+$0x420] =	vst v2;
	v3 =	vmin.f32 v3, $1.000000000e+00  }
0x65: {  	s29 =	sadd.s32 $0x100, s29;
	v2 =	vld [tilespmem:s30+$0x420];
	[tilespmem:s28+$0x430] =	vst v3;
	s28 =	smov.u32 s30  }
.Ltmp4:
0x66: {  	_ = 	snop;
	(pc) =	sbr.rel .LBB2_7-.Ltmp4, $1  }
0x67: {  	_ =	sdelay $0x3  }
.LBB2_2:
0x68: {  	[tilespmem:s28], [sflag:$0x3] =	stream.linear.gather [hbm4b:s5+s28], $0x400, $0x38;
	[tilespmem:$0x10400] =	vst v63  }
0x69: {  	_ =	swait.ge [sflag:s8], $0x400  }
0x6a: {  	[sflag:s8] =	ssyncset.done $0x0  }
0x6b: {  	[sflag:s8] =	ssyncadd.s32 $0xFFFFFC00  }
0x6c: {  	v0 =	vld [tilespmem:$0x0]  }
0x6d: {  	v2 =	vld [tilespmem:$0x20]  }
0x6e: {  	v4 =	vld [tilespmem:$0x30]  }
0x6f: {  	v5 =	vld [tilespmem:$0x40]  }
0x70: {  	v7 =	vld [tilespmem:$0x50]  }
0x71: {  	v8 =	vld [tilespmem:$0x60]  }
0x72: {  	v9 =	vld [tilespmem:$0x70]  }
0x73: {  	v10 =	vld [tilespmem:$0x80]  }
0x74: {  	v11 =	vld [tilespmem:$0x90]  }
0x75: {  	v12 =	vld [tilespmem:$0xA0]  }
0x76: {  	v13 =	vld [tilespmem:$0xB0];
	v3 =	vshll.u32 v0, $0x2  }
0x77: {  	v14 =	vld [tilespmem:$0xC0];
	v0 =	vshll.u32 v0, $0x1;
	v6 =	vshll.u32 v2, $0x2;
	v2 =	vshll.u32 v2, $0x1  }
0x78: {  	v15 =	vld [tilespmem:$0xD0];
	v54 =	vshll.u32 v4, $0x2;
	v4 =	vshll.u32 v4, $0x1;
	v55 =	vshll.u32 v5, $0x2  }
0x79: {  	v40 =	vld [tilespmem:$0x130];
	v5 =	vshll.u32 v5, $0x1;
	v56 =	vshll.u32 v7, $0x2;
	v58 =	vshll.u32 v7, $0x1  }
0x7a: {  	v45 =	vld [tilespmem:$0x160];
	v59 =	vshll.u32 v8, $0x2;
	v8 =	vshll.u32 v8, $0x1;
	v62 =	vshll.u32 v9, $0x2  }
0x7b: {  	v63 =	vshll.u32 v9, $0x1;
	v16 =	vshll.u32 v10, $0x2;
	v18 =	vshll.u32 v10, $0x1  }
0x7c: {  	v19 =	vshll.u32 v11, $0x2;
	v11 =	vshll.u32 v11, $0x1;
	v22 =	vshll.u32 v12, $0x2  }
0x7d: {  	v23 =	vshll.u32 v12, $0x1;
	v24 =	vshll.u32 v13, $0x2;
	v26 =	vshll.u32 v13, $0x1  }
0x7e: {  	v27 =	vshll.u32 v14, $0x2;
	v14 =	vshll.u32 v14, $0x1;
	v30 =	vshll.u32 v15, $0x2  }
0x7f: {  	v31 =	vshll.u32 v15, $0x1;
	v44 =	vshll.u32 v40, $0x2;
	v49 =	vshll.u32 v45, $0x2  }
0x80: {  	v3 =	vand.u32 $0xFFFFFFE0, v3;
	v0 =	vand.u32 $0xE, v0;
	v2 =	vand.u32 $0xE, v2  }
0x81: {  	v4 =	vand.u32 $0xE, v4;
	v5 =	vand.u32 $0xE, v5;
	v57 =	vand.u32 $0xFFFFFFE0, v56  }
0x82: {  	v1 =	vld [tilespmem:$0x10];
	v60 =	vand.u32 $0xFFFFFFE0, v59;
	v61 =	vand.u32 $0xE, v8;
	v7 =	vand.u32 $0xFFFFFFE0, v62  }
0x83: {  	v8 =	vand.u32 $0xE, v63;
	v17 =	vand.u32 $0xFFFFFFE0, v16;
	v9 =	vand.u32 $0xE, v18  }
0x84: {  	v20 =	vand.u32 $0xFFFFFFE0, v19;
	v21 =	vand.u32 $0xE, v11;
	v10 =	vand.u32 $0xFFFFFFE0, v22  }
0x85: {  	v11 =	vand.u32 $0xE, v23;
	v25 =	vand.u32 $0xFFFFFFE0, v24;
	v12 =	vand.u32 $0xE, v26  }
0x86: {  	v50 =	vld [tilespmem:$0x190];
	v28 =	vand.u32 $0xFFFFFFE0, v27;
	v29 =	vand.u32 $0xE, v14;
	v13 =	vand.u32 $0xFFFFFFE0, v30  }
0x87: {  	v16 =	vld [tilespmem:$0xE0];
	v14 =	vand.u32 $0xE, v31;
	v0 =	vor.u32 v0, v3;
	v3 =	vshll.u32 v1, $0x2  }
0x88: {  	v18 =	vld [tilespmem:$0x100];
	v1 =	vshll.u32 v1, $0x1;
	v7 =	vor.u32 v8, v7;
	v9 =	vor.u32 v9, v17  }
0x89: {  	v19 =	vld [tilespmem:$0x110];
	v8 =	vor.u32 v21, v20;
	v10 =	vor.u32 v11, v10;
	v12 =	vor.u32 v12, v25  }
0x8a: {  	v22 =	vld [tilespmem:$0x140];
	v11 =	vor.u32 v29, v28;
	v3 =	vand.u32 $0xFFFFFFE0, v3;
	v1 =	vand.u32 $0xE, v1  }
0x8b: {  	v23 =	vld [tilespmem:$0x150];
	v13 =	vor.u32 v14, v13;
	v1 =	vor.u32 v1, v3;
	v3 =	vand.u32 $0xFFFFFFE0, v6  }
0x8c: {  	v26 =	vld [tilespmem:$0x180];
	v6 =	vand.u32 $0xE, v58;
	v3 =	vor.u32 v2, v3;
	v2 =	vand.u32 $0xFFFFFFE0, v54  }
0x8d: {  	v31 =	vld [tilespmem:$0x1D0];
	v6 =	vor.u32 v6, v57;
	v54 =	vshll.u32 v50, $0x2;
	v2 =	vor.u32 v4, v2  }
0x8e: {  	v63 =	vld [tilespmem:$0x200];
	v4 =	vand.u32 $0xFFFFFFE0, v55;
	v32 =	vshll.u32 v16, $0x2;
	v34 =	vshll.u32 v16, $0x1  }
0x8f: {  	v38 =	vshll.u32 v18, $0x2;
	v39 =	vshll.u32 v18, $0x1;
	v21 =	vshll.u32 v19, $0x2  }
0x90: {  	v17 =	vld [tilespmem:$0xF0];
	v19 =	vshll.u32 v19, $0x1;
	v18 =	vshll.u32 v40, $0x1;
	v24 =	vshll.u32 v22, $0x2  }
0x91: {  	v20 =	vld [tilespmem:$0x120];
	v22 =	vshll.u32 v22, $0x1;
	v47 =	vshll.u32 v23, $0x2;
	v23 =	vshll.u32 v23, $0x1  }
0x92: {  	v52 =	vshll.u32 v26, $0x2;
	v26 =	vshll.u32 v26, $0x1;
	v62 =	vshll.u32 v31, $0x2  }
0x93: {  	v31 =	vshll.u32 v31, $0x1;
	v40 =	vshll.u32 v63, $0x2;
	v4 =	vor.u32 v5, v4  }
0x94: {  	v25 =	vld [tilespmem:$0x170];
	v5 =	vor.u32 v61, v60;
	v33 =	vand.u32 $0xFFFFFFE0, v32;
	v15 =	vand.u32 $0xE, v34  }
0x95: {  	v28 =	vld [tilespmem:$0x1A0];
	v35 =	vshll.u32 v17, $0x2;
	v17 =	vshll.u32 v17, $0x1;
	v16 =	vand.u32 $0xFFFFFFE0, v38  }
0x96: {  	v29 =	vld [tilespmem:$0x1B0];
	v41 =	vand.u32 $0xFFFFFFE0, v21;
	v19 =	vand.u32 $0xE, v19;
	v42 =	vshll.u32 v20, $0x2  }
0x97: {  	v20 =	vshll.u32 v20, $0x1;
	v18 =	vand.u32 $0xE, v18;
	v46 =	vand.u32 $0xFFFFFFE0, v24  }
0x98: {  	v22 =	vand.u32 $0xE, v22;
	v48 =	vand.u32 $0xFFFFFFE0, v47;
	v23 =	vand.u32 $0xE, v23  }
0x99: {  	v21 =	vshll.u32 v45, $0x1;
	v27 =	vshll.u32 v25, $0x2;
	v25 =	vshll.u32 v25, $0x1  }
0x9a: {  	v53 =	vand.u32 $0xFFFFFFE0, v52;
	v26 =	vand.u32 $0xE, v26;
	v24 =	vshll.u32 v50, $0x1  }
0x9b: {  	v30 =	vshll.u32 v28, $0x2;
	v28 =	vshll.u32 v28, $0x1;
	v57 =	vshll.u32 v29, $0x2  }
0x9c: {  	v29 =	vshll.u32 v29, $0x1;
	v15 =	vor.u32 v15, v33;
	v36 =	vand.u32 $0xFFFFFFE0, v35  }
0x9d: {  	v37 =	vand.u32 $0xE, v17;
	v17 =	vand.u32 $0xE, v39;
	v19 =	vor.u32 v19, v41  }
0x9e: {  	v43 =	vand.u32 $0xFFFFFFE0, v42;
	v20 =	vand.u32 $0xE, v20;
	v21 =	vand.u32 $0xE, v21  }
0x9f: {  	[tilespmem:$0x0] =	vst v0;
	v58 =	vld [tilespmem:$0x1E0];
	v51 =	vand.u32 $0xFFFFFFE0, v27;
	v25 =	vand.u32 $0xE, v25;
	v24 =	vand.u32 $0xE, v24  }
0xa0: {  	[tilespmem:$0x10] =	vst v1;
	v56 =	vand.u32 $0xFFFFFFE0, v30;
	v0 =	vand.u32 $0xE, v28;
	v1 =	vand.u32 $0xFFFFFFE0, v57  }
0xa1: {  	v59 =	vand.u32 $0xE, v29;
	[tilespmem:$0x40] =	vst v4;
	v4 =	vand.u32 $0xE, v31;
	v42 =	vand.u32 $0xFFFFFFE0, v40  }
0xa2: {  	v14 =	vor.u32 v37, v36;
	v16 =	vor.u32 v17, v16;
	v17 =	vor.u32 v20, v43  }
0xa3: {  	v55 =	vld [tilespmem:$0x1C0];
	v20 =	vand.u32 $0xFFFFFFE0, v44;
	v0 =	vor.u32 v0, v56;
	v1 =	vor.u32 v59, v1  }
0xa4: {  	v61 =	vld [tilespmem:$0x1F0];
	v32 =	vshll.u32 v58, $0x2;
	v33 =	vshll.u32 v58, $0x1;
	v43 =	vshll.u32 v63, $0x1  }
0xa5: {  	v34 =	vld [tilespmem:$0x210];
	v18 =	vor.u32 v18, v20;
	v20 =	vor.u32 v22, v46;
	v22 =	vor.u32 v23, v48  }
0xa6: {  	[tilespmem:$0x70] =	vst v7;
	v50 =	vld [tilespmem:$0x250];
	v23 =	vand.u32 $0xFFFFFFE0, v49;
	v35 =	vand.u32 $0xFFFFFFE0, v32;
	v36 =	vand.u32 $0xE, v33  }
0xa7: {  	[tilespmem:$0x90] =	vst v8;
	v52 =	vld [tilespmem:$0x260];
	v8 =	vand.u32 $0xE, v43;
	v21 =	vor.u32 v21, v23;
	v23 =	vor.u32 v25, v51  }
0xa8: {  	[tilespmem:$0x20] =	vst v3;
	v25 =	vor.u32 v26, v53;
	v26 =	vand.u32 $0xFFFFFFE0, v54;
	v3 =	vshll.u32 v55, $0x2  }
0xa9: {  	[tilespmem:$0x30] =	vst v2;
	v39 =	vld [tilespmem:$0x220];
	v60 =	vshll.u32 v55, $0x1;
	v24 =	vor.u32 v24, v26;
	v2 =	vand.u32 $0xFFFFFFE0, v3  }
0xaa: {  	[tilespmem:$0xA0] =	vst v10;
	v41 =	vld [tilespmem:$0x230];
	v3 =	vand.u32 $0xE, v60;
	v37 =	vshll.u32 v61, $0x2;
	v38 =	vshll.u32 v61, $0x1  }
0xab: {  	[tilespmem:$0xB0] =	vst v12;
	v57 =	vld [tilespmem:$0x270];
	v44 =	vshll.u32 v34, $0x2;
	v45 =	vshll.u32 v34, $0x1;
	v60 =	vshll.u32 v50, $0x2  }
0xac: {  	[tilespmem:$0x50] =	vst v6;
	v28 =	vld [tilespmem:$0x2A0];
	v10 =	vshll.u32 v50, $0x1;
	v12 =	vshll.u32 v52, $0x1;
	v2 =	vor.u32 v3, v2  }
0xad: {  	[tilespmem:$0x60] =	vst v5;
	v31 =	vld [tilespmem:$0x2B0];
	v3 =	vand.u32 $0xFFFFFFE0, v62;
	v5 =	vand.u32 $0xFFFFFFE0, v37;
	v6 =	vand.u32 $0xE, v38  }
0xae: {  	[tilespmem:$0x80] =	vst v9;
	v40 =	vld [tilespmem:$0x2E0];
	v47 =	vand.u32 $0xFFFFFFE0, v44;
	v48 =	vand.u32 $0xE, v45;
	v49 =	vshll.u32 v39, $0x2  }
0xaf: {  	[tilespmem:$0xD0] =	vst v13;
	v7 =	vshll.u32 v39, $0x1;
	v51 =	vshll.u32 v41, $0x2;
	v54 =	vshll.u32 v41, $0x1  }
0xb0: {  	[tilespmem:$0xE0] =	vst v15;
	v13 =	vand.u32 $0xFFFFFFE0, v60;
	v10 =	vand.u32 $0xE, v10;
	v62 =	vshll.u32 v52, $0x2  }
0xb1: {  	[tilespmem:$0x100] =	vst v16;
	v12 =	vand.u32 $0xE, v12;
	v27 =	vshll.u32 v57, $0x2;
	v15 =	vshll.u32 v57, $0x1  }
0xb2: {  	v63 =	vld [tilespmem:$0x290];
	[tilespmem:$0x130] =	vst v18;
	v18 =	vshll.u32 v28, $0x1;
	v39 =	vshll.u32 v31, $0x2;
	v16 =	vshll.u32 v31, $0x1  }
0xb3: {  	[tilespmem:$0xC0] =	vst v11;
	v52 =	vshll.u32 v40, $0x1;
	v3 =	vor.u32 v4, v3;
	v4 =	vor.u32 v36, v35  }
0xb4: {  	[tilespmem:$0x110] =	vst v19;
	v5 =	vor.u32 v6, v5;
	v6 =	vor.u32 v8, v42;
	v8 =	vor.u32 v48, v47  }
0xb5: {  	v46 =	vld [tilespmem:$0x240];
	[tilespmem:$0xF0] =	vst v14;
	v9 =	vand.u32 $0xFFFFFFE0, v49;
	v7 =	vand.u32 $0xE, v7;
	v53 =	vand.u32 $0xFFFFFFE0, v51  }
0xb6: {  	[tilespmem:$0x120] =	vst v17;
	v11 =	vand.u32 $0xE, v54;
	v10 =	vor.u32 v10, v13;
	v26 =	vand.u32 $0xFFFFFFE0, v62  }
0xb7: {  	[tilespmem:$0x1A0] =	vst v0;
	v29 =	vand.u32 $0xFFFFFFE0, v27;
	v15 =	vand.u32 $0xE, v15;
	v32 =	vshll.u32 v63, $0x2  }
0xb8: {  	v33 =	vld [tilespmem:$0x2C0];
	[tilespmem:$0x1B0] =	vst v1;
	v17 =	vshll.u32 v63, $0x1;
	v35 =	vshll.u32 v28, $0x2;
	v38 =	vand.u32 $0xE, v18  }
0xb9: {  	v43 =	vld [tilespmem:$0x2F0];
	[tilespmem:$0x1C0] =	vst v2;
	v2 =	vand.u32 $0xFFFFFFE0, v39;
	v41 =	vand.u32 $0xE, v16;
	v51 =	vshll.u32 v40, $0x2  }
0xba: {  	v19 =	vld [tilespmem:$0x340];
	[tilespmem:$0x140] =	vst v20;
	v7 =	vor.u32 v7, v9;
	v55 =	vshll.u32 v46, $0x2;
	v56 =	vshll.u32 v46, $0x1  }
0xbb: {  	[tilespmem:$0x150] =	vst v22;
	v9 =	vor.u32 v11, v53;
	v12 =	vor.u32 v12, v26;
	v13 =	vor.u32 v15, v29  }
0xbc: {  	[tilespmem:$0x160] =	vst v21;
	v34 =	vand.u32 $0xFFFFFFE0, v32;
	v17 =	vand.u32 $0xE, v17;
	v37 =	vand.u32 $0xFFFFFFE0, v35  }
0xbd: {  	v42 =	vshll.u32 v33, $0x2;
	v2 =	vor.u32 v41, v2;
	v44 =	vshll.u32 v33, $0x1;
	[tilespmem:$0x1F0] =	vst v5  }
0xbe: {  	[tilespmem:$0x200] =	vst v6;
	v5 =	vand.u32 $0xFFFFFFE0, v51;
	v6 =	vand.u32 $0xE, v52;
	v54 =	vshll.u32 v43, $0x2  }
0xbf: {  	v61 =	vld [tilespmem:$0x280];
	v57 =	vshll.u32 v43, $0x1;
	[tilespmem:$0x250] =	vst v10;
	v29 =	vshll.u32 v19, $0x2;
	v10 =	vshll.u32 v19, $0x1  }
0xc0: {  	[tilespmem:$0x170] =	vst v23;
	v21 =	vld [tilespmem:$0x350];
	v58 =	vand.u32 $0xFFFFFFE0, v55;
	v59 =	vand.u32 $0xE, v56;
	v0 =	vor.u32 v17, v34  }
0xc1: {  	[tilespmem:$0x1D0] =	vst v3;
	v1 =	vor.u32 v38, v37;
	v3 =	vand.u32 $0xFFFFFFE0, v42;
	v45 =	vand.u32 $0xE, v44  }
0xc2: {  	v60 =	vld [tilespmem:$0x330];
	[tilespmem:$0x220] =	vst v7;
	v5 =	vor.u32 v6, v5;
	v56 =	vand.u32 $0xFFFFFFE0, v54;
	v7 =	vand.u32 $0xE, v57  }
0xc3: {  	v36 =	vld [tilespmem:$0x2D0];
	[tilespmem:$0x2B0] =	vst v2;
	v2 =	vand.u32 $0xFFFFFFE0, v29;
	v31 =	vand.u32 $0xE, v10;
	v11 =	vor.u32 v59, v58  }
0xc4: {  	[tilespmem:$0x180] =	vst v25;
	v48 =	vld [tilespmem:$0x300];
	v30 =	vshll.u32 v61, $0x2;
	v14 =	vshll.u32 v61, $0x1;
	v3 =	vor.u32 v45, v3  }
0xc5: {  	[tilespmem:$0x190] =	vst v24;
	v6 =	vor.u32 v7, v56;
	v32 =	vshll.u32 v21, $0x2;
	v2 =	vor.u32 v31, v2  }
0xc6: {  	[tilespmem:$0x1E0] =	vst v4;
	v53 =	vld [tilespmem:$0x310];
	v34 =	vshll.u32 v21, $0x1;
	v15 =	vand.u32 $0xFFFFFFE0, v30;
	v14 =	vand.u32 $0xE, v14  }
0xc7: {  	v26 =	vld [tilespmem:$0x360];
	v24 =	vshll.u32 v60, $0x2;
	v25 =	vshll.u32 v60, $0x1;
	[tilespmem:$0x2C0] =	vst v3;
	v3 =	vand.u32 $0xFFFFFFE0, v32  }
0xc8: {  	[tilespmem:$0x210] =	vst v8;
	v33 =	vld [tilespmem:$0x380];
	v35 =	vand.u32 $0xE, v34;
	v14 =	vor.u32 v14, v15;
	v46 =	vshll.u32 v36, $0x2  }
0xc9: {  	v43 =	vld [tilespmem:$0x3A0];
	[tilespmem:$0x230] =	vst v9;
	v47 =	vshll.u32 v36, $0x1;
	v58 =	vshll.u32 v48, $0x2;
	v59 =	vshll.u32 v48, $0x1  }
0xca: {  	[tilespmem:$0x260] =	vst v12;
	v27 =	vand.u32 $0xFFFFFFE0, v24;
	v28 =	vand.u32 $0xE, v25;
	v3 =	vor.u32 v35, v3  }
0xcb: {  	v55 =	vld [tilespmem:$0x320];
	[tilespmem:$0x270] =	vst v13;
	v49 =	vand.u32 $0xFFFFFFE0, v46;
	v50 =	vand.u32 $0xE, v47;
	v61 =	vand.u32 $0xFFFFFFE0, v58  }
0xcc: {  	[tilespmem:$0x290] =	vst v0;
	v62 =	vand.u32 $0xE, v59;
	v63 =	vshll.u32 v53, $0x2;
	v18 =	vshll.u32 v53, $0x1  }
0xcd: {  	v38 =	vld [tilespmem:$0x390];
	[tilespmem:$0x2A0] =	vst v1;
	v1 =	vor.u32 v28, v27;
	v36 =	vshll.u32 v26, $0x2;
	v37 =	vshll.u32 v26, $0x1  }
0xce: {  	[tilespmem:$0x340] =	vst v2;
	v44 =	vshll.u32 v33, $0x2;
	v47 =	vshll.u32 v33, $0x1;
	v2 =	vshll.u32 v43, $0x2  }
0xcf: {  	[tilespmem:$0x2E0] =	vst v5;
	v52 =	vshll.u32 v43, $0x1;
	v4 =	vor.u32 v50, v49;
	v7 =	vor.u32 v62, v61  }
0xd0: {  	v45 =	vld [tilespmem:$0x3B0];
	[tilespmem:$0x240] =	vst v11;
	v8 =	vand.u32 $0xFFFFFFE0, v63;
	v9 =	vand.u32 $0xE, v18;
	v20 =	vshll.u32 v55, $0x2  }
0xd1: {  	[tilespmem:$0x2F0] =	vst v6;
	v23 =	vshll.u32 v55, $0x1;
	v39 =	vand.u32 $0xFFFFFFE0, v36;
	v40 =	vand.u32 $0xE, v37  }
0xd2: {  	v30 =	vld [tilespmem:$0x370];
	[tilespmem:$0x280] =	vst v14;
	v46 =	vand.u32 $0xFFFFFFE0, v44;
	v48 =	vshll.u32 v38, $0x2;
	v49 =	vshll.u32 v38, $0x1  }
0xd3: {  	[tilespmem:$0x350] =	vst v3;
	v2 =	vand.u32 $0xFFFFFFE0, v2;
	v3 =	vand.u32 $0xE, v52;
	v8 =	vor.u32 v9, v8  }
0xd4: {  	v22 =	vand.u32 $0xFFFFFFE0, v20;
	v11 =	vand.u32 $0xE, v23;
	[tilespmem:$0x2D0] =	vst v4;
	v4 =	vor.u32 v40, v39  }
0xd5: {  	v50 =	vld [tilespmem:$0x3C0];
	[tilespmem:$0x330] =	vst v1;
	v1 =	vand.u32 $0xFFFFFFE0, v48;
	v51 =	vand.u32 $0xE, v49;
	v54 =	vshll.u32 v45, $0x2  }
0xd6: {  	[tilespmem:$0x300] =	vst v7;
	v2 =	vor.u32 v3, v2;
	v56 =	vshll.u32 v45, $0x1;
	v0 =	vor.u32 v11, v22  }
0xd7: {  	v53 =	vld [tilespmem:$0x3D0];
	v41 =	vshll.u32 v30, $0x2;
	v42 =	vshll.u32 v30, $0x1;
	[tilespmem:$0x310] =	vst v8;
	v1 =	vor.u32 v51, v1  }
0xd8: {  	v59 =	vld [tilespmem:$0x3F0];
	[tilespmem:$0x360] =	vst v4;
	v3 =	vand.u32 $0xFFFFFFE0, v54;
	v5 =	vand.u32 $0xFFFFFFE0, v41;
	v6 =	vand.u32 $0xE, v42  }
0xd9: {  	v55 =	vld [tilespmem:$0x3E0];
	v4 =	vand.u32 $0xE, v56;
	[tilespmem:$0x320] =	vst v0;
	v0 =	vand.u32 $0xE, v47;
	v5 =	vor.u32 v6, v5  }
0xda: {  	[tilespmem:$0x3A0] =	vst v2;
	v0 =	vor.u32 v0, v46;
	v57 =	vshll.u32 v50, $0x2;
	v58 =	vshll.u32 v50, $0x1  }
0xdb: {  	[tilespmem:$0x380] =	vst v0;
	v0 =	vor.u32 v4, v3;
	v3 =	vand.u32 $0xFFFFFFE0, v57;
	v60 =	vand.u32 $0xE, v58  }
0xdc: {  	[tilespmem:$0x390] =	vst v1;
	v61 =	vshll.u32 v53, $0x1;
	v1 =	vor.u32 v60, v3;
	v3 =	vshll.u32 v53, $0x2  }
0xdd: {  	v63 =	vshll.u32 v59, $0x1;
	[tilespmem:$0x370] =	vst v5;
	v2 =	vand.u32 $0xFFFFFFE0, v3;
	v3 =	vand.u32 $0xE, v61  }
0xde: {  	v62 =	vshll.u32 v55, $0x2;
	[tilespmem:$0x3B0] =	vst v0;
	v0 =	vor.u32 v3, v2;
	v3 =	vshll.u32 v55, $0x1  }
0xdf: {  	[tilespmem:$0x3C0] =	vst v1;
	v2 =	vand.u32 $0xFFFFFFE0, v62;
	v1 =	vand.u32 $0xE, v3;
	v3 =	vshll.u32 v59, $0x2  }
0xe0: {  	[tilespmem:$0x3D0] =	vst v0;
	v0 =	vor.u32 v1, v2;
	v1 =	vand.u32 $0xFFFFFFE0, v3;
	v2 =	vand.u32 $0xE, v63  }
0xe1: {  	[tilespmem:$0x3E0] =	vst v0;
	v0 =	vor.u32 v2, v1  }
0xe2: {  	[tilespmem:$0x3F0] =	vst v0  }
0xe3: {  	[tilespmem:s10], [sflag:$0x1] =	stream.indirect.gather [hbm4b:s1+s9], $0x40, s28, s9, $0xb8;
	[tilespmem:$0x10400] =	vst v63  }
0xe4: {  	_ = 	snop  }
0xe5: {  	[tilespmem:s11], [sflag:$0x1] =	stream.indirect.gather [hbm4b:s1+s9], $0x40, s9, s9, $0xb8;
	[tilespmem:$0x10400] =	vst v63  }
0xe6: {  	_ = 	snop  }
0xe7: {  	[tilespmem:s15], [sflag:$0x1] =	stream.indirect.gather [hbm4b:s1+s9], $0x40, s14, s9, $0xb8;
	[tilespmem:$0x10400] =	vst v63  }
0xe8: {  	_ = 	snop  }
0xe9: {  	[tilespmem:s17], [sflag:$0x1] =	stream.indirect.gather [hbm4b:s1+s9], $0x40, s16, s9, $0xb8;
	[tilespmem:$0x10400] =	vst v63  }
0xea: {  	_ = 	snop  }
0xeb: {  	[tilespmem:s19], [sflag:$0x1] =	stream.indirect.gather [hbm4b:s1+s9], $0x40, s18, s9, $0xb8;
	[tilespmem:$0x10400] =	vst v63  }
0xec: {  	_ = 	snop  }
0xed: {  	[tilespmem:s21], [sflag:$0x1] =	stream.indirect.gather [hbm4b:s1+s9], $0x40, s20, s9, $0xb8;
	[tilespmem:$0x10400] =	vst v63  }
0xee: {  	_ = 	snop  }
0xef: {  	[tilespmem:s23], [sflag:$0x1] =	stream.indirect.gather [hbm4b:s1+s9], $0x40, s22, s9, $0xb8;
	[tilespmem:$0x10400] =	vst v63  }
0xf0: {  	_ = 	snop  }
0xf1: {  	[tilespmem:s25], [sflag:$0x1] =	stream.indirect.gather [hbm4b:s1+s9], $0x40, s24, s9, $0xb8;
	[tilespmem:$0x10400] =	vst v63  }
0xf2: {  	_ =	swait.ge [sflag:s12], $0x2000  }
0xf3: {  	[sflag:s12] =	ssyncset.done $0x0  }
0xf4: {  	[sflag:s12] =	ssyncadd.s32 $0xFFFFE000  }
0xf5: {  	_ =	swait.ge [sflag:s12], $0x2000  }
0xf6: {  	[sflag:s12] =	ssyncset.done $0x0  }
0xf7: {  	[sflag:s12] =	ssyncadd.s32 $0xFFFFE000  }
0xf8: {  	_ =	swait.ge [sflag:s12], $0x2000  }
0xf9: {  	[sflag:s12] =	ssyncset.done $0x0  }
0xfa: {  	[sflag:s12] =	ssyncadd.s32 $0xFFFFE000  }
0xfb: {  	_ =	swait.ge [sflag:s12], $0x2000  }
0xfc: {  	[sflag:s12] =	ssyncset.done $0x0  }
0xfd: {  	[sflag:s12] =	ssyncadd.s32 $0xFFFFE000  }
0xfe: {  	_ =	swait.ge [sflag:s12], $0x2000  }
0xff: {  	[sflag:s12] =	ssyncset.done $0x0  }
0x100: {  	[sflag:s12] =	ssyncadd.s32 $0xFFFFE000  }
0x101: {  	_ =	swait.ge [sflag:s12], $0x2000  }
0x102: {  	[sflag:s12] =	ssyncset.done $0x0  }
0x103: {  	[sflag:s12] =	ssyncadd.s32 $0xFFFFE000  }
0x104: {  	_ =	swait.ge [sflag:s12], $0x2000  }
0x105: {  	[sflag:s12] =	ssyncset.done $0x0  }
0x106: {  	[sflag:s12] =	ssyncadd.s32 $0xFFFFE000  }
0x107: {  	_ =	swait.ge [sflag:s12], $0x2000  }
0x108: {  	[sflag:s12] =	ssyncset.done $0x0  }
0x109: {  	s28 =	simm.s32 $0x0;
	[sflag:s12] =	ssyncadd.s32 $0xFFFFE000  }
0x10a: {  	v0 =	vld [tilespmem:s28+$0x400]  }
0x10b: {  	v1 =	vld [tilespmem:s28+$0x410]  }
0x10c: {  	s29 =	simm.s32 $0x100;
	v2 =	vld [tilespmem:s28+$0x420]  }
.LBB2_3:
0x10d: {  	p1 =	sne.s32 s29, $0x3FF00;
	v3 =	vld [tilespmem:s28+$0x430];
	_ =	sdelay $0x1  }
0x10e: {  	v0 =	vadd.f32 $5.000000000e-01, v0  }
0x10f: {  	v1 =	vadd.f32 $5.000000000e-01, v1  }
.Ltmp5:
0x110: {  	v0 =	vmin.f32 v0, $1.000000000e+00;
	v2 =	vadd.f32 $5.000000000e-01, v2;
	(pc) =	sbr.rel @p1 .LBB2_3-.Ltmp5, $4  }
0x111: {  	s30 =	sshra.s32 s29, $0x2;
	[tilespmem:s28+$0x400] =	vst v0;
	v1 =	vmin.f32 v1, $1.000000000e+00;
	v3 =	vadd.f32 $5.000000000e-01, v3  }
0x112: {  	v0 =	vld [tilespmem:s30+$0x400];
	[tilespmem:s28+$0x410] =	vst v1;
	v2 =	vmin.f32 v2, $1.000000000e+00  }
0x113: {  	v1 =	vld [tilespmem:s30+$0x410];
	[tilespmem:s28+$0x420] =	vst v2;
	v3 =	vmin.f32 v3, $1.000000000e+00  }
0x114: {  	s29 =	sadd.s32 $0x100, s29;
	v2 =	vld [tilespmem:s30+$0x420];
	[tilespmem:s28+$0x430] =	vst v3;
	s28 =	smov.u32 s30  }
0x115: {  	v3 =	vld [tilespmem:s28+$0x430];
	_ =	sdelay $0x1  }
0x116: {  	v0 =	vadd.f32 $5.000000000e-01, v0  }
0x117: {  	v1 =	vadd.f32 $5.000000000e-01, v1  }
0x118: {  	v0 =	vmin.f32 v0, $1.000000000e+00;
	v2 =	vadd.f32 $5.000000000e-01, v2  }
0x119: {  	[tilespmem:s28+$0x400] =	vst v0;
	v60 =	vmin.f32 v1, $1.000000000e+00;
	v61 =	vadd.f32 $5.000000000e-01, v3  }
0x11a: {  	[tilespmem:s28+$0x410] =	vst v60;
	v62 =	vmin.f32 v2, $1.000000000e+00  }
0x11b: {  	[tilespmem:s28+$0x420] =	vst v62;
	v63 =	vmin.f32 v61, $1.000000000e+00  }
0x11c: {  	[tilespmem:s28+$0x430] =	vst v63  }
0x11d: {  	[hbm4b:s2+s9] =	stream.indirect.scatter [tilespmem:s10], [sflag:$0x2], $0x40, s3, s9, $0xb8;
	[tilespmem:$0x10400] =	vst v63  }
0x11e: {  	_ = 	snop  }
0x11f: {  	[hbm4b:s2+s9] =	stream.indirect.scatter [tilespmem:s11], [sflag:$0x2], $0x40, s9, s9, $0xb8;
	[tilespmem:$0x10400] =	vst v63  }
0x120: {  	_ = 	snop  }
0x121: {  	[hbm4b:s2+s9] =	stream.indirect.scatter [tilespmem:s15], [sflag:$0x2], $0x40, s14, s9, $0xb8;
	[tilespmem:$0x10400] =	vst v63  }
0x122: {  	_ = 	snop  }
0x123: {  	[hbm4b:s2+s9] =	stream.indirect.scatter [tilespmem:s17], [sflag:$0x2], $0x40, s16, s9, $0xb8;
	[tilespmem:$0x10400] =	vst v63  }
0x124: {  	_ = 	snop  }
0x125: {  	[hbm4b:s2+s9] =	stream.indirect.scatter [tilespmem:s19], [sflag:$0x2], $0x40, s18, s9, $0xb8;
	[tilespmem:$0x10400] =	vst v63  }
0x126: {  	_ = 	snop  }
0x127: {  	[hbm4b:s2+s9] =	stream.indirect.scatter [tilespmem:s21], [sflag:$0x2], $0x40, s20, s9, $0xb8;
	[tilespmem:$0x10400] =	vst v63  }
0x128: {  	_ = 	snop  }
0x129: {  	[hbm4b:s2+s9] =	stream.indirect.scatter [tilespmem:s23], [sflag:$0x2], $0x40, s22, s9, $0xb8;
	[tilespmem:$0x10400] =	vst v63  }
0x12a: {  	_ = 	snop  }
0x12b: {  	[hbm4b:s2+s9] =	stream.indirect.scatter [tilespmem:s25], [sflag:$0x2], $0x40, s24, s9, $0xb8;
	[tilespmem:$0x10400] =	vst v63  }
0x12c: {  	_ =	swait.ge [sflag:s13], $0x2000  }
0x12d: {  	[sflag:s13] =	ssyncset.done $0x0  }
0x12e: {  	[sflag:s13] =	ssyncadd.s32 $0xFFFFE000  }
0x12f: {  	_ =	swait.ge [sflag:s13], $0x2000  }
0x130: {  	[sflag:s13] =	ssyncset.done $0x0  }
0x131: {  	[sflag:s13] =	ssyncadd.s32 $0xFFFFE000  }
0x132: {  	_ =	swait.ge [sflag:s13], $0x2000  }
0x133: {  	[sflag:s13] =	ssyncset.done $0x0  }
0x134: {  	[sflag:s13] =	ssyncadd.s32 $0xFFFFE000  }
0x135: {  	_ =	swait.ge [sflag:s13], $0x2000  }
0x136: {  	[sflag:s13] =	ssyncset.done $0x0  }
0x137: {  	[sflag:s13] =	ssyncadd.s32 $0xFFFFE000  }
0x138: {  	_ =	swait.ge [sflag:s13], $0x2000  }
.Ltmp6:
0x139: {  	[sflag:s13] =	ssyncset.done $0x0;
	(pc) =	sbr.rel .LBB2_8-.Ltmp6, $4  }
0x13a: {  	[sflag:s13] =	ssyncadd.s32 $0xFFFFE000  }
0x13b: {  	_ =	swait.ge [sflag:s13], $0x2000  }
0x13c: {  	[sflag:s13] =	ssyncset.done $0x0  }
0x13d: {  	[sflag:s13] =	ssyncadd.s32 $0xFFFFE000  }
.LBB2_9:
0x13e: {  	_ =	sfence.sel $0x180000  }
0x13f: {  	[bflag:$0x0] =	sbarrier.arrive $0xFFFF  }
0x140: {  	p0 =	sne.s32 s4, $0x0;
	_ =	strace $0x9000004A  }
0x141: {  	s0 =	sadd.s32 @!p0 $0x100000, s0;
	[bflag:$0x2] =	sbarrier.arrive $0xFFFF  }
0x142: {  	[sflag:s0] =	ssyncadd.tile.s32 @!p0 $0x1;
	_ =	shalt  }
.Lfunc_end2:
_tile_overlayer_lowered:
.L_overlay_start_2:
0x143: {  	(tag) =	ssettag $0x2  }
0x144: {  	s0 =	rddreg [dreg:$0x0];
	s2 =	stileid.u32  }
0x145: {  	s1 =	rddreg [dreg:$0x1];
	p0 =	sne.s32 s2, $0x0  }
0x146: {  	s3 =	rddreg [dreg:$0x2];
	[bflag:$0x3] =	sbarrier.arrive $0xFFFF;
	s2 =	simm.s32 @!p0 $0x1C03  }
0x147: {  	[timem:s3], [sflag:s2] =	dma.local @!p0 [hbm:s0], s1  }
0x148: {  	s0 =	simm.s32 @!p0 $0x3  }
0x149: {  	_ =	swait.ge @!p0 [sflag:s0], s1  }
0x14a: {  	s1 =	ssub.s32 @!p0 $0x0, s1;
	[sflag:s0] =	ssyncset.done @!p0 $0x0  }
0x14b: {  	[sflag:s0] =	ssyncadd.s32 @!p0 s1  }
0x14c: {  	[bflag:$0x3] =	sbarrier.arrive $0xFFFF  }
0x14d: {  	_ =	shalt  }

</sc_bundles>
